<compile_context>
chip_gen: v7x
topology: tpu7x:2x2x1
jax: 0.10.2.dev20260603
libtpu: 0.0.44.dev20260713+nightly
codegen_flags: <defaults>
</compile_context>

<pallas_src>
import jax
import jax.numpy as jnp
from jax import lax
from jax.experimental import pallas as pl
from jax.experimental.pallas import tpu as pltpu
from jax.experimental.pallas import tpu_sc as plsc

N = 10000
D = 128
E = 320000
NC, NS = 2, 16
NW = NC * NS
NP = 10240
RPT = NP // NS
CHUNK = 128
IB = 16
TB = 160
EP = TB * IB * CHUNK
NBT = TB // NW
B0 = 9
DUMP = NP - 1

_mesh = plsc.VectorSubcoreMesh(core_axis_name="c", subcore_axis_name="s")


def _sc_aggregate(x_pad, src, dst, z128):

    def body(x_hbm, src_hbm, dst_hbm, z128_hbm, agg_hbm,
             idxs_v, idxd_v, rows_v, sem, acc_sh):
        c = lax.axis_index("c")
        s = lax.axis_index("s")
        row0 = s * RPT
        pltpu.sync_copy(z128_hbm.at[pl.ds(row0, RPT)],
                        acc_sh.at[pl.ds(row0, RPT)])
        plsc.subcore_barrier()

        nblk = jnp.where(c == 0, B0, 2 * NBT - B0)
        base = jnp.where(c == 0, s * B0, NS * B0 + s * (2 * NBT - B0))

        def block(b, carry):
            pltpu.sync_copy(src_hbm.at[base + b], idxs_v)
            pltpu.sync_copy(dst_hbm.at[base + b], idxd_v)
            for j in range(IB):
                pltpu.async_copy(x_hbm.at[idxs_v.at[j]], rows_v, sem).wait()
                pltpu.sync_copy(rows_v, acc_sh.at[idxd_v.at[j]], add=True)
            return carry

        lax.fori_loop(0, nblk, block, 0)
        plsc.subcore_barrier()
        pltpu.sync_copy(acc_sh.at[pl.ds(row0, RPT)],
                        agg_hbm.at[c, pl.ds(row0, RPT)])

    return pl.kernel(
        body,
        out_type=[jax.ShapeDtypeStruct((NC, NP, D), jnp.float32)],
        mesh=_mesh,
        scratch_types=[
            pltpu.VMEM((IB, CHUNK), jnp.int32),
            pltpu.VMEM((IB, CHUNK), jnp.int32),
            pltpu.VMEM((CHUNK, D), jnp.float32),
            pltpu.SemaphoreType.DMA,
            pltpu.VMEM_SHARED((NP, D), jnp.float32),
        ],
    )(x_pad, src, dst, z128)[0]


def _sc_degree(dst, z128, ones):

    def body(dst_hbm, z128_hbm, ones_hbm, deg_hbm,
             idxd_v, ones_v, deg_sh):
        c = lax.axis_index("c")
        s = lax.axis_index("s")
        wid = s * NC + c
        row0 = s * RPT
        pltpu.sync_copy(z128_hbm.at[pl.ds(row0, RPT)],
                        deg_sh.at[pl.ds(row0, RPT)])
        pltpu.sync_copy(ones_hbm, ones_v)
        plsc.subcore_barrier()

        def block(b, carry):
            pltpu.sync_copy(dst_hbm.at[wid * NBT + b], idxd_v)
            for j in range(IB):
                pltpu.sync_copy(ones_v, deg_sh.at[idxd_v.at[j]], add=True)
            return carry

        lax.fori_loop(0, NBT, block, 0)
        plsc.subcore_barrier()
        pltpu.sync_copy(deg_sh.at[pl.ds(row0, RPT)],
                        deg_hbm.at[c, pl.ds(row0, RPT)])

    return pl.kernel(
        body,
        out_type=[jax.ShapeDtypeStruct((NC, NP, D), jnp.float32)],
        mesh=_mesh,
        scratch_types=[
            pltpu.VMEM((IB, CHUNK), jnp.int32),
            pltpu.VMEM((CHUNK, D), jnp.float32),
            pltpu.VMEM_SHARED((NP, D), jnp.float32),
        ],
    )(dst, z128, ones)[0]


def _make_tc_combine(relu):
    def body(ap_ref, dp_ref, x_ref, wl_ref, bl_ref, wr_ref, o_ref):
        agg = ap_ref[0] + ap_ref[1]
        deg = jnp.maximum(dp_ref[0, :, 0] + dp_ref[1, :, 0], 1.0)
        mean = agg / deg[:, None]
        out = (jnp.dot(mean, wl_ref[...], preferred_element_type=jnp.float32)
               + bl_ref[...]
               + jnp.dot(x_ref[...], wr_ref[...],
                         preferred_element_type=jnp.float32))
        if relu:
            out = jnp.maximum(out, 0.0)
        o_ref[...] = out

    BN = 1024
    return pl.pallas_call(
        body,
        grid=(NP // BN,),
        in_specs=[
            pl.BlockSpec((NC, BN, D), lambda i: (0, i, 0)),
            pl.BlockSpec((NC, BN, D), lambda i: (0, i, 0)),
            pl.BlockSpec((BN, D), lambda i: (i, 0)),
            pl.BlockSpec((D, D), lambda i: (0, 0)),
            pl.BlockSpec((1, D), lambda i: (0, 0)),
            pl.BlockSpec((D, D), lambda i: (0, 0)),
        ],
        out_specs=pl.BlockSpec((BN, D), lambda i: (i, 0)),
        out_shape=jax.ShapeDtypeStruct((NP, D), jnp.float32),
    )


_tc_relu = _make_tc_combine(True)
_tc_plain = _make_tc_combine(False)


def kernel(x, edge_index, W_l1, b_l1, W_r1, W_l2, b_l2, W_r2):
    src = jnp.concatenate(
        [edge_index[0].astype(jnp.int32),
         jnp.zeros((EP - E,), jnp.int32)]).reshape(TB, IB, CHUNK)
    dst = jnp.concatenate(
        [edge_index[1].astype(jnp.int32),
         jnp.full((EP - E,), DUMP, jnp.int32)]).reshape(TB, IB, CHUNK)
    x_pad = jnp.pad(x, ((0, NP - N), (0, 0)))
    z128 = jnp.zeros((NP, D), jnp.float32)
    ones = jnp.ones((CHUNK, D), jnp.float32)

    degp = _sc_degree(dst, z128, ones)
    agg1 = _sc_aggregate(x_pad, src, dst, z128)
    h1 = _tc_relu(agg1, degp, x_pad, W_l1, b_l1.reshape(1, D), W_r1)
    agg2 = _sc_aggregate(h1, src, dst, z128)
    out = _tc_plain(agg2, degp, h1, W_l2, b_l2.reshape(1, D), W_r2)
    return out[:N]

# --- scband reference (transcript-rebuilt; emitter-appended) ---
"""Pipeline reference for scband-sagemodel-70351564308951 (READ-ONLY COPY).

The authoritative reference and input builder live on the scoring server;
editing this copy changes nothing except your own understanding.
"""

import jax, jax.numpy as jnp
import numpy as np

N = 10000
E = 320000
D_IN = 128
D_H = 128


def setup_inputs(seed: int = 0) -> dict:
    key = jax.random.key(seed)
    ks = jax.random.split(key, 9)
    x = jax.random.normal(ks[0], (N, D_IN), dtype=jnp.float32)
    edge_index = jax.random.randint(ks[1], (2, E), 0, N)
    s_in = 1.0 / np.sqrt(D_IN)
    s_h = 1.0 / np.sqrt(D_H)
    # SAGEConv layer 1 params: lin_l (neighbor agg, with bias), lin_r (root, no bias)
    W_l1 = jax.random.uniform(ks[2], (D_IN, D_H), dtype=jnp.float32, minval=-s_in, maxval=s_in)
    b_l1 = jnp.zeros((D_H,), dtype=jnp.float32)
    W_r1 = jax.random.uniform(ks[3], (D_IN, D_H), dtype=jnp.float32, minval=-s_in, maxval=s_in)
    # SAGEConv layer 2 params
    W_l2 = jax.random.uniform(ks[4], (D_H, D_H), dtype=jnp.float32, minval=-s_h, maxval=s_h)
    b_l2 = jnp.zeros((D_H,), dtype=jnp.float32)
    W_r2 = jax.random.uniform(ks[5], (D_H, D_H), dtype=jnp.float32, minval=-s_h, maxval=s_h)
    return {"x": x, "edge_index": edge_index, "W_l1": W_l1, "b_l1": b_l1, "W_r1": W_r1,
            "W_l2": W_l2, "b_l2": b_l2, "W_r2": W_r2}


def _sage_conv(x, edge_index, W_l, b_l, W_r):
    # PyG SAGEConv with mean aggregation:
    # out = lin_l(mean_{j in N(i)} x_j) + lin_r(x_i)
    src = edge_index[0]
    dst = edge_index[1]
    n = x.shape[0]
    msgs = jnp.take(x, src, axis=0)                       # gather  [E, d]
    agg = jax.ops.segment_sum(msgs, dst, num_segments=n)  # scatter-add [N, d]
    deg = jax.ops.segment_sum(jnp.ones((src.shape[0],), dtype=x.dtype), dst, num_segments=n)
    deg = jnp.maximum(deg, 1.0)
    mean_agg = agg / deg[:, None]
    return mean_agg @ W_l + b_l + x @ W_r


def reference(x, edge_index, W_l1, b_l1, W_r1, W_l2, b_l2, W_r2):
    gout_1 = _sage_conv(x, edge_index, W_l1, b_l1, W_r1)
    h = jax.nn.relu(gout_1)
    # dropout treated as identity (inference / deterministic reference)
    gout_2 = _sage_conv(h, edge_index, W_l2, b_l2, W_r2)
    return gout_2

if __name__ == "__main__":
    import jax
    _d = setup_inputs()
    print(jax.jit(kernel)(*tuple(_d.values())))

</pallas_src>

<mosaic_0001>
#map = affine_map<(d0, d1) -> (0, 0)>
#map1 = affine_map<(d0, d1) -> (0, 0, 0)>
module attributes {stable_mosaic.version = 14 : i64} {
  func.func @body(%arg0: i32, %arg1: i32, %arg2: memref<10240x128xf32, #tpu.memory_space<hbm>>, %arg3: memref<160x16x128xi32, #tpu.memory_space<hbm>>, %arg4: memref<160x16x128xi32, #tpu.memory_space<hbm>>, %arg5: memref<10240x128xf32, #tpu.memory_space<hbm>>, %arg6: memref<2x10240x128xf32, #tpu.memory_space<hbm>>, %arg7: memref<16x128xi32, #tpu.memory_space<vmem>>, %arg8: memref<16x128xi32, #tpu.memory_space<vmem>>, %arg9: memref<128x128xf32, #tpu.memory_space<vmem>>, %arg10: memref<!tpu.dma_semaphore, #tpu.memory_space<semaphore_mem>>, %arg11: memref<10240x128xf32, #tpu.memory_space<vmem_shared>>) attributes {dimension_semantics = [#tpu.dimension_semantics<core_parallel>, #tpu.dimension_semantics<subcore_parallel>], iteration_bounds = array<i64: 2, 16>, scalar_prefetch = 0 : i64, scratch_operands = 5 : i64, tpu.core_type = #tpu.core_type<sc_vector_subcore>, window_params = [{transform_indices = #map}, {transform_indices = #map1}, {transform_indices = #map1}, {transform_indices = #map}, {transform_indices = #map1}]} {
    %mul3A = arith.constant 640 : i32
    %mul3A_0 = arith.muli %arg1, %mul3A : i32
    "tpu.region"() ({
      %run_scoped3A = tpu.sem_alloc : memref<!tpu.dma_semaphore, #tpu.memory_space<semaphore_mem>>
      %dma_start3A = arith.constant 0 : i32
      %dma_start3A_21 = tpu.memref_slice %arg11[%mul3A_0, %dma_start3A] : memref<10240x128xf32, #tpu.memory_space<vmem_shared>> -> memref<640x128xf32, #tpu.memory_space<vmem_shared>>
      %dma_start3A_22 = arith.constant 0 : i32
      %dma_start3A_23 = tpu.memref_slice %arg5[%mul3A_0, %dma_start3A_22] : memref<10240x128xf32, #tpu.memory_space<hbm>> -> memref<640x128xf32, #tpu.memory_space<hbm>>
      tpu.enqueue_dma source(%dma_start3A_23 : memref<640x128xf32, #tpu.memory_space<hbm>>) target(%dma_start3A_21 : memref<640x128xf32, #tpu.memory_space<vmem_shared>>) target_semaphore(%run_scoped3A : memref<!tpu.dma_semaphore, #tpu.memory_space<semaphore_mem>>)
      %dma_wait3A = arith.constant 0 : i32
      %dma_wait3A_24 = tpu.memref_slice %arg11[%mul3A_0, %dma_wait3A] : memref<10240x128xf32, #tpu.memory_space<vmem_shared>> -> memref<640x128xf32, #tpu.memory_space<vmem_shared>>
      %dma_wait3A_25 = arith.constant 0 : i32
      %dma_wait3A_26 = tpu.memref_slice %arg5[%mul3A_0, %dma_wait3A_25] : memref<10240x128xf32, #tpu.memory_space<hbm>> -> memref<640x128xf32, #tpu.memory_space<hbm>>
      tpu.wait_dma2 semaphore(%run_scoped3A : memref<!tpu.dma_semaphore, #tpu.memory_space<semaphore_mem>>) src(%dma_wait3A_26 : memref<640x128xf32, #tpu.memory_space<hbm>>) dst(%dma_wait3A_24 : memref<640x128xf32, #tpu.memory_space<vmem_shared>>)
      tpu.yield
    }) : () -> ()
    %barrier3A = arith.constant 0 : index
    tpu.barrier barrier_id(%barrier3A)
    %eq3A = arith.constant 0 : i32
    %eq3A_1 = arith.cmpi eq, %arg0, %eq3A : i32
    %jit3A = arith.constant 9 : i32
    %jit3A_2 = arith.constant 1 : i32
    %select_n3A = arith.select %eq3A_1, %jit3A, %jit3A_2 : i32
    %eq3A_3 = arith.constant 0 : i32
    %eq3A_4 = arith.cmpi eq, %arg0, %eq3A_3 : i32
    %mul3A_5 = arith.constant 9 : i32
    %mul3A_6 = arith.muli %arg1, %mul3A_5 : i32
    %mul3A_7 = arith.constant 1 : i32
    %mul3A_8 = arith.muli %arg1, %mul3A_7 : i32
    %add3A = arith.constant 144 : i32
    %add3A_9 = arith.addi %add3A, %mul3A_8 : i32
    %select_n3A_10 = arith.select %eq3A_4, %mul3A_6, %add3A_9 : i32
    %while3A = arith.constant 0 : i32
    %while3A_11 = arith.constant 0 : i32
    %while3A_12 = arith.subi %select_n3A, %while3A_11 : i32
    %while3A_13 = arith.addi %while3A_11, %while3A_12 : i32
    %while3A_14 = arith.constant 1 : i32
    %while3A_15 = arith.divsi %while3A_12, %while3A_14 : i32
    %while3A_16 = arith.muli %while3A_15, %while3A_14 : i32
    %while3A_17 = arith.addi %while3A_11, %while3A_16 : i32
    %while3A_18 = arith.constant 1 : i32
    scf.for %while3A_21 = %while3A_11 to %while3A_17 step %while3A_18  : i32 {
      %add3A_22 = arith.addi %select_n3A_10, %while3A_21 : i32
      "tpu.region"() ({
        %run_scoped3A_261 = tpu.sem_alloc : memref<!tpu.dma_semaphore, #tpu.memory_space<semaphore_mem>>
        %dma_start3A_262 = arith.constant 0 : i32
        %dma_start3A_263 = arith.constant 0 : i32
        %dma_start3A_264 = tpu.memref_slice %arg3[%add3A_22, %dma_start3A_262, %dma_start3A_263] : memref<160x16x128xi32, #tpu.memory_space<hbm>> -> memref<1x16x128xi32, #tpu.memory_space<hbm>>
        %dma_start3A_265 = tpu.memref_squeeze %dma_start3A_264 : memref<1x16x128xi32, #tpu.memory_space<hbm>> -> memref<16x128xi32, #tpu.memory_space<hbm>>
        %dma_start3A_266 = arith.constant 0 : i32
        %dma_start3A_267 = arith.constant 0 : i32
        %dma_start3A_268 = tpu.memref_slice %arg3[%add3A_22, %dma_start3A_266, %dma_start3A_267] : memref<160x16x128xi32, #tpu.memory_space<hbm>> -> memref<1x16x128xi32, #tpu.memory_space<hbm>>
        %dma_start3A_269 = tpu.memref_squeeze %dma_start3A_268 : memref<1x16x128xi32, #tpu.memory_space<hbm>> -> memref<16x128xi32, #tpu.memory_space<hbm>>
        tpu.enqueue_dma source(%dma_start3A_269 : memref<16x128xi32, #tpu.memory_space<hbm>>) target(%arg7 : memref<16x128xi32, #tpu.memory_space<vmem>>) target_semaphore(%run_scoped3A_261 : memref<!tpu.dma_semaphore, #tpu.memory_space<semaphore_mem>>)
        %dma_wait3A_270 = arith.constant 0 : i32
        %dma_wait3A_271 = arith.constant 0 : i32
        %dma_wait3A_272 = tpu.memref_slice %arg3[%add3A_22, %dma_wait3A_270, %dma_wait3A_271] : memref<160x16x128xi32, #tpu.memory_space<hbm>> -> memref<1x16x128xi32, #tpu.memory_space<hbm>>
        %dma_wait3A_273 = tpu.memref_squeeze %dma_wait3A_272 : memref<1x16x128xi32, #tpu.memory_space<hbm>> -> memref<16x128xi32, #tpu.memory_space<hbm>>
        %dma_wait3A_274 = arith.constant 0 : i32
        %dma_wait3A_275 = arith.constant 0 : i32
        %dma_wait3A_276 = tpu.memref_slice %arg3[%add3A_22, %dma_wait3A_274, %dma_wait3A_275] : memref<160x16x128xi32, #tpu.memory_space<hbm>> -> memref<1x16x128xi32, #tpu.memory_space<hbm>>
        %dma_wait3A_277 = tpu.memref_squeeze %dma_wait3A_276 : memref<1x16x128xi32, #tpu.memory_space<hbm>> -> memref<16x128xi32, #tpu.memory_space<hbm>>
        tpu.wait_dma2 semaphore(%run_scoped3A_261 : memref<!tpu.dma_semaphore, #tpu.memory_space<semaphore_mem>>) src(%dma_wait3A_277 : memref<16x128xi32, #tpu.memory_space<hbm>>) dst(%arg7 : memref<16x128xi32, #tpu.memory_space<vmem>>)
        tpu.yield
      }) : () -> ()
      %add3A_23 = arith.addi %select_n3A_10, %while3A_21 : i32
      "tpu.region"() ({
        %run_scoped3A_261 = tpu.sem_alloc : memref<!tpu.dma_semaphore, #tpu.memory_space<semaphore_mem>>
        %dma_start3A_262 = arith.constant 0 : i32
        %dma_start3A_263 = arith.constant 0 : i32
        %dma_start3A_264 = tpu.memref_slice %arg4[%add3A_23, %dma_start3A_262, %dma_start3A_263] : memref<160x16x128xi32, #tpu.memory_space<hbm>> -> memref<1x16x128xi32, #tpu.memory_space<hbm>>
        %dma_start3A_265 = tpu.memref_squeeze %dma_start3A_264 : memref<1x16x128xi32, #tpu.memory_space<hbm>> -> memref<16x128xi32, #tpu.memory_space<hbm>>
        %dma_start3A_266 = arith.constant 0 : i32
        %dma_start3A_267 = arith.constant 0 : i32
        %dma_start3A_268 = tpu.memref_slice %arg4[%add3A_23, %dma_start3A_266, %dma_start3A_267] : memref<160x16x128xi32, #tpu.memory_space<hbm>> -> memref<1x16x128xi32, #tpu.memory_space<hbm>>
        %dma_start3A_269 = tpu.memref_squeeze %dma_start3A_268 : memref<1x16x128xi32, #tpu.memory_space<hbm>> -> memref<16x128xi32, #tpu.memory_space<hbm>>
        tpu.enqueue_dma source(%dma_start3A_269 : memref<16x128xi32, #tpu.memory_space<hbm>>) target(%arg8 : memref<16x128xi32, #tpu.memory_space<vmem>>) target_semaphore(%run_scoped3A_261 : memref<!tpu.dma_semaphore, #tpu.memory_space<semaphore_mem>>)
        %dma_wait3A_270 = arith.constant 0 : i32
        %dma_wait3A_271 = arith.constant 0 : i32
        %dma_wait3A_272 = tpu.memref_slice %arg4[%add3A_23, %dma_wait3A_270, %dma_wait3A_271] : memref<160x16x128xi32, #tpu.memory_space<hbm>> -> memref<1x16x128xi32, #tpu.memory_space<hbm>>
        %dma_wait3A_273 = tpu.memref_squeeze %dma_wait3A_272 : memref<1x16x128xi32, #tpu.memory_space<hbm>> -> memref<16x128xi32, #tpu.memory_space<hbm>>
        %dma_wait3A_274 = arith.constant 0 : i32
        %dma_wait3A_275 = arith.constant 0 : i32
        %dma_wait3A_276 = tpu.memref_slice %arg4[%add3A_23, %dma_wait3A_274, %dma_wait3A_275] : memref<160x16x128xi32, #tpu.memory_space<hbm>> -> memref<1x16x128xi32, #tpu.memory_space<hbm>>
        %dma_wait3A_277 = tpu.memref_squeeze %dma_wait3A_276 : memref<1x16x128xi32, #tpu.memory_space<hbm>> -> memref<16x128xi32, #tpu.memory_space<hbm>>
        tpu.wait_dma2 semaphore(%run_scoped3A_261 : memref<!tpu.dma_semaphore, #tpu.memory_space<semaphore_mem>>) src(%dma_wait3A_277 : memref<16x128xi32, #tpu.memory_space<hbm>>) dst(%arg8 : memref<16x128xi32, #tpu.memory_space<vmem>>)
        tpu.yield
      }) : () -> ()
      %dma_start3A = arith.constant 0 : i32
      %dma_start3A_24 = arith.constant 0 : i32
      %dma_start3A_25 = tpu.memref_slice %arg7[%dma_start3A, %dma_start3A_24] : memref<16x128xi32, #tpu.memory_space<vmem>> -> memref<1x128xi32, #tpu.memory_space<vmem>>
      %dma_start3A_26 = tpu.memref_squeeze %dma_start3A_25 : memref<1x128xi32, #tpu.memory_space<vmem>> -> memref<128xi32, #tpu.memory_space<vmem>>
      %dma_start3A_27 = arith.constant 0 : i32
      %dma_start3A_28 = arith.constant 0 : i32
      %dma_start3A_29 = tpu.memref_slice %arg2[%dma_start3A_27, %dma_start3A_28] : memref<10240x128xf32, #tpu.memory_space<hbm>> -> memref<10240x128xf32, #tpu.memory_space<hbm>>
      tpu.enqueue_indirect_dma source(%dma_start3A_29 : memref<10240x128xf32, #tpu.memory_space<hbm>>) target(%arg9 : memref<128x128xf32, #tpu.memory_space<vmem>>) offsets(%dma_start3A_26 : memref<128xi32, #tpu.memory_space<vmem>>) semaphore(%arg10 : memref<!tpu.dma_semaphore, #tpu.memory_space<semaphore_mem>>)
      %dma_wait3A = arith.constant 0 : i32
      %dma_wait3A_30 = arith.constant 0 : i32
      %dma_wait3A_31 = tpu.memref_slice %arg7[%dma_wait3A, %dma_wait3A_30] : memref<16x128xi32, #tpu.memory_space<vmem>> -> memref<1x128xi32, #tpu.memory_space<vmem>>
      %dma_wait3A_32 = tpu.memref_squeeze %dma_wait3A_31 : memref<1x128xi32, #tpu.memory_space<vmem>> -> memref<128xi32, #tpu.memory_space<vmem>>
      %dma_wait3A_33 = arith.constant 0 : i32
      %dma_wait3A_34 = arith.constant 0 : i32
      %dma_wait3A_35 = tpu.memref_slice %arg2[%dma_wait3A_33, %dma_wait3A_34] : memref<10240x128xf32, #tpu.memory_space<hbm>> -> memref<10240x128xf32, #tpu.memory_space<hbm>>
      tpu.wait_indirect_dma semaphore(%arg10 : memref<!tpu.dma_semaphore, #tpu.memory_space<semaphore_mem>>) src(%dma_wait3A_35 : memref<10240x128xf32, #tpu.memory_space<hbm>>) dst(%arg9 : memref<128x128xf32, #tpu.memory_space<vmem>>)
      %run_scoped3A = arith.constant 0 : i32
      "tpu.region"() ({
        %run_scoped3A_261 = tpu.sem_alloc : memref<!tpu.dma_semaphore, #tpu.memory_space<semaphore_mem>>
        %dma_start3A_262 = arith.constant 0 : i32
        %dma_start3A_263 = tpu.memref_slice %arg8[%run_scoped3A, %dma_start3A_262] : memref<16x128xi32, #tpu.memory_space<vmem>> -> memref<1x128xi32, #tpu.memory_space<vmem>>
        %dma_start3A_264 = tpu.memref_squeeze %dma_start3A_263 : memref<1x128xi32, #tpu.memory_space<vmem>> -> memref<128xi32, #tpu.memory_space<vmem>>
        %dma_start3A_265 = arith.constant 0 : i32
        %dma_start3A_266 = arith.constant 0 : i32
        %dma_start3A_267 = tpu.memref_slice %arg11[%dma_start3A_265, %dma_start3A_266] : memref<10240x128xf32, #tpu.memory_space<vmem_shared>> -> memref<10240x128xf32, #tpu.memory_space<vmem_shared>>
        tpu.enqueue_indirect_dma source(%arg9 : memref<128x128xf32, #tpu.memory_space<vmem>>) target(%dma_start3A_267 : memref<10240x128xf32, #tpu.memory_space<vmem_shared>>) offsets(%dma_start3A_264 : memref<128xi32, #tpu.memory_space<vmem>>) semaphore(%run_scoped3A_261 : memref<!tpu.dma_semaphore, #tpu.memory_space<semaphore_mem>>) {add = true}
        %dma_wait3A_268 = arith.constant 0 : i32
        %dma_wait3A_269 = tpu.memref_slice %arg8[%run_scoped3A, %dma_wait3A_268] : memref<16x128xi32, #tpu.memory_space<vmem>> -> memref<1x128xi32, #tpu.memory_space<vmem>>
        %dma_wait3A_270 = tpu.memref_squeeze %dma_wait3A_269 : memref<1x128xi32, #tpu.memory_space<vmem>> -> memref<128xi32, #tpu.memory_space<vmem>>
        %dma_wait3A_271 = arith.constant 0 : i32
        %dma_wait3A_272 = arith.constant 0 : i32
        %dma_wait3A_273 = tpu.memref_slice %arg11[%dma_wait3A_271, %dma_wait3A_272] : memref<10240x128xf32, #tpu.memory_space<vmem_shared>> -> memref<10240x128xf32, #tpu.memory_space<vmem_shared>>
        tpu.wait_indirect_dma semaphore(%run_scoped3A_261 : memref<!tpu.dma_semaphore, #tpu.memory_space<semaphore_mem>>) src(%arg9 : memref<128x128xf32, #tpu.memory_space<vmem>>) dst(%dma_wait3A_273 : memref<10240x128xf32, #tpu.memory_space<vmem_shared>>)
        tpu.yield
      }) : () -> ()
      %dma_start3A_36 = arith.constant 1 : i32
      %dma_start3A_37 = arith.constant 0 : i32
      %dma_start3A_38 = tpu.memref_slice %arg7[%dma_start3A_36, %dma_start3A_37] : memref<16x128xi32, #tpu.memory_space<vmem>> -> memref<1x128xi32, #tpu.memory_space<vmem>>
      %dma_start3A_39 = tpu.memref_squeeze %dma_start3A_38 : memref<1x128xi32, #tpu.memory_space<vmem>> -> memref<128xi32, #tpu.memory_space<vmem>>
      %dma_start3A_40 = arith.constant 0 : i32
      %dma_start3A_41 = arith.constant 0 : i32
      %dma_start3A_42 = tpu.memref_slice %arg2[%dma_start3A_40, %dma_start3A_41] : memref<10240x128xf32, #tpu.memory_space<hbm>> -> memref<10240x128xf32, #tpu.memory_space<hbm>>
      tpu.enqueue_indirect_dma source(%dma_start3A_42 : memref<10240x128xf32, #tpu.memory_space<hbm>>) target(%arg9 : memref<128x128xf32, #tpu.memory_space<vmem>>) offsets(%dma_start3A_39 : memref<128xi32, #tpu.memory_space<vmem>>) semaphore(%arg10 : memref<!tpu.dma_semaphore, #tpu.memory_space<semaphore_mem>>)
      %dma_wait3A_43 = arith.constant 1 : i32
      %dma_wait3A_44 = arith.constant 0 : i32
      %dma_wait3A_45 = tpu.memref_slice %arg7[%dma_wait3A_43, %dma_wait3A_44] : memref<16x128xi32, #tpu.memory_space<vmem>> -> memref<1x128xi32, #tpu.memory_space<vmem>>
      %dma_wait3A_46 = tpu.memref_squeeze %dma_wait3A_45 : memref<1x128xi32, #tpu.memory_space<vmem>> -> memref<128xi32, #tpu.memory_space<vmem>>
      %dma_wait3A_47 = arith.constant 0 : i32
      %dma_wait3A_48 = arith.constant 0 : i32
      %dma_wait3A_49 = tpu.memref_slice %arg2[%dma_wait3A_47, %dma_wait3A_48] : memref<10240x128xf32, #tpu.memory_space<hbm>> -> memref<10240x128xf32, #tpu.memory_space<hbm>>
      tpu.wait_indirect_dma semaphore(%arg10 : memref<!tpu.dma_semaphore, #tpu.memory_space<semaphore_mem>>) src(%dma_wait3A_49 : memref<10240x128xf32, #tpu.memory_space<hbm>>) dst(%arg9 : memref<128x128xf32, #tpu.memory_space<vmem>>)
      %run_scoped3A_50 = arith.constant 1 : i32
      "tpu.region"() ({
        %run_scoped3A_261 = tpu.sem_alloc : memref<!tpu.dma_semaphore, #tpu.memory_space<semaphore_mem>>
        %dma_start3A_262 = arith.constant 0 : i32
        %dma_start3A_263 = tpu.memref_slice %arg8[%run_scoped3A_50, %dma_start3A_262] : memref<16x128xi32, #tpu.memory_space<vmem>> -> memref<1x128xi32, #tpu.memory_space<vmem>>
        %dma_start3A_264 = tpu.memref_squeeze %dma_start3A_263 : memref<1x128xi32, #tpu.memory_space<vmem>> -> memref<128xi32, #tpu.memory_space<vmem>>
        %dma_start3A_265 = arith.constant 0 : i32
        %dma_start3A_266 = arith.constant 0 : i32
        %dma_start3A_267 = tpu.memref_slice %arg11[%dma_start3A_265, %dma_start3A_266] : memref<10240x128xf32, #tpu.memory_space<vmem_shared>> -> memref<10240x128xf32, #tpu.memory_space<vmem_shared>>
        tpu.enqueue_indirect_dma source(%arg9 : memref<128x128xf32, #tpu.memory_space<vmem>>) target(%dma_start3A_267 : memref<10240x128xf32, #tpu.memory_space<vmem_shared>>) offsets(%dma_start3A_264 : memref<128xi32, #tpu.memory_space<vmem>>) semaphore(%run_scoped3A_261 : memref<!tpu.dma_semaphore, #tpu.memory_space<semaphore_mem>>) {add = true}
        %dma_wait3A_268 = arith.constant 0 : i32
        %dma_wait3A_269 = tpu.memref_slice %arg8[%run_scoped3A_50, %dma_wait3A_268] : memref<16x128xi32, #tpu.memory_space<vmem>> -> memref<1x128xi32, #tpu.memory_space<vmem>>
        %dma_wait3A_270 = tpu.memref_squeeze %dma_wait3A_269 : memref<1x128xi32, #tpu.memory_space<vmem>> -> memref<128xi32, #tpu.memory_space<vmem>>
        %dma_wait3A_271 = arith.constant 0 : i32
        %dma_wait3A_272 = arith.constant 0 : i32
        %dma_wait3A_273 = tpu.memref_slice %arg11[%dma_wait3A_271, %dma_wait3A_272] : memref<10240x128xf32, #tpu.memory_space<vmem_shared>> -> memref<10240x128xf32, #tpu.memory_space<vmem_shared>>
        tpu.wait_indirect_dma semaphore(%run_scoped3A_261 : memref<!tpu.dma_semaphore, #tpu.memory_space<semaphore_mem>>) src(%arg9 : memref<128x128xf32, #tpu.memory_space<vmem>>) dst(%dma_wait3A_273 : memref<10240x128xf32, #tpu.memory_space<vmem_shared>>)
        tpu.yield
      }) : () -> ()
      %dma_start3A_51 = arith.constant 2 : i32
      %dma_start3A_52 = arith.constant 0 : i32
      %dma_start3A_53 = tpu.memref_slice %arg7[%dma_start3A_51, %dma_start3A_52] : memref<16x128xi32, #tpu.memory_space<vmem>> -> memref<1x128xi32, #tpu.memory_space<vmem>>
      %dma_start3A_54 = tpu.memref_squeeze %dma_start3A_53 : memref<1x128xi32, #tpu.memory_space<vmem>> -> memref<128xi32, #tpu.memory_space<vmem>>
      %dma_start3A_55 = arith.constant 0 : i32
      %dma_start3A_56 = arith.constant 0 : i32
      %dma_start3A_57 = tpu.memref_slice %arg2[%dma_start3A_55, %dma_start3A_56] : memref<10240x128xf32, #tpu.memory_space<hbm>> -> memref<10240x128xf32, #tpu.memory_space<hbm>>
      tpu.enqueue_indirect_dma source(%dma_start3A_57 : memref<10240x128xf32, #tpu.memory_space<hbm>>) target(%arg9 : memref<128x128xf32, #tpu.memory_space<vmem>>) offsets(%dma_start3A_54 : memref<128xi32, #tpu.memory_space<vmem>>) semaphore(%arg10 : memref<!tpu.dma_semaphore, #tpu.memory_space<semaphore_mem>>)
      %dma_wait3A_58 = arith.constant 2 : i32
      %dma_wait3A_59 = arith.constant 0 : i32
      %dma_wait3A_60 = tpu.memref_slice %arg7[%dma_wait3A_58, %dma_wait3A_59] : memref<16x128xi32, #tpu.memory_space<vmem>> -> memref<1x128xi32, #tpu.memory_space<vmem>>
      %dma_wait3A_61 = tpu.memref_squeeze %dma_wait3A_60 : memref<1x128xi32, #tpu.memory_space<vmem>> -> memref<128xi32, #tpu.memory_space<vmem>>
      %dma_wait3A_62 = arith.constant 0 : i32
      %dma_wait3A_63 = arith.constant 0 : i32
      %dma_wait3A_64 = tpu.memref_slice %arg2[%dma_wait3A_62, %dma_wait3A_63] : memref<10240x128xf32, #tpu.memory_space<hbm>> -> memref<10240x128xf32, #tpu.memory_space<hbm>>
      tpu.wait_indirect_dma semaphore(%arg10 : memref<!tpu.dma_semaphore, #tpu.memory_space<semaphore_mem>>) src(%dma_wait3A_64 : memref<10240x128xf32, #tpu.memory_space<hbm>>) dst(%arg9 : memref<128x128xf32, #tpu.memory_space<vmem>>)
      %run_scoped3A_65 = arith.constant 2 : i32
      "tpu.region"() ({
        %run_scoped3A_261 = tpu.sem_alloc : memref<!tpu.dma_semaphore, #tpu.memory_space<semaphore_mem>>
        %dma_start3A_262 = arith.constant 0 : i32
        %dma_start3A_263 = tpu.memref_slice %arg8[%run_scoped3A_65, %dma_start3A_262] : memref<16x128xi32, #tpu.memory_space<vmem>> -> memref<1x128xi32, #tpu.memory_space<vmem>>
        %dma_start3A_264 = tpu.memref_squeeze %dma_start3A_263 : memref<1x128xi32, #tpu.memory_space<vmem>> -> memref<128xi32, #tpu.memory_space<vmem>>
        %dma_start3A_265 = arith.constant 0 : i32
        %dma_start3A_266 = arith.constant 0 : i32
        %dma_start3A_267 = tpu.memref_slice %arg11[%dma_start3A_265, %dma_start3A_266] : memref<10240x128xf32, #tpu.memory_space<vmem_shared>> -> memref<10240x128xf32, #tpu.memory_space<vmem_shared>>
        tpu.enqueue_indirect_dma source(%arg9 : memref<128x128xf32, #tpu.memory_space<vmem>>) target(%dma_start3A_267 : memref<10240x128xf32, #tpu.memory_space<vmem_shared>>) offsets(%dma_start3A_264 : memref<128xi32, #tpu.memory_space<vmem>>) semaphore(%run_scoped3A_261 : memref<!tpu.dma_semaphore, #tpu.memory_space<semaphore_mem>>) {add = true}
        %dma_wait3A_268 = arith.constant 0 : i32
        %dma_wait3A_269 = tpu.memref_slice %arg8[%run_scoped3A_65, %dma_wait3A_268] : memref<16x128xi32, #tpu.memory_space<vmem>> -> memref<1x128xi32, #tpu.memory_space<vmem>>
        %dma_wait3A_270 = tpu.memref_squeeze %dma_wait3A_269 : memref<1x128xi32, #tpu.memory_space<vmem>> -> memref<128xi32, #tpu.memory_space<vmem>>
        %dma_wait3A_271 = arith.constant 0 : i32
        %dma_wait3A_272 = arith.constant 0 : i32
        %dma_wait3A_273 = tpu.memref_slice %arg11[%dma_wait3A_271, %dma_wait3A_272] : memref<10240x128xf32, #tpu.memory_space<vmem_shared>> -> memref<10240x128xf32, #tpu.memory_space<vmem_shared>>
        tpu.wait_indirect_dma semaphore(%run_scoped3A_261 : memref<!tpu.dma_semaphore, #tpu.memory_space<semaphore_mem>>) src(%arg9 : memref<128x128xf32, #tpu.memory_space<vmem>>) dst(%dma_wait3A_273 : memref<10240x128xf32, #tpu.memory_space<vmem_shared>>)
        tpu.yield
      }) : () -> ()
      %dma_start3A_66 = arith.constant 3 : i32
      %dma_start3A_67 = arith.constant 0 : i32
      %dma_start3A_68 = tpu.memref_slice %arg7[%dma_start3A_66, %dma_start3A_67] : memref<16x128xi32, #tpu.memory_space<vmem>> -> memref<1x128xi32, #tpu.memory_space<vmem>>
      %dma_start3A_69 = tpu.memref_squeeze %dma_start3A_68 : memref<1x128xi32, #tpu.memory_space<vmem>> -> memref<128xi32, #tpu.memory_space<vmem>>
      %dma_start3A_70 = arith.constant 0 : i32
      %dma_start3A_71 = arith.constant 0 : i32
      %dma_start3A_72 = tpu.memref_slice %arg2[%dma_start3A_70, %dma_start3A_71] : memref<10240x128xf32, #tpu.memory_space<hbm>> -> memref<10240x128xf32, #tpu.memory_space<hbm>>
      tpu.enqueue_indirect_dma source(%dma_start3A_72 : memref<10240x128xf32, #tpu.memory_space<hbm>>) target(%arg9 : memref<128x128xf32, #tpu.memory_space<vmem>>) offsets(%dma_start3A_69 : memref<128xi32, #tpu.memory_space<vmem>>) semaphore(%arg10 : memref<!tpu.dma_semaphore, #tpu.memory_space<semaphore_mem>>)
      %dma_wait3A_73 = arith.constant 3 : i32
      %dma_wait3A_74 = arith.constant 0 : i32
      %dma_wait3A_75 = tpu.memref_slice %arg7[%dma_wait3A_73, %dma_wait3A_74] : memref<16x128xi32, #tpu.memory_space<vmem>> -> memref<1x128xi32, #tpu.memory_space<vmem>>
      %dma_wait3A_76 = tpu.memref_squeeze %dma_wait3A_75 : memref<1x128xi32, #tpu.memory_space<vmem>> -> memref<128xi32, #tpu.memory_space<vmem>>
      %dma_wait3A_77 = arith.constant 0 : i32
      %dma_wait3A_78 = arith.constant 0 : i32
      %dma_wait3A_79 = tpu.memref_slice %arg2[%dma_wait3A_77, %dma_wait3A_78] : memref<10240x128xf32, #tpu.memory_space<hbm>> -> memref<10240x128xf32, #tpu.memory_space<hbm>>
      tpu.wait_indirect_dma semaphore(%arg10 : memref<!tpu.dma_semaphore, #tpu.memory_space<semaphore_mem>>) src(%dma_wait3A_79 : memref<10240x128xf32, #tpu.memory_space<hbm>>) dst(%arg9 : memref<128x128xf32, #tpu.memory_space<vmem>>)
      %run_scoped3A_80 = arith.constant 3 : i32
      "tpu.region"() ({
        %run_scoped3A_261 = tpu.sem_alloc : memref<!tpu.dma_semaphore, #tpu.memory_space<semaphore_mem>>
        %dma_start3A_262 = arith.constant 0 : i32
        %dma_start3A_263 = tpu.memref_slice %arg8[%run_scoped3A_80, %dma_start3A_262] : memref<16x128xi32, #tpu.memory_space<vmem>> -> memref<1x128xi32, #tpu.memory_space<vmem>>
        %dma_start3A_264 = tpu.memref_squeeze %dma_start3A_263 : memref<1x128xi32, #tpu.memory_space<vmem>> -> memref<128xi32, #tpu.memory_space<vmem>>
        %dma_start3A_265 = arith.constant 0 : i32
        %dma_start3A_266 = arith.constant 0 : i32
        %dma_start3A_267 = tpu.memref_slice %arg11[%dma_start3A_265, %dma_start3A_266] : memref<10240x128xf32, #tpu.memory_space<vmem_shared>> -> memref<10240x128xf32, #tpu.memory_space<vmem_shared>>
        tpu.enqueue_indirect_dma source(%arg9 : memref<128x128xf32, #tpu.memory_space<vmem>>) target(%dma_start3A_267 : memref<10240x128xf32, #tpu.memory_space<vmem_shared>>) offsets(%dma_start3A_264 : memref<128xi32, #tpu.memory_space<vmem>>) semaphore(%run_scoped3A_261 : memref<!tpu.dma_semaphore, #tpu.memory_space<semaphore_mem>>) {add = true}
        %dma_wait3A_268 = arith.constant 0 : i32
        %dma_wait3A_269 = tpu.memref_slice %arg8[%run_scoped3A_80, %dma_wait3A_268] : memref<16x128xi32, #tpu.memory_space<vmem>> -> memref<1x128xi32, #tpu.memory_space<vmem>>
        %dma_wait3A_270 = tpu.memref_squeeze %dma_wait3A_269 : memref<1x128xi32, #tpu.memory_space<vmem>> -> memref<128xi32, #tpu.memory_space<vmem>>
        %dma_wait3A_271 = arith.constant 0 : i32
        %dma_wait3A_272 = arith.constant 0 : i32
        %dma_wait3A_273 = tpu.memref_slice %arg11[%dma_wait3A_271, %dma_wait3A_272] : memref<10240x128xf32, #tpu.memory_space<vmem_shared>> -> memref<10240x128xf32, #tpu.memory_space<vmem_shared>>
        tpu.wait_indirect_dma semaphore(%run_scoped3A_261 : memref<!tpu.dma_semaphore, #tpu.memory_space<semaphore_mem>>) src(%arg9 : memref<128x128xf32, #tpu.memory_space<vmem>>) dst(%dma_wait3A_273 : memref<10240x128xf32, #tpu.memory_space<vmem_shared>>)
        tpu.yield
      }) : () -> ()
      %dma_start3A_81 = arith.constant 4 : i32
      %dma_start3A_82 = arith.constant 0 : i32
      %dma_start3A_83 = tpu.memref_slice %arg7[%dma_start3A_81, %dma_start3A_82] : memref<16x128xi32, #tpu.memory_space<vmem>> -> memref<1x128xi32, #tpu.memory_space<vmem>>
      %dma_start3A_84 = tpu.memref_squeeze %dma_start3A_83 : memref<1x128xi32, #tpu.memory_space<vmem>> -> memref<128xi32, #tpu.memory_space<vmem>>
      %dma_start3A_85 = arith.constant 0 : i32
      %dma_start3A_86 = arith.constant 0 : i32
      %dma_start3A_87 = tpu.memref_slice %arg2[%dma_start3A_85, %dma_start3A_86] : memref<10240x128xf32, #tpu.memory_space<hbm>> -> memref<10240x128xf32, #tpu.memory_space<hbm>>
      tpu.enqueue_indirect_dma source(%dma_start3A_87 : memref<10240x128xf32, #tpu.memory_space<hbm>>) target(%arg9 : memref<128x128xf32, #tpu.memory_space<vmem>>) offsets(%dma_start3A_84 : memref<128xi32, #tpu.memory_space<vmem>>) semaphore(%arg10 : memref<!tpu.dma_semaphore, #tpu.memory_space<semaphore_mem>>)
      %dma_wait3A_88 = arith.constant 4 : i32
      %dma_wait3A_89 = arith.constant 0 : i32
      %dma_wait3A_90 = tpu.memref_slice %arg7[%dma_wait3A_88, %dma_wait3A_89] : memref<16x128xi32, #tpu.memory_space<vmem>> -> memref<1x128xi32, #tpu.memory_space<vmem>>
      %dma_wait3A_91 = tpu.memref_squeeze %dma_wait3A_90 : memref<1x128xi32, #tpu.memory_space<vmem>> -> memref<128xi32, #tpu.memory_space<vmem>>
      %dma_wait3A_92 = arith.constant 0 : i32
      %dma_wait3A_93 = arith.constant 0 : i32
      %dma_wait3A_94 = tpu.memref_slice %arg2[%dma_wait3A_92, %dma_wait3A_93] : memref<10240x128xf32, #tpu.memory_space<hbm>> -> memref<10240x128xf32, #tpu.memory_space<hbm>>
      tpu.wait_indirect_dma semaphore(%arg10 : memref<!tpu.dma_semaphore, #tpu.memory_space<semaphore_mem>>) src(%dma_wait3A_94 : memref<10240x128xf32, #tpu.memory_space<hbm>>) dst(%arg9 : memref<128x128xf32, #tpu.memory_space<vmem>>)
      %run_scoped3A_95 = arith.constant 4 : i32
      "tpu.region"() ({
        %run_scoped3A_261 = tpu.sem_alloc : memref<!tpu.dma_semaphore, #tpu.memory_space<semaphore_mem>>
        %dma_start3A_262 = arith.constant 0 : i32
        %dma_start3A_263 = tpu.memref_slice %arg8[%run_scoped3A_95, %dma_start3A_262] : memref<16x128xi32, #tpu.memory_space<vmem>> -> memref<1x128xi32, #tpu.memory_space<vmem>>
        %dma_start3A_264 = tpu.memref_squeeze %dma_start3A_263 : memref<1x128xi32, #tpu.memory_space<vmem>> -> memref<128xi32, #tpu.memory_space<vmem>>
        %dma_start3A_265 = arith.constant 0 : i32
        %dma_start3A_266 = arith.constant 0 : i32
        %dma_start3A_267 = tpu.memref_slice %arg11[%dma_start3A_265, %dma_start3A_266] : memref<10240x128xf32, #tpu.memory_space<vmem_shared>> -> memref<10240x128xf32, #tpu.memory_space<vmem_shared>>
        tpu.enqueue_indirect_dma source(%arg9 : memref<128x128xf32, #tpu.memory_space<vmem>>) target(%dma_start3A_267 : memref<10240x128xf32, #tpu.memory_space<vmem_shared>>) offsets(%dma_start3A_264 : memref<128xi32, #tpu.memory_space<vmem>>) semaphore(%run_scoped3A_261 : memref<!tpu.dma_semaphore, #tpu.memory_space<semaphore_mem>>) {add = true}
        %dma_wait3A_268 = arith.constant 0 : i32
        %dma_wait3A_269 = tpu.memref_slice %arg8[%run_scoped3A_95, %dma_wait3A_268] : memref<16x128xi32, #tpu.memory_space<vmem>> -> memref<1x128xi32, #tpu.memory_space<vmem>>
        %dma_wait3A_270 = tpu.memref_squeeze %dma_wait3A_269 : memref<1x128xi32, #tpu.memory_space<vmem>> -> memref<128xi32, #tpu.memory_space<vmem>>
        %dma_wait3A_271 = arith.constant 0 : i32
        %dma_wait3A_272 = arith.constant 0 : i32
        %dma_wait3A_273 = tpu.memref_slice %arg11[%dma_wait3A_271, %dma_wait3A_272] : memref<10240x128xf32, #tpu.memory_space<vmem_shared>> -> memref<10240x128xf32, #tpu.memory_space<vmem_shared>>
        tpu.wait_indirect_dma semaphore(%run_scoped3A_261 : memref<!tpu.dma_semaphore, #tpu.memory_space<semaphore_mem>>) src(%arg9 : memref<128x128xf32, #tpu.memory_space<vmem>>) dst(%dma_wait3A_273 : memref<10240x128xf32, #tpu.memory_space<vmem_shared>>)
        tpu.yield
      }) : () -> ()
      %dma_start3A_96 = arith.constant 5 : i32
      %dma_start3A_97 = arith.constant 0 : i32
      %dma_start3A_98 = tpu.memref_slice %arg7[%dma_start3A_96, %dma_start3A_97] : memref<16x128xi32, #tpu.memory_space<vmem>> -> memref<1x128xi32, #tpu.memory_space<vmem>>
      %dma_start3A_99 = tpu.memref_squeeze %dma_start3A_98 : memref<1x128xi32, #tpu.memory_space<vmem>> -> memref<128xi32, #tpu.memory_space<vmem>>
      %dma_start3A_100 = arith.constant 0 : i32
      %dma_start3A_101 = arith.constant 0 : i32
      %dma_start3A_102 = tpu.memref_slice %arg2[%dma_start3A_100, %dma_start3A_101] : memref<10240x128xf32, #tpu.memory_space<hbm>> -> memref<10240x128xf32, #tpu.memory_space<hbm>>
      tpu.enqueue_indirect_dma source(%dma_start3A_102 : memref<10240x128xf32, #tpu.memory_space<hbm>>) target(%arg9 : memref<128x128xf32, #tpu.memory_space<vmem>>) offsets(%dma_start3A_99 : memref<128xi32, #tpu.memory_space<vmem>>) semaphore(%arg10 : memref<!tpu.dma_semaphore, #tpu.memory_space<semaphore_mem>>)
      %dma_wait3A_103 = arith.constant 5 : i32
      %dma_wait3A_104 = arith.constant 0 : i32
      %dma_wait3A_105 = tpu.memref_slice %arg7[%dma_wait3A_103, %dma_wait3A_104] : memref<16x128xi32, #tpu.memory_space<vmem>> -> memref<1x128xi32, #tpu.memory_space<vmem>>
      %dma_wait3A_106 = tpu.memref_squeeze %dma_wait3A_105 : memref<1x128xi32, #tpu.memory_space<vmem>> -> memref<128xi32, #tpu.memory_space<vmem>>
      %dma_wait3A_107 = arith.constant 0 : i32
      %dma_wait3A_108 = arith.constant 0 : i32
      %dma_wait3A_109 = tpu.memref_slice %arg2[%dma_wait3A_107, %dma_wait3A_108] : memref<10240x128xf32, #tpu.memory_space<hbm>> -> memref<10240x128xf32, #tpu.memory_space<hbm>>
      tpu.wait_indirect_dma semaphore(%arg10 : memref<!tpu.dma_semaphore, #tpu.memory_space<semaphore_mem>>) src(%dma_wait3A_109 : memref<10240x128xf32, #tpu.memory_space<hbm>>) dst(%arg9 : memref<128x128xf32, #tpu.memory_space<vmem>>)
      %run_scoped3A_110 = arith.constant 5 : i32
      "tpu.region"() ({
        %run_scoped3A_261 = tpu.sem_alloc : memref<!tpu.dma_semaphore, #tpu.memory_space<semaphore_mem>>
        %dma_start3A_262 = arith.constant 0 : i32
        %dma_start3A_263 = tpu.memref_slice %arg8[%run_scoped3A_110, %dma_start3A_262] : memref<16x128xi32, #tpu.memory_space<vmem>> -> memref<1x128xi32, #tpu.memory_space<vmem>>
        %dma_start3A_264 = tpu.memref_squeeze %dma_start3A_263 : memref<1x128xi32, #tpu.memory_space<vmem>> -> memref<128xi32, #tpu.memory_space<vmem>>
        %dma_start3A_265 = arith.constant 0 : i32
        %dma_start3A_266 = arith.constant 0 : i32
        %dma_start3A_267 = tpu.memref_slice %arg11[%dma_start3A_265, %dma_start3A_266] : memref<10240x128xf32, #tpu.memory_space<vmem_shared>> -> memref<10240x128xf32, #tpu.memory_space<vmem_shared>>
        tpu.enqueue_indirect_dma source(%arg9 : memref<128x128xf32, #tpu.memory_space<vmem>>) target(%dma_start3A_267 : memref<10240x128xf32, #tpu.memory_space<vmem_shared>>) offsets(%dma_start3A_264 : memref<128xi32, #tpu.memory_space<vmem>>) semaphore(%run_scoped3A_261 : memref<!tpu.dma_semaphore, #tpu.memory_space<semaphore_mem>>) {add = true}
        %dma_wait3A_268 = arith.constant 0 : i32
        %dma_wait3A_269 = tpu.memref_slice %arg8[%run_scoped3A_110, %dma_wait3A_268] : memref<16x128xi32, #tpu.memory_space<vmem>> -> memref<1x128xi32, #tpu.memory_space<vmem>>
        %dma_wait3A_270 = tpu.memref_squeeze %dma_wait3A_269 : memref<1x128xi32, #tpu.memory_space<vmem>> -> memref<128xi32, #tpu.memory_space<vmem>>
        %dma_wait3A_271 = arith.constant 0 : i32
        %dma_wait3A_272 = arith.constant 0 : i32
        %dma_wait3A_273 = tpu.memref_slice %arg11[%dma_wait3A_271, %dma_wait3A_272] : memref<10240x128xf32, #tpu.memory_space<vmem_shared>> -> memref<10240x128xf32, #tpu.memory_space<vmem_shared>>
        tpu.wait_indirect_dma semaphore(%run_scoped3A_261 : memref<!tpu.dma_semaphore, #tpu.memory_space<semaphore_mem>>) src(%arg9 : memref<128x128xf32, #tpu.memory_space<vmem>>) dst(%dma_wait3A_273 : memref<10240x128xf32, #tpu.memory_space<vmem_shared>>)
        tpu.yield
      }) : () -> ()
      %dma_start3A_111 = arith.constant 6 : i32
      %dma_start3A_112 = arith.constant 0 : i32
      %dma_start3A_113 = tpu.memref_slice %arg7[%dma_start3A_111, %dma_start3A_112] : memref<16x128xi32, #tpu.memory_space<vmem>> -> memref<1x128xi32, #tpu.memory_space<vmem>>
      %dma_start3A_114 = tpu.memref_squeeze %dma_start3A_113 : memref<1x128xi32, #tpu.memory_space<vmem>> -> memref<128xi32, #tpu.memory_space<vmem>>
      %dma_start3A_115 = arith.constant 0 : i32
      %dma_start3A_116 = arith.constant 0 : i32
      %dma_start3A_117 = tpu.memref_slice %arg2[%dma_start3A_115, %dma_start3A_116] : memref<10240x128xf32, #tpu.memory_space<hbm>> -> memref<10240x128xf32, #tpu.memory_space<hbm>>
      tpu.enqueue_indirect_dma source(%dma_start3A_117 : memref<10240x128xf32, #tpu.memory_space<hbm>>) target(%arg9 : memref<128x128xf32, #tpu.memory_space<vmem>>) offsets(%dma_start3A_114 : memref<128xi32, #tpu.memory_space<vmem>>) semaphore(%arg10 : memref<!tpu.dma_semaphore, #tpu.memory_space<semaphore_mem>>)
      %dma_wait3A_118 = arith.constant 6 : i32
      %dma_wait3A_119 = arith.constant 0 : i32
      %dma_wait3A_120 = tpu.memref_slice %arg7[%dma_wait3A_118, %dma_wait3A_119] : memref<16x128xi32, #tpu.memory_space<vmem>> -> memref<1x128xi32, #tpu.memory_space<vmem>>
      %dma_wait3A_121 = tpu.memref_squeeze %dma_wait3A_120 : memref<1x128xi32, #tpu.memory_space<vmem>> -> memref<128xi32, #tpu.memory_space<vmem>>
      %dma_wait3A_122 = arith.constant 0 : i32
      %dma_wait3A_123 = arith.constant 0 : i32
      %dma_wait3A_124 = tpu.memref_slice %arg2[%dma_wait3A_122, %dma_wait3A_123] : memref<10240x128xf32, #tpu.memory_space<hbm>> -> memref<10240x128xf32, #tpu.memory_space<hbm>>
      tpu.wait_indirect_dma semaphore(%arg10 : memref<!tpu.dma_semaphore, #tpu.memory_space<semaphore_mem>>) src(%dma_wait3A_124 : memref<10240x128xf32, #tpu.memory_space<hbm>>) dst(%arg9 : memref<128x128xf32, #tpu.memory_space<vmem>>)
      %run_scoped3A_125 = arith.constant 6 : i32
      "tpu.region"() ({
        %run_scoped3A_261 = tpu.sem_alloc : memref<!tpu.dma_semaphore, #tpu.memory_space<semaphore_mem>>
        %dma_start3A_262 = arith.constant 0 : i32
        %dma_start3A_263 = tpu.memref_slice %arg8[%run_scoped3A_125, %dma_start3A_262] : memref<16x128xi32, #tpu.memory_space<vmem>> -> memref<1x128xi32, #tpu.memory_space<vmem>>
        %dma_start3A_264 = tpu.memref_squeeze %dma_start3A_263 : memref<1x128xi32, #tpu.memory_space<vmem>> -> memref<128xi32, #tpu.memory_space<vmem>>
        %dma_start3A_265 = arith.constant 0 : i32
        %dma_start3A_266 = arith.constant 0 : i32
        %dma_start3A_267 = tpu.memref_slice %arg11[%dma_start3A_265, %dma_start3A_266] : memref<10240x128xf32, #tpu.memory_space<vmem_shared>> -> memref<10240x128xf32, #tpu.memory_space<vmem_shared>>
        tpu.enqueue_indirect_dma source(%arg9 : memref<128x128xf32, #tpu.memory_space<vmem>>) target(%dma_start3A_267 : memref<10240x128xf32, #tpu.memory_space<vmem_shared>>) offsets(%dma_start3A_264 : memref<128xi32, #tpu.memory_space<vmem>>) semaphore(%run_scoped3A_261 : memref<!tpu.dma_semaphore, #tpu.memory_space<semaphore_mem>>) {add = true}
        %dma_wait3A_268 = arith.constant 0 : i32
        %dma_wait3A_269 = tpu.memref_slice %arg8[%run_scoped3A_125, %dma_wait3A_268] : memref<16x128xi32, #tpu.memory_space<vmem>> -> memref<1x128xi32, #tpu.memory_space<vmem>>
        %dma_wait3A_270 = tpu.memref_squeeze %dma_wait3A_269 : memref<1x128xi32, #tpu.memory_space<vmem>> -> memref<128xi32, #tpu.memory_space<vmem>>
        %dma_wait3A_271 = arith.constant 0 : i32
        %dma_wait3A_272 = arith.constant 0 : i32
        %dma_wait3A_273 = tpu.memref_slice %arg11[%dma_wait3A_271, %dma_wait3A_272] : memref<10240x128xf32, #tpu.memory_space<vmem_shared>> -> memref<10240x128xf32, #tpu.memory_space<vmem_shared>>
        tpu.wait_indirect_dma semaphore(%run_scoped3A_261 : memref<!tpu.dma_semaphore, #tpu.memory_space<semaphore_mem>>) src(%arg9 : memref<128x128xf32, #tpu.memory_space<vmem>>) dst(%dma_wait3A_273 : memref<10240x128xf32, #tpu.memory_space<vmem_shared>>)
        tpu.yield
      }) : () -> ()
      %dma_start3A_126 = arith.constant 7 : i32
      %dma_start3A_127 = arith.constant 0 : i32
      %dma_start3A_128 = tpu.memref_slice %arg7[%dma_start3A_126, %dma_start3A_127] : memref<16x128xi32, #tpu.memory_space<vmem>> -> memref<1x128xi32, #tpu.memory_space<vmem>>
      %dma_start3A_129 = tpu.memref_squeeze %dma_start3A_128 : memref<1x128xi32, #tpu.memory_space<vmem>> -> memref<128xi32, #tpu.memory_space<vmem>>
      %dma_start3A_130 = arith.constant 0 : i32
      %dma_start3A_131 = arith.constant 0 : i32
      %dma_start3A_132 = tpu.memref_slice %arg2[%dma_start3A_130, %dma_start3A_131] : memref<10240x128xf32, #tpu.memory_space<hbm>> -> memref<10240x128xf32, #tpu.memory_space<hbm>>
      tpu.enqueue_indirect_dma source(%dma_start3A_132 : memref<10240x128xf32, #tpu.memory_space<hbm>>) target(%arg9 : memref<128x128xf32, #tpu.memory_space<vmem>>) offsets(%dma_start3A_129 : memref<128xi32, #tpu.memory_space<vmem>>) semaphore(%arg10 : memref<!tpu.dma_semaphore, #tpu.memory_space<semaphore_mem>>)
      %dma_wait3A_133 = arith.constant 7 : i32
      %dma_wait3A_134 = arith.constant 0 : i32
      %dma_wait3A_135 = tpu.memref_slice %arg7[%dma_wait3A_133, %dma_wait3A_134] : memref<16x128xi32, #tpu.memory_space<vmem>> -> memref<1x128xi32, #tpu.memory_space<vmem>>
      %dma_wait3A_136 = tpu.memref_squeeze %dma_wait3A_135 : memref<1x128xi32, #tpu.memory_space<vmem>> -> memref<128xi32, #tpu.memory_space<vmem>>
      %dma_wait3A_137 = arith.constant 0 : i32
      %dma_wait3A_138 = arith.constant 0 : i32
      %dma_wait3A_139 = tpu.memref_slice %arg2[%dma_wait3A_137, %dma_wait3A_138] : memref<10240x128xf32, #tpu.memory_space<hbm>> -> memref<10240x128xf32, #tpu.memory_space<hbm>>
      tpu.wait_indirect_dma semaphore(%arg10 : memref<!tpu.dma_semaphore, #tpu.memory_space<semaphore_mem>>) src(%dma_wait3A_139 : memref<10240x128xf32, #tpu.memory_space<hbm>>) dst(%arg9 : memref<128x128xf32, #tpu.memory_space<vmem>>)
      %run_scoped3A_140 = arith.constant 7 : i32
      "tpu.region"() ({
        %run_scoped3A_261 = tpu.sem_alloc : memref<!tpu.dma_semaphore, #tpu.memory_space<semaphore_mem>>
        %dma_start3A_262 = arith.constant 0 : i32
        %dma_start3A_263 = tpu.memref_slice %arg8[%run_scoped3A_140, %dma_start3A_262] : memref<16x128xi32, #tpu.memory_space<vmem>> -> memref<1x128xi32, #tpu.memory_space<vmem>>
        %dma_start3A_264 = tpu.memref_squeeze %dma_start3A_263 : memref<1x128xi32, #tpu.memory_space<vmem>> -> memref<128xi32, #tpu.memory_space<vmem>>
        %dma_start3A_265 = arith.constant 0 : i32
        %dma_start3A_266 = arith.constant 0 : i32
        %dma_start3A_267 = tpu.memref_slice %arg11[%dma_start3A_265, %dma_start3A_266] : memref<10240x128xf32, #tpu.memory_space<vmem_shared>> -> memref<10240x128xf32, #tpu.memory_space<vmem_shared>>
        tpu.enqueue_indirect_dma source(%arg9 : memref<128x128xf32, #tpu.memory_space<vmem>>) target(%dma_start3A_267 : memref<10240x128xf32, #tpu.memory_space<vmem_shared>>) offsets(%dma_start3A_264 : memref<128xi32, #tpu.memory_space<vmem>>) semaphore(%run_scoped3A_261 : memref<!tpu.dma_semaphore, #tpu.memory_space<semaphore_mem>>) {add = true}
        %dma_wait3A_268 = arith.constant 0 : i32
        %dma_wait3A_269 = tpu.memref_slice %arg8[%run_scoped3A_140, %dma_wait3A_268] : memref<16x128xi32, #tpu.memory_space<vmem>> -> memref<1x128xi32, #tpu.memory_space<vmem>>
        %dma_wait3A_270 = tpu.memref_squeeze %dma_wait3A_269 : memref<1x128xi32, #tpu.memory_space<vmem>> -> memref<128xi32, #tpu.memory_space<vmem>>
        %dma_wait3A_271 = arith.constant 0 : i32
        %dma_wait3A_272 = arith.constant 0 : i32
        %dma_wait3A_273 = tpu.memref_slice %arg11[%dma_wait3A_271, %dma_wait3A_272] : memref<10240x128xf32, #tpu.memory_space<vmem_shared>> -> memref<10240x128xf32, #tpu.memory_space<vmem_shared>>
        tpu.wait_indirect_dma semaphore(%run_scoped3A_261 : memref<!tpu.dma_semaphore, #tpu.memory_space<semaphore_mem>>) src(%arg9 : memref<128x128xf32, #tpu.memory_space<vmem>>) dst(%dma_wait3A_273 : memref<10240x128xf32, #tpu.memory_space<vmem_shared>>)
        tpu.yield
      }) : () -> ()
      %dma_start3A_141 = arith.constant 8 : i32
      %dma_start3A_142 = arith.constant 0 : i32
      %dma_start3A_143 = tpu.memref_slice %arg7[%dma_start3A_141, %dma_start3A_142] : memref<16x128xi32, #tpu.memory_space<vmem>> -> memref<1x128xi32, #tpu.memory_space<vmem>>
      %dma_start3A_144 = tpu.memref_squeeze %dma_start3A_143 : memref<1x128xi32, #tpu.memory_space<vmem>> -> memref<128xi32, #tpu.memory_space<vmem>>
      %dma_start3A_145 = arith.constant 0 : i32
      %dma_start3A_146 = arith.constant 0 : i32
      %dma_start3A_147 = tpu.memref_slice %arg2[%dma_start3A_145, %dma_start3A_146] : memref<10240x128xf32, #tpu.memory_space<hbm>> -> memref<10240x128xf32, #tpu.memory_space<hbm>>
      tpu.enqueue_indirect_dma source(%dma_start3A_147 : memref<10240x128xf32, #tpu.memory_space<hbm>>) target(%arg9 : memref<128x128xf32, #tpu.memory_space<vmem>>) offsets(%dma_start3A_144 : memref<128xi32, #tpu.memory_space<vmem>>) semaphore(%arg10 : memref<!tpu.dma_semaphore, #tpu.memory_space<semaphore_mem>>)
      %dma_wait3A_148 = arith.constant 8 : i32
      %dma_wait3A_149 = arith.constant 0 : i32
      %dma_wait3A_150 = tpu.memref_slice %arg7[%dma_wait3A_148, %dma_wait3A_149] : memref<16x128xi32, #tpu.memory_space<vmem>> -> memref<1x128xi32, #tpu.memory_space<vmem>>
      %dma_wait3A_151 = tpu.memref_squeeze %dma_wait3A_150 : memref<1x128xi32, #tpu.memory_space<vmem>> -> memref<128xi32, #tpu.memory_space<vmem>>
      %dma_wait3A_152 = arith.constant 0 : i32
      %dma_wait3A_153 = arith.constant 0 : i32
      %dma_wait3A_154 = tpu.memref_slice %arg2[%dma_wait3A_152, %dma_wait3A_153] : memref<10240x128xf32, #tpu.memory_space<hbm>> -> memref<10240x128xf32, #tpu.memory_space<hbm>>
      tpu.wait_indirect_dma semaphore(%arg10 : memref<!tpu.dma_semaphore, #tpu.memory_space<semaphore_mem>>) src(%dma_wait3A_154 : memref<10240x128xf32, #tpu.memory_space<hbm>>) dst(%arg9 : memref<128x128xf32, #tpu.memory_space<vmem>>)
      %run_scoped3A_155 = arith.constant 8 : i32
      "tpu.region"() ({
        %run_scoped3A_261 = tpu.sem_alloc : memref<!tpu.dma_semaphore, #tpu.memory_space<semaphore_mem>>
        %dma_start3A_262 = arith.constant 0 : i32
        %dma_start3A_263 = tpu.memref_slice %arg8[%run_scoped3A_155, %dma_start3A_262] : memref<16x128xi32, #tpu.memory_space<vmem>> -> memref<1x128xi32, #tpu.memory_space<vmem>>
        %dma_start3A_264 = tpu.memref_squeeze %dma_start3A_263 : memref<1x128xi32, #tpu.memory_space<vmem>> -> memref<128xi32, #tpu.memory_space<vmem>>
        %dma_start3A_265 = arith.constant 0 : i32
        %dma_start3A_266 = arith.constant 0 : i32
        %dma_start3A_267 = tpu.memref_slice %arg11[%dma_start3A_265, %dma_start3A_266] : memref<10240x128xf32, #tpu.memory_space<vmem_shared>> -> memref<10240x128xf32, #tpu.memory_space<vmem_shared>>
        tpu.enqueue_indirect_dma source(%arg9 : memref<128x128xf32, #tpu.memory_space<vmem>>) target(%dma_start3A_267 : memref<10240x128xf32, #tpu.memory_space<vmem_shared>>) offsets(%dma_start3A_264 : memref<128xi32, #tpu.memory_space<vmem>>) semaphore(%run_scoped3A_261 : memref<!tpu.dma_semaphore, #tpu.memory_space<semaphore_mem>>) {add = true}
        %dma_wait3A_268 = arith.constant 0 : i32
        %dma_wait3A_269 = tpu.memref_slice %arg8[%run_scoped3A_155, %dma_wait3A_268] : memref<16x128xi32, #tpu.memory_space<vmem>> -> memref<1x128xi32, #tpu.memory_space<vmem>>
        %dma_wait3A_270 = tpu.memref_squeeze %dma_wait3A_269 : memref<1x128xi32, #tpu.memory_space<vmem>> -> memref<128xi32, #tpu.memory_space<vmem>>
        %dma_wait3A_271 = arith.constant 0 : i32
        %dma_wait3A_272 = arith.constant 0 : i32
        %dma_wait3A_273 = tpu.memref_slice %arg11[%dma_wait3A_271, %dma_wait3A_272] : memref<10240x128xf32, #tpu.memory_space<vmem_shared>> -> memref<10240x128xf32, #tpu.memory_space<vmem_shared>>
        tpu.wait_indirect_dma semaphore(%run_scoped3A_261 : memref<!tpu.dma_semaphore, #tpu.memory_space<semaphore_mem>>) src(%arg9 : memref<128x128xf32, #tpu.memory_space<vmem>>) dst(%dma_wait3A_273 : memref<10240x128xf32, #tpu.memory_space<vmem_shared>>)
        tpu.yield
      }) : () -> ()
      %dma_start3A_156 = arith.constant 9 : i32
      %dma_start3A_157 = arith.constant 0 : i32
      %dma_start3A_158 = tpu.memref_slice %arg7[%dma_start3A_156, %dma_start3A_157] : memref<16x128xi32, #tpu.memory_space<vmem>> -> memref<1x128xi32, #tpu.memory_space<vmem>>
      %dma_start3A_159 = tpu.memref_squeeze %dma_start3A_158 : memref<1x128xi32, #tpu.memory_space<vmem>> -> memref<128xi32, #tpu.memory_space<vmem>>
      %dma_start3A_160 = arith.constant 0 : i32
      %dma_start3A_161 = arith.constant 0 : i32
      %dma_start3A_162 = tpu.memref_slice %arg2[%dma_start3A_160, %dma_start3A_161] : memref<10240x128xf32, #tpu.memory_space<hbm>> -> memref<10240x128xf32, #tpu.memory_space<hbm>>
      tpu.enqueue_indirect_dma source(%dma_start3A_162 : memref<10240x128xf32, #tpu.memory_space<hbm>>) target(%arg9 : memref<128x128xf32, #tpu.memory_space<vmem>>) offsets(%dma_start3A_159 : memref<128xi32, #tpu.memory_space<vmem>>) semaphore(%arg10 : memref<!tpu.dma_semaphore, #tpu.memory_space<semaphore_mem>>)
      %dma_wait3A_163 = arith.constant 9 : i32
      %dma_wait3A_164 = arith.constant 0 : i32
      %dma_wait3A_165 = tpu.memref_slice %arg7[%dma_wait3A_163, %dma_wait3A_164] : memref<16x128xi32, #tpu.memory_space<vmem>> -> memref<1x128xi32, #tpu.memory_space<vmem>>
      %dma_wait3A_166 = tpu.memref_squeeze %dma_wait3A_165 : memref<1x128xi32, #tpu.memory_space<vmem>> -> memref<128xi32, #tpu.memory_space<vmem>>
      %dma_wait3A_167 = arith.constant 0 : i32
      %dma_wait3A_168 = arith.constant 0 : i32
      %dma_wait3A_169 = tpu.memref_slice %arg2[%dma_wait3A_167, %dma_wait3A_168] : memref<10240x128xf32, #tpu.memory_space<hbm>> -> memref<10240x128xf32, #tpu.memory_space<hbm>>
      tpu.wait_indirect_dma semaphore(%arg10 : memref<!tpu.dma_semaphore, #tpu.memory_space<semaphore_mem>>) src(%dma_wait3A_169 : memref<10240x128xf32, #tpu.memory_space<hbm>>) dst(%arg9 : memref<128x128xf32, #tpu.memory_space<vmem>>)
      %run_scoped3A_170 = arith.constant 9 : i32
      "tpu.region"() ({
        %run_scoped3A_261 = tpu.sem_alloc : memref<!tpu.dma_semaphore, #tpu.memory_space<semaphore_mem>>
        %dma_start3A_262 = arith.constant 0 : i32
        %dma_start3A_263 = tpu.memref_slice %arg8[%run_scoped3A_170, %dma_start3A_262] : memref<16x128xi32, #tpu.memory_space<vmem>> -> memref<1x128xi32, #tpu.memory_space<vmem>>
        %dma_start3A_264 = tpu.memref_squeeze %dma_start3A_263 : memref<1x128xi32, #tpu.memory_space<vmem>> -> memref<128xi32, #tpu.memory_space<vmem>>
        %dma_start3A_265 = arith.constant 0 : i32
        %dma_start3A_266 = arith.constant 0 : i32
        %dma_start3A_267 = tpu.memref_slice %arg11[%dma_start3A_265, %dma_start3A_266] : memref<10240x128xf32, #tpu.memory_space<vmem_shared>> -> memref<10240x128xf32, #tpu.memory_space<vmem_shared>>
        tpu.enqueue_indirect_dma source(%arg9 : memref<128x128xf32, #tpu.memory_space<vmem>>) target(%dma_start3A_267 : memref<10240x128xf32, #tpu.memory_space<vmem_shared>>) offsets(%dma_start3A_264 : memref<128xi32, #tpu.memory_space<vmem>>) semaphore(%run_scoped3A_261 : memref<!tpu.dma_semaphore, #tpu.memory_space<semaphore_mem>>) {add = true}
        %dma_wait3A_268 = arith.constant 0 : i32
        %dma_wait3A_269 = tpu.memref_slice %arg8[%run_scoped3A_170, %dma_wait3A_268] : memref<16x128xi32, #tpu.memory_space<vmem>> -> memref<1x128xi32, #tpu.memory_space<vmem>>
        %dma_wait3A_270 = tpu.memref_squeeze %dma_wait3A_269 : memref<1x128xi32, #tpu.memory_space<vmem>> -> memref<128xi32, #tpu.memory_space<vmem>>
        %dma_wait3A_271 = arith.constant 0 : i32
        %dma_wait3A_272 = arith.constant 0 : i32
        %dma_wait3A_273 = tpu.memref_slice %arg11[%dma_wait3A_271, %dma_wait3A_272] : memref<10240x128xf32, #tpu.memory_space<vmem_shared>> -> memref<10240x128xf32, #tpu.memory_space<vmem_shared>>
        tpu.wait_indirect_dma semaphore(%run_scoped3A_261 : memref<!tpu.dma_semaphore, #tpu.memory_space<semaphore_mem>>) src(%arg9 : memref<128x128xf32, #tpu.memory_space<vmem>>) dst(%dma_wait3A_273 : memref<10240x128xf32, #tpu.memory_space<vmem_shared>>)
        tpu.yield
      }) : () -> ()
      %dma_start3A_171 = arith.constant 10 : i32
      %dma_start3A_172 = arith.constant 0 : i32
      %dma_start3A_173 = tpu.memref_slice %arg7[%dma_start3A_171, %dma_start3A_172] : memref<16x128xi32, #tpu.memory_space<vmem>> -> memref<1x128xi32, #tpu.memory_space<vmem>>
      %dma_start3A_174 = tpu.memref_squeeze %dma_start3A_173 : memref<1x128xi32, #tpu.memory_space<vmem>> -> memref<128xi32, #tpu.memory_space<vmem>>
      %dma_start3A_175 = arith.constant 0 : i32
      %dma_start3A_176 = arith.constant 0 : i32
      %dma_start3A_177 = tpu.memref_slice %arg2[%dma_start3A_175, %dma_start3A_176] : memref<10240x128xf32, #tpu.memory_space<hbm>> -> memref<10240x128xf32, #tpu.memory_space<hbm>>
      tpu.enqueue_indirect_dma source(%dma_start3A_177 : memref<10240x128xf32, #tpu.memory_space<hbm>>) target(%arg9 : memref<128x128xf32, #tpu.memory_space<vmem>>) offsets(%dma_start3A_174 : memref<128xi32, #tpu.memory_space<vmem>>) semaphore(%arg10 : memref<!tpu.dma_semaphore, #tpu.memory_space<semaphore_mem>>)
      %dma_wait3A_178 = arith.constant 10 : i32
      %dma_wait3A_179 = arith.constant 0 : i32
      %dma_wait3A_180 = tpu.memref_slice %arg7[%dma_wait3A_178, %dma_wait3A_179] : memref<16x128xi32, #tpu.memory_space<vmem>> -> memref<1x128xi32, #tpu.memory_space<vmem>>
      %dma_wait3A_181 = tpu.memref_squeeze %dma_wait3A_180 : memref<1x128xi32, #tpu.memory_space<vmem>> -> memref<128xi32, #tpu.memory_space<vmem>>
      %dma_wait3A_182 = arith.constant 0 : i32
      %dma_wait3A_183 = arith.constant 0 : i32
      %dma_wait3A_184 = tpu.memref_slice %arg2[%dma_wait3A_182, %dma_wait3A_183] : memref<10240x128xf32, #tpu.memory_space<hbm>> -> memref<10240x128xf32, #tpu.memory_space<hbm>>
      tpu.wait_indirect_dma semaphore(%arg10 : memref<!tpu.dma_semaphore, #tpu.memory_space<semaphore_mem>>) src(%dma_wait3A_184 : memref<10240x128xf32, #tpu.memory_space<hbm>>) dst(%arg9 : memref<128x128xf32, #tpu.memory_space<vmem>>)
      %run_scoped3A_185 = arith.constant 10 : i32
      "tpu.region"() ({
        %run_scoped3A_261 = tpu.sem_alloc : memref<!tpu.dma_semaphore, #tpu.memory_space<semaphore_mem>>
        %dma_start3A_262 = arith.constant 0 : i32
        %dma_start3A_263 = tpu.memref_slice %arg8[%run_scoped3A_185, %dma_start3A_262] : memref<16x128xi32, #tpu.memory_space<vmem>> -> memref<1x128xi32, #tpu.memory_space<vmem>>
        %dma_start3A_264 = tpu.memref_squeeze %dma_start3A_263 : memref<1x128xi32, #tpu.memory_space<vmem>> -> memref<128xi32, #tpu.memory_space<vmem>>
        %dma_start3A_265 = arith.constant 0 : i32
        %dma_start3A_266 = arith.constant 0 : i32
        %dma_start3A_267 = tpu.memref_slice %arg11[%dma_start3A_265, %dma_start3A_266] : memref<10240x128xf32, #tpu.memory_space<vmem_shared>> -> memref<10240x128xf32, #tpu.memory_space<vmem_shared>>
        tpu.enqueue_indirect_dma source(%arg9 : memref<128x128xf32, #tpu.memory_space<vmem>>) target(%dma_start3A_267 : memref<10240x128xf32, #tpu.memory_space<vmem_shared>>) offsets(%dma_start3A_264 : memref<128xi32, #tpu.memory_space<vmem>>) semaphore(%run_scoped3A_261 : memref<!tpu.dma_semaphore, #tpu.memory_space<semaphore_mem>>) {add = true}
        %dma_wait3A_268 = arith.constant 0 : i32
        %dma_wait3A_269 = tpu.memref_slice %arg8[%run_scoped3A_185, %dma_wait3A_268] : memref<16x128xi32, #tpu.memory_space<vmem>> -> memref<1x128xi32, #tpu.memory_space<vmem>>
        %dma_wait3A_270 = tpu.memref_squeeze %dma_wait3A_269 : memref<1x128xi32, #tpu.memory_space<vmem>> -> memref<128xi32, #tpu.memory_space<vmem>>
        %dma_wait3A_271 = arith.constant 0 : i32
        %dma_wait3A_272 = arith.constant 0 : i32
        %dma_wait3A_273 = tpu.memref_slice %arg11[%dma_wait3A_271, %dma_wait3A_272] : memref<10240x128xf32, #tpu.memory_space<vmem_shared>> -> memref<10240x128xf32, #tpu.memory_space<vmem_shared>>
        tpu.wait_indirect_dma semaphore(%run_scoped3A_261 : memref<!tpu.dma_semaphore, #tpu.memory_space<semaphore_mem>>) src(%arg9 : memref<128x128xf32, #tpu.memory_space<vmem>>) dst(%dma_wait3A_273 : memref<10240x128xf32, #tpu.memory_space<vmem_shared>>)
        tpu.yield
      }) : () -> ()
      %dma_start3A_186 = arith.constant 11 : i32
      %dma_start3A_187 = arith.constant 0 : i32
      %dma_start3A_188 = tpu.memref_slice %arg7[%dma_start3A_186, %dma_start3A_187] : memref<16x128xi32, #tpu.memory_space<vmem>> -> memref<1x128xi32, #tpu.memory_space<vmem>>
      %dma_start3A_189 = tpu.memref_squeeze %dma_start3A_188 : memref<1x128xi32, #tpu.memory_space<vmem>> -> memref<128xi32, #tpu.memory_space<vmem>>
      %dma_start3A_190 = arith.constant 0 : i32
      %dma_start3A_191 = arith.constant 0 : i32
      %dma_start3A_192 = tpu.memref_slice %arg2[%dma_start3A_190, %dma_start3A_191] : memref<10240x128xf32, #tpu.memory_space<hbm>> -> memref<10240x128xf32, #tpu.memory_space<hbm>>
      tpu.enqueue_indirect_dma source(%dma_start3A_192 : memref<10240x128xf32, #tpu.memory_space<hbm>>) target(%arg9 : memref<128x128xf32, #tpu.memory_space<vmem>>) offsets(%dma_start3A_189 : memref<128xi32, #tpu.memory_space<vmem>>) semaphore(%arg10 : memref<!tpu.dma_semaphore, #tpu.memory_space<semaphore_mem>>)
      %dma_wait3A_193 = arith.constant 11 : i32
      %dma_wait3A_194 = arith.constant 0 : i32
      %dma_wait3A_195 = tpu.memref_slice %arg7[%dma_wait3A_193, %dma_wait3A_194] : memref<16x128xi32, #tpu.memory_space<vmem>> -> memref<1x128xi32, #tpu.memory_space<vmem>>
      %dma_wait3A_196 = tpu.memref_squeeze %dma_wait3A_195 : memref<1x128xi32, #tpu.memory_space<vmem>> -> memref<128xi32, #tpu.memory_space<vmem>>
      %dma_wait3A_197 = arith.constant 0 : i32
      %dma_wait3A_198 = arith.constant 0 : i32
      %dma_wait3A_199 = tpu.memref_slice %arg2[%dma_wait3A_197, %dma_wait3A_198] : memref<10240x128xf32, #tpu.memory_space<hbm>> -> memref<10240x128xf32, #tpu.memory_space<hbm>>
      tpu.wait_indirect_dma semaphore(%arg10 : memref<!tpu.dma_semaphore, #tpu.memory_space<semaphore_mem>>) src(%dma_wait3A_199 : memref<10240x128xf32, #tpu.memory_space<hbm>>) dst(%arg9 : memref<128x128xf32, #tpu.memory_space<vmem>>)
      %run_scoped3A_200 = arith.constant 11 : i32
      "tpu.region"() ({
        %run_scoped3A_261 = tpu.sem_alloc : memref<!tpu.dma_semaphore, #tpu.memory_space<semaphore_mem>>
        %dma_start3A_262 = arith.constant 0 : i32
        %dma_start3A_263 = tpu.memref_slice %arg8[%run_scoped3A_200, %dma_start3A_262] : memref<16x128xi32, #tpu.memory_space<vmem>> -> memref<1x128xi32, #tpu.memory_space<vmem>>
        %dma_start3A_264 = tpu.memref_squeeze %dma_start3A_263 : memref<1x128xi32, #tpu.memory_space<vmem>> -> memref<128xi32, #tpu.memory_space<vmem>>
        %dma_start3A_265 = arith.constant 0 : i32
        %dma_start3A_266 = arith.constant 0 : i32
        %dma_start3A_267 = tpu.memref_slice %arg11[%dma_start3A_265, %dma_start3A_266] : memref<10240x128xf32, #tpu.memory_space<vmem_shared>> -> memref<10240x128xf32, #tpu.memory_space<vmem_shared>>
        tpu.enqueue_indirect_dma source(%arg9 : memref<128x128xf32, #tpu.memory_space<vmem>>) target(%dma_start3A_267 : memref<10240x128xf32, #tpu.memory_space<vmem_shared>>) offsets(%dma_start3A_264 : memref<128xi32, #tpu.memory_space<vmem>>) semaphore(%run_scoped3A_261 : memref<!tpu.dma_semaphore, #tpu.memory_space<semaphore_mem>>) {add = true}
        %dma_wait3A_268 = arith.constant 0 : i32
        %dma_wait3A_269 = tpu.memref_slice %arg8[%run_scoped3A_200, %dma_wait3A_268] : memref<16x128xi32, #tpu.memory_space<vmem>> -> memref<1x128xi32, #tpu.memory_space<vmem>>
        %dma_wait3A_270 = tpu.memref_squeeze %dma_wait3A_269 : memref<1x128xi32, #tpu.memory_space<vmem>> -> memref<128xi32, #tpu.memory_space<vmem>>
        %dma_wait3A_271 = arith.constant 0 : i32
        %dma_wait3A_272 = arith.constant 0 : i32
        %dma_wait3A_273 = tpu.memref_slice %arg11[%dma_wait3A_271, %dma_wait3A_272] : memref<10240x128xf32, #tpu.memory_space<vmem_shared>> -> memref<10240x128xf32, #tpu.memory_space<vmem_shared>>
        tpu.wait_indirect_dma semaphore(%run_scoped3A_261 : memref<!tpu.dma_semaphore, #tpu.memory_space<semaphore_mem>>) src(%arg9 : memref<128x128xf32, #tpu.memory_space<vmem>>) dst(%dma_wait3A_273 : memref<10240x128xf32, #tpu.memory_space<vmem_shared>>)
        tpu.yield
      }) : () -> ()
      %dma_start3A_201 = arith.constant 12 : i32
      %dma_start3A_202 = arith.constant 0 : i32
      %dma_start3A_203 = tpu.memref_slice %arg7[%dma_start3A_201, %dma_start3A_202] : memref<16x128xi32, #tpu.memory_space<vmem>> -> memref<1x128xi32, #tpu.memory_space<vmem>>
      %dma_start3A_204 = tpu.memref_squeeze %dma_start3A_203 : memref<1x128xi32, #tpu.memory_space<vmem>> -> memref<128xi32, #tpu.memory_space<vmem>>
      %dma_start3A_205 = arith.constant 0 : i32
      %dma_start3A_206 = arith.constant 0 : i32
      %dma_start3A_207 = tpu.memref_slice %arg2[%dma_start3A_205, %dma_start3A_206] : memref<10240x128xf32, #tpu.memory_space<hbm>> -> memref<10240x128xf32, #tpu.memory_space<hbm>>
      tpu.enqueue_indirect_dma source(%dma_start3A_207 : memref<10240x128xf32, #tpu.memory_space<hbm>>) target(%arg9 : memref<128x128xf32, #tpu.memory_space<vmem>>) offsets(%dma_start3A_204 : memref<128xi32, #tpu.memory_space<vmem>>) semaphore(%arg10 : memref<!tpu.dma_semaphore, #tpu.memory_space<semaphore_mem>>)
      %dma_wait3A_208 = arith.constant 12 : i32
      %dma_wait3A_209 = arith.constant 0 : i32
      %dma_wait3A_210 = tpu.memref_slice %arg7[%dma_wait3A_208, %dma_wait3A_209] : memref<16x128xi32, #tpu.memory_space<vmem>> -> memref<1x128xi32, #tpu.memory_space<vmem>>
      %dma_wait3A_211 = tpu.memref_squeeze %dma_wait3A_210 : memref<1x128xi32, #tpu.memory_space<vmem>> -> memref<128xi32, #tpu.memory_space<vmem>>
      %dma_wait3A_212 = arith.constant 0 : i32
      %dma_wait3A_213 = arith.constant 0 : i32
      %dma_wait3A_214 = tpu.memref_slice %arg2[%dma_wait3A_212, %dma_wait3A_213] : memref<10240x128xf32, #tpu.memory_space<hbm>> -> memref<10240x128xf32, #tpu.memory_space<hbm>>
      tpu.wait_indirect_dma semaphore(%arg10 : memref<!tpu.dma_semaphore, #tpu.memory_space<semaphore_mem>>) src(%dma_wait3A_214 : memref<10240x128xf32, #tpu.memory_space<hbm>>) dst(%arg9 : memref<128x128xf32, #tpu.memory_space<vmem>>)
      %run_scoped3A_215 = arith.constant 12 : i32
      "tpu.region"() ({
        %run_scoped3A_261 = tpu.sem_alloc : memref<!tpu.dma_semaphore, #tpu.memory_space<semaphore_mem>>
        %dma_start3A_262 = arith.constant 0 : i32
        %dma_start3A_263 = tpu.memref_slice %arg8[%run_scoped3A_215, %dma_start3A_262] : memref<16x128xi32, #tpu.memory_space<vmem>> -> memref<1x128xi32, #tpu.memory_space<vmem>>
        %dma_start3A_264 = tpu.memref_squeeze %dma_start3A_263 : memref<1x128xi32, #tpu.memory_space<vmem>> -> memref<128xi32, #tpu.memory_space<vmem>>
        %dma_start3A_265 = arith.constant 0 : i32
        %dma_start3A_266 = arith.constant 0 : i32
        %dma_start3A_267 = tpu.memref_slice %arg11[%dma_start3A_265, %dma_start3A_266] : memref<10240x128xf32, #tpu.memory_space<vmem_shared>> -> memref<10240x128xf32, #tpu.memory_space<vmem_shared>>
        tpu.enqueue_indirect_dma source(%arg9 : memref<128x128xf32, #tpu.memory_space<vmem>>) target(%dma_start3A_267 : memref<10240x128xf32, #tpu.memory_space<vmem_shared>>) offsets(%dma_start3A_264 : memref<128xi32, #tpu.memory_space<vmem>>) semaphore(%run_scoped3A_261 : memref<!tpu.dma_semaphore, #tpu.memory_space<semaphore_mem>>) {add = true}
        %dma_wait3A_268 = arith.constant 0 : i32
        %dma_wait3A_269 = tpu.memref_slice %arg8[%run_scoped3A_215, %dma_wait3A_268] : memref<16x128xi32, #tpu.memory_space<vmem>> -> memref<1x128xi32, #tpu.memory_space<vmem>>
        %dma_wait3A_270 = tpu.memref_squeeze %dma_wait3A_269 : memref<1x128xi32, #tpu.memory_space<vmem>> -> memref<128xi32, #tpu.memory_space<vmem>>
        %dma_wait3A_271 = arith.constant 0 : i32
        %dma_wait3A_272 = arith.constant 0 : i32
        %dma_wait3A_273 = tpu.memref_slice %arg11[%dma_wait3A_271, %dma_wait3A_272] : memref<10240x128xf32, #tpu.memory_space<vmem_shared>> -> memref<10240x128xf32, #tpu.memory_space<vmem_shared>>
        tpu.wait_indirect_dma semaphore(%run_scoped3A_261 : memref<!tpu.dma_semaphore, #tpu.memory_space<semaphore_mem>>) src(%arg9 : memref<128x128xf32, #tpu.memory_space<vmem>>) dst(%dma_wait3A_273 : memref<10240x128xf32, #tpu.memory_space<vmem_shared>>)
        tpu.yield
      }) : () -> ()
      %dma_start3A_216 = arith.constant 13 : i32
      %dma_start3A_217 = arith.constant 0 : i32
      %dma_start3A_218 = tpu.memref_slice %arg7[%dma_start3A_216, %dma_start3A_217] : memref<16x128xi32, #tpu.memory_space<vmem>> -> memref<1x128xi32, #tpu.memory_space<vmem>>
      %dma_start3A_219 = tpu.memref_squeeze %dma_start3A_218 : memref<1x128xi32, #tpu.memory_space<vmem>> -> memref<128xi32, #tpu.memory_space<vmem>>
      %dma_start3A_220 = arith.constant 0 : i32
      %dma_start3A_221 = arith.constant 0 : i32
      %dma_start3A_222 = tpu.memref_slice %arg2[%dma_start3A_220, %dma_start3A_221] : memref<10240x128xf32, #tpu.memory_space<hbm>> -> memref<10240x128xf32, #tpu.memory_space<hbm>>
      tpu.enqueue_indirect_dma source(%dma_start3A_222 : memref<10240x128xf32, #tpu.memory_space<hbm>>) target(%arg9 : memref<128x128xf32, #tpu.memory_space<vmem>>) offsets(%dma_start3A_219 : memref<128xi32, #tpu.memory_space<vmem>>) semaphore(%arg10 : memref<!tpu.dma_semaphore, #tpu.memory_space<semaphore_mem>>)
      %dma_wait3A_223 = arith.constant 13 : i32
      %dma_wait3A_224 = arith.constant 0 : i32
      %dma_wait3A_225 = tpu.memref_slice %arg7[%dma_wait3A_223, %dma_wait3A_224] : memref<16x128xi32, #tpu.memory_space<vmem>> -> memref<1x128xi32, #tpu.memory_space<vmem>>
      %dma_wait3A_226 = tpu.memref_squeeze %dma_wait3A_225 : memref<1x128xi32, #tpu.memory_space<vmem>> -> memref<128xi32, #tpu.memory_space<vmem>>
      %dma_wait3A_227 = arith.constant 0 : i32
      %dma_wait3A_228 = arith.constant 0 : i32
      %dma_wait3A_229 = tpu.memref_slice %arg2[%dma_wait3A_227, %dma_wait3A_228] : memref<10240x128xf32, #tpu.memory_space<hbm>> -> memref<10240x128xf32, #tpu.memory_space<hbm>>
      tpu.wait_indirect_dma semaphore(%arg10 : memref<!tpu.dma_semaphore, #tpu.memory_space<semaphore_mem>>) src(%dma_wait3A_229 : memref<10240x128xf32, #tpu.memory_space<hbm>>) dst(%arg9 : memref<128x128xf32, #tpu.memory_space<vmem>>)
      %run_scoped3A_230 = arith.constant 13 : i32
      "tpu.region"() ({
        %run_scoped3A_261 = tpu.sem_alloc : memref<!tpu.dma_semaphore, #tpu.memory_space<semaphore_mem>>
        %dma_start3A_262 = arith.constant 0 : i32
        %dma_start3A_263 = tpu.memref_slice %arg8[%run_scoped3A_230, %dma_start3A_262] : memref<16x128xi32, #tpu.memory_space<vmem>> -> memref<1x128xi32, #tpu.memory_space<vmem>>
        %dma_start3A_264 = tpu.memref_squeeze %dma_start3A_263 : memref<1x128xi32, #tpu.memory_space<vmem>> -> memref<128xi32, #tpu.memory_space<vmem>>
        %dma_start3A_265 = arith.constant 0 : i32
        %dma_start3A_266 = arith.constant 0 : i32
        %dma_start3A_267 = tpu.memref_slice %arg11[%dma_start3A_265, %dma_start3A_266] : memref<10240x128xf32, #tpu.memory_space<vmem_shared>> -> memref<10240x128xf32, #tpu.memory_space<vmem_shared>>
        tpu.enqueue_indirect_dma source(%arg9 : memref<128x128xf32, #tpu.memory_space<vmem>>) target(%dma_start3A_267 : memref<10240x128xf32, #tpu.memory_space<vmem_shared>>) offsets(%dma_start3A_264 : memref<128xi32, #tpu.memory_space<vmem>>) semaphore(%run_scoped3A_261 : memref<!tpu.dma_semaphore, #tpu.memory_space<semaphore_mem>>) {add = true}
        %dma_wait3A_268 = arith.constant 0 : i32
        %dma_wait3A_269 = tpu.memref_slice %arg8[%run_scoped3A_230, %dma_wait3A_268] : memref<16x128xi32, #tpu.memory_space<vmem>> -> memref<1x128xi32, #tpu.memory_space<vmem>>
        %dma_wait3A_270 = tpu.memref_squeeze %dma_wait3A_269 : memref<1x128xi32, #tpu.memory_space<vmem>> -> memref<128xi32, #tpu.memory_space<vmem>>
        %dma_wait3A_271 = arith.constant 0 : i32
        %dma_wait3A_272 = arith.constant 0 : i32
        %dma_wait3A_273 = tpu.memref_slice %arg11[%dma_wait3A_271, %dma_wait3A_272] : memref<10240x128xf32, #tpu.memory_space<vmem_shared>> -> memref<10240x128xf32, #tpu.memory_space<vmem_shared>>
        tpu.wait_indirect_dma semaphore(%run_scoped3A_261 : memref<!tpu.dma_semaphore, #tpu.memory_space<semaphore_mem>>) src(%arg9 : memref<128x128xf32, #tpu.memory_space<vmem>>) dst(%dma_wait3A_273 : memref<10240x128xf32, #tpu.memory_space<vmem_shared>>)
        tpu.yield
      }) : () -> ()
      %dma_start3A_231 = arith.constant 14 : i32
      %dma_start3A_232 = arith.constant 0 : i32
      %dma_start3A_233 = tpu.memref_slice %arg7[%dma_start3A_231, %dma_start3A_232] : memref<16x128xi32, #tpu.memory_space<vmem>> -> memref<1x128xi32, #tpu.memory_space<vmem>>
      %dma_start3A_234 = tpu.memref_squeeze %dma_start3A_233 : memref<1x128xi32, #tpu.memory_space<vmem>> -> memref<128xi32, #tpu.memory_space<vmem>>
      %dma_start3A_235 = arith.constant 0 : i32
      %dma_start3A_236 = arith.constant 0 : i32
      %dma_start3A_237 = tpu.memref_slice %arg2[%dma_start3A_235, %dma_start3A_236] : memref<10240x128xf32, #tpu.memory_space<hbm>> -> memref<10240x128xf32, #tpu.memory_space<hbm>>
      tpu.enqueue_indirect_dma source(%dma_start3A_237 : memref<10240x128xf32, #tpu.memory_space<hbm>>) target(%arg9 : memref<128x128xf32, #tpu.memory_space<vmem>>) offsets(%dma_start3A_234 : memref<128xi32, #tpu.memory_space<vmem>>) semaphore(%arg10 : memref<!tpu.dma_semaphore, #tpu.memory_space<semaphore_mem>>)
      %dma_wait3A_238 = arith.constant 14 : i32
      %dma_wait3A_239 = arith.constant 0 : i32
      %dma_wait3A_240 = tpu.memref_slice %arg7[%dma_wait3A_238, %dma_wait3A_239] : memref<16x128xi32, #tpu.memory_space<vmem>> -> memref<1x128xi32, #tpu.memory_space<vmem>>
      %dma_wait3A_241 = tpu.memref_squeeze %dma_wait3A_240 : memref<1x128xi32, #tpu.memory_space<vmem>> -> memref<128xi32, #tpu.memory_space<vmem>>
      %dma_wait3A_242 = arith.constant 0 : i32
      %dma_wait3A_243 = arith.constant 0 : i32
      %dma_wait3A_244 = tpu.memref_slice %arg2[%dma_wait3A_242, %dma_wait3A_243] : memref<10240x128xf32, #tpu.memory_space<hbm>> -> memref<10240x128xf32, #tpu.memory_space<hbm>>
      tpu.wait_indirect_dma semaphore(%arg10 : memref<!tpu.dma_semaphore, #tpu.memory_space<semaphore_mem>>) src(%dma_wait3A_244 : memref<10240x128xf32, #tpu.memory_space<hbm>>) dst(%arg9 : memref<128x128xf32, #tpu.memory_space<vmem>>)
      %run_scoped3A_245 = arith.constant 14 : i32
      "tpu.region"() ({
        %run_scoped3A_261 = tpu.sem_alloc : memref<!tpu.dma_semaphore, #tpu.memory_space<semaphore_mem>>
        %dma_start3A_262 = arith.constant 0 : i32
        %dma_start3A_263 = tpu.memref_slice %arg8[%run_scoped3A_245, %dma_start3A_262] : memref<16x128xi32, #tpu.memory_space<vmem>> -> memref<1x128xi32, #tpu.memory_space<vmem>>
        %dma_start3A_264 = tpu.memref_squeeze %dma_start3A_263 : memref<1x128xi32, #tpu.memory_space<vmem>> -> memref<128xi32, #tpu.memory_space<vmem>>
        %dma_start3A_265 = arith.constant 0 : i32
        %dma_start3A_266 = arith.constant 0 : i32
        %dma_start3A_267 = tpu.memref_slice %arg11[%dma_start3A_265, %dma_start3A_266] : memref<10240x128xf32, #tpu.memory_space<vmem_shared>> -> memref<10240x128xf32, #tpu.memory_space<vmem_shared>>
        tpu.enqueue_indirect_dma source(%arg9 : memref<128x128xf32, #tpu.memory_space<vmem>>) target(%dma_start3A_267 : memref<10240x128xf32, #tpu.memory_space<vmem_shared>>) offsets(%dma_start3A_264 : memref<128xi32, #tpu.memory_space<vmem>>) semaphore(%run_scoped3A_261 : memref<!tpu.dma_semaphore, #tpu.memory_space<semaphore_mem>>) {add = true}
        %dma_wait3A_268 = arith.constant 0 : i32
        %dma_wait3A_269 = tpu.memref_slice %arg8[%run_scoped3A_245, %dma_wait3A_268] : memref<16x128xi32, #tpu.memory_space<vmem>> -> memref<1x128xi32, #tpu.memory_space<vmem>>
        %dma_wait3A_270 = tpu.memref_squeeze %dma_wait3A_269 : memref<1x128xi32, #tpu.memory_space<vmem>> -> memref<128xi32, #tpu.memory_space<vmem>>
        %dma_wait3A_271 = arith.constant 0 : i32
        %dma_wait3A_272 = arith.constant 0 : i32
        %dma_wait3A_273 = tpu.memref_slice %arg11[%dma_wait3A_271, %dma_wait3A_272] : memref<10240x128xf32, #tpu.memory_space<vmem_shared>> -> memref<10240x128xf32, #tpu.memory_space<vmem_shared>>
        tpu.wait_indirect_dma semaphore(%run_scoped3A_261 : memref<!tpu.dma_semaphore, #tpu.memory_space<semaphore_mem>>) src(%arg9 : memref<128x128xf32, #tpu.memory_space<vmem>>) dst(%dma_wait3A_273 : memref<10240x128xf32, #tpu.memory_space<vmem_shared>>)
        tpu.yield
      }) : () -> ()
      %dma_start3A_246 = arith.constant 15 : i32
      %dma_start3A_247 = arith.constant 0 : i32
      %dma_start3A_248 = tpu.memref_slice %arg7[%dma_start3A_246, %dma_start3A_247] : memref<16x128xi32, #tpu.memory_space<vmem>> -> memref<1x128xi32, #tpu.memory_space<vmem>>
      %dma_start3A_249 = tpu.memref_squeeze %dma_start3A_248 : memref<1x128xi32, #tpu.memory_space<vmem>> -> memref<128xi32, #tpu.memory_space<vmem>>
      %dma_start3A_250 = arith.constant 0 : i32
      %dma_start3A_251 = arith.constant 0 : i32
      %dma_start3A_252 = tpu.memref_slice %arg2[%dma_start3A_250, %dma_start3A_251] : memref<10240x128xf32, #tpu.memory_space<hbm>> -> memref<10240x128xf32, #tpu.memory_space<hbm>>
      tpu.enqueue_indirect_dma source(%dma_start3A_252 : memref<10240x128xf32, #tpu.memory_space<hbm>>) target(%arg9 : memref<128x128xf32, #tpu.memory_space<vmem>>) offsets(%dma_start3A_249 : memref<128xi32, #tpu.memory_space<vmem>>) semaphore(%arg10 : memref<!tpu.dma_semaphore, #tpu.memory_space<semaphore_mem>>)
      %dma_wait3A_253 = arith.constant 15 : i32
      %dma_wait3A_254 = arith.constant 0 : i32
      %dma_wait3A_255 = tpu.memref_slice %arg7[%dma_wait3A_253, %dma_wait3A_254] : memref<16x128xi32, #tpu.memory_space<vmem>> -> memref<1x128xi32, #tpu.memory_space<vmem>>
      %dma_wait3A_256 = tpu.memref_squeeze %dma_wait3A_255 : memref<1x128xi32, #tpu.memory_space<vmem>> -> memref<128xi32, #tpu.memory_space<vmem>>
      %dma_wait3A_257 = arith.constant 0 : i32
      %dma_wait3A_258 = arith.constant 0 : i32
      %dma_wait3A_259 = tpu.memref_slice %arg2[%dma_wait3A_257, %dma_wait3A_258] : memref<10240x128xf32, #tpu.memory_space<hbm>> -> memref<10240x128xf32, #tpu.memory_space<hbm>>
      tpu.wait_indirect_dma semaphore(%arg10 : memref<!tpu.dma_semaphore, #tpu.memory_space<semaphore_mem>>) src(%dma_wait3A_259 : memref<10240x128xf32, #tpu.memory_space<hbm>>) dst(%arg9 : memref<128x128xf32, #tpu.memory_space<vmem>>)
      %run_scoped3A_260 = arith.constant 15 : i32
      "tpu.region"() ({
        %run_scoped3A_261 = tpu.sem_alloc : memref<!tpu.dma_semaphore, #tpu.memory_space<semaphore_mem>>
        %dma_start3A_262 = arith.constant 0 : i32
        %dma_start3A_263 = tpu.memref_slice %arg8[%run_scoped3A_260, %dma_start3A_262] : memref<16x128xi32, #tpu.memory_space<vmem>> -> memref<1x128xi32, #tpu.memory_space<vmem>>
        %dma_start3A_264 = tpu.memref_squeeze %dma_start3A_263 : memref<1x128xi32, #tpu.memory_space<vmem>> -> memref<128xi32, #tpu.memory_space<vmem>>
        %dma_start3A_265 = arith.constant 0 : i32
        %dma_start3A_266 = arith.constant 0 : i32
        %dma_start3A_267 = tpu.memref_slice %arg11[%dma_start3A_265, %dma_start3A_266] : memref<10240x128xf32, #tpu.memory_space<vmem_shared>> -> memref<10240x128xf32, #tpu.memory_space<vmem_shared>>
        tpu.enqueue_indirect_dma source(%arg9 : memref<128x128xf32, #tpu.memory_space<vmem>>) target(%dma_start3A_267 : memref<10240x128xf32, #tpu.memory_space<vmem_shared>>) offsets(%dma_start3A_264 : memref<128xi32, #tpu.memory_space<vmem>>) semaphore(%run_scoped3A_261 : memref<!tpu.dma_semaphore, #tpu.memory_space<semaphore_mem>>) {add = true}
        %dma_wait3A_268 = arith.constant 0 : i32
        %dma_wait3A_269 = tpu.memref_slice %arg8[%run_scoped3A_260, %dma_wait3A_268] : memref<16x128xi32, #tpu.memory_space<vmem>> -> memref<1x128xi32, #tpu.memory_space<vmem>>
        %dma_wait3A_270 = tpu.memref_squeeze %dma_wait3A_269 : memref<1x128xi32, #tpu.memory_space<vmem>> -> memref<128xi32, #tpu.memory_space<vmem>>
        %dma_wait3A_271 = arith.constant 0 : i32
        %dma_wait3A_272 = arith.constant 0 : i32
        %dma_wait3A_273 = tpu.memref_slice %arg11[%dma_wait3A_271, %dma_wait3A_272] : memref<10240x128xf32, #tpu.memory_space<vmem_shared>> -> memref<10240x128xf32, #tpu.memory_space<vmem_shared>>
        tpu.wait_indirect_dma semaphore(%run_scoped3A_261 : memref<!tpu.dma_semaphore, #tpu.memory_space<semaphore_mem>>) src(%arg9 : memref<128x128xf32, #tpu.memory_space<vmem>>) dst(%dma_wait3A_273 : memref<10240x128xf32, #tpu.memory_space<vmem_shared>>)
        tpu.yield
      }) : () -> ()
    }
    %while3A_19 = arith.constant 1 : i32
    scf.for %while3A_21 = %while3A_17 to %while3A_13 step %while3A_19  : i32 {
      %add3A_22 = arith.addi %select_n3A_10, %while3A_21 : i32
      "tpu.region"() ({
        %run_scoped3A_261 = tpu.sem_alloc : memref<!tpu.dma_semaphore, #tpu.memory_space<semaphore_mem>>
        %dma_start3A_262 = arith.constant 0 : i32
        %dma_start3A_263 = arith.constant 0 : i32
        %dma_start3A_264 = tpu.memref_slice %arg3[%add3A_22, %dma_start3A_262, %dma_start3A_263] : memref<160x16x128xi32, #tpu.memory_space<hbm>> -> memref<1x16x128xi32, #tpu.memory_space<hbm>>
        %dma_start3A_265 = tpu.memref_squeeze %dma_start3A_264 : memref<1x16x128xi32, #tpu.memory_space<hbm>> -> memref<16x128xi32, #tpu.memory_space<hbm>>
        %dma_start3A_266 = arith.constant 0 : i32
        %dma_start3A_267 = arith.constant 0 : i32
        %dma_start3A_268 = tpu.memref_slice %arg3[%add3A_22, %dma_start3A_266, %dma_start3A_267] : memref<160x16x128xi32, #tpu.memory_space<hbm>> -> memref<1x16x128xi32, #tpu.memory_space<hbm>>
        %dma_start3A_269 = tpu.memref_squeeze %dma_start3A_268 : memref<1x16x128xi32, #tpu.memory_space<hbm>> -> memref<16x128xi32, #tpu.memory_space<hbm>>
        tpu.enqueue_dma source(%dma_start3A_269 : memref<16x128xi32, #tpu.memory_space<hbm>>) target(%arg7 : memref<16x128xi32, #tpu.memory_space<vmem>>) target_semaphore(%run_scoped3A_261 : memref<!tpu.dma_semaphore, #tpu.memory_space<semaphore_mem>>)
        %dma_wait3A_270 = arith.constant 0 : i32
        %dma_wait3A_271 = arith.constant 0 : i32
        %dma_wait3A_272 = tpu.memref_slice %arg3[%add3A_22, %dma_wait3A_270, %dma_wait3A_271] : memref<160x16x128xi32, #tpu.memory_space<hbm>> -> memref<1x16x128xi32, #tpu.memory_space<hbm>>
        %dma_wait3A_273 = tpu.memref_squeeze %dma_wait3A_272 : memref<1x16x128xi32, #tpu.memory_space<hbm>> -> memref<16x128xi32, #tpu.memory_space<hbm>>
        %dma_wait3A_274 = arith.constant 0 : i32
        %dma_wait3A_275 = arith.constant 0 : i32
        %dma_wait3A_276 = tpu.memref_slice %arg3[%add3A_22, %dma_wait3A_274, %dma_wait3A_275] : memref<160x16x128xi32, #tpu.memory_space<hbm>> -> memref<1x16x128xi32, #tpu.memory_space<hbm>>
        %dma_wait3A_277 = tpu.memref_squeeze %dma_wait3A_276 : memref<1x16x128xi32, #tpu.memory_space<hbm>> -> memref<16x128xi32, #tpu.memory_space<hbm>>
        tpu.wait_dma2 semaphore(%run_scoped3A_261 : memref<!tpu.dma_semaphore, #tpu.memory_space<semaphore_mem>>) src(%dma_wait3A_277 : memref<16x128xi32, #tpu.memory_space<hbm>>) dst(%arg7 : memref<16x128xi32, #tpu.memory_space<vmem>>)
        tpu.yield
      }) : () -> ()
      %add3A_23 = arith.addi %select_n3A_10, %while3A_21 : i32
      "tpu.region"() ({
        %run_scoped3A_261 = tpu.sem_alloc : memref<!tpu.dma_semaphore, #tpu.memory_space<semaphore_mem>>
        %dma_start3A_262 = arith.constant 0 : i32
        %dma_start3A_263 = arith.constant 0 : i32
        %dma_start3A_264 = tpu.memref_slice %arg4[%add3A_23, %dma_start3A_262, %dma_start3A_263] : memref<160x16x128xi32, #tpu.memory_space<hbm>> -> memref<1x16x128xi32, #tpu.memory_space<hbm>>
        %dma_start3A_265 = tpu.memref_squeeze %dma_start3A_264 : memref<1x16x128xi32, #tpu.memory_space<hbm>> -> memref<16x128xi32, #tpu.memory_space<hbm>>
        %dma_start3A_266 = arith.constant 0 : i32
        %dma_start3A_267 = arith.constant 0 : i32
        %dma_start3A_268 = tpu.memref_slice %arg4[%add3A_23, %dma_start3A_266, %dma_start3A_267] : memref<160x16x128xi32, #tpu.memory_space<hbm>> -> memref<1x16x128xi32, #tpu.memory_space<hbm>>
        %dma_start3A_269 = tpu.memref_squeeze %dma_start3A_268 : memref<1x16x128xi32, #tpu.memory_space<hbm>> -> memref<16x128xi32, #tpu.memory_space<hbm>>
        tpu.enqueue_dma source(%dma_start3A_269 : memref<16x128xi32, #tpu.memory_space<hbm>>) target(%arg8 : memref<16x128xi32, #tpu.memory_space<vmem>>) target_semaphore(%run_scoped3A_261 : memref<!tpu.dma_semaphore, #tpu.memory_space<semaphore_mem>>)
        %dma_wait3A_270 = arith.constant 0 : i32
        %dma_wait3A_271 = arith.constant 0 : i32
        %dma_wait3A_272 = tpu.memref_slice %arg4[%add3A_23, %dma_wait3A_270, %dma_wait3A_271] : memref<160x16x128xi32, #tpu.memory_space<hbm>> -> memref<1x16x128xi32, #tpu.memory_space<hbm>>
        %dma_wait3A_273 = tpu.memref_squeeze %dma_wait3A_272 : memref<1x16x128xi32, #tpu.memory_space<hbm>> -> memref<16x128xi32, #tpu.memory_space<hbm>>
        %dma_wait3A_274 = arith.constant 0 : i32
        %dma_wait3A_275 = arith.constant 0 : i32
        %dma_wait3A_276 = tpu.memref_slice %arg4[%add3A_23, %dma_wait3A_274, %dma_wait3A_275] : memref<160x16x128xi32, #tpu.memory_space<hbm>> -> memref<1x16x128xi32, #tpu.memory_space<hbm>>
        %dma_wait3A_277 = tpu.memref_squeeze %dma_wait3A_276 : memref<1x16x128xi32, #tpu.memory_space<hbm>> -> memref<16x128xi32, #tpu.memory_space<hbm>>
        tpu.wait_dma2 semaphore(%run_scoped3A_261 : memref<!tpu.dma_semaphore, #tpu.memory_space<semaphore_mem>>) src(%dma_wait3A_277 : memref<16x128xi32, #tpu.memory_space<hbm>>) dst(%arg8 : memref<16x128xi32, #tpu.memory_space<vmem>>)
        tpu.yield
      }) : () -> ()
      %dma_start3A = arith.constant 0 : i32
      %dma_start3A_24 = arith.constant 0 : i32
      %dma_start3A_25 = tpu.memref_slice %arg7[%dma_start3A, %dma_start3A_24] : memref<16x128xi32, #tpu.memory_space<vmem>> -> memref<1x128xi32, #tpu.memory_space<vmem>>
      %dma_start3A_26 = tpu.memref_squeeze %dma_start3A_25 : memref<1x128xi32, #tpu.memory_space<vmem>> -> memref<128xi32, #tpu.memory_space<vmem>>
      %dma_start3A_27 = arith.constant 0 : i32
      %dma_start3A_28 = arith.constant 0 : i32
      %dma_start3A_29 = tpu.memref_slice %arg2[%dma_start3A_27, %dma_start3A_28] : memref<10240x128xf32, #tpu.memory_space<hbm>> -> memref<10240x128xf32, #tpu.memory_space<hbm>>
      tpu.enqueue_indirect_dma source(%dma_start3A_29 : memref<10240x128xf32, #tpu.memory_space<hbm>>) target(%arg9 : memref<128x128xf32, #tpu.memory_space<vmem>>) offsets(%dma_start3A_26 : memref<128xi32, #tpu.memory_space<vmem>>) semaphore(%arg10 : memref<!tpu.dma_semaphore, #tpu.memory_space<semaphore_mem>>)
      %dma_wait3A = arith.constant 0 : i32
      %dma_wait3A_30 = arith.constant 0 : i32
      %dma_wait3A_31 = tpu.memref_slice %arg7[%dma_wait3A, %dma_wait3A_30] : memref<16x128xi32, #tpu.memory_space<vmem>> -> memref<1x128xi32, #tpu.memory_space<vmem>>
      %dma_wait3A_32 = tpu.memref_squeeze %dma_wait3A_31 : memref<1x128xi32, #tpu.memory_space<vmem>> -> memref<128xi32, #tpu.memory_space<vmem>>
      %dma_wait3A_33 = arith.constant 0 : i32
      %dma_wait3A_34 = arith.constant 0 : i32
      %dma_wait3A_35 = tpu.memref_slice %arg2[%dma_wait3A_33, %dma_wait3A_34] : memref<10240x128xf32, #tpu.memory_space<hbm>> -> memref<10240x128xf32, #tpu.memory_space<hbm>>
      tpu.wait_indirect_dma semaphore(%arg10 : memref<!tpu.dma_semaphore, #tpu.memory_space<semaphore_mem>>) src(%dma_wait3A_35 : memref<10240x128xf32, #tpu.memory_space<hbm>>) dst(%arg9 : memref<128x128xf32, #tpu.memory_space<vmem>>)
      %run_scoped3A = arith.constant 0 : i32
      "tpu.region"() ({
        %run_scoped3A_261 = tpu.sem_alloc : memref<!tpu.dma_semaphore, #tpu.memory_space<semaphore_mem>>
        %dma_start3A_262 = arith.constant 0 : i32
        %dma_start3A_263 = tpu.memref_slice %arg8[%run_scoped3A, %dma_start3A_262] : memref<16x128xi32, #tpu.memory_space<vmem>> -> memref<1x128xi32, #tpu.memory_space<vmem>>
        %dma_start3A_264 = tpu.memref_squeeze %dma_start3A_263 : memref<1x128xi32, #tpu.memory_space<vmem>> -> memref<128xi32, #tpu.memory_space<vmem>>
        %dma_start3A_265 = arith.constant 0 : i32
        %dma_start3A_266 = arith.constant 0 : i32
        %dma_start3A_267 = tpu.memref_slice %arg11[%dma_start3A_265, %dma_start3A_266] : memref<10240x128xf32, #tpu.memory_space<vmem_shared>> -> memref<10240x128xf32, #tpu.memory_space<vmem_shared>>
        tpu.enqueue_indirect_dma source(%arg9 : memref<128x128xf32, #tpu.memory_space<vmem>>) target(%dma_start3A_267 : memref<10240x128xf32, #tpu.memory_space<vmem_shared>>) offsets(%dma_start3A_264 : memref<128xi32, #tpu.memory_space<vmem>>) semaphore(%run_scoped3A_261 : memref<!tpu.dma_semaphore, #tpu.memory_space<semaphore_mem>>) {add = true}
        %dma_wait3A_268 = arith.constant 0 : i32
        %dma_wait3A_269 = tpu.memref_slice %arg8[%run_scoped3A, %dma_wait3A_268] : memref<16x128xi32, #tpu.memory_space<vmem>> -> memref<1x128xi32, #tpu.memory_space<vmem>>
        %dma_wait3A_270 = tpu.memref_squeeze %dma_wait3A_269 : memref<1x128xi32, #tpu.memory_space<vmem>> -> memref<128xi32, #tpu.memory_space<vmem>>
        %dma_wait3A_271 = arith.constant 0 : i32
        %dma_wait3A_272 = arith.constant 0 : i32
        %dma_wait3A_273 = tpu.memref_slice %arg11[%dma_wait3A_271, %dma_wait3A_272] : memref<10240x128xf32, #tpu.memory_space<vmem_shared>> -> memref<10240x128xf32, #tpu.memory_space<vmem_shared>>
        tpu.wait_indirect_dma semaphore(%run_scoped3A_261 : memref<!tpu.dma_semaphore, #tpu.memory_space<semaphore_mem>>) src(%arg9 : memref<128x128xf32, #tpu.memory_space<vmem>>) dst(%dma_wait3A_273 : memref<10240x128xf32, #tpu.memory_space<vmem_shared>>)
        tpu.yield
      }) : () -> ()
      %dma_start3A_36 = arith.constant 1 : i32
      %dma_start3A_37 = arith.constant 0 : i32
      %dma_start3A_38 = tpu.memref_slice %arg7[%dma_start3A_36, %dma_start3A_37] : memref<16x128xi32, #tpu.memory_space<vmem>> -> memref<1x128xi32, #tpu.memory_space<vmem>>
      %dma_start3A_39 = tpu.memref_squeeze %dma_start3A_38 : memref<1x128xi32, #tpu.memory_space<vmem>> -> memref<128xi32, #tpu.memory_space<vmem>>
      %dma_start3A_40 = arith.constant 0 : i32
      %dma_start3A_41 = arith.constant 0 : i32
      %dma_start3A_42 = tpu.memref_slice %arg2[%dma_start3A_40, %dma_start3A_41] : memref<10240x128xf32, #tpu.memory_space<hbm>> -> memref<10240x128xf32, #tpu.memory_space<hbm>>
      tpu.enqueue_indirect_dma source(%dma_start3A_42 : memref<10240x128xf32, #tpu.memory_space<hbm>>) target(%arg9 : memref<128x128xf32, #tpu.memory_space<vmem>>) offsets(%dma_start3A_39 : memref<128xi32, #tpu.memory_space<vmem>>) semaphore(%arg10 : memref<!tpu.dma_semaphore, #tpu.memory_space<semaphore_mem>>)
      %dma_wait3A_43 = arith.constant 1 : i32
      %dma_wait3A_44 = arith.constant 0 : i32
      %dma_wait3A_45 = tpu.memref_slice %arg7[%dma_wait3A_43, %dma_wait3A_44] : memref<16x128xi32, #tpu.memory_space<vmem>> -> memref<1x128xi32, #tpu.memory_space<vmem>>
      %dma_wait3A_46 = tpu.memref_squeeze %dma_wait3A_45 : memref<1x128xi32, #tpu.memory_space<vmem>> -> memref<128xi32, #tpu.memory_space<vmem>>
      %dma_wait3A_47 = arith.constant 0 : i32
      %dma_wait3A_48 = arith.constant 0 : i32
      %dma_wait3A_49 = tpu.memref_slice %arg2[%dma_wait3A_47, %dma_wait3A_48] : memref<10240x128xf32, #tpu.memory_space<hbm>> -> memref<10240x128xf32, #tpu.memory_space<hbm>>
      tpu.wait_indirect_dma semaphore(%arg10 : memref<!tpu.dma_semaphore, #tpu.memory_space<semaphore_mem>>) src(%dma_wait3A_49 : memref<10240x128xf32, #tpu.memory_space<hbm>>) dst(%arg9 : memref<128x128xf32, #tpu.memory_space<vmem>>)
      %run_scoped3A_50 = arith.constant 1 : i32
      "tpu.region"() ({
        %run_scoped3A_261 = tpu.sem_alloc : memref<!tpu.dma_semaphore, #tpu.memory_space<semaphore_mem>>
        %dma_start3A_262 = arith.constant 0 : i32
        %dma_start3A_263 = tpu.memref_slice %arg8[%run_scoped3A_50, %dma_start3A_262] : memref<16x128xi32, #tpu.memory_space<vmem>> -> memref<1x128xi32, #tpu.memory_space<vmem>>
        %dma_start3A_264 = tpu.memref_squeeze %dma_start3A_263 : memref<1x128xi32, #tpu.memory_space<vmem>> -> memref<128xi32, #tpu.memory_space<vmem>>
        %dma_start3A_265 = arith.constant 0 : i32
        %dma_start3A_266 = arith.constant 0 : i32
        %dma_start3A_267 = tpu.memref_slice %arg11[%dma_start3A_265, %dma_start3A_266] : memref<10240x128xf32, #tpu.memory_space<vmem_shared>> -> memref<10240x128xf32, #tpu.memory_space<vmem_shared>>
        tpu.enqueue_indirect_dma source(%arg9 : memref<128x128xf32, #tpu.memory_space<vmem>>) target(%dma_start3A_267 : memref<10240x128xf32, #tpu.memory_space<vmem_shared>>) offsets(%dma_start3A_264 : memref<128xi32, #tpu.memory_space<vmem>>) semaphore(%run_scoped3A_261 : memref<!tpu.dma_semaphore, #tpu.memory_space<semaphore_mem>>) {add = true}
        %dma_wait3A_268 = arith.constant 0 : i32
        %dma_wait3A_269 = tpu.memref_slice %arg8[%run_scoped3A_50, %dma_wait3A_268] : memref<16x128xi32, #tpu.memory_space<vmem>> -> memref<1x128xi32, #tpu.memory_space<vmem>>
        %dma_wait3A_270 = tpu.memref_squeeze %dma_wait3A_269 : memref<1x128xi32, #tpu.memory_space<vmem>> -> memref<128xi32, #tpu.memory_space<vmem>>
        %dma_wait3A_271 = arith.constant 0 : i32
        %dma_wait3A_272 = arith.constant 0 : i32
        %dma_wait3A_273 = tpu.memref_slice %arg11[%dma_wait3A_271, %dma_wait3A_272] : memref<10240x128xf32, #tpu.memory_space<vmem_shared>> -> memref<10240x128xf32, #tpu.memory_space<vmem_shared>>
        tpu.wait_indirect_dma semaphore(%run_scoped3A_261 : memref<!tpu.dma_semaphore, #tpu.memory_space<semaphore_mem>>) src(%arg9 : memref<128x128xf32, #tpu.memory_space<vmem>>) dst(%dma_wait3A_273 : memref<10240x128xf32, #tpu.memory_space<vmem_shared>>)
        tpu.yield
      }) : () -> ()
      %dma_start3A_51 = arith.constant 2 : i32
      %dma_start3A_52 = arith.constant 0 : i32
      %dma_start3A_53 = tpu.memref_slice %arg7[%dma_start3A_51, %dma_start3A_52] : memref<16x128xi32, #tpu.memory_space<vmem>> -> memref<1x128xi32, #tpu.memory_space<vmem>>
      %dma_start3A_54 = tpu.memref_squeeze %dma_start3A_53 : memref<1x128xi32, #tpu.memory_space<vmem>> -> memref<128xi32, #tpu.memory_space<vmem>>
      %dma_start3A_55 = arith.constant 0 : i32
      %dma_start3A_56 = arith.constant 0 : i32
      %dma_start3A_57 = tpu.memref_slice %arg2[%dma_start3A_55, %dma_start3A_56] : memref<10240x128xf32, #tpu.memory_space<hbm>> -> memref<10240x128xf32, #tpu.memory_space<hbm>>
      tpu.enqueue_indirect_dma source(%dma_start3A_57 : memref<10240x128xf32, #tpu.memory_space<hbm>>) target(%arg9 : memref<128x128xf32, #tpu.memory_space<vmem>>) offsets(%dma_start3A_54 : memref<128xi32, #tpu.memory_space<vmem>>) semaphore(%arg10 : memref<!tpu.dma_semaphore, #tpu.memory_space<semaphore_mem>>)
      %dma_wait3A_58 = arith.constant 2 : i32
      %dma_wait3A_59 = arith.constant 0 : i32
      %dma_wait3A_60 = tpu.memref_slice %arg7[%dma_wait3A_58, %dma_wait3A_59] : memref<16x128xi32, #tpu.memory_space<vmem>> -> memref<1x128xi32, #tpu.memory_space<vmem>>
      %dma_wait3A_61 = tpu.memref_squeeze %dma_wait3A_60 : memref<1x128xi32, #tpu.memory_space<vmem>> -> memref<128xi32, #tpu.memory_space<vmem>>
      %dma_wait3A_62 = arith.constant 0 : i32
      %dma_wait3A_63 = arith.constant 0 : i32
      %dma_wait3A_64 = tpu.memref_slice %arg2[%dma_wait3A_62, %dma_wait3A_63] : memref<10240x128xf32, #tpu.memory_space<hbm>> -> memref<10240x128xf32, #tpu.memory_space<hbm>>
      tpu.wait_indirect_dma semaphore(%arg10 : memref<!tpu.dma_semaphore, #tpu.memory_space<semaphore_mem>>) src(%dma_wait3A_64 : memref<10240x128xf32, #tpu.memory_space<hbm>>) dst(%arg9 : memref<128x128xf32, #tpu.memory_space<vmem>>)
      %run_scoped3A_65 = arith.constant 2 : i32
      "tpu.region"() ({
        %run_scoped3A_261 = tpu.sem_alloc : memref<!tpu.dma_semaphore, #tpu.memory_space<semaphore_mem>>
        %dma_start3A_262 = arith.constant 0 : i32
        %dma_start3A_263 = tpu.memref_slice %arg8[%run_scoped3A_65, %dma_start3A_262] : memref<16x128xi32, #tpu.memory_space<vmem>> -> memref<1x128xi32, #tpu.memory_space<vmem>>
        %dma_start3A_264 = tpu.memref_squeeze %dma_start3A_263 : memref<1x128xi32, #tpu.memory_space<vmem>> -> memref<128xi32, #tpu.memory_space<vmem>>
        %dma_start3A_265 = arith.constant 0 : i32
        %dma_start3A_266 = arith.constant 0 : i32
        %dma_start3A_267 = tpu.memref_slice %arg11[%dma_start3A_265, %dma_start3A_266] : memref<10240x128xf32, #tpu.memory_space<vmem_shared>> -> memref<10240x128xf32, #tpu.memory_space<vmem_shared>>
        tpu.enqueue_indirect_dma source(%arg9 : memref<128x128xf32, #tpu.memory_space<vmem>>) target(%dma_start3A_267 : memref<10240x128xf32, #tpu.memory_space<vmem_shared>>) offsets(%dma_start3A_264 : memref<128xi32, #tpu.memory_space<vmem>>) semaphore(%run_scoped3A_261 : memref<!tpu.dma_semaphore, #tpu.memory_space<semaphore_mem>>) {add = true}
        %dma_wait3A_268 = arith.constant 0 : i32
        %dma_wait3A_269 = tpu.memref_slice %arg8[%run_scoped3A_65, %dma_wait3A_268] : memref<16x128xi32, #tpu.memory_space<vmem>> -> memref<1x128xi32, #tpu.memory_space<vmem>>
        %dma_wait3A_270 = tpu.memref_squeeze %dma_wait3A_269 : memref<1x128xi32, #tpu.memory_space<vmem>> -> memref<128xi32, #tpu.memory_space<vmem>>
        %dma_wait3A_271 = arith.constant 0 : i32
        %dma_wait3A_272 = arith.constant 0 : i32
        %dma_wait3A_273 = tpu.memref_slice %arg11[%dma_wait3A_271, %dma_wait3A_272] : memref<10240x128xf32, #tpu.memory_space<vmem_shared>> -> memref<10240x128xf32, #tpu.memory_space<vmem_shared>>
        tpu.wait_indirect_dma semaphore(%run_scoped3A_261 : memref<!tpu.dma_semaphore, #tpu.memory_space<semaphore_mem>>) src(%arg9 : memref<128x128xf32, #tpu.memory_space<vmem>>) dst(%dma_wait3A_273 : memref<10240x128xf32, #tpu.memory_space<vmem_shared>>)
        tpu.yield
      }) : () -> ()
      %dma_start3A_66 = arith.constant 3 : i32
      %dma_start3A_67 = arith.constant 0 : i32
      %dma_start3A_68 = tpu.memref_slice %arg7[%dma_start3A_66, %dma_start3A_67] : memref<16x128xi32, #tpu.memory_space<vmem>> -> memref<1x128xi32, #tpu.memory_space<vmem>>
      %dma_start3A_69 = tpu.memref_squeeze %dma_start3A_68 : memref<1x128xi32, #tpu.memory_space<vmem>> -> memref<128xi32, #tpu.memory_space<vmem>>
      %dma_start3A_70 = arith.constant 0 : i32
      %dma_start3A_71 = arith.constant 0 : i32
      %dma_start3A_72 = tpu.memref_slice %arg2[%dma_start3A_70, %dma_start3A_71] : memref<10240x128xf32, #tpu.memory_space<hbm>> -> memref<10240x128xf32, #tpu.memory_space<hbm>>
      tpu.enqueue_indirect_dma source(%dma_start3A_72 : memref<10240x128xf32, #tpu.memory_space<hbm>>) target(%arg9 : memref<128x128xf32, #tpu.memory_space<vmem>>) offsets(%dma_start3A_69 : memref<128xi32, #tpu.memory_space<vmem>>) semaphore(%arg10 : memref<!tpu.dma_semaphore, #tpu.memory_space<semaphore_mem>>)
      %dma_wait3A_73 = arith.constant 3 : i32
      %dma_wait3A_74 = arith.constant 0 : i32
      %dma_wait3A_75 = tpu.memref_slice %arg7[%dma_wait3A_73, %dma_wait3A_74] : memref<16x128xi32, #tpu.memory_space<vmem>> -> memref<1x128xi32, #tpu.memory_space<vmem>>
      %dma_wait3A_76 = tpu.memref_squeeze %dma_wait3A_75 : memref<1x128xi32, #tpu.memory_space<vmem>> -> memref<128xi32, #tpu.memory_space<vmem>>
      %dma_wait3A_77 = arith.constant 0 : i32
      %dma_wait3A_78 = arith.constant 0 : i32
      %dma_wait3A_79 = tpu.memref_slice %arg2[%dma_wait3A_77, %dma_wait3A_78] : memref<10240x128xf32, #tpu.memory_space<hbm>> -> memref<10240x128xf32, #tpu.memory_space<hbm>>
      tpu.wait_indirect_dma semaphore(%arg10 : memref<!tpu.dma_semaphore, #tpu.memory_space<semaphore_mem>>) src(%dma_wait3A_79 : memref<10240x128xf32, #tpu.memory_space<hbm>>) dst(%arg9 : memref<128x128xf32, #tpu.memory_space<vmem>>)
      %run_scoped3A_80 = arith.constant 3 : i32
      "tpu.region"() ({
        %run_scoped3A_261 = tpu.sem_alloc : memref<!tpu.dma_semaphore, #tpu.memory_space<semaphore_mem>>
        %dma_start3A_262 = arith.constant 0 : i32
        %dma_start3A_263 = tpu.memref_slice %arg8[%run_scoped3A_80, %dma_start3A_262] : memref<16x128xi32, #tpu.memory_space<vmem>> -> memref<1x128xi32, #tpu.memory_space<vmem>>
        %dma_start3A_264 = tpu.memref_squeeze %dma_start3A_263 : memref<1x128xi32, #tpu.memory_space<vmem>> -> memref<128xi32, #tpu.memory_space<vmem>>
        %dma_start3A_265 = arith.constant 0 : i32
        %dma_start3A_266 = arith.constant 0 : i32
        %dma_start3A_267 = tpu.memref_slice %arg11[%dma_start3A_265, %dma_start3A_266] : memref<10240x128xf32, #tpu.memory_space<vmem_shared>> -> memref<10240x128xf32, #tpu.memory_space<vmem_shared>>
        tpu.enqueue_indirect_dma source(%arg9 : memref<128x128xf32, #tpu.memory_space<vmem>>) target(%dma_start3A_267 : memref<10240x128xf32, #tpu.memory_space<vmem_shared>>) offsets(%dma_start3A_264 : memref<128xi32, #tpu.memory_space<vmem>>) semaphore(%run_scoped3A_261 : memref<!tpu.dma_semaphore, #tpu.memory_space<semaphore_mem>>) {add = true}
        %dma_wait3A_268 = arith.constant 0 : i32
        %dma_wait3A_269 = tpu.memref_slice %arg8[%run_scoped3A_80, %dma_wait3A_268] : memref<16x128xi32, #tpu.memory_space<vmem>> -> memref<1x128xi32, #tpu.memory_space<vmem>>
        %dma_wait3A_270 = tpu.memref_squeeze %dma_wait3A_269 : memref<1x128xi32, #tpu.memory_space<vmem>> -> memref<128xi32, #tpu.memory_space<vmem>>
        %dma_wait3A_271 = arith.constant 0 : i32
        %dma_wait3A_272 = arith.constant 0 : i32
        %dma_wait3A_273 = tpu.memref_slice %arg11[%dma_wait3A_271, %dma_wait3A_272] : memref<10240x128xf32, #tpu.memory_space<vmem_shared>> -> memref<10240x128xf32, #tpu.memory_space<vmem_shared>>
        tpu.wait_indirect_dma semaphore(%run_scoped3A_261 : memref<!tpu.dma_semaphore, #tpu.memory_space<semaphore_mem>>) src(%arg9 : memref<128x128xf32, #tpu.memory_space<vmem>>) dst(%dma_wait3A_273 : memref<10240x128xf32, #tpu.memory_space<vmem_shared>>)
        tpu.yield
      }) : () -> ()
      %dma_start3A_81 = arith.constant 4 : i32
      %dma_start3A_82 = arith.constant 0 : i32
      %dma_start3A_83 = tpu.memref_slice %arg7[%dma_start3A_81, %dma_start3A_82] : memref<16x128xi32, #tpu.memory_space<vmem>> -> memref<1x128xi32, #tpu.memory_space<vmem>>
      %dma_start3A_84 = tpu.memref_squeeze %dma_start3A_83 : memref<1x128xi32, #tpu.memory_space<vmem>> -> memref<128xi32, #tpu.memory_space<vmem>>
      %dma_start3A_85 = arith.constant 0 : i32
      %dma_start3A_86 = arith.constant 0 : i32
      %dma_start3A_87 = tpu.memref_slice %arg2[%dma_start3A_85, %dma_start3A_86] : memref<10240x128xf32, #tpu.memory_space<hbm>> -> memref<10240x128xf32, #tpu.memory_space<hbm>>
      tpu.enqueue_indirect_dma source(%dma_start3A_87 : memref<10240x128xf32, #tpu.memory_space<hbm>>) target(%arg9 : memref<128x128xf32, #tpu.memory_space<vmem>>) offsets(%dma_start3A_84 : memref<128xi32, #tpu.memory_space<vmem>>) semaphore(%arg10 : memref<!tpu.dma_semaphore, #tpu.memory_space<semaphore_mem>>)
      %dma_wait3A_88 = arith.constant 4 : i32
      %dma_wait3A_89 = arith.constant 0 : i32
      %dma_wait3A_90 = tpu.memref_slice %arg7[%dma_wait3A_88, %dma_wait3A_89] : memref<16x128xi32, #tpu.memory_space<vmem>> -> memref<1x128xi32, #tpu.memory_space<vmem>>
      %dma_wait3A_91 = tpu.memref_squeeze %dma_wait3A_90 : memref<1x128xi32, #tpu.memory_space<vmem>> -> memref<128xi32, #tpu.memory_space<vmem>>
      %dma_wait3A_92 = arith.constant 0 : i32
      %dma_wait3A_93 = arith.constant 0 : i32
      %dma_wait3A_94 = tpu.memref_slice %arg2[%dma_wait3A_92, %dma_wait3A_93] : memref<10240x128xf32, #tpu.memory_space<hbm>> -> memref<10240x128xf32, #tpu.memory_space<hbm>>
      tpu.wait_indirect_dma semaphore(%arg10 : memref<!tpu.dma_semaphore, #tpu.memory_space<semaphore_mem>>) src(%dma_wait3A_94 : memref<10240x128xf32, #tpu.memory_space<hbm>>) dst(%arg9 : memref<128x128xf32, #tpu.memory_space<vmem>>)
      %run_scoped3A_95 = arith.constant 4 : i32
      "tpu.region"() ({
        %run_scoped3A_261 = tpu.sem_alloc : memref<!tpu.dma_semaphore, #tpu.memory_space<semaphore_mem>>
        %dma_start3A_262 = arith.constant 0 : i32
        %dma_start3A_263 = tpu.memref_slice %arg8[%run_scoped3A_95, %dma_start3A_262] : memref<16x128xi32, #tpu.memory_space<vmem>> -> memref<1x128xi32, #tpu.memory_space<vmem>>
        %dma_start3A_264 = tpu.memref_squeeze %dma_start3A_263 : memref<1x128xi32, #tpu.memory_space<vmem>> -> memref<128xi32, #tpu.memory_space<vmem>>
        %dma_start3A_265 = arith.constant 0 : i32
        %dma_start3A_266 = arith.constant 0 : i32
        %dma_start3A_267 = tpu.memref_slice %arg11[%dma_start3A_265, %dma_start3A_266] : memref<10240x128xf32, #tpu.memory_space<vmem_shared>> -> memref<10240x128xf32, #tpu.memory_space<vmem_shared>>
        tpu.enqueue_indirect_dma source(%arg9 : memref<128x128xf32, #tpu.memory_space<vmem>>) target(%dma_start3A_267 : memref<10240x128xf32, #tpu.memory_space<vmem_shared>>) offsets(%dma_start3A_264 : memref<128xi32, #tpu.memory_space<vmem>>) semaphore(%run_scoped3A_261 : memref<!tpu.dma_semaphore, #tpu.memory_space<semaphore_mem>>) {add = true}
        %dma_wait3A_268 = arith.constant 0 : i32
        %dma_wait3A_269 = tpu.memref_slice %arg8[%run_scoped3A_95, %dma_wait3A_268] : memref<16x128xi32, #tpu.memory_space<vmem>> -> memref<1x128xi32, #tpu.memory_space<vmem>>
        %dma_wait3A_270 = tpu.memref_squeeze %dma_wait3A_269 : memref<1x128xi32, #tpu.memory_space<vmem>> -> memref<128xi32, #tpu.memory_space<vmem>>
        %dma_wait3A_271 = arith.constant 0 : i32
        %dma_wait3A_272 = arith.constant 0 : i32
        %dma_wait3A_273 = tpu.memref_slice %arg11[%dma_wait3A_271, %dma_wait3A_272] : memref<10240x128xf32, #tpu.memory_space<vmem_shared>> -> memref<10240x128xf32, #tpu.memory_space<vmem_shared>>
        tpu.wait_indirect_dma semaphore(%run_scoped3A_261 : memref<!tpu.dma_semaphore, #tpu.memory_space<semaphore_mem>>) src(%arg9 : memref<128x128xf32, #tpu.memory_space<vmem>>) dst(%dma_wait3A_273 : memref<10240x128xf32, #tpu.memory_space<vmem_shared>>)
        tpu.yield
      }) : () -> ()
      %dma_start3A_96 = arith.constant 5 : i32
      %dma_start3A_97 = arith.constant 0 : i32
      %dma_start3A_98 = tpu.memref_slice %arg7[%dma_start3A_96, %dma_start3A_97] : memref<16x128xi32, #tpu.memory_space<vmem>> -> memref<1x128xi32, #tpu.memory_space<vmem>>
      %dma_start3A_99 = tpu.memref_squeeze %dma_start3A_98 : memref<1x128xi32, #tpu.memory_space<vmem>> -> memref<128xi32, #tpu.memory_space<vmem>>
      %dma_start3A_100 = arith.constant 0 : i32
      %dma_start3A_101 = arith.constant 0 : i32
      %dma_start3A_102 = tpu.memref_slice %arg2[%dma_start3A_100, %dma_start3A_101] : memref<10240x128xf32, #tpu.memory_space<hbm>> -> memref<10240x128xf32, #tpu.memory_space<hbm>>
      tpu.enqueue_indirect_dma source(%dma_start3A_102 : memref<10240x128xf32, #tpu.memory_space<hbm>>) target(%arg9 : memref<128x128xf32, #tpu.memory_space<vmem>>) offsets(%dma_start3A_99 : memref<128xi32, #tpu.memory_space<vmem>>) semaphore(%arg10 : memref<!tpu.dma_semaphore, #tpu.memory_space<semaphore_mem>>)
      %dma_wait3A_103 = arith.constant 5 : i32
      %dma_wait3A_104 = arith.constant 0 : i32
      %dma_wait3A_105 = tpu.memref_slice %arg7[%dma_wait3A_103, %dma_wait3A_104] : memref<16x128xi32, #tpu.memory_space<vmem>> -> memref<1x128xi32, #tpu.memory_space<vmem>>
      %dma_wait3A_106 = tpu.memref_squeeze %dma_wait3A_105 : memref<1x128xi32, #tpu.memory_space<vmem>> -> memref<128xi32, #tpu.memory_space<vmem>>
      %dma_wait3A_107 = arith.constant 0 : i32
      %dma_wait3A_108 = arith.constant 0 : i32
      %dma_wait3A_109 = tpu.memref_slice %arg2[%dma_wait3A_107, %dma_wait3A_108] : memref<10240x128xf32, #tpu.memory_space<hbm>> -> memref<10240x128xf32, #tpu.memory_space<hbm>>
      tpu.wait_indirect_dma semaphore(%arg10 : memref<!tpu.dma_semaphore, #tpu.memory_space<semaphore_mem>>) src(%dma_wait3A_109 : memref<10240x128xf32, #tpu.memory_space<hbm>>) dst(%arg9 : memref<128x128xf32, #tpu.memory_space<vmem>>)
      %run_scoped3A_110 = arith.constant 5 : i32
      "tpu.region"() ({
        %run_scoped3A_261 = tpu.sem_alloc : memref<!tpu.dma_semaphore, #tpu.memory_space<semaphore_mem>>
        %dma_start3A_262 = arith.constant 0 : i32
        %dma_start3A_263 = tpu.memref_slice %arg8[%run_scoped3A_110, %dma_start3A_262] : memref<16x128xi32, #tpu.memory_space<vmem>> -> memref<1x128xi32, #tpu.memory_space<vmem>>
        %dma_start3A_264 = tpu.memref_squeeze %dma_start3A_263 : memref<1x128xi32, #tpu.memory_space<vmem>> -> memref<128xi32, #tpu.memory_space<vmem>>
        %dma_start3A_265 = arith.constant 0 : i32
        %dma_start3A_266 = arith.constant 0 : i32
        %dma_start3A_267 = tpu.memref_slice %arg11[%dma_start3A_265, %dma_start3A_266] : memref<10240x128xf32, #tpu.memory_space<vmem_shared>> -> memref<10240x128xf32, #tpu.memory_space<vmem_shared>>
        tpu.enqueue_indirect_dma source(%arg9 : memref<128x128xf32, #tpu.memory_space<vmem>>) target(%dma_start3A_267 : memref<10240x128xf32, #tpu.memory_space<vmem_shared>>) offsets(%dma_start3A_264 : memref<128xi32, #tpu.memory_space<vmem>>) semaphore(%run_scoped3A_261 : memref<!tpu.dma_semaphore, #tpu.memory_space<semaphore_mem>>) {add = true}
        %dma_wait3A_268 = arith.constant 0 : i32
        %dma_wait3A_269 = tpu.memref_slice %arg8[%run_scoped3A_110, %dma_wait3A_268] : memref<16x128xi32, #tpu.memory_space<vmem>> -> memref<1x128xi32, #tpu.memory_space<vmem>>
        %dma_wait3A_270 = tpu.memref_squeeze %dma_wait3A_269 : memref<1x128xi32, #tpu.memory_space<vmem>> -> memref<128xi32, #tpu.memory_space<vmem>>
        %dma_wait3A_271 = arith.constant 0 : i32
        %dma_wait3A_272 = arith.constant 0 : i32
        %dma_wait3A_273 = tpu.memref_slice %arg11[%dma_wait3A_271, %dma_wait3A_272] : memref<10240x128xf32, #tpu.memory_space<vmem_shared>> -> memref<10240x128xf32, #tpu.memory_space<vmem_shared>>
        tpu.wait_indirect_dma semaphore(%run_scoped3A_261 : memref<!tpu.dma_semaphore, #tpu.memory_space<semaphore_mem>>) src(%arg9 : memref<128x128xf32, #tpu.memory_space<vmem>>) dst(%dma_wait3A_273 : memref<10240x128xf32, #tpu.memory_space<vmem_shared>>)
        tpu.yield
      }) : () -> ()
      %dma_start3A_111 = arith.constant 6 : i32
      %dma_start3A_112 = arith.constant 0 : i32
      %dma_start3A_113 = tpu.memref_slice %arg7[%dma_start3A_111, %dma_start3A_112] : memref<16x128xi32, #tpu.memory_space<vmem>> -> memref<1x128xi32, #tpu.memory_space<vmem>>
      %dma_start3A_114 = tpu.memref_squeeze %dma_start3A_113 : memref<1x128xi32, #tpu.memory_space<vmem>> -> memref<128xi32, #tpu.memory_space<vmem>>
      %dma_start3A_115 = arith.constant 0 : i32
      %dma_start3A_116 = arith.constant 0 : i32
      %dma_start3A_117 = tpu.memref_slice %arg2[%dma_start3A_115, %dma_start3A_116] : memref<10240x128xf32, #tpu.memory_space<hbm>> -> memref<10240x128xf32, #tpu.memory_space<hbm>>
      tpu.enqueue_indirect_dma source(%dma_start3A_117 : memref<10240x128xf32, #tpu.memory_space<hbm>>) target(%arg9 : memref<128x128xf32, #tpu.memory_space<vmem>>) offsets(%dma_start3A_114 : memref<128xi32, #tpu.memory_space<vmem>>) semaphore(%arg10 : memref<!tpu.dma_semaphore, #tpu.memory_space<semaphore_mem>>)
      %dma_wait3A_118 = arith.constant 6 : i32
      %dma_wait3A_119 = arith.constant 0 : i32
      %dma_wait3A_120 = tpu.memref_slice %arg7[%dma_wait3A_118, %dma_wait3A_119] : memref<16x128xi32, #tpu.memory_space<vmem>> -> memref<1x128xi32, #tpu.memory_space<vmem>>
      %dma_wait3A_121 = tpu.memref_squeeze %dma_wait3A_120 : memref<1x128xi32, #tpu.memory_space<vmem>> -> memref<128xi32, #tpu.memory_space<vmem>>
      %dma_wait3A_122 = arith.constant 0 : i32
      %dma_wait3A_123 = arith.constant 0 : i32
      %dma_wait3A_124 = tpu.memref_slice %arg2[%dma_wait3A_122, %dma_wait3A_123] : memref<10240x128xf32, #tpu.memory_space<hbm>> -> memref<10240x128xf32, #tpu.memory_space<hbm>>
      tpu.wait_indirect_dma semaphore(%arg10 : memref<!tpu.dma_semaphore, #tpu.memory_space<semaphore_mem>>) src(%dma_wait3A_124 : memref<10240x128xf32, #tpu.memory_space<hbm>>) dst(%arg9 : memref<128x128xf32, #tpu.memory_space<vmem>>)
      %run_scoped3A_125 = arith.constant 6 : i32
      "tpu.region"() ({
        %run_scoped3A_261 = tpu.sem_alloc : memref<!tpu.dma_semaphore, #tpu.memory_space<semaphore_mem>>
        %dma_start3A_262 = arith.constant 0 : i32
        %dma_start3A_263 = tpu.memref_slice %arg8[%run_scoped3A_125, %dma_start3A_262] : memref<16x128xi32, #tpu.memory_space<vmem>> -> memref<1x128xi32, #tpu.memory_space<vmem>>
        %dma_start3A_264 = tpu.memref_squeeze %dma_start3A_263 : memref<1x128xi32, #tpu.memory_space<vmem>> -> memref<128xi32, #tpu.memory_space<vmem>>
        %dma_start3A_265 = arith.constant 0 : i32
        %dma_start3A_266 = arith.constant 0 : i32
        %dma_start3A_267 = tpu.memref_slice %arg11[%dma_start3A_265, %dma_start3A_266] : memref<10240x128xf32, #tpu.memory_space<vmem_shared>> -> memref<10240x128xf32, #tpu.memory_space<vmem_shared>>
        tpu.enqueue_indirect_dma source(%arg9 : memref<128x128xf32, #tpu.memory_space<vmem>>) target(%dma_start3A_267 : memref<10240x128xf32, #tpu.memory_space<vmem_shared>>) offsets(%dma_start3A_264 : memref<128xi32, #tpu.memory_space<vmem>>) semaphore(%run_scoped3A_261 : memref<!tpu.dma_semaphore, #tpu.memory_space<semaphore_mem>>) {add = true}
        %dma_wait3A_268 = arith.constant 0 : i32
        %dma_wait3A_269 = tpu.memref_slice %arg8[%run_scoped3A_125, %dma_wait3A_268] : memref<16x128xi32, #tpu.memory_space<vmem>> -> memref<1x128xi32, #tpu.memory_space<vmem>>
        %dma_wait3A_270 = tpu.memref_squeeze %dma_wait3A_269 : memref<1x128xi32, #tpu.memory_space<vmem>> -> memref<128xi32, #tpu.memory_space<vmem>>
        %dma_wait3A_271 = arith.constant 0 : i32
        %dma_wait3A_272 = arith.constant 0 : i32
        %dma_wait3A_273 = tpu.memref_slice %arg11[%dma_wait3A_271, %dma_wait3A_272] : memref<10240x128xf32, #tpu.memory_space<vmem_shared>> -> memref<10240x128xf32, #tpu.memory_space<vmem_shared>>
        tpu.wait_indirect_dma semaphore(%run_scoped3A_261 : memref<!tpu.dma_semaphore, #tpu.memory_space<semaphore_mem>>) src(%arg9 : memref<128x128xf32, #tpu.memory_space<vmem>>) dst(%dma_wait3A_273 : memref<10240x128xf32, #tpu.memory_space<vmem_shared>>)
        tpu.yield
      }) : () -> ()
      %dma_start3A_126 = arith.constant 7 : i32
      %dma_start3A_127 = arith.constant 0 : i32
      %dma_start3A_128 = tpu.memref_slice %arg7[%dma_start3A_126, %dma_start3A_127] : memref<16x128xi32, #tpu.memory_space<vmem>> -> memref<1x128xi32, #tpu.memory_space<vmem>>
      %dma_start3A_129 = tpu.memref_squeeze %dma_start3A_128 : memref<1x128xi32, #tpu.memory_space<vmem>> -> memref<128xi32, #tpu.memory_space<vmem>>
      %dma_start3A_130 = arith.constant 0 : i32
      %dma_start3A_131 = arith.constant 0 : i32
      %dma_start3A_132 = tpu.memref_slice %arg2[%dma_start3A_130, %dma_start3A_131] : memref<10240x128xf32, #tpu.memory_space<hbm>> -> memref<10240x128xf32, #tpu.memory_space<hbm>>
      tpu.enqueue_indirect_dma source(%dma_start3A_132 : memref<10240x128xf32, #tpu.memory_space<hbm>>) target(%arg9 : memref<128x128xf32, #tpu.memory_space<vmem>>) offsets(%dma_start3A_129 : memref<128xi32, #tpu.memory_space<vmem>>) semaphore(%arg10 : memref<!tpu.dma_semaphore, #tpu.memory_space<semaphore_mem>>)
      %dma_wait3A_133 = arith.constant 7 : i32
      %dma_wait3A_134 = arith.constant 0 : i32
      %dma_wait3A_135 = tpu.memref_slice %arg7[%dma_wait3A_133, %dma_wait3A_134] : memref<16x128xi32, #tpu.memory_space<vmem>> -> memref<1x128xi32, #tpu.memory_space<vmem>>
      %dma_wait3A_136 = tpu.memref_squeeze %dma_wait3A_135 : memref<1x128xi32, #tpu.memory_space<vmem>> -> memref<128xi32, #tpu.memory_space<vmem>>
      %dma_wait3A_137 = arith.constant 0 : i32
      %dma_wait3A_138 = arith.constant 0 : i32
      %dma_wait3A_139 = tpu.memref_slice %arg2[%dma_wait3A_137, %dma_wait3A_138] : memref<10240x128xf32, #tpu.memory_space<hbm>> -> memref<10240x128xf32, #tpu.memory_space<hbm>>
      tpu.wait_indirect_dma semaphore(%arg10 : memref<!tpu.dma_semaphore, #tpu.memory_space<semaphore_mem>>) src(%dma_wait3A_139 : memref<10240x128xf32, #tpu.memory_space<hbm>>) dst(%arg9 : memref<128x128xf32, #tpu.memory_space<vmem>>)
      %run_scoped3A_140 = arith.constant 7 : i32
      "tpu.region"() ({
        %run_scoped3A_261 = tpu.sem_alloc : memref<!tpu.dma_semaphore, #tpu.memory_space<semaphore_mem>>
        %dma_start3A_262 = arith.constant 0 : i32
        %dma_start3A_263 = tpu.memref_slice %arg8[%run_scoped3A_140, %dma_start3A_262] : memref<16x128xi32, #tpu.memory_space<vmem>> -> memref<1x128xi32, #tpu.memory_space<vmem>>
        %dma_start3A_264 = tpu.memref_squeeze %dma_start3A_263 : memref<1x128xi32, #tpu.memory_space<vmem>> -> memref<128xi32, #tpu.memory_space<vmem>>
        %dma_start3A_265 = arith.constant 0 : i32
        %dma_start3A_266 = arith.constant 0 : i32
        %dma_start3A_267 = tpu.memref_slice %arg11[%dma_start3A_265, %dma_start3A_266] : memref<10240x128xf32, #tpu.memory_space<vmem_shared>> -> memref<10240x128xf32, #tpu.memory_space<vmem_shared>>
        tpu.enqueue_indirect_dma source(%arg9 : memref<128x128xf32, #tpu.memory_space<vmem>>) target(%dma_start3A_267 : memref<10240x128xf32, #tpu.memory_space<vmem_shared>>) offsets(%dma_start3A_264 : memref<128xi32, #tpu.memory_space<vmem>>) semaphore(%run_scoped3A_261 : memref<!tpu.dma_semaphore, #tpu.memory_space<semaphore_mem>>) {add = true}
        %dma_wait3A_268 = arith.constant 0 : i32
        %dma_wait3A_269 = tpu.memref_slice %arg8[%run_scoped3A_140, %dma_wait3A_268] : memref<16x128xi32, #tpu.memory_space<vmem>> -> memref<1x128xi32, #tpu.memory_space<vmem>>
        %dma_wait3A_270 = tpu.memref_squeeze %dma_wait3A_269 : memref<1x128xi32, #tpu.memory_space<vmem>> -> memref<128xi32, #tpu.memory_space<vmem>>
        %dma_wait3A_271 = arith.constant 0 : i32
        %dma_wait3A_272 = arith.constant 0 : i32
        %dma_wait3A_273 = tpu.memref_slice %arg11[%dma_wait3A_271, %dma_wait3A_272] : memref<10240x128xf32, #tpu.memory_space<vmem_shared>> -> memref<10240x128xf32, #tpu.memory_space<vmem_shared>>
        tpu.wait_indirect_dma semaphore(%run_scoped3A_261 : memref<!tpu.dma_semaphore, #tpu.memory_space<semaphore_mem>>) src(%arg9 : memref<128x128xf32, #tpu.memory_space<vmem>>) dst(%dma_wait3A_273 : memref<10240x128xf32, #tpu.memory_space<vmem_shared>>)
        tpu.yield
      }) : () -> ()
      %dma_start3A_141 = arith.constant 8 : i32
      %dma_start3A_142 = arith.constant 0 : i32
      %dma_start3A_143 = tpu.memref_slice %arg7[%dma_start3A_141, %dma_start3A_142] : memref<16x128xi32, #tpu.memory_space<vmem>> -> memref<1x128xi32, #tpu.memory_space<vmem>>
      %dma_start3A_144 = tpu.memref_squeeze %dma_start3A_143 : memref<1x128xi32, #tpu.memory_space<vmem>> -> memref<128xi32, #tpu.memory_space<vmem>>
      %dma_start3A_145 = arith.constant 0 : i32
      %dma_start3A_146 = arith.constant 0 : i32
      %dma_start3A_147 = tpu.memref_slice %arg2[%dma_start3A_145, %dma_start3A_146] : memref<10240x128xf32, #tpu.memory_space<hbm>> -> memref<10240x128xf32, #tpu.memory_space<hbm>>
      tpu.enqueue_indirect_dma source(%dma_start3A_147 : memref<10240x128xf32, #tpu.memory_space<hbm>>) target(%arg9 : memref<128x128xf32, #tpu.memory_space<vmem>>) offsets(%dma_start3A_144 : memref<128xi32, #tpu.memory_space<vmem>>) semaphore(%arg10 : memref<!tpu.dma_semaphore, #tpu.memory_space<semaphore_mem>>)
      %dma_wait3A_148 = arith.constant 8 : i32
      %dma_wait3A_149 = arith.constant 0 : i32
      %dma_wait3A_150 = tpu.memref_slice %arg7[%dma_wait3A_148, %dma_wait3A_149] : memref<16x128xi32, #tpu.memory_space<vmem>> -> memref<1x128xi32, #tpu.memory_space<vmem>>
      %dma_wait3A_151 = tpu.memref_squeeze %dma_wait3A_150 : memref<1x128xi32, #tpu.memory_space<vmem>> -> memref<128xi32, #tpu.memory_space<vmem>>
      %dma_wait3A_152 = arith.constant 0 : i32
      %dma_wait3A_153 = arith.constant 0 : i32
      %dma_wait3A_154 = tpu.memref_slice %arg2[%dma_wait3A_152, %dma_wait3A_153] : memref<10240x128xf32, #tpu.memory_space<hbm>> -> memref<10240x128xf32, #tpu.memory_space<hbm>>
      tpu.wait_indirect_dma semaphore(%arg10 : memref<!tpu.dma_semaphore, #tpu.memory_space<semaphore_mem>>) src(%dma_wait3A_154 : memref<10240x128xf32, #tpu.memory_space<hbm>>) dst(%arg9 : memref<128x128xf32, #tpu.memory_space<vmem>>)
      %run_scoped3A_155 = arith.constant 8 : i32
      "tpu.region"() ({
        %run_scoped3A_261 = tpu.sem_alloc : memref<!tpu.dma_semaphore, #tpu.memory_space<semaphore_mem>>
        %dma_start3A_262 = arith.constant 0 : i32
        %dma_start3A_263 = tpu.memref_slice %arg8[%run_scoped3A_155, %dma_start3A_262] : memref<16x128xi32, #tpu.memory_space<vmem>> -> memref<1x128xi32, #tpu.memory_space<vmem>>
        %dma_start3A_264 = tpu.memref_squeeze %dma_start3A_263 : memref<1x128xi32, #tpu.memory_space<vmem>> -> memref<128xi32, #tpu.memory_space<vmem>>
        %dma_start3A_265 = arith.constant 0 : i32
        %dma_start3A_266 = arith.constant 0 : i32
        %dma_start3A_267 = tpu.memref_slice %arg11[%dma_start3A_265, %dma_start3A_266] : memref<10240x128xf32, #tpu.memory_space<vmem_shared>> -> memref<10240x128xf32, #tpu.memory_space<vmem_shared>>
        tpu.enqueue_indirect_dma source(%arg9 : memref<128x128xf32, #tpu.memory_space<vmem>>) target(%dma_start3A_267 : memref<10240x128xf32, #tpu.memory_space<vmem_shared>>) offsets(%dma_start3A_264 : memref<128xi32, #tpu.memory_space<vmem>>) semaphore(%run_scoped3A_261 : memref<!tpu.dma_semaphore, #tpu.memory_space<semaphore_mem>>) {add = true}
        %dma_wait3A_268 = arith.constant 0 : i32
        %dma_wait3A_269 = tpu.memref_slice %arg8[%run_scoped3A_155, %dma_wait3A_268] : memref<16x128xi32, #tpu.memory_space<vmem>> -> memref<1x128xi32, #tpu.memory_space<vmem>>
        %dma_wait3A_270 = tpu.memref_squeeze %dma_wait3A_269 : memref<1x128xi32, #tpu.memory_space<vmem>> -> memref<128xi32, #tpu.memory_space<vmem>>
        %dma_wait3A_271 = arith.constant 0 : i32
        %dma_wait3A_272 = arith.constant 0 : i32
        %dma_wait3A_273 = tpu.memref_slice %arg11[%dma_wait3A_271, %dma_wait3A_272] : memref<10240x128xf32, #tpu.memory_space<vmem_shared>> -> memref<10240x128xf32, #tpu.memory_space<vmem_shared>>
        tpu.wait_indirect_dma semaphore(%run_scoped3A_261 : memref<!tpu.dma_semaphore, #tpu.memory_space<semaphore_mem>>) src(%arg9 : memref<128x128xf32, #tpu.memory_space<vmem>>) dst(%dma_wait3A_273 : memref<10240x128xf32, #tpu.memory_space<vmem_shared>>)
        tpu.yield
      }) : () -> ()
      %dma_start3A_156 = arith.constant 9 : i32
      %dma_start3A_157 = arith.constant 0 : i32
      %dma_start3A_158 = tpu.memref_slice %arg7[%dma_start3A_156, %dma_start3A_157] : memref<16x128xi32, #tpu.memory_space<vmem>> -> memref<1x128xi32, #tpu.memory_space<vmem>>
      %dma_start3A_159 = tpu.memref_squeeze %dma_start3A_158 : memref<1x128xi32, #tpu.memory_space<vmem>> -> memref<128xi32, #tpu.memory_space<vmem>>
      %dma_start3A_160 = arith.constant 0 : i32
      %dma_start3A_161 = arith.constant 0 : i32
      %dma_start3A_162 = tpu.memref_slice %arg2[%dma_start3A_160, %dma_start3A_161] : memref<10240x128xf32, #tpu.memory_space<hbm>> -> memref<10240x128xf32, #tpu.memory_space<hbm>>
      tpu.enqueue_indirect_dma source(%dma_start3A_162 : memref<10240x128xf32, #tpu.memory_space<hbm>>) target(%arg9 : memref<128x128xf32, #tpu.memory_space<vmem>>) offsets(%dma_start3A_159 : memref<128xi32, #tpu.memory_space<vmem>>) semaphore(%arg10 : memref<!tpu.dma_semaphore, #tpu.memory_space<semaphore_mem>>)
      %dma_wait3A_163 = arith.constant 9 : i32
      %dma_wait3A_164 = arith.constant 0 : i32
      %dma_wait3A_165 = tpu.memref_slice %arg7[%dma_wait3A_163, %dma_wait3A_164] : memref<16x128xi32, #tpu.memory_space<vmem>> -> memref<1x128xi32, #tpu.memory_space<vmem>>
      %dma_wait3A_166 = tpu.memref_squeeze %dma_wait3A_165 : memref<1x128xi32, #tpu.memory_space<vmem>> -> memref<128xi32, #tpu.memory_space<vmem>>
      %dma_wait3A_167 = arith.constant 0 : i32
      %dma_wait3A_168 = arith.constant 0 : i32
      %dma_wait3A_169 = tpu.memref_slice %arg2[%dma_wait3A_167, %dma_wait3A_168] : memref<10240x128xf32, #tpu.memory_space<hbm>> -> memref<10240x128xf32, #tpu.memory_space<hbm>>
      tpu.wait_indirect_dma semaphore(%arg10 : memref<!tpu.dma_semaphore, #tpu.memory_space<semaphore_mem>>) src(%dma_wait3A_169 : memref<10240x128xf32, #tpu.memory_space<hbm>>) dst(%arg9 : memref<128x128xf32, #tpu.memory_space<vmem>>)
      %run_scoped3A_170 = arith.constant 9 : i32
      "tpu.region"() ({
        %run_scoped3A_261 = tpu.sem_alloc : memref<!tpu.dma_semaphore, #tpu.memory_space<semaphore_mem>>
        %dma_start3A_262 = arith.constant 0 : i32
        %dma_start3A_263 = tpu.memref_slice %arg8[%run_scoped3A_170, %dma_start3A_262] : memref<16x128xi32, #tpu.memory_space<vmem>> -> memref<1x128xi32, #tpu.memory_space<vmem>>
        %dma_start3A_264 = tpu.memref_squeeze %dma_start3A_263 : memref<1x128xi32, #tpu.memory_space<vmem>> -> memref<128xi32, #tpu.memory_space<vmem>>
        %dma_start3A_265 = arith.constant 0 : i32
        %dma_start3A_266 = arith.constant 0 : i32
        %dma_start3A_267 = tpu.memref_slice %arg11[%dma_start3A_265, %dma_start3A_266] : memref<10240x128xf32, #tpu.memory_space<vmem_shared>> -> memref<10240x128xf32, #tpu.memory_space<vmem_shared>>
        tpu.enqueue_indirect_dma source(%arg9 : memref<128x128xf32, #tpu.memory_space<vmem>>) target(%dma_start3A_267 : memref<10240x128xf32, #tpu.memory_space<vmem_shared>>) offsets(%dma_start3A_264 : memref<128xi32, #tpu.memory_space<vmem>>) semaphore(%run_scoped3A_261 : memref<!tpu.dma_semaphore, #tpu.memory_space<semaphore_mem>>) {add = true}
        %dma_wait3A_268 = arith.constant 0 : i32
        %dma_wait3A_269 = tpu.memref_slice %arg8[%run_scoped3A_170, %dma_wait3A_268] : memref<16x128xi32, #tpu.memory_space<vmem>> -> memref<1x128xi32, #tpu.memory_space<vmem>>
        %dma_wait3A_270 = tpu.memref_squeeze %dma_wait3A_269 : memref<1x128xi32, #tpu.memory_space<vmem>> -> memref<128xi32, #tpu.memory_space<vmem>>
        %dma_wait3A_271 = arith.constant 0 : i32
        %dma_wait3A_272 = arith.constant 0 : i32
        %dma_wait3A_273 = tpu.memref_slice %arg11[%dma_wait3A_271, %dma_wait3A_272] : memref<10240x128xf32, #tpu.memory_space<vmem_shared>> -> memref<10240x128xf32, #tpu.memory_space<vmem_shared>>
        tpu.wait_indirect_dma semaphore(%run_scoped3A_261 : memref<!tpu.dma_semaphore, #tpu.memory_space<semaphore_mem>>) src(%arg9 : memref<128x128xf32, #tpu.memory_space<vmem>>) dst(%dma_wait3A_273 : memref<10240x128xf32, #tpu.memory_space<vmem_shared>>)
        tpu.yield
      }) : () -> ()
      %dma_start3A_171 = arith.constant 10 : i32
      %dma_start3A_172 = arith.constant 0 : i32
      %dma_start3A_173 = tpu.memref_slice %arg7[%dma_start3A_171, %dma_start3A_172] : memref<16x128xi32, #tpu.memory_space<vmem>> -> memref<1x128xi32, #tpu.memory_space<vmem>>
      %dma_start3A_174 = tpu.memref_squeeze %dma_start3A_173 : memref<1x128xi32, #tpu.memory_space<vmem>> -> memref<128xi32, #tpu.memory_space<vmem>>
      %dma_start3A_175 = arith.constant 0 : i32
      %dma_start3A_176 = arith.constant 0 : i32
      %dma_start3A_177 = tpu.memref_slice %arg2[%dma_start3A_175, %dma_start3A_176] : memref<10240x128xf32, #tpu.memory_space<hbm>> -> memref<10240x128xf32, #tpu.memory_space<hbm>>
      tpu.enqueue_indirect_dma source(%dma_start3A_177 : memref<10240x128xf32, #tpu.memory_space<hbm>>) target(%arg9 : memref<128x128xf32, #tpu.memory_space<vmem>>) offsets(%dma_start3A_174 : memref<128xi32, #tpu.memory_space<vmem>>) semaphore(%arg10 : memref<!tpu.dma_semaphore, #tpu.memory_space<semaphore_mem>>)
      %dma_wait3A_178 = arith.constant 10 : i32
      %dma_wait3A_179 = arith.constant 0 : i32
      %dma_wait3A_180 = tpu.memref_slice %arg7[%dma_wait3A_178, %dma_wait3A_179] : memref<16x128xi32, #tpu.memory_space<vmem>> -> memref<1x128xi32, #tpu.memory_space<vmem>>
      %dma_wait3A_181 = tpu.memref_squeeze %dma_wait3A_180 : memref<1x128xi32, #tpu.memory_space<vmem>> -> memref<128xi32, #tpu.memory_space<vmem>>
      %dma_wait3A_182 = arith.constant 0 : i32
      %dma_wait3A_183 = arith.constant 0 : i32
      %dma_wait3A_184 = tpu.memref_slice %arg2[%dma_wait3A_182, %dma_wait3A_183] : memref<10240x128xf32, #tpu.memory_space<hbm>> -> memref<10240x128xf32, #tpu.memory_space<hbm>>
      tpu.wait_indirect_dma semaphore(%arg10 : memref<!tpu.dma_semaphore, #tpu.memory_space<semaphore_mem>>) src(%dma_wait3A_184 : memref<10240x128xf32, #tpu.memory_space<hbm>>) dst(%arg9 : memref<128x128xf32, #tpu.memory_space<vmem>>)
      %run_scoped3A_185 = arith.constant 10 : i32
      "tpu.region"() ({
        %run_scoped3A_261 = tpu.sem_alloc : memref<!tpu.dma_semaphore, #tpu.memory_space<semaphore_mem>>
        %dma_start3A_262 = arith.constant 0 : i32
        %dma_start3A_263 = tpu.memref_slice %arg8[%run_scoped3A_185, %dma_start3A_262] : memref<16x128xi32, #tpu.memory_space<vmem>> -> memref<1x128xi32, #tpu.memory_space<vmem>>
        %dma_start3A_264 = tpu.memref_squeeze %dma_start3A_263 : memref<1x128xi32, #tpu.memory_space<vmem>> -> memref<128xi32, #tpu.memory_space<vmem>>
        %dma_start3A_265 = arith.constant 0 : i32
        %dma_start3A_266 = arith.constant 0 : i32
        %dma_start3A_267 = tpu.memref_slice %arg11[%dma_start3A_265, %dma_start3A_266] : memref<10240x128xf32, #tpu.memory_space<vmem_shared>> -> memref<10240x128xf32, #tpu.memory_space<vmem_shared>>
        tpu.enqueue_indirect_dma source(%arg9 : memref<128x128xf32, #tpu.memory_space<vmem>>) target(%dma_start3A_267 : memref<10240x128xf32, #tpu.memory_space<vmem_shared>>) offsets(%dma_start3A_264 : memref<128xi32, #tpu.memory_space<vmem>>) semaphore(%run_scoped3A_261 : memref<!tpu.dma_semaphore, #tpu.memory_space<semaphore_mem>>) {add = true}
        %dma_wait3A_268 = arith.constant 0 : i32
        %dma_wait3A_269 = tpu.memref_slice %arg8[%run_scoped3A_185, %dma_wait3A_268] : memref<16x128xi32, #tpu.memory_space<vmem>> -> memref<1x128xi32, #tpu.memory_space<vmem>>
        %dma_wait3A_270 = tpu.memref_squeeze %dma_wait3A_269 : memref<1x128xi32, #tpu.memory_space<vmem>> -> memref<128xi32, #tpu.memory_space<vmem>>
        %dma_wait3A_271 = arith.constant 0 : i32
        %dma_wait3A_272 = arith.constant 0 : i32
        %dma_wait3A_273 = tpu.memref_slice %arg11[%dma_wait3A_271, %dma_wait3A_272] : memref<10240x128xf32, #tpu.memory_space<vmem_shared>> -> memref<10240x128xf32, #tpu.memory_space<vmem_shared>>
        tpu.wait_indirect_dma semaphore(%run_scoped3A_261 : memref<!tpu.dma_semaphore, #tpu.memory_space<semaphore_mem>>) src(%arg9 : memref<128x128xf32, #tpu.memory_space<vmem>>) dst(%dma_wait3A_273 : memref<10240x128xf32, #tpu.memory_space<vmem_shared>>)
        tpu.yield
      }) : () -> ()
      %dma_start3A_186 = arith.constant 11 : i32
      %dma_start3A_187 = arith.constant 0 : i32
      %dma_start3A_188 = tpu.memref_slice %arg7[%dma_start3A_186, %dma_start3A_187] : memref<16x128xi32, #tpu.memory_space<vmem>> -> memref<1x128xi32, #tpu.memory_space<vmem>>
      %dma_start3A_189 = tpu.memref_squeeze %dma_start3A_188 : memref<1x128xi32, #tpu.memory_space<vmem>> -> memref<128xi32, #tpu.memory_space<vmem>>
      %dma_start3A_190 = arith.constant 0 : i32
      %dma_start3A_191 = arith.constant 0 : i32
      %dma_start3A_192 = tpu.memref_slice %arg2[%dma_start3A_190, %dma_start3A_191] : memref<10240x128xf32, #tpu.memory_space<hbm>> -> memref<10240x128xf32, #tpu.memory_space<hbm>>
      tpu.enqueue_indirect_dma source(%dma_start3A_192 : memref<10240x128xf32, #tpu.memory_space<hbm>>) target(%arg9 : memref<128x128xf32, #tpu.memory_space<vmem>>) offsets(%dma_start3A_189 : memref<128xi32, #tpu.memory_space<vmem>>) semaphore(%arg10 : memref<!tpu.dma_semaphore, #tpu.memory_space<semaphore_mem>>)
      %dma_wait3A_193 = arith.constant 11 : i32
      %dma_wait3A_194 = arith.constant 0 : i32
      %dma_wait3A_195 = tpu.memref_slice %arg7[%dma_wait3A_193, %dma_wait3A_194] : memref<16x128xi32, #tpu.memory_space<vmem>> -> memref<1x128xi32, #tpu.memory_space<vmem>>
      %dma_wait3A_196 = tpu.memref_squeeze %dma_wait3A_195 : memref<1x128xi32, #tpu.memory_space<vmem>> -> memref<128xi32, #tpu.memory_space<vmem>>
      %dma_wait3A_197 = arith.constant 0 : i32
      %dma_wait3A_198 = arith.constant 0 : i32
      %dma_wait3A_199 = tpu.memref_slice %arg2[%dma_wait3A_197, %dma_wait3A_198] : memref<10240x128xf32, #tpu.memory_space<hbm>> -> memref<10240x128xf32, #tpu.memory_space<hbm>>
      tpu.wait_indirect_dma semaphore(%arg10 : memref<!tpu.dma_semaphore, #tpu.memory_space<semaphore_mem>>) src(%dma_wait3A_199 : memref<10240x128xf32, #tpu.memory_space<hbm>>) dst(%arg9 : memref<128x128xf32, #tpu.memory_space<vmem>>)
      %run_scoped3A_200 = arith.constant 11 : i32
      "tpu.region"() ({
        %run_scoped3A_261 = tpu.sem_alloc : memref<!tpu.dma_semaphore, #tpu.memory_space<semaphore_mem>>
        %dma_start3A_262 = arith.constant 0 : i32
        %dma_start3A_263 = tpu.memref_slice %arg8[%run_scoped3A_200, %dma_start3A_262] : memref<16x128xi32, #tpu.memory_space<vmem>> -> memref<1x128xi32, #tpu.memory_space<vmem>>
        %dma_start3A_264 = tpu.memref_squeeze %dma_start3A_263 : memref<1x128xi32, #tpu.memory_space<vmem>> -> memref<128xi32, #tpu.memory_space<vmem>>
        %dma_start3A_265 = arith.constant 0 : i32
        %dma_start3A_266 = arith.constant 0 : i32
        %dma_start3A_267 = tpu.memref_slice %arg11[%dma_start3A_265, %dma_start3A_266] : memref<10240x128xf32, #tpu.memory_space<vmem_shared>> -> memref<10240x128xf32, #tpu.memory_space<vmem_shared>>
        tpu.enqueue_indirect_dma source(%arg9 : memref<128x128xf32, #tpu.memory_space<vmem>>) target(%dma_start3A_267 : memref<10240x128xf32, #tpu.memory_space<vmem_shared>>) offsets(%dma_start3A_264 : memref<128xi32, #tpu.memory_space<vmem>>) semaphore(%run_scoped3A_261 : memref<!tpu.dma_semaphore, #tpu.memory_space<semaphore_mem>>) {add = true}
        %dma_wait3A_268 = arith.constant 0 : i32
        %dma_wait3A_269 = tpu.memref_slice %arg8[%run_scoped3A_200, %dma_wait3A_268] : memref<16x128xi32, #tpu.memory_space<vmem>> -> memref<1x128xi32, #tpu.memory_space<vmem>>
        %dma_wait3A_270 = tpu.memref_squeeze %dma_wait3A_269 : memref<1x128xi32, #tpu.memory_space<vmem>> -> memref<128xi32, #tpu.memory_space<vmem>>
        %dma_wait3A_271 = arith.constant 0 : i32
        %dma_wait3A_272 = arith.constant 0 : i32
        %dma_wait3A_273 = tpu.memref_slice %arg11[%dma_wait3A_271, %dma_wait3A_272] : memref<10240x128xf32, #tpu.memory_space<vmem_shared>> -> memref<10240x128xf32, #tpu.memory_space<vmem_shared>>
        tpu.wait_indirect_dma semaphore(%run_scoped3A_261 : memref<!tpu.dma_semaphore, #tpu.memory_space<semaphore_mem>>) src(%arg9 : memref<128x128xf32, #tpu.memory_space<vmem>>) dst(%dma_wait3A_273 : memref<10240x128xf32, #tpu.memory_space<vmem_shared>>)
        tpu.yield
      }) : () -> ()
      %dma_start3A_201 = arith.constant 12 : i32
      %dma_start3A_202 = arith.constant 0 : i32
      %dma_start3A_203 = tpu.memref_slice %arg7[%dma_start3A_201, %dma_start3A_202] : memref<16x128xi32, #tpu.memory_space<vmem>> -> memref<1x128xi32, #tpu.memory_space<vmem>>
      %dma_start3A_204 = tpu.memref_squeeze %dma_start3A_203 : memref<1x128xi32, #tpu.memory_space<vmem>> -> memref<128xi32, #tpu.memory_space<vmem>>
      %dma_start3A_205 = arith.constant 0 : i32
      %dma_start3A_206 = arith.constant 0 : i32
      %dma_start3A_207 = tpu.memref_slice %arg2[%dma_start3A_205, %dma_start3A_206] : memref<10240x128xf32, #tpu.memory_space<hbm>> -> memref<10240x128xf32, #tpu.memory_space<hbm>>
      tpu.enqueue_indirect_dma source(%dma_start3A_207 : memref<10240x128xf32, #tpu.memory_space<hbm>>) target(%arg9 : memref<128x128xf32, #tpu.memory_space<vmem>>) offsets(%dma_start3A_204 : memref<128xi32, #tpu.memory_space<vmem>>) semaphore(%arg10 : memref<!tpu.dma_semaphore, #tpu.memory_space<semaphore_mem>>)
      %dma_wait3A_208 = arith.constant 12 : i32
      %dma_wait3A_209 = arith.constant 0 : i32
      %dma_wait3A_210 = tpu.memref_slice %arg7[%dma_wait3A_208, %dma_wait3A_209] : memref<16x128xi32, #tpu.memory_space<vmem>> -> memref<1x128xi32, #tpu.memory_space<vmem>>
      %dma_wait3A_211 = tpu.memref_squeeze %dma_wait3A_210 : memref<1x128xi32, #tpu.memory_space<vmem>> -> memref<128xi32, #tpu.memory_space<vmem>>
      %dma_wait3A_212 = arith.constant 0 : i32
      %dma_wait3A_213 = arith.constant 0 : i32
      %dma_wait3A_214 = tpu.memref_slice %arg2[%dma_wait3A_212, %dma_wait3A_213] : memref<10240x128xf32, #tpu.memory_space<hbm>> -> memref<10240x128xf32, #tpu.memory_space<hbm>>
      tpu.wait_indirect_dma semaphore(%arg10 : memref<!tpu.dma_semaphore, #tpu.memory_space<semaphore_mem>>) src(%dma_wait3A_214 : memref<10240x128xf32, #tpu.memory_space<hbm>>) dst(%arg9 : memref<128x128xf32, #tpu.memory_space<vmem>>)
      %run_scoped3A_215 = arith.constant 12 : i32
      "tpu.region"() ({
        %run_scoped3A_261 = tpu.sem_alloc : memref<!tpu.dma_semaphore, #tpu.memory_space<semaphore_mem>>
        %dma_start3A_262 = arith.constant 0 : i32
        %dma_start3A_263 = tpu.memref_slice %arg8[%run_scoped3A_215, %dma_start3A_262] : memref<16x128xi32, #tpu.memory_space<vmem>> -> memref<1x128xi32, #tpu.memory_space<vmem>>
        %dma_start3A_264 = tpu.memref_squeeze %dma_start3A_263 : memref<1x128xi32, #tpu.memory_space<vmem>> -> memref<128xi32, #tpu.memory_space<vmem>>
        %dma_start3A_265 = arith.constant 0 : i32
        %dma_start3A_266 = arith.constant 0 : i32
        %dma_start3A_267 = tpu.memref_slice %arg11[%dma_start3A_265, %dma_start3A_266] : memref<10240x128xf32, #tpu.memory_space<vmem_shared>> -> memref<10240x128xf32, #tpu.memory_space<vmem_shared>>
        tpu.enqueue_indirect_dma source(%arg9 : memref<128x128xf32, #tpu.memory_space<vmem>>) target(%dma_start3A_267 : memref<10240x128xf32, #tpu.memory_space<vmem_shared>>) offsets(%dma_start3A_264 : memref<128xi32, #tpu.memory_space<vmem>>) semaphore(%run_scoped3A_261 : memref<!tpu.dma_semaphore, #tpu.memory_space<semaphore_mem>>) {add = true}
        %dma_wait3A_268 = arith.constant 0 : i32
        %dma_wait3A_269 = tpu.memref_slice %arg8[%run_scoped3A_215, %dma_wait3A_268] : memref<16x128xi32, #tpu.memory_space<vmem>> -> memref<1x128xi32, #tpu.memory_space<vmem>>
        %dma_wait3A_270 = tpu.memref_squeeze %dma_wait3A_269 : memref<1x128xi32, #tpu.memory_space<vmem>> -> memref<128xi32, #tpu.memory_space<vmem>>
        %dma_wait3A_271 = arith.constant 0 : i32
        %dma_wait3A_272 = arith.constant 0 : i32
        %dma_wait3A_273 = tpu.memref_slice %arg11[%dma_wait3A_271, %dma_wait3A_272] : memref<10240x128xf32, #tpu.memory_space<vmem_shared>> -> memref<10240x128xf32, #tpu.memory_space<vmem_shared>>
        tpu.wait_indirect_dma semaphore(%run_scoped3A_261 : memref<!tpu.dma_semaphore, #tpu.memory_space<semaphore_mem>>) src(%arg9 : memref<128x128xf32, #tpu.memory_space<vmem>>) dst(%dma_wait3A_273 : memref<10240x128xf32, #tpu.memory_space<vmem_shared>>)
        tpu.yield
      }) : () -> ()
      %dma_start3A_216 = arith.constant 13 : i32
      %dma_start3A_217 = arith.constant 0 : i32
      %dma_start3A_218 = tpu.memref_slice %arg7[%dma_start3A_216, %dma_start3A_217] : memref<16x128xi32, #tpu.memory_space<vmem>> -> memref<1x128xi32, #tpu.memory_space<vmem>>
      %dma_start3A_219 = tpu.memref_squeeze %dma_start3A_218 : memref<1x128xi32, #tpu.memory_space<vmem>> -> memref<128xi32, #tpu.memory_space<vmem>>
      %dma_start3A_220 = arith.constant 0 : i32
      %dma_start3A_221 = arith.constant 0 : i32
      %dma_start3A_222 = tpu.memref_slice %arg2[%dma_start3A_220, %dma_start3A_221] : memref<10240x128xf32, #tpu.memory_space<hbm>> -> memref<10240x128xf32, #tpu.memory_space<hbm>>
      tpu.enqueue_indirect_dma source(%dma_start3A_222 : memref<10240x128xf32, #tpu.memory_space<hbm>>) target(%arg9 : memref<128x128xf32, #tpu.memory_space<vmem>>) offsets(%dma_start3A_219 : memref<128xi32, #tpu.memory_space<vmem>>) semaphore(%arg10 : memref<!tpu.dma_semaphore, #tpu.memory_space<semaphore_mem>>)
      %dma_wait3A_223 = arith.constant 13 : i32
      %dma_wait3A_224 = arith.constant 0 : i32
      %dma_wait3A_225 = tpu.memref_slice %arg7[%dma_wait3A_223, %dma_wait3A_224] : memref<16x128xi32, #tpu.memory_space<vmem>> -> memref<1x128xi32, #tpu.memory_space<vmem>>
      %dma_wait3A_226 = tpu.memref_squeeze %dma_wait3A_225 : memref<1x128xi32, #tpu.memory_space<vmem>> -> memref<128xi32, #tpu.memory_space<vmem>>
      %dma_wait3A_227 = arith.constant 0 : i32
      %dma_wait3A_228 = arith.constant 0 : i32
      %dma_wait3A_229 = tpu.memref_slice %arg2[%dma_wait3A_227, %dma_wait3A_228] : memref<10240x128xf32, #tpu.memory_space<hbm>> -> memref<10240x128xf32, #tpu.memory_space<hbm>>
      tpu.wait_indirect_dma semaphore(%arg10 : memref<!tpu.dma_semaphore, #tpu.memory_space<semaphore_mem>>) src(%dma_wait3A_229 : memref<10240x128xf32, #tpu.memory_space<hbm>>) dst(%arg9 : memref<128x128xf32, #tpu.memory_space<vmem>>)
      %run_scoped3A_230 = arith.constant 13 : i32
      "tpu.region"() ({
        %run_scoped3A_261 = tpu.sem_alloc : memref<!tpu.dma_semaphore, #tpu.memory_space<semaphore_mem>>
        %dma_start3A_262 = arith.constant 0 : i32
        %dma_start3A_263 = tpu.memref_slice %arg8[%run_scoped3A_230, %dma_start3A_262] : memref<16x128xi32, #tpu.memory_space<vmem>> -> memref<1x128xi32, #tpu.memory_space<vmem>>
        %dma_start3A_264 = tpu.memref_squeeze %dma_start3A_263 : memref<1x128xi32, #tpu.memory_space<vmem>> -> memref<128xi32, #tpu.memory_space<vmem>>
        %dma_start3A_265 = arith.constant 0 : i32
        %dma_start3A_266 = arith.constant 0 : i32
        %dma_start3A_267 = tpu.memref_slice %arg11[%dma_start3A_265, %dma_start3A_266] : memref<10240x128xf32, #tpu.memory_space<vmem_shared>> -> memref<10240x128xf32, #tpu.memory_space<vmem_shared>>
        tpu.enqueue_indirect_dma source(%arg9 : memref<128x128xf32, #tpu.memory_space<vmem>>) target(%dma_start3A_267 : memref<10240x128xf32, #tpu.memory_space<vmem_shared>>) offsets(%dma_start3A_264 : memref<128xi32, #tpu.memory_space<vmem>>) semaphore(%run_scoped3A_261 : memref<!tpu.dma_semaphore, #tpu.memory_space<semaphore_mem>>) {add = true}
        %dma_wait3A_268 = arith.constant 0 : i32
        %dma_wait3A_269 = tpu.memref_slice %arg8[%run_scoped3A_230, %dma_wait3A_268] : memref<16x128xi32, #tpu.memory_space<vmem>> -> memref<1x128xi32, #tpu.memory_space<vmem>>
        %dma_wait3A_270 = tpu.memref_squeeze %dma_wait3A_269 : memref<1x128xi32, #tpu.memory_space<vmem>> -> memref<128xi32, #tpu.memory_space<vmem>>
        %dma_wait3A_271 = arith.constant 0 : i32
        %dma_wait3A_272 = arith.constant 0 : i32
        %dma_wait3A_273 = tpu.memref_slice %arg11[%dma_wait3A_271, %dma_wait3A_272] : memref<10240x128xf32, #tpu.memory_space<vmem_shared>> -> memref<10240x128xf32, #tpu.memory_space<vmem_shared>>
        tpu.wait_indirect_dma semaphore(%run_scoped3A_261 : memref<!tpu.dma_semaphore, #tpu.memory_space<semaphore_mem>>) src(%arg9 : memref<128x128xf32, #tpu.memory_space<vmem>>) dst(%dma_wait3A_273 : memref<10240x128xf32, #tpu.memory_space<vmem_shared>>)
        tpu.yield
      }) : () -> ()
      %dma_start3A_231 = arith.constant 14 : i32
      %dma_start3A_232 = arith.constant 0 : i32
      %dma_start3A_233 = tpu.memref_slice %arg7[%dma_start3A_231, %dma_start3A_232] : memref<16x128xi32, #tpu.memory_space<vmem>> -> memref<1x128xi32, #tpu.memory_space<vmem>>
      %dma_start3A_234 = tpu.memref_squeeze %dma_start3A_233 : memref<1x128xi32, #tpu.memory_space<vmem>> -> memref<128xi32, #tpu.memory_space<vmem>>
      %dma_start3A_235 = arith.constant 0 : i32
      %dma_start3A_236 = arith.constant 0 : i32
      %dma_start3A_237 = tpu.memref_slice %arg2[%dma_start3A_235, %dma_start3A_236] : memref<10240x128xf32, #tpu.memory_space<hbm>> -> memref<10240x128xf32, #tpu.memory_space<hbm>>
      tpu.enqueue_indirect_dma source(%dma_start3A_237 : memref<10240x128xf32, #tpu.memory_space<hbm>>) target(%arg9 : memref<128x128xf32, #tpu.memory_space<vmem>>) offsets(%dma_start3A_234 : memref<128xi32, #tpu.memory_space<vmem>>) semaphore(%arg10 : memref<!tpu.dma_semaphore, #tpu.memory_space<semaphore_mem>>)
      %dma_wait3A_238 = arith.constant 14 : i32
      %dma_wait3A_239 = arith.constant 0 : i32
      %dma_wait3A_240 = tpu.memref_slice %arg7[%dma_wait3A_238, %dma_wait3A_239] : memref<16x128xi32, #tpu.memory_space<vmem>> -> memref<1x128xi32, #tpu.memory_space<vmem>>
      %dma_wait3A_241 = tpu.memref_squeeze %dma_wait3A_240 : memref<1x128xi32, #tpu.memory_space<vmem>> -> memref<128xi32, #tpu.memory_space<vmem>>
      %dma_wait3A_242 = arith.constant 0 : i32
      %dma_wait3A_243 = arith.constant 0 : i32
      %dma_wait3A_244 = tpu.memref_slice %arg2[%dma_wait3A_242, %dma_wait3A_243] : memref<10240x128xf32, #tpu.memory_space<hbm>> -> memref<10240x128xf32, #tpu.memory_space<hbm>>
      tpu.wait_indirect_dma semaphore(%arg10 : memref<!tpu.dma_semaphore, #tpu.memory_space<semaphore_mem>>) src(%dma_wait3A_244 : memref<10240x128xf32, #tpu.memory_space<hbm>>) dst(%arg9 : memref<128x128xf32, #tpu.memory_space<vmem>>)
      %run_scoped3A_245 = arith.constant 14 : i32
      "tpu.region"() ({
        %run_scoped3A_261 = tpu.sem_alloc : memref<!tpu.dma_semaphore, #tpu.memory_space<semaphore_mem>>
        %dma_start3A_262 = arith.constant 0 : i32
        %dma_start3A_263 = tpu.memref_slice %arg8[%run_scoped3A_245, %dma_start3A_262] : memref<16x128xi32, #tpu.memory_space<vmem>> -> memref<1x128xi32, #tpu.memory_space<vmem>>
        %dma_start3A_264 = tpu.memref_squeeze %dma_start3A_263 : memref<1x128xi32, #tpu.memory_space<vmem>> -> memref<128xi32, #tpu.memory_space<vmem>>
        %dma_start3A_265 = arith.constant 0 : i32
        %dma_start3A_266 = arith.constant 0 : i32
        %dma_start3A_267 = tpu.memref_slice %arg11[%dma_start3A_265, %dma_start3A_266] : memref<10240x128xf32, #tpu.memory_space<vmem_shared>> -> memref<10240x128xf32, #tpu.memory_space<vmem_shared>>
        tpu.enqueue_indirect_dma source(%arg9 : memref<128x128xf32, #tpu.memory_space<vmem>>) target(%dma_start3A_267 : memref<10240x128xf32, #tpu.memory_space<vmem_shared>>) offsets(%dma_start3A_264 : memref<128xi32, #tpu.memory_space<vmem>>) semaphore(%run_scoped3A_261 : memref<!tpu.dma_semaphore, #tpu.memory_space<semaphore_mem>>) {add = true}
        %dma_wait3A_268 = arith.constant 0 : i32
        %dma_wait3A_269 = tpu.memref_slice %arg8[%run_scoped3A_245, %dma_wait3A_268] : memref<16x128xi32, #tpu.memory_space<vmem>> -> memref<1x128xi32, #tpu.memory_space<vmem>>
        %dma_wait3A_270 = tpu.memref_squeeze %dma_wait3A_269 : memref<1x128xi32, #tpu.memory_space<vmem>> -> memref<128xi32, #tpu.memory_space<vmem>>
        %dma_wait3A_271 = arith.constant 0 : i32
        %dma_wait3A_272 = arith.constant 0 : i32
        %dma_wait3A_273 = tpu.memref_slice %arg11[%dma_wait3A_271, %dma_wait3A_272] : memref<10240x128xf32, #tpu.memory_space<vmem_shared>> -> memref<10240x128xf32, #tpu.memory_space<vmem_shared>>
        tpu.wait_indirect_dma semaphore(%run_scoped3A_261 : memref<!tpu.dma_semaphore, #tpu.memory_space<semaphore_mem>>) src(%arg9 : memref<128x128xf32, #tpu.memory_space<vmem>>) dst(%dma_wait3A_273 : memref<10240x128xf32, #tpu.memory_space<vmem_shared>>)
        tpu.yield
      }) : () -> ()
      %dma_start3A_246 = arith.constant 15 : i32
      %dma_start3A_247 = arith.constant 0 : i32
      %dma_start3A_248 = tpu.memref_slice %arg7[%dma_start3A_246, %dma_start3A_247] : memref<16x128xi32, #tpu.memory_space<vmem>> -> memref<1x128xi32, #tpu.memory_space<vmem>>
      %dma_start3A_249 = tpu.memref_squeeze %dma_start3A_248 : memref<1x128xi32, #tpu.memory_space<vmem>> -> memref<128xi32, #tpu.memory_space<vmem>>
      %dma_start3A_250 = arith.constant 0 : i32
      %dma_start3A_251 = arith.constant 0 : i32
      %dma_start3A_252 = tpu.memref_slice %arg2[%dma_start3A_250, %dma_start3A_251] : memref<10240x128xf32, #tpu.memory_space<hbm>> -> memref<10240x128xf32, #tpu.memory_space<hbm>>
      tpu.enqueue_indirect_dma source(%dma_start3A_252 : memref<10240x128xf32, #tpu.memory_space<hbm>>) target(%arg9 : memref<128x128xf32, #tpu.memory_space<vmem>>) offsets(%dma_start3A_249 : memref<128xi32, #tpu.memory_space<vmem>>) semaphore(%arg10 : memref<!tpu.dma_semaphore, #tpu.memory_space<semaphore_mem>>)
      %dma_wait3A_253 = arith.constant 15 : i32
      %dma_wait3A_254 = arith.constant 0 : i32
      %dma_wait3A_255 = tpu.memref_slice %arg7[%dma_wait3A_253, %dma_wait3A_254] : memref<16x128xi32, #tpu.memory_space<vmem>> -> memref<1x128xi32, #tpu.memory_space<vmem>>
      %dma_wait3A_256 = tpu.memref_squeeze %dma_wait3A_255 : memref<1x128xi32, #tpu.memory_space<vmem>> -> memref<128xi32, #tpu.memory_space<vmem>>
      %dma_wait3A_257 = arith.constant 0 : i32
      %dma_wait3A_258 = arith.constant 0 : i32
      %dma_wait3A_259 = tpu.memref_slice %arg2[%dma_wait3A_257, %dma_wait3A_258] : memref<10240x128xf32, #tpu.memory_space<hbm>> -> memref<10240x128xf32, #tpu.memory_space<hbm>>
      tpu.wait_indirect_dma semaphore(%arg10 : memref<!tpu.dma_semaphore, #tpu.memory_space<semaphore_mem>>) src(%dma_wait3A_259 : memref<10240x128xf32, #tpu.memory_space<hbm>>) dst(%arg9 : memref<128x128xf32, #tpu.memory_space<vmem>>)
      %run_scoped3A_260 = arith.constant 15 : i32
      "tpu.region"() ({
        %run_scoped3A_261 = tpu.sem_alloc : memref<!tpu.dma_semaphore, #tpu.memory_space<semaphore_mem>>
        %dma_start3A_262 = arith.constant 0 : i32
        %dma_start3A_263 = tpu.memref_slice %arg8[%run_scoped3A_260, %dma_start3A_262] : memref<16x128xi32, #tpu.memory_space<vmem>> -> memref<1x128xi32, #tpu.memory_space<vmem>>
        %dma_start3A_264 = tpu.memref_squeeze %dma_start3A_263 : memref<1x128xi32, #tpu.memory_space<vmem>> -> memref<128xi32, #tpu.memory_space<vmem>>
        %dma_start3A_265 = arith.constant 0 : i32
        %dma_start3A_266 = arith.constant 0 : i32
        %dma_start3A_267 = tpu.memref_slice %arg11[%dma_start3A_265, %dma_start3A_266] : memref<10240x128xf32, #tpu.memory_space<vmem_shared>> -> memref<10240x128xf32, #tpu.memory_space<vmem_shared>>
        tpu.enqueue_indirect_dma source(%arg9 : memref<128x128xf32, #tpu.memory_space<vmem>>) target(%dma_start3A_267 : memref<10240x128xf32, #tpu.memory_space<vmem_shared>>) offsets(%dma_start3A_264 : memref<128xi32, #tpu.memory_space<vmem>>) semaphore(%run_scoped3A_261 : memref<!tpu.dma_semaphore, #tpu.memory_space<semaphore_mem>>) {add = true}
        %dma_wait3A_268 = arith.constant 0 : i32
        %dma_wait3A_269 = tpu.memref_slice %arg8[%run_scoped3A_260, %dma_wait3A_268] : memref<16x128xi32, #tpu.memory_space<vmem>> -> memref<1x128xi32, #tpu.memory_space<vmem>>
        %dma_wait3A_270 = tpu.memref_squeeze %dma_wait3A_269 : memref<1x128xi32, #tpu.memory_space<vmem>> -> memref<128xi32, #tpu.memory_space<vmem>>
        %dma_wait3A_271 = arith.constant 0 : i32
        %dma_wait3A_272 = arith.constant 0 : i32
        %dma_wait3A_273 = tpu.memref_slice %arg11[%dma_wait3A_271, %dma_wait3A_272] : memref<10240x128xf32, #tpu.memory_space<vmem_shared>> -> memref<10240x128xf32, #tpu.memory_space<vmem_shared>>
        tpu.wait_indirect_dma semaphore(%run_scoped3A_261 : memref<!tpu.dma_semaphore, #tpu.memory_space<semaphore_mem>>) src(%arg9 : memref<128x128xf32, #tpu.memory_space<vmem>>) dst(%dma_wait3A_273 : memref<10240x128xf32, #tpu.memory_space<vmem_shared>>)
        tpu.yield
      }) : () -> ()
    }
    %barrier3A_20 = arith.constant 0 : index
    tpu.barrier barrier_id(%barrier3A_20)
    "tpu.region"() ({
      %run_scoped3A = tpu.sem_alloc : memref<!tpu.dma_semaphore, #tpu.memory_space<semaphore_mem>>
      %dma_start3A = arith.constant 0 : i32
      %dma_start3A_21 = tpu.memref_slice %arg6[%arg0, %mul3A_0, %dma_start3A] : memref<2x10240x128xf32, #tpu.memory_space<hbm>> -> memref<1x640x128xf32, #tpu.memory_space<hbm>>
      %dma_start3A_22 = tpu.memref_squeeze %dma_start3A_21 : memref<1x640x128xf32, #tpu.memory_space<hbm>> -> memref<640x128xf32, #tpu.memory_space<hbm>>
      %dma_start3A_23 = arith.constant 0 : i32
      %dma_start3A_24 = tpu.memref_slice %arg11[%mul3A_0, %dma_start3A_23] : memref<10240x128xf32, #tpu.memory_space<vmem_shared>> -> memref<640x128xf32, #tpu.memory_space<vmem_shared>>
      tpu.enqueue_dma source(%dma_start3A_24 : memref<640x128xf32, #tpu.memory_space<vmem_shared>>) target(%dma_start3A_22 : memref<640x128xf32, #tpu.memory_space<hbm>>) target_semaphore(%run_scoped3A : memref<!tpu.dma_semaphore, #tpu.memory_space<semaphore_mem>>)
      %dma_wait3A = arith.constant 0 : i32
      %dma_wait3A_25 = tpu.memref_slice %arg6[%arg0, %mul3A_0, %dma_wait3A] : memref<2x10240x128xf32, #tpu.memory_space<hbm>> -> memref<1x640x128xf32, #tpu.memory_space<hbm>>
      %dma_wait3A_26 = tpu.memref_squeeze %dma_wait3A_25 : memref<1x640x128xf32, #tpu.memory_space<hbm>> -> memref<640x128xf32, #tpu.memory_space<hbm>>
      %dma_wait3A_27 = arith.constant 0 : i32
      %dma_wait3A_28 = tpu.memref_slice %arg11[%mul3A_0, %dma_wait3A_27] : memref<10240x128xf32, #tpu.memory_space<vmem_shared>> -> memref<640x128xf32, #tpu.memory_space<vmem_shared>>
      tpu.wait_dma2 semaphore(%run_scoped3A : memref<!tpu.dma_semaphore, #tpu.memory_space<semaphore_mem>>) src(%dma_wait3A_28 : memref<640x128xf32, #tpu.memory_space<vmem_shared>>) dst(%dma_wait3A_26 : memref<640x128xf32, #tpu.memory_space<hbm>>)
      tpu.yield
    }) : () -> ()
    return
  }
}

#map = affine_map<(d0, d1) -> (0, 0, 0)>
#map1 = affine_map<(d0, d1) -> (0, 0)>
module attributes {stable_mosaic.version = 14 : i64} {
  func.func @body(%arg0: i32, %arg1: i32, %arg2: memref<160x16x128xi32, #tpu.memory_space<hbm>>, %arg3: memref<10240x128xf32, #tpu.memory_space<hbm>>, %arg4: memref<128x128xf32, #tpu.memory_space<hbm>>, %arg5: memref<2x10240x128xf32, #tpu.memory_space<hbm>>, %arg6: memref<16x128xi32, #tpu.memory_space<vmem>>, %arg7: memref<128x128xf32, #tpu.memory_space<vmem>>, %arg8: memref<10240x128xf32, #tpu.memory_space<vmem_shared>>) attributes {dimension_semantics = [#tpu.dimension_semantics<core_parallel>, #tpu.dimension_semantics<subcore_parallel>], iteration_bounds = array<i64: 2, 16>, scalar_prefetch = 0 : i64, scratch_operands = 3 : i64, tpu.core_type = #tpu.core_type<sc_vector_subcore>, window_params = [{transform_indices = #map}, {transform_indices = #map1}, {transform_indices = #map1}, {transform_indices = #map}]} {
    %mul3A = arith.constant 2 : i32
    %mul3A_0 = arith.muli %arg1, %mul3A : i32
    %add3A = arith.addi %mul3A_0, %arg0 : i32
    %mul3A_1 = arith.constant 640 : i32
    %mul3A_2 = arith.muli %arg1, %mul3A_1 : i32
    "tpu.region"() ({
      %run_scoped3A = tpu.sem_alloc : memref<!tpu.dma_semaphore, #tpu.memory_space<semaphore_mem>>
      %dma_start3A = arith.constant 0 : i32
      %dma_start3A_9 = tpu.memref_slice %arg8[%mul3A_2, %dma_start3A] : memref<10240x128xf32, #tpu.memory_space<vmem_shared>> -> memref<640x128xf32, #tpu.memory_space<vmem_shared>>
      %dma_start3A_10 = arith.constant 0 : i32
      %dma_start3A_11 = tpu.memref_slice %arg3[%mul3A_2, %dma_start3A_10] : memref<10240x128xf32, #tpu.memory_space<hbm>> -> memref<640x128xf32, #tpu.memory_space<hbm>>
      tpu.enqueue_dma source(%dma_start3A_11 : memref<640x128xf32, #tpu.memory_space<hbm>>) target(%dma_start3A_9 : memref<640x128xf32, #tpu.memory_space<vmem_shared>>) target_semaphore(%run_scoped3A : memref<!tpu.dma_semaphore, #tpu.memory_space<semaphore_mem>>)
      %dma_wait3A = arith.constant 0 : i32
      %dma_wait3A_12 = tpu.memref_slice %arg8[%mul3A_2, %dma_wait3A] : memref<10240x128xf32, #tpu.memory_space<vmem_shared>> -> memref<640x128xf32, #tpu.memory_space<vmem_shared>>
      %dma_wait3A_13 = arith.constant 0 : i32
      %dma_wait3A_14 = tpu.memref_slice %arg3[%mul3A_2, %dma_wait3A_13] : memref<10240x128xf32, #tpu.memory_space<hbm>> -> memref<640x128xf32, #tpu.memory_space<hbm>>
      tpu.wait_dma2 semaphore(%run_scoped3A : memref<!tpu.dma_semaphore, #tpu.memory_space<semaphore_mem>>) src(%dma_wait3A_14 : memref<640x128xf32, #tpu.memory_space<hbm>>) dst(%dma_wait3A_12 : memref<640x128xf32, #tpu.memory_space<vmem_shared>>)
      tpu.yield
    }) : () -> ()
    "tpu.region"() ({
      %run_scoped3A = tpu.sem_alloc : memref<!tpu.dma_semaphore, #tpu.memory_space<semaphore_mem>>
      tpu.enqueue_dma source(%arg4 : memref<128x128xf32, #tpu.memory_space<hbm>>) target(%arg7 : memref<128x128xf32, #tpu.memory_space<vmem>>) target_semaphore(%run_scoped3A : memref<!tpu.dma_semaphore, #tpu.memory_space<semaphore_mem>>)
      tpu.wait_dma2 semaphore(%run_scoped3A : memref<!tpu.dma_semaphore, #tpu.memory_space<semaphore_mem>>) src(%arg4 : memref<128x128xf32, #tpu.memory_space<hbm>>) dst(%arg7 : memref<128x128xf32, #tpu.memory_space<vmem>>)
      tpu.yield
    }) : () -> ()
    %barrier3A = arith.constant 0 : index
    tpu.barrier barrier_id(%barrier3A)
    %scan3A = arith.constant 0 : i32
    %scan3A_3 = arith.constant 0 : i32
    %scan3A_4 = arith.constant 5 : i32
    %scan3A_5 = arith.addi %scan3A_3, %scan3A_4 : i32
    %scan3A_6 = arith.constant 1 : i32
    scf.for %scan3A_9 = %scan3A_3 to %scan3A_5 step %scan3A_6  : i32 {
      %mul3A_10 = arith.constant 5 : i32
      %mul3A_11 = arith.muli %add3A, %mul3A_10 : i32
      %add3A_12 = arith.addi %mul3A_11, %scan3A_9 : i32
      "tpu.region"() ({
        %run_scoped3A_28 = tpu.sem_alloc : memref<!tpu.dma_semaphore, #tpu.memory_space<semaphore_mem>>
        %dma_start3A = arith.constant 0 : i32
        %dma_start3A_29 = arith.constant 0 : i32
        %dma_start3A_30 = tpu.memref_slice %arg2[%add3A_12, %dma_start3A, %dma_start3A_29] : memref<160x16x128xi32, #tpu.memory_space<hbm>> -> memref<1x16x128xi32, #tpu.memory_space<hbm>>
        %dma_start3A_31 = tpu.memref_squeeze %dma_start3A_30 : memref<1x16x128xi32, #tpu.memory_space<hbm>> -> memref<16x128xi32, #tpu.memory_space<hbm>>
        %dma_start3A_32 = arith.constant 0 : i32
        %dma_start3A_33 = arith.constant 0 : i32
        %dma_start3A_34 = tpu.memref_slice %arg2[%add3A_12, %dma_start3A_32, %dma_start3A_33] : memref<160x16x128xi32, #tpu.memory_space<hbm>> -> memref<1x16x128xi32, #tpu.memory_space<hbm>>
        %dma_start3A_35 = tpu.memref_squeeze %dma_start3A_34 : memref<1x16x128xi32, #tpu.memory_space<hbm>> -> memref<16x128xi32, #tpu.memory_space<hbm>>
        tpu.enqueue_dma source(%dma_start3A_35 : memref<16x128xi32, #tpu.memory_space<hbm>>) target(%arg6 : memref<16x128xi32, #tpu.memory_space<vmem>>) target_semaphore(%run_scoped3A_28 : memref<!tpu.dma_semaphore, #tpu.memory_space<semaphore_mem>>)
        %dma_wait3A = arith.constant 0 : i32
        %dma_wait3A_36 = arith.constant 0 : i32
        %dma_wait3A_37 = tpu.memref_slice %arg2[%add3A_12, %dma_wait3A, %dma_wait3A_36] : memref<160x16x128xi32, #tpu.memory_space<hbm>> -> memref<1x16x128xi32, #tpu.memory_space<hbm>>
        %dma_wait3A_38 = tpu.memref_squeeze %dma_wait3A_37 : memref<1x16x128xi32, #tpu.memory_space<hbm>> -> memref<16x128xi32, #tpu.memory_space<hbm>>
        %dma_wait3A_39 = arith.constant 0 : i32
        %dma_wait3A_40 = arith.constant 0 : i32
        %dma_wait3A_41 = tpu.memref_slice %arg2[%add3A_12, %dma_wait3A_39, %dma_wait3A_40] : memref<160x16x128xi32, #tpu.memory_space<hbm>> -> memref<1x16x128xi32, #tpu.memory_space<hbm>>
        %dma_wait3A_42 = tpu.memref_squeeze %dma_wait3A_41 : memref<1x16x128xi32, #tpu.memory_space<hbm>> -> memref<16x128xi32, #tpu.memory_space<hbm>>
        tpu.wait_dma2 semaphore(%run_scoped3A_28 : memref<!tpu.dma_semaphore, #tpu.memory_space<semaphore_mem>>) src(%dma_wait3A_42 : memref<16x128xi32, #tpu.memory_space<hbm>>) dst(%arg6 : memref<16x128xi32, #tpu.memory_space<vmem>>)
        tpu.yield
      }) : () -> ()
      %run_scoped3A = arith.constant 0 : i32
      "tpu.region"() ({
        %run_scoped3A_28 = tpu.sem_alloc : memref<!tpu.dma_semaphore, #tpu.memory_space<semaphore_mem>>
        %dma_start3A = arith.constant 0 : i32
        %dma_start3A_29 = tpu.memref_slice %arg6[%run_scoped3A, %dma_start3A] : memref<16x128xi32, #tpu.memory_space<vmem>> -> memref<1x128xi32, #tpu.memory_space<vmem>>
        %dma_start3A_30 = tpu.memref_squeeze %dma_start3A_29 : memref<1x128xi32, #tpu.memory_space<vmem>> -> memref<128xi32, #tpu.memory_space<vmem>>
        %dma_start3A_31 = arith.constant 0 : i32
        %dma_start3A_32 = arith.constant 0 : i32
        %dma_start3A_33 = tpu.memref_slice %arg8[%dma_start3A_31, %dma_start3A_32] : memref<10240x128xf32, #tpu.memory_space<vmem_shared>> -> memref<10240x128xf32, #tpu.memory_space<vmem_shared>>
        tpu.enqueue_indirect_dma source(%arg7 : memref<128x128xf32, #tpu.memory_space<vmem>>) target(%dma_start3A_33 : memref<10240x128xf32, #tpu.memory_space<vmem_shared>>) offsets(%dma_start3A_30 : memref<128xi32, #tpu.memory_space<vmem>>) semaphore(%run_scoped3A_28 : memref<!tpu.dma_semaphore, #tpu.memory_space<semaphore_mem>>) {add = true}
        %dma_wait3A = arith.constant 0 : i32
        %dma_wait3A_34 = tpu.memref_slice %arg6[%run_scoped3A, %dma_wait3A] : memref<16x128xi32, #tpu.memory_space<vmem>> -> memref<1x128xi32, #tpu.memory_space<vmem>>
        %dma_wait3A_35 = tpu.memref_squeeze %dma_wait3A_34 : memref<1x128xi32, #tpu.memory_space<vmem>> -> memref<128xi32, #tpu.memory_space<vmem>>
        %dma_wait3A_36 = arith.constant 0 : i32
        %dma_wait3A_37 = arith.constant 0 : i32
        %dma_wait3A_38 = tpu.memref_slice %arg8[%dma_wait3A_36, %dma_wait3A_37] : memref<10240x128xf32, #tpu.memory_space<vmem_shared>> -> memref<10240x128xf32, #tpu.memory_space<vmem_shared>>
        tpu.wait_indirect_dma semaphore(%run_scoped3A_28 : memref<!tpu.dma_semaphore, #tpu.memory_space<semaphore_mem>>) src(%arg7 : memref<128x128xf32, #tpu.memory_space<vmem>>) dst(%dma_wait3A_38 : memref<10240x128xf32, #tpu.memory_space<vmem_shared>>)
        tpu.yield
      }) : () -> ()
      %run_scoped3A_13 = arith.constant 1 : i32
      "tpu.region"() ({
        %run_scoped3A_28 = tpu.sem_alloc : memref<!tpu.dma_semaphore, #tpu.memory_space<semaphore_mem>>
        %dma_start3A = arith.constant 0 : i32
        %dma_start3A_29 = tpu.memref_slice %arg6[%run_scoped3A_13, %dma_start3A] : memref<16x128xi32, #tpu.memory_space<vmem>> -> memref<1x128xi32, #tpu.memory_space<vmem>>
        %dma_start3A_30 = tpu.memref_squeeze %dma_start3A_29 : memref<1x128xi32, #tpu.memory_space<vmem>> -> memref<128xi32, #tpu.memory_space<vmem>>
        %dma_start3A_31 = arith.constant 0 : i32
        %dma_start3A_32 = arith.constant 0 : i32
        %dma_start3A_33 = tpu.memref_slice %arg8[%dma_start3A_31, %dma_start3A_32] : memref<10240x128xf32, #tpu.memory_space<vmem_shared>> -> memref<10240x128xf32, #tpu.memory_space<vmem_shared>>
        tpu.enqueue_indirect_dma source(%arg7 : memref<128x128xf32, #tpu.memory_space<vmem>>) target(%dma_start3A_33 : memref<10240x128xf32, #tpu.memory_space<vmem_shared>>) offsets(%dma_start3A_30 : memref<128xi32, #tpu.memory_space<vmem>>) semaphore(%run_scoped3A_28 : memref<!tpu.dma_semaphore, #tpu.memory_space<semaphore_mem>>) {add = true}
        %dma_wait3A = arith.constant 0 : i32
        %dma_wait3A_34 = tpu.memref_slice %arg6[%run_scoped3A_13, %dma_wait3A] : memref<16x128xi32, #tpu.memory_space<vmem>> -> memref<1x128xi32, #tpu.memory_space<vmem>>
        %dma_wait3A_35 = tpu.memref_squeeze %dma_wait3A_34 : memref<1x128xi32, #tpu.memory_space<vmem>> -> memref<128xi32, #tpu.memory_space<vmem>>
        %dma_wait3A_36 = arith.constant 0 : i32
        %dma_wait3A_37 = arith.constant 0 : i32
        %dma_wait3A_38 = tpu.memref_slice %arg8[%dma_wait3A_36, %dma_wait3A_37] : memref<10240x128xf32, #tpu.memory_space<vmem_shared>> -> memref<10240x128xf32, #tpu.memory_space<vmem_shared>>
        tpu.wait_indirect_dma semaphore(%run_scoped3A_28 : memref<!tpu.dma_semaphore, #tpu.memory_space<semaphore_mem>>) src(%arg7 : memref<128x128xf32, #tpu.memory_space<vmem>>) dst(%dma_wait3A_38 : memref<10240x128xf32, #tpu.memory_space<vmem_shared>>)
        tpu.yield
      }) : () -> ()
      %run_scoped3A_14 = arith.constant 2 : i32
      "tpu.region"() ({
        %run_scoped3A_28 = tpu.sem_alloc : memref<!tpu.dma_semaphore, #tpu.memory_space<semaphore_mem>>
        %dma_start3A = arith.constant 0 : i32
        %dma_start3A_29 = tpu.memref_slice %arg6[%run_scoped3A_14, %dma_start3A] : memref<16x128xi32, #tpu.memory_space<vmem>> -> memref<1x128xi32, #tpu.memory_space<vmem>>
        %dma_start3A_30 = tpu.memref_squeeze %dma_start3A_29 : memref<1x128xi32, #tpu.memory_space<vmem>> -> memref<128xi32, #tpu.memory_space<vmem>>
        %dma_start3A_31 = arith.constant 0 : i32
        %dma_start3A_32 = arith.constant 0 : i32
        %dma_start3A_33 = tpu.memref_slice %arg8[%dma_start3A_31, %dma_start3A_32] : memref<10240x128xf32, #tpu.memory_space<vmem_shared>> -> memref<10240x128xf32, #tpu.memory_space<vmem_shared>>
        tpu.enqueue_indirect_dma source(%arg7 : memref<128x128xf32, #tpu.memory_space<vmem>>) target(%dma_start3A_33 : memref<10240x128xf32, #tpu.memory_space<vmem_shared>>) offsets(%dma_start3A_30 : memref<128xi32, #tpu.memory_space<vmem>>) semaphore(%run_scoped3A_28 : memref<!tpu.dma_semaphore, #tpu.memory_space<semaphore_mem>>) {add = true}
        %dma_wait3A = arith.constant 0 : i32
        %dma_wait3A_34 = tpu.memref_slice %arg6[%run_scoped3A_14, %dma_wait3A] : memref<16x128xi32, #tpu.memory_space<vmem>> -> memref<1x128xi32, #tpu.memory_space<vmem>>
        %dma_wait3A_35 = tpu.memref_squeeze %dma_wait3A_34 : memref<1x128xi32, #tpu.memory_space<vmem>> -> memref<128xi32, #tpu.memory_space<vmem>>
        %dma_wait3A_36 = arith.constant 0 : i32
        %dma_wait3A_37 = arith.constant 0 : i32
        %dma_wait3A_38 = tpu.memref_slice %arg8[%dma_wait3A_36, %dma_wait3A_37] : memref<10240x128xf32, #tpu.memory_space<vmem_shared>> -> memref<10240x128xf32, #tpu.memory_space<vmem_shared>>
        tpu.wait_indirect_dma semaphore(%run_scoped3A_28 : memref<!tpu.dma_semaphore, #tpu.memory_space<semaphore_mem>>) src(%arg7 : memref<128x128xf32, #tpu.memory_space<vmem>>) dst(%dma_wait3A_38 : memref<10240x128xf32, #tpu.memory_space<vmem_shared>>)
        tpu.yield
      }) : () -> ()
      %run_scoped3A_15 = arith.constant 3 : i32
      "tpu.region"() ({
        %run_scoped3A_28 = tpu.sem_alloc : memref<!tpu.dma_semaphore, #tpu.memory_space<semaphore_mem>>
        %dma_start3A = arith.constant 0 : i32
        %dma_start3A_29 = tpu.memref_slice %arg6[%run_scoped3A_15, %dma_start3A] : memref<16x128xi32, #tpu.memory_space<vmem>> -> memref<1x128xi32, #tpu.memory_space<vmem>>
        %dma_start3A_30 = tpu.memref_squeeze %dma_start3A_29 : memref<1x128xi32, #tpu.memory_space<vmem>> -> memref<128xi32, #tpu.memory_space<vmem>>
        %dma_start3A_31 = arith.constant 0 : i32
        %dma_start3A_32 = arith.constant 0 : i32
        %dma_start3A_33 = tpu.memref_slice %arg8[%dma_start3A_31, %dma_start3A_32] : memref<10240x128xf32, #tpu.memory_space<vmem_shared>> -> memref<10240x128xf32, #tpu.memory_space<vmem_shared>>
        tpu.enqueue_indirect_dma source(%arg7 : memref<128x128xf32, #tpu.memory_space<vmem>>) target(%dma_start3A_33 : memref<10240x128xf32, #tpu.memory_space<vmem_shared>>) offsets(%dma_start3A_30 : memref<128xi32, #tpu.memory_space<vmem>>) semaphore(%run_scoped3A_28 : memref<!tpu.dma_semaphore, #tpu.memory_space<semaphore_mem>>) {add = true}
        %dma_wait3A = arith.constant 0 : i32
        %dma_wait3A_34 = tpu.memref_slice %arg6[%run_scoped3A_15, %dma_wait3A] : memref<16x128xi32, #tpu.memory_space<vmem>> -> memref<1x128xi32, #tpu.memory_space<vmem>>
        %dma_wait3A_35 = tpu.memref_squeeze %dma_wait3A_34 : memref<1x128xi32, #tpu.memory_space<vmem>> -> memref<128xi32, #tpu.memory_space<vmem>>
        %dma_wait3A_36 = arith.constant 0 : i32
        %dma_wait3A_37 = arith.constant 0 : i32
        %dma_wait3A_38 = tpu.memref_slice %arg8[%dma_wait3A_36, %dma_wait3A_37] : memref<10240x128xf32, #tpu.memory_space<vmem_shared>> -> memref<10240x128xf32, #tpu.memory_space<vmem_shared>>
        tpu.wait_indirect_dma semaphore(%run_scoped3A_28 : memref<!tpu.dma_semaphore, #tpu.memory_space<semaphore_mem>>) src(%arg7 : memref<128x128xf32, #tpu.memory_space<vmem>>) dst(%dma_wait3A_38 : memref<10240x128xf32, #tpu.memory_space<vmem_shared>>)
        tpu.yield
      }) : () -> ()
      %run_scoped3A_16 = arith.constant 4 : i32
      "tpu.region"() ({
        %run_scoped3A_28 = tpu.sem_alloc : memref<!tpu.dma_semaphore, #tpu.memory_space<semaphore_mem>>
        %dma_start3A = arith.constant 0 : i32
        %dma_start3A_29 = tpu.memref_slice %arg6[%run_scoped3A_16, %dma_start3A] : memref<16x128xi32, #tpu.memory_space<vmem>> -> memref<1x128xi32, #tpu.memory_space<vmem>>
        %dma_start3A_30 = tpu.memref_squeeze %dma_start3A_29 : memref<1x128xi32, #tpu.memory_space<vmem>> -> memref<128xi32, #tpu.memory_space<vmem>>
        %dma_start3A_31 = arith.constant 0 : i32
        %dma_start3A_32 = arith.constant 0 : i32
        %dma_start3A_33 = tpu.memref_slice %arg8[%dma_start3A_31, %dma_start3A_32] : memref<10240x128xf32, #tpu.memory_space<vmem_shared>> -> memref<10240x128xf32, #tpu.memory_space<vmem_shared>>
        tpu.enqueue_indirect_dma source(%arg7 : memref<128x128xf32, #tpu.memory_space<vmem>>) target(%dma_start3A_33 : memref<10240x128xf32, #tpu.memory_space<vmem_shared>>) offsets(%dma_start3A_30 : memref<128xi32, #tpu.memory_space<vmem>>) semaphore(%run_scoped3A_28 : memref<!tpu.dma_semaphore, #tpu.memory_space<semaphore_mem>>) {add = true}
        %dma_wait3A = arith.constant 0 : i32
        %dma_wait3A_34 = tpu.memref_slice %arg6[%run_scoped3A_16, %dma_wait3A] : memref<16x128xi32, #tpu.memory_space<vmem>> -> memref<1x128xi32, #tpu.memory_space<vmem>>
        %dma_wait3A_35 = tpu.memref_squeeze %dma_wait3A_34 : memref<1x128xi32, #tpu.memory_space<vmem>> -> memref<128xi32, #tpu.memory_space<vmem>>
        %dma_wait3A_36 = arith.constant 0 : i32
        %dma_wait3A_37 = arith.constant 0 : i32
        %dma_wait3A_38 = tpu.memref_slice %arg8[%dma_wait3A_36, %dma_wait3A_37] : memref<10240x128xf32, #tpu.memory_space<vmem_shared>> -> memref<10240x128xf32, #tpu.memory_space<vmem_shared>>
        tpu.wait_indirect_dma semaphore(%run_scoped3A_28 : memref<!tpu.dma_semaphore, #tpu.memory_space<semaphore_mem>>) src(%arg7 : memref<128x128xf32, #tpu.memory_space<vmem>>) dst(%dma_wait3A_38 : memref<10240x128xf32, #tpu.memory_space<vmem_shared>>)
        tpu.yield
      }) : () -> ()
      %run_scoped3A_17 = arith.constant 5 : i32
      "tpu.region"() ({
        %run_scoped3A_28 = tpu.sem_alloc : memref<!tpu.dma_semaphore, #tpu.memory_space<semaphore_mem>>
        %dma_start3A = arith.constant 0 : i32
        %dma_start3A_29 = tpu.memref_slice %arg6[%run_scoped3A_17, %dma_start3A] : memref<16x128xi32, #tpu.memory_space<vmem>> -> memref<1x128xi32, #tpu.memory_space<vmem>>
        %dma_start3A_30 = tpu.memref_squeeze %dma_start3A_29 : memref<1x128xi32, #tpu.memory_space<vmem>> -> memref<128xi32, #tpu.memory_space<vmem>>
        %dma_start3A_31 = arith.constant 0 : i32
        %dma_start3A_32 = arith.constant 0 : i32
        %dma_start3A_33 = tpu.memref_slice %arg8[%dma_start3A_31, %dma_start3A_32] : memref<10240x128xf32, #tpu.memory_space<vmem_shared>> -> memref<10240x128xf32, #tpu.memory_space<vmem_shared>>
        tpu.enqueue_indirect_dma source(%arg7 : memref<128x128xf32, #tpu.memory_space<vmem>>) target(%dma_start3A_33 : memref<10240x128xf32, #tpu.memory_space<vmem_shared>>) offsets(%dma_start3A_30 : memref<128xi32, #tpu.memory_space<vmem>>) semaphore(%run_scoped3A_28 : memref<!tpu.dma_semaphore, #tpu.memory_space<semaphore_mem>>) {add = true}
        %dma_wait3A = arith.constant 0 : i32
        %dma_wait3A_34 = tpu.memref_slice %arg6[%run_scoped3A_17, %dma_wait3A] : memref<16x128xi32, #tpu.memory_space<vmem>> -> memref<1x128xi32, #tpu.memory_space<vmem>>
        %dma_wait3A_35 = tpu.memref_squeeze %dma_wait3A_34 : memref<1x128xi32, #tpu.memory_space<vmem>> -> memref<128xi32, #tpu.memory_space<vmem>>
        %dma_wait3A_36 = arith.constant 0 : i32
        %dma_wait3A_37 = arith.constant 0 : i32
        %dma_wait3A_38 = tpu.memref_slice %arg8[%dma_wait3A_36, %dma_wait3A_37] : memref<10240x128xf32, #tpu.memory_space<vmem_shared>> -> memref<10240x128xf32, #tpu.memory_space<vmem_shared>>
        tpu.wait_indirect_dma semaphore(%run_scoped3A_28 : memref<!tpu.dma_semaphore, #tpu.memory_space<semaphore_mem>>) src(%arg7 : memref<128x128xf32, #tpu.memory_space<vmem>>) dst(%dma_wait3A_38 : memref<10240x128xf32, #tpu.memory_space<vmem_shared>>)
        tpu.yield
      }) : () -> ()
      %run_scoped3A_18 = arith.constant 6 : i32
      "tpu.region"() ({
        %run_scoped3A_28 = tpu.sem_alloc : memref<!tpu.dma_semaphore, #tpu.memory_space<semaphore_mem>>
        %dma_start3A = arith.constant 0 : i32
        %dma_start3A_29 = tpu.memref_slice %arg6[%run_scoped3A_18, %dma_start3A] : memref<16x128xi32, #tpu.memory_space<vmem>> -> memref<1x128xi32, #tpu.memory_space<vmem>>
        %dma_start3A_30 = tpu.memref_squeeze %dma_start3A_29 : memref<1x128xi32, #tpu.memory_space<vmem>> -> memref<128xi32, #tpu.memory_space<vmem>>
        %dma_start3A_31 = arith.constant 0 : i32
        %dma_start3A_32 = arith.constant 0 : i32
        %dma_start3A_33 = tpu.memref_slice %arg8[%dma_start3A_31, %dma_start3A_32] : memref<10240x128xf32, #tpu.memory_space<vmem_shared>> -> memref<10240x128xf32, #tpu.memory_space<vmem_shared>>
        tpu.enqueue_indirect_dma source(%arg7 : memref<128x128xf32, #tpu.memory_space<vmem>>) target(%dma_start3A_33 : memref<10240x128xf32, #tpu.memory_space<vmem_shared>>) offsets(%dma_start3A_30 : memref<128xi32, #tpu.memory_space<vmem>>) semaphore(%run_scoped3A_28 : memref<!tpu.dma_semaphore, #tpu.memory_space<semaphore_mem>>) {add = true}
        %dma_wait3A = arith.constant 0 : i32
        %dma_wait3A_34 = tpu.memref_slice %arg6[%run_scoped3A_18, %dma_wait3A] : memref<16x128xi32, #tpu.memory_space<vmem>> -> memref<1x128xi32, #tpu.memory_space<vmem>>
        %dma_wait3A_35 = tpu.memref_squeeze %dma_wait3A_34 : memref<1x128xi32, #tpu.memory_space<vmem>> -> memref<128xi32, #tpu.memory_space<vmem>>
        %dma_wait3A_36 = arith.constant 0 : i32
        %dma_wait3A_37 = arith.constant 0 : i32
        %dma_wait3A_38 = tpu.memref_slice %arg8[%dma_wait3A_36, %dma_wait3A_37] : memref<10240x128xf32, #tpu.memory_space<vmem_shared>> -> memref<10240x128xf32, #tpu.memory_space<vmem_shared>>
        tpu.wait_indirect_dma semaphore(%run_scoped3A_28 : memref<!tpu.dma_semaphore, #tpu.memory_space<semaphore_mem>>) src(%arg7 : memref<128x128xf32, #tpu.memory_space<vmem>>) dst(%dma_wait3A_38 : memref<10240x128xf32, #tpu.memory_space<vmem_shared>>)
        tpu.yield
      }) : () -> ()
      %run_scoped3A_19 = arith.constant 7 : i32
      "tpu.region"() ({
        %run_scoped3A_28 = tpu.sem_alloc : memref<!tpu.dma_semaphore, #tpu.memory_space<semaphore_mem>>
        %dma_start3A = arith.constant 0 : i32
        %dma_start3A_29 = tpu.memref_slice %arg6[%run_scoped3A_19, %dma_start3A] : memref<16x128xi32, #tpu.memory_space<vmem>> -> memref<1x128xi32, #tpu.memory_space<vmem>>
        %dma_start3A_30 = tpu.memref_squeeze %dma_start3A_29 : memref<1x128xi32, #tpu.memory_space<vmem>> -> memref<128xi32, #tpu.memory_space<vmem>>
        %dma_start3A_31 = arith.constant 0 : i32
        %dma_start3A_32 = arith.constant 0 : i32
        %dma_start3A_33 = tpu.memref_slice %arg8[%dma_start3A_31, %dma_start3A_32] : memref<10240x128xf32, #tpu.memory_space<vmem_shared>> -> memref<10240x128xf32, #tpu.memory_space<vmem_shared>>
        tpu.enqueue_indirect_dma source(%arg7 : memref<128x128xf32, #tpu.memory_space<vmem>>) target(%dma_start3A_33 : memref<10240x128xf32, #tpu.memory_space<vmem_shared>>) offsets(%dma_start3A_30 : memref<128xi32, #tpu.memory_space<vmem>>) semaphore(%run_scoped3A_28 : memref<!tpu.dma_semaphore, #tpu.memory_space<semaphore_mem>>) {add = true}
        %dma_wait3A = arith.constant 0 : i32
        %dma_wait3A_34 = tpu.memref_slice %arg6[%run_scoped3A_19, %dma_wait3A] : memref<16x128xi32, #tpu.memory_space<vmem>> -> memref<1x128xi32, #tpu.memory_space<vmem>>
        %dma_wait3A_35 = tpu.memref_squeeze %dma_wait3A_34 : memref<1x128xi32, #tpu.memory_space<vmem>> -> memref<128xi32, #tpu.memory_space<vmem>>
        %dma_wait3A_36 = arith.constant 0 : i32
        %dma_wait3A_37 = arith.constant 0 : i32
        %dma_wait3A_38 = tpu.memref_slice %arg8[%dma_wait3A_36, %dma_wait3A_37] : memref<10240x128xf32, #tpu.memory_space<vmem_shared>> -> memref<10240x128xf32, #tpu.memory_space<vmem_shared>>
        tpu.wait_indirect_dma semaphore(%run_scoped3A_28 : memref<!tpu.dma_semaphore, #tpu.memory_space<semaphore_mem>>) src(%arg7 : memref<128x128xf32, #tpu.memory_space<vmem>>) dst(%dma_wait3A_38 : memref<10240x128xf32, #tpu.memory_space<vmem_shared>>)
        tpu.yield
      }) : () -> ()
      %run_scoped3A_20 = arith.constant 8 : i32
      "tpu.region"() ({
        %run_scoped3A_28 = tpu.sem_alloc : memref<!tpu.dma_semaphore, #tpu.memory_space<semaphore_mem>>
        %dma_start3A = arith.constant 0 : i32
        %dma_start3A_29 = tpu.memref_slice %arg6[%run_scoped3A_20, %dma_start3A] : memref<16x128xi32, #tpu.memory_space<vmem>> -> memref<1x128xi32, #tpu.memory_space<vmem>>
        %dma_start3A_30 = tpu.memref_squeeze %dma_start3A_29 : memref<1x128xi32, #tpu.memory_space<vmem>> -> memref<128xi32, #tpu.memory_space<vmem>>
        %dma_start3A_31 = arith.constant 0 : i32
        %dma_start3A_32 = arith.constant 0 : i32
        %dma_start3A_33 = tpu.memref_slice %arg8[%dma_start3A_31, %dma_start3A_32] : memref<10240x128xf32, #tpu.memory_space<vmem_shared>> -> memref<10240x128xf32, #tpu.memory_space<vmem_shared>>
        tpu.enqueue_indirect_dma source(%arg7 : memref<128x128xf32, #tpu.memory_space<vmem>>) target(%dma_start3A_33 : memref<10240x128xf32, #tpu.memory_space<vmem_shared>>) offsets(%dma_start3A_30 : memref<128xi32, #tpu.memory_space<vmem>>) semaphore(%run_scoped3A_28 : memref<!tpu.dma_semaphore, #tpu.memory_space<semaphore_mem>>) {add = true}
        %dma_wait3A = arith.constant 0 : i32
        %dma_wait3A_34 = tpu.memref_slice %arg6[%run_scoped3A_20, %dma_wait3A] : memref<16x128xi32, #tpu.memory_space<vmem>> -> memref<1x128xi32, #tpu.memory_space<vmem>>
        %dma_wait3A_35 = tpu.memref_squeeze %dma_wait3A_34 : memref<1x128xi32, #tpu.memory_space<vmem>> -> memref<128xi32, #tpu.memory_space<vmem>>
        %dma_wait3A_36 = arith.constant 0 : i32
        %dma_wait3A_37 = arith.constant 0 : i32
        %dma_wait3A_38 = tpu.memref_slice %arg8[%dma_wait3A_36, %dma_wait3A_37] : memref<10240x128xf32, #tpu.memory_space<vmem_shared>> -> memref<10240x128xf32, #tpu.memory_space<vmem_shared>>
        tpu.wait_indirect_dma semaphore(%run_scoped3A_28 : memref<!tpu.dma_semaphore, #tpu.memory_space<semaphore_mem>>) src(%arg7 : memref<128x128xf32, #tpu.memory_space<vmem>>) dst(%dma_wait3A_38 : memref<10240x128xf32, #tpu.memory_space<vmem_shared>>)
        tpu.yield
      }) : () -> ()
      %run_scoped3A_21 = arith.constant 9 : i32
      "tpu.region"() ({
        %run_scoped3A_28 = tpu.sem_alloc : memref<!tpu.dma_semaphore, #tpu.memory_space<semaphore_mem>>
        %dma_start3A = arith.constant 0 : i32
        %dma_start3A_29 = tpu.memref_slice %arg6[%run_scoped3A_21, %dma_start3A] : memref<16x128xi32, #tpu.memory_space<vmem>> -> memref<1x128xi32, #tpu.memory_space<vmem>>
        %dma_start3A_30 = tpu.memref_squeeze %dma_start3A_29 : memref<1x128xi32, #tpu.memory_space<vmem>> -> memref<128xi32, #tpu.memory_space<vmem>>
        %dma_start3A_31 = arith.constant 0 : i32
        %dma_start3A_32 = arith.constant 0 : i32
        %dma_start3A_33 = tpu.memref_slice %arg8[%dma_start3A_31, %dma_start3A_32] : memref<10240x128xf32, #tpu.memory_space<vmem_shared>> -> memref<10240x128xf32, #tpu.memory_space<vmem_shared>>
        tpu.enqueue_indirect_dma source(%arg7 : memref<128x128xf32, #tpu.memory_space<vmem>>) target(%dma_start3A_33 : memref<10240x128xf32, #tpu.memory_space<vmem_shared>>) offsets(%dma_start3A_30 : memref<128xi32, #tpu.memory_space<vmem>>) semaphore(%run_scoped3A_28 : memref<!tpu.dma_semaphore, #tpu.memory_space<semaphore_mem>>) {add = true}
        %dma_wait3A = arith.constant 0 : i32
        %dma_wait3A_34 = tpu.memref_slice %arg6[%run_scoped3A_21, %dma_wait3A] : memref<16x128xi32, #tpu.memory_space<vmem>> -> memref<1x128xi32, #tpu.memory_space<vmem>>
        %dma_wait3A_35 = tpu.memref_squeeze %dma_wait3A_34 : memref<1x128xi32, #tpu.memory_space<vmem>> -> memref<128xi32, #tpu.memory_space<vmem>>
        %dma_wait3A_36 = arith.constant 0 : i32
        %dma_wait3A_37 = arith.constant 0 : i32
        %dma_wait3A_38 = tpu.memref_slice %arg8[%dma_wait3A_36, %dma_wait3A_37] : memref<10240x128xf32, #tpu.memory_space<vmem_shared>> -> memref<10240x128xf32, #tpu.memory_space<vmem_shared>>
        tpu.wait_indirect_dma semaphore(%run_scoped3A_28 : memref<!tpu.dma_semaphore, #tpu.memory_space<semaphore_mem>>) src(%arg7 : memref<128x128xf32, #tpu.memory_space<vmem>>) dst(%dma_wait3A_38 : memref<10240x128xf32, #tpu.memory_space<vmem_shared>>)
        tpu.yield
      }) : () -> ()
      %run_scoped3A_22 = arith.constant 10 : i32
      "tpu.region"() ({
        %run_scoped3A_28 = tpu.sem_alloc : memref<!tpu.dma_semaphore, #tpu.memory_space<semaphore_mem>>
        %dma_start3A = arith.constant 0 : i32
        %dma_start3A_29 = tpu.memref_slice %arg6[%run_scoped3A_22, %dma_start3A] : memref<16x128xi32, #tpu.memory_space<vmem>> -> memref<1x128xi32, #tpu.memory_space<vmem>>
        %dma_start3A_30 = tpu.memref_squeeze %dma_start3A_29 : memref<1x128xi32, #tpu.memory_space<vmem>> -> memref<128xi32, #tpu.memory_space<vmem>>
        %dma_start3A_31 = arith.constant 0 : i32
        %dma_start3A_32 = arith.constant 0 : i32
        %dma_start3A_33 = tpu.memref_slice %arg8[%dma_start3A_31, %dma_start3A_32] : memref<10240x128xf32, #tpu.memory_space<vmem_shared>> -> memref<10240x128xf32, #tpu.memory_space<vmem_shared>>
        tpu.enqueue_indirect_dma source(%arg7 : memref<128x128xf32, #tpu.memory_space<vmem>>) target(%dma_start3A_33 : memref<10240x128xf32, #tpu.memory_space<vmem_shared>>) offsets(%dma_start3A_30 : memref<128xi32, #tpu.memory_space<vmem>>) semaphore(%run_scoped3A_28 : memref<!tpu.dma_semaphore, #tpu.memory_space<semaphore_mem>>) {add = true}
        %dma_wait3A = arith.constant 0 : i32
        %dma_wait3A_34 = tpu.memref_slice %arg6[%run_scoped3A_22, %dma_wait3A] : memref<16x128xi32, #tpu.memory_space<vmem>> -> memref<1x128xi32, #tpu.memory_space<vmem>>
        %dma_wait3A_35 = tpu.memref_squeeze %dma_wait3A_34 : memref<1x128xi32, #tpu.memory_space<vmem>> -> memref<128xi32, #tpu.memory_space<vmem>>
        %dma_wait3A_36 = arith.constant 0 : i32
        %dma_wait3A_37 = arith.constant 0 : i32
        %dma_wait3A_38 = tpu.memref_slice %arg8[%dma_wait3A_36, %dma_wait3A_37] : memref<10240x128xf32, #tpu.memory_space<vmem_shared>> -> memref<10240x128xf32, #tpu.memory_space<vmem_shared>>
        tpu.wait_indirect_dma semaphore(%run_scoped3A_28 : memref<!tpu.dma_semaphore, #tpu.memory_space<semaphore_mem>>) src(%arg7 : memref<128x128xf32, #tpu.memory_space<vmem>>) dst(%dma_wait3A_38 : memref<10240x128xf32, #tpu.memory_space<vmem_shared>>)
        tpu.yield
      }) : () -> ()
      %run_scoped3A_23 = arith.constant 11 : i32
      "tpu.region"() ({
        %run_scoped3A_28 = tpu.sem_alloc : memref<!tpu.dma_semaphore, #tpu.memory_space<semaphore_mem>>
        %dma_start3A = arith.constant 0 : i32
        %dma_start3A_29 = tpu.memref_slice %arg6[%run_scoped3A_23, %dma_start3A] : memref<16x128xi32, #tpu.memory_space<vmem>> -> memref<1x128xi32, #tpu.memory_space<vmem>>
        %dma_start3A_30 = tpu.memref_squeeze %dma_start3A_29 : memref<1x128xi32, #tpu.memory_space<vmem>> -> memref<128xi32, #tpu.memory_space<vmem>>
        %dma_start3A_31 = arith.constant 0 : i32
        %dma_start3A_32 = arith.constant 0 : i32
        %dma_start3A_33 = tpu.memref_slice %arg8[%dma_start3A_31, %dma_start3A_32] : memref<10240x128xf32, #tpu.memory_space<vmem_shared>> -> memref<10240x128xf32, #tpu.memory_space<vmem_shared>>
        tpu.enqueue_indirect_dma source(%arg7 : memref<128x128xf32, #tpu.memory_space<vmem>>) target(%dma_start3A_33 : memref<10240x128xf32, #tpu.memory_space<vmem_shared>>) offsets(%dma_start3A_30 : memref<128xi32, #tpu.memory_space<vmem>>) semaphore(%run_scoped3A_28 : memref<!tpu.dma_semaphore, #tpu.memory_space<semaphore_mem>>) {add = true}
        %dma_wait3A = arith.constant 0 : i32
        %dma_wait3A_34 = tpu.memref_slice %arg6[%run_scoped3A_23, %dma_wait3A] : memref<16x128xi32, #tpu.memory_space<vmem>> -> memref<1x128xi32, #tpu.memory_space<vmem>>
        %dma_wait3A_35 = tpu.memref_squeeze %dma_wait3A_34 : memref<1x128xi32, #tpu.memory_space<vmem>> -> memref<128xi32, #tpu.memory_space<vmem>>
        %dma_wait3A_36 = arith.constant 0 : i32
        %dma_wait3A_37 = arith.constant 0 : i32
        %dma_wait3A_38 = tpu.memref_slice %arg8[%dma_wait3A_36, %dma_wait3A_37] : memref<10240x128xf32, #tpu.memory_space<vmem_shared>> -> memref<10240x128xf32, #tpu.memory_space<vmem_shared>>
        tpu.wait_indirect_dma semaphore(%run_scoped3A_28 : memref<!tpu.dma_semaphore, #tpu.memory_space<semaphore_mem>>) src(%arg7 : memref<128x128xf32, #tpu.memory_space<vmem>>) dst(%dma_wait3A_38 : memref<10240x128xf32, #tpu.memory_space<vmem_shared>>)
        tpu.yield
      }) : () -> ()
      %run_scoped3A_24 = arith.constant 12 : i32
      "tpu.region"() ({
        %run_scoped3A_28 = tpu.sem_alloc : memref<!tpu.dma_semaphore, #tpu.memory_space<semaphore_mem>>
        %dma_start3A = arith.constant 0 : i32
        %dma_start3A_29 = tpu.memref_slice %arg6[%run_scoped3A_24, %dma_start3A] : memref<16x128xi32, #tpu.memory_space<vmem>> -> memref<1x128xi32, #tpu.memory_space<vmem>>
        %dma_start3A_30 = tpu.memref_squeeze %dma_start3A_29 : memref<1x128xi32, #tpu.memory_space<vmem>> -> memref<128xi32, #tpu.memory_space<vmem>>
        %dma_start3A_31 = arith.constant 0 : i32
        %dma_start3A_32 = arith.constant 0 : i32
        %dma_start3A_33 = tpu.memref_slice %arg8[%dma_start3A_31, %dma_start3A_32] : memref<10240x128xf32, #tpu.memory_space<vmem_shared>> -> memref<10240x128xf32, #tpu.memory_space<vmem_shared>>
        tpu.enqueue_indirect_dma source(%arg7 : memref<128x128xf32, #tpu.memory_space<vmem>>) target(%dma_start3A_33 : memref<10240x128xf32, #tpu.memory_space<vmem_shared>>) offsets(%dma_start3A_30 : memref<128xi32, #tpu.memory_space<vmem>>) semaphore(%run_scoped3A_28 : memref<!tpu.dma_semaphore, #tpu.memory_space<semaphore_mem>>) {add = true}
        %dma_wait3A = arith.constant 0 : i32
        %dma_wait3A_34 = tpu.memref_slice %arg6[%run_scoped3A_24, %dma_wait3A] : memref<16x128xi32, #tpu.memory_space<vmem>> -> memref<1x128xi32, #tpu.memory_space<vmem>>
        %dma_wait3A_35 = tpu.memref_squeeze %dma_wait3A_34 : memref<1x128xi32, #tpu.memory_space<vmem>> -> memref<128xi32, #tpu.memory_space<vmem>>
        %dma_wait3A_36 = arith.constant 0 : i32
        %dma_wait3A_37 = arith.constant 0 : i32
        %dma_wait3A_38 = tpu.memref_slice %arg8[%dma_wait3A_36, %dma_wait3A_37] : memref<10240x128xf32, #tpu.memory_space<vmem_shared>> -> memref<10240x128xf32, #tpu.memory_space<vmem_shared>>
        tpu.wait_indirect_dma semaphore(%run_scoped3A_28 : memref<!tpu.dma_semaphore, #tpu.memory_space<semaphore_mem>>) src(%arg7 : memref<128x128xf32, #tpu.memory_space<vmem>>) dst(%dma_wait3A_38 : memref<10240x128xf32, #tpu.memory_space<vmem_shared>>)
        tpu.yield
      }) : () -> ()
      %run_scoped3A_25 = arith.constant 13 : i32
      "tpu.region"() ({
        %run_scoped3A_28 = tpu.sem_alloc : memref<!tpu.dma_semaphore, #tpu.memory_space<semaphore_mem>>
        %dma_start3A = arith.constant 0 : i32
        %dma_start3A_29 = tpu.memref_slice %arg6[%run_scoped3A_25, %dma_start3A] : memref<16x128xi32, #tpu.memory_space<vmem>> -> memref<1x128xi32, #tpu.memory_space<vmem>>
        %dma_start3A_30 = tpu.memref_squeeze %dma_start3A_29 : memref<1x128xi32, #tpu.memory_space<vmem>> -> memref<128xi32, #tpu.memory_space<vmem>>
        %dma_start3A_31 = arith.constant 0 : i32
        %dma_start3A_32 = arith.constant 0 : i32
        %dma_start3A_33 = tpu.memref_slice %arg8[%dma_start3A_31, %dma_start3A_32] : memref<10240x128xf32, #tpu.memory_space<vmem_shared>> -> memref<10240x128xf32, #tpu.memory_space<vmem_shared>>
        tpu.enqueue_indirect_dma source(%arg7 : memref<128x128xf32, #tpu.memory_space<vmem>>) target(%dma_start3A_33 : memref<10240x128xf32, #tpu.memory_space<vmem_shared>>) offsets(%dma_start3A_30 : memref<128xi32, #tpu.memory_space<vmem>>) semaphore(%run_scoped3A_28 : memref<!tpu.dma_semaphore, #tpu.memory_space<semaphore_mem>>) {add = true}
        %dma_wait3A = arith.constant 0 : i32
        %dma_wait3A_34 = tpu.memref_slice %arg6[%run_scoped3A_25, %dma_wait3A] : memref<16x128xi32, #tpu.memory_space<vmem>> -> memref<1x128xi32, #tpu.memory_space<vmem>>
        %dma_wait3A_35 = tpu.memref_squeeze %dma_wait3A_34 : memref<1x128xi32, #tpu.memory_space<vmem>> -> memref<128xi32, #tpu.memory_space<vmem>>
        %dma_wait3A_36 = arith.constant 0 : i32
        %dma_wait3A_37 = arith.constant 0 : i32
        %dma_wait3A_38 = tpu.memref_slice %arg8[%dma_wait3A_36, %dma_wait3A_37] : memref<10240x128xf32, #tpu.memory_space<vmem_shared>> -> memref<10240x128xf32, #tpu.memory_space<vmem_shared>>
        tpu.wait_indirect_dma semaphore(%run_scoped3A_28 : memref<!tpu.dma_semaphore, #tpu.memory_space<semaphore_mem>>) src(%arg7 : memref<128x128xf32, #tpu.memory_space<vmem>>) dst(%dma_wait3A_38 : memref<10240x128xf32, #tpu.memory_space<vmem_shared>>)
        tpu.yield
      }) : () -> ()
      %run_scoped3A_26 = arith.constant 14 : i32
      "tpu.region"() ({
        %run_scoped3A_28 = tpu.sem_alloc : memref<!tpu.dma_semaphore, #tpu.memory_space<semaphore_mem>>
        %dma_start3A = arith.constant 0 : i32
        %dma_start3A_29 = tpu.memref_slice %arg6[%run_scoped3A_26, %dma_start3A] : memref<16x128xi32, #tpu.memory_space<vmem>> -> memref<1x128xi32, #tpu.memory_space<vmem>>
        %dma_start3A_30 = tpu.memref_squeeze %dma_start3A_29 : memref<1x128xi32, #tpu.memory_space<vmem>> -> memref<128xi32, #tpu.memory_space<vmem>>
        %dma_start3A_31 = arith.constant 0 : i32
        %dma_start3A_32 = arith.constant 0 : i32
        %dma_start3A_33 = tpu.memref_slice %arg8[%dma_start3A_31, %dma_start3A_32] : memref<10240x128xf32, #tpu.memory_space<vmem_shared>> -> memref<10240x128xf32, #tpu.memory_space<vmem_shared>>
        tpu.enqueue_indirect_dma source(%arg7 : memref<128x128xf32, #tpu.memory_space<vmem>>) target(%dma_start3A_33 : memref<10240x128xf32, #tpu.memory_space<vmem_shared>>) offsets(%dma_start3A_30 : memref<128xi32, #tpu.memory_space<vmem>>) semaphore(%run_scoped3A_28 : memref<!tpu.dma_semaphore, #tpu.memory_space<semaphore_mem>>) {add = true}
        %dma_wait3A = arith.constant 0 : i32
        %dma_wait3A_34 = tpu.memref_slice %arg6[%run_scoped3A_26, %dma_wait3A] : memref<16x128xi32, #tpu.memory_space<vmem>> -> memref<1x128xi32, #tpu.memory_space<vmem>>
        %dma_wait3A_35 = tpu.memref_squeeze %dma_wait3A_34 : memref<1x128xi32, #tpu.memory_space<vmem>> -> memref<128xi32, #tpu.memory_space<vmem>>
        %dma_wait3A_36 = arith.constant 0 : i32
        %dma_wait3A_37 = arith.constant 0 : i32
        %dma_wait3A_38 = tpu.memref_slice %arg8[%dma_wait3A_36, %dma_wait3A_37] : memref<10240x128xf32, #tpu.memory_space<vmem_shared>> -> memref<10240x128xf32, #tpu.memory_space<vmem_shared>>
        tpu.wait_indirect_dma semaphore(%run_scoped3A_28 : memref<!tpu.dma_semaphore, #tpu.memory_space<semaphore_mem>>) src(%arg7 : memref<128x128xf32, #tpu.memory_space<vmem>>) dst(%dma_wait3A_38 : memref<10240x128xf32, #tpu.memory_space<vmem_shared>>)
        tpu.yield
      }) : () -> ()
      %run_scoped3A_27 = arith.constant 15 : i32
      "tpu.region"() ({
        %run_scoped3A_28 = tpu.sem_alloc : memref<!tpu.dma_semaphore, #tpu.memory_space<semaphore_mem>>
        %dma_start3A = arith.constant 0 : i32
        %dma_start3A_29 = tpu.memref_slice %arg6[%run_scoped3A_27, %dma_start3A] : memref<16x128xi32, #tpu.memory_space<vmem>> -> memref<1x128xi32, #tpu.memory_space<vmem>>
        %dma_start3A_30 = tpu.memref_squeeze %dma_start3A_29 : memref<1x128xi32, #tpu.memory_space<vmem>> -> memref<128xi32, #tpu.memory_space<vmem>>
        %dma_start3A_31 = arith.constant 0 : i32
        %dma_start3A_32 = arith.constant 0 : i32
        %dma_start3A_33 = tpu.memref_slice %arg8[%dma_start3A_31, %dma_start3A_32] : memref<10240x128xf32, #tpu.memory_space<vmem_shared>> -> memref<10240x128xf32, #tpu.memory_space<vmem_shared>>
        tpu.enqueue_indirect_dma source(%arg7 : memref<128x128xf32, #tpu.memory_space<vmem>>) target(%dma_start3A_33 : memref<10240x128xf32, #tpu.memory_space<vmem_shared>>) offsets(%dma_start3A_30 : memref<128xi32, #tpu.memory_space<vmem>>) semaphore(%run_scoped3A_28 : memref<!tpu.dma_semaphore, #tpu.memory_space<semaphore_mem>>) {add = true}
        %dma_wait3A = arith.constant 0 : i32
        %dma_wait3A_34 = tpu.memref_slice %arg6[%run_scoped3A_27, %dma_wait3A] : memref<16x128xi32, #tpu.memory_space<vmem>> -> memref<1x128xi32, #tpu.memory_space<vmem>>
        %dma_wait3A_35 = tpu.memref_squeeze %dma_wait3A_34 : memref<1x128xi32, #tpu.memory_space<vmem>> -> memref<128xi32, #tpu.memory_space<vmem>>
        %dma_wait3A_36 = arith.constant 0 : i32
        %dma_wait3A_37 = arith.constant 0 : i32
        %dma_wait3A_38 = tpu.memref_slice %arg8[%dma_wait3A_36, %dma_wait3A_37] : memref<10240x128xf32, #tpu.memory_space<vmem_shared>> -> memref<10240x128xf32, #tpu.memory_space<vmem_shared>>
        tpu.wait_indirect_dma semaphore(%run_scoped3A_28 : memref<!tpu.dma_semaphore, #tpu.memory_space<semaphore_mem>>) src(%arg7 : memref<128x128xf32, #tpu.memory_space<vmem>>) dst(%dma_wait3A_38 : memref<10240x128xf32, #tpu.memory_space<vmem_shared>>)
        tpu.yield
      }) : () -> ()
    }
    %scan3A_7 = arith.constant 5 : i32
    %barrier3A_8 = arith.constant 0 : index
    tpu.barrier barrier_id(%barrier3A_8)
    "tpu.region"() ({
      %run_scoped3A = tpu.sem_alloc : memref<!tpu.dma_semaphore, #tpu.memory_space<semaphore_mem>>
      %dma_start3A = arith.constant 0 : i32
      %dma_start3A_9 = tpu.memref_slice %arg5[%arg0, %mul3A_2, %dma_start3A] : memref<2x10240x128xf32, #tpu.memory_space<hbm>> -> memref<1x640x128xf32, #tpu.memory_space<hbm>>
      %dma_start3A_10 = tpu.memref_squeeze %dma_start3A_9 : memref<1x640x128xf32, #tpu.memory_space<hbm>> -> memref<640x128xf32, #tpu.memory_space<hbm>>
      %dma_start3A_11 = arith.constant 0 : i32
      %dma_start3A_12 = tpu.memref_slice %arg8[%mul3A_2, %dma_start3A_11] : memref<10240x128xf32, #tpu.memory_space<vmem_shared>> -> memref<640x128xf32, #tpu.memory_space<vmem_shared>>
      tpu.enqueue_dma source(%dma_start3A_12 : memref<640x128xf32, #tpu.memory_space<vmem_shared>>) target(%dma_start3A_10 : memref<640x128xf32, #tpu.memory_space<hbm>>) target_semaphore(%run_scoped3A : memref<!tpu.dma_semaphore, #tpu.memory_space<semaphore_mem>>)
      %dma_wait3A = arith.constant 0 : i32
      %dma_wait3A_13 = tpu.memref_slice %arg5[%arg0, %mul3A_2, %dma_wait3A] : memref<2x10240x128xf32, #tpu.memory_space<hbm>> -> memref<1x640x128xf32, #tpu.memory_space<hbm>>
      %dma_wait3A_14 = tpu.memref_squeeze %dma_wait3A_13 : memref<1x640x128xf32, #tpu.memory_space<hbm>> -> memref<640x128xf32, #tpu.memory_space<hbm>>
      %dma_wait3A_15 = arith.constant 0 : i32
      %dma_wait3A_16 = tpu.memref_slice %arg8[%mul3A_2, %dma_wait3A_15] : memref<10240x128xf32, #tpu.memory_space<vmem_shared>> -> memref<640x128xf32, #tpu.memory_space<vmem_shared>>
      tpu.wait_dma2 semaphore(%run_scoped3A : memref<!tpu.dma_semaphore, #tpu.memory_space<semaphore_mem>>) src(%dma_wait3A_16 : memref<640x128xf32, #tpu.memory_space<vmem_shared>>) dst(%dma_wait3A_14 : memref<640x128xf32, #tpu.memory_space<hbm>>)
      tpu.yield
    }) : () -> ()
    return
  }
}

#map = affine_map<(d0, d1) -> (0, 0)>
#map1 = affine_map<(d0, d1) -> (0, 0, 0)>
module attributes {stable_mosaic.version = 14 : i64} {
  func.func @body(%arg0: i32, %arg1: i32, %arg2: memref<10240x128xf32, #tpu.memory_space<hbm>>, %arg3: memref<160x16x128xi32, #tpu.memory_space<hbm>>, %arg4: memref<160x16x128xi32, #tpu.memory_space<hbm>>, %arg5: memref<10240x128xf32, #tpu.memory_space<hbm>>, %arg6: memref<2x10240x128xf32, #tpu.memory_space<hbm>>, %arg7: memref<16x128xi32, #tpu.memory_space<vmem>>, %arg8: memref<16x128xi32, #tpu.memory_space<vmem>>, %arg9: memref<128x128xf32, #tpu.memory_space<vmem>>, %arg10: memref<!tpu.dma_semaphore, #tpu.memory_space<semaphore_mem>>, %arg11: memref<10240x128xf32, #tpu.memory_space<vmem_shared>>) attributes {dimension_semantics = [#tpu.dimension_semantics<core_parallel>, #tpu.dimension_semantics<subcore_parallel>], iteration_bounds = array<i64: 2, 16>, scalar_prefetch = 0 : i64, scratch_operands = 5 : i64, tpu.core_type = #tpu.core_type<sc_vector_subcore>, window_params = [{transform_indices = #map}, {transform_indices = #map1}, {transform_indices = #map1}, {transform_indices = #map}, {transform_indices = #map1}]} {
    %mul3A = arith.constant 640 : i32
    %mul3A_0 = arith.muli %arg1, %mul3A : i32
    "tpu.region"() ({
      %run_scoped3A = tpu.sem_alloc : memref<!tpu.dma_semaphore, #tpu.memory_space<semaphore_mem>>
      %dma_start3A = arith.constant 0 : i32
      %dma_start3A_21 = tpu.memref_slice %arg11[%mul3A_0, %dma_start3A] : memref<10240x128xf32, #tpu.memory_space<vmem_shared>> -> memref<640x128xf32, #tpu.memory_space<vmem_shared>>
      %dma_start3A_22 = arith.constant 0 : i32
      %dma_start3A_23 = tpu.memref_slice %arg5[%mul3A_0, %dma_start3A_22] : memref<10240x128xf32, #tpu.memory_space<hbm>> -> memref<640x128xf32, #tpu.memory_space<hbm>>
      tpu.enqueue_dma source(%dma_start3A_23 : memref<640x128xf32, #tpu.memory_space<hbm>>) target(%dma_start3A_21 : memref<640x128xf32, #tpu.memory_space<vmem_shared>>) target_semaphore(%run_scoped3A : memref<!tpu.dma_semaphore, #tpu.memory_space<semaphore_mem>>)
      %dma_wait3A = arith.constant 0 : i32
      %dma_wait3A_24 = tpu.memref_slice %arg11[%mul3A_0, %dma_wait3A] : memref<10240x128xf32, #tpu.memory_space<vmem_shared>> -> memref<640x128xf32, #tpu.memory_space<vmem_shared>>
      %dma_wait3A_25 = arith.constant 0 : i32
      %dma_wait3A_26 = tpu.memref_slice %arg5[%mul3A_0, %dma_wait3A_25] : memref<10240x128xf32, #tpu.memory_space<hbm>> -> memref<640x128xf32, #tpu.memory_space<hbm>>
      tpu.wait_dma2 semaphore(%run_scoped3A : memref<!tpu.dma_semaphore, #tpu.memory_space<semaphore_mem>>) src(%dma_wait3A_26 : memref<640x128xf32, #tpu.memory_space<hbm>>) dst(%dma_wait3A_24 : memref<640x128xf32, #tpu.memory_space<vmem_shared>>)
      tpu.yield
    }) : () -> ()
    %barrier3A = arith.constant 0 : index
    tpu.barrier barrier_id(%barrier3A)
    %eq3A = arith.constant 0 : i32
    %eq3A_1 = arith.cmpi eq, %arg0, %eq3A : i32
    %jit3A = arith.constant 9 : i32
    %jit3A_2 = arith.constant 1 : i32
    %select_n3A = arith.select %eq3A_1, %jit3A, %jit3A_2 : i32
    %eq3A_3 = arith.constant 0 : i32
    %eq3A_4 = arith.cmpi eq, %arg0, %eq3A_3 : i32
    %mul3A_5 = arith.constant 9 : i32
    %mul3A_6 = arith.muli %arg1, %mul3A_5 : i32
    %mul3A_7 = arith.constant 1 : i32
    %mul3A_8 = arith.muli %arg1, %mul3A_7 : i32
    %add3A = arith.constant 144 : i32
    %add3A_9 = arith.addi %add3A, %mul3A_8 : i32
    %select_n3A_10 = arith.select %eq3A_4, %mul3A_6, %add3A_9 : i32
    %while3A = arith.constant 0 : i32
    %while3A_11 = arith.constant 0 : i32
    %while3A_12 = arith.subi %select_n3A, %while3A_11 : i32
    %while3A_13 = arith.addi %while3A_11, %while3A_12 : i32
    %while3A_14 = arith.constant 1 : i32
    %while3A_15 = arith.divsi %while3A_12, %while3A_14 : i32
    %while3A_16 = arith.muli %while3A_15, %while3A_14 : i32
    %while3A_17 = arith.addi %while3A_11, %while3A_16 : i32
    %while3A_18 = arith.constant 1 : i32
    scf.for %while3A_21 = %while3A_11 to %while3A_17 step %while3A_18  : i32 {
      %add3A_22 = arith.addi %select_n3A_10, %while3A_21 : i32
      "tpu.region"() ({
        %run_scoped3A_261 = tpu.sem_alloc : memref<!tpu.dma_semaphore, #tpu.memory_space<semaphore_mem>>
        %dma_start3A_262 = arith.constant 0 : i32
        %dma_start3A_263 = arith.constant 0 : i32
        %dma_start3A_264 = tpu.memref_slice %arg3[%add3A_22, %dma_start3A_262, %dma_start3A_263] : memref<160x16x128xi32, #tpu.memory_space<hbm>> -> memref<1x16x128xi32, #tpu.memory_space<hbm>>
        %dma_start3A_265 = tpu.memref_squeeze %dma_start3A_264 : memref<1x16x128xi32, #tpu.memory_space<hbm>> -> memref<16x128xi32, #tpu.memory_space<hbm>>
        %dma_start3A_266 = arith.constant 0 : i32
        %dma_start3A_267 = arith.constant 0 : i32
        %dma_start3A_268 = tpu.memref_slice %arg3[%add3A_22, %dma_start3A_266, %dma_start3A_267] : memref<160x16x128xi32, #tpu.memory_space<hbm>> -> memref<1x16x128xi32, #tpu.memory_space<hbm>>
        %dma_start3A_269 = tpu.memref_squeeze %dma_start3A_268 : memref<1x16x128xi32, #tpu.memory_space<hbm>> -> memref<16x128xi32, #tpu.memory_space<hbm>>
        tpu.enqueue_dma source(%dma_start3A_269 : memref<16x128xi32, #tpu.memory_space<hbm>>) target(%arg7 : memref<16x128xi32, #tpu.memory_space<vmem>>) target_semaphore(%run_scoped3A_261 : memref<!tpu.dma_semaphore, #tpu.memory_space<semaphore_mem>>)
        %dma_wait3A_270 = arith.constant 0 : i32
        %dma_wait3A_271 = arith.constant 0 : i32
        %dma_wait3A_272 = tpu.memref_slice %arg3[%add3A_22, %dma_wait3A_270, %dma_wait3A_271] : memref<160x16x128xi32, #tpu.memory_space<hbm>> -> memref<1x16x128xi32, #tpu.memory_space<hbm>>
        %dma_wait3A_273 = tpu.memref_squeeze %dma_wait3A_272 : memref<1x16x128xi32, #tpu.memory_space<hbm>> -> memref<16x128xi32, #tpu.memory_space<hbm>>
        %dma_wait3A_274 = arith.constant 0 : i32
        %dma_wait3A_275 = arith.constant 0 : i32
        %dma_wait3A_276 = tpu.memref_slice %arg3[%add3A_22, %dma_wait3A_274, %dma_wait3A_275] : memref<160x16x128xi32, #tpu.memory_space<hbm>> -> memref<1x16x128xi32, #tpu.memory_space<hbm>>
        %dma_wait3A_277 = tpu.memref_squeeze %dma_wait3A_276 : memref<1x16x128xi32, #tpu.memory_space<hbm>> -> memref<16x128xi32, #tpu.memory_space<hbm>>
        tpu.wait_dma2 semaphore(%run_scoped3A_261 : memref<!tpu.dma_semaphore, #tpu.memory_space<semaphore_mem>>) src(%dma_wait3A_277 : memref<16x128xi32, #tpu.memory_space<hbm>>) dst(%arg7 : memref<16x128xi32, #tpu.memory_space<vmem>>)
        tpu.yield
      }) : () -> ()
      %add3A_23 = arith.addi %select_n3A_10, %while3A_21 : i32
      "tpu.region"() ({
        %run_scoped3A_261 = tpu.sem_alloc : memref<!tpu.dma_semaphore, #tpu.memory_space<semaphore_mem>>
        %dma_start3A_262 = arith.constant 0 : i32
        %dma_start3A_263 = arith.constant 0 : i32
        %dma_start3A_264 = tpu.memref_slice %arg4[%add3A_23, %dma_start3A_262, %dma_start3A_263] : memref<160x16x128xi32, #tpu.memory_space<hbm>> -> memref<1x16x128xi32, #tpu.memory_space<hbm>>
        %dma_start3A_265 = tpu.memref_squeeze %dma_start3A_264 : memref<1x16x128xi32, #tpu.memory_space<hbm>> -> memref<16x128xi32, #tpu.memory_space<hbm>>
        %dma_start3A_266 = arith.constant 0 : i32
        %dma_start3A_267 = arith.constant 0 : i32
        %dma_start3A_268 = tpu.memref_slice %arg4[%add3A_23, %dma_start3A_266, %dma_start3A_267] : memref<160x16x128xi32, #tpu.memory_space<hbm>> -> memref<1x16x128xi32, #tpu.memory_space<hbm>>
        %dma_start3A_269 = tpu.memref_squeeze %dma_start3A_268 : memref<1x16x128xi32, #tpu.memory_space<hbm>> -> memref<16x128xi32, #tpu.memory_space<hbm>>
        tpu.enqueue_dma source(%dma_start3A_269 : memref<16x128xi32, #tpu.memory_space<hbm>>) target(%arg8 : memref<16x128xi32, #tpu.memory_space<vmem>>) target_semaphore(%run_scoped3A_261 : memref<!tpu.dma_semaphore, #tpu.memory_space<semaphore_mem>>)
        %dma_wait3A_270 = arith.constant 0 : i32
        %dma_wait3A_271 = arith.constant 0 : i32
        %dma_wait3A_272 = tpu.memref_slice %arg4[%add3A_23, %dma_wait3A_270, %dma_wait3A_271] : memref<160x16x128xi32, #tpu.memory_space<hbm>> -> memref<1x16x128xi32, #tpu.memory_space<hbm>>
        %dma_wait3A_273 = tpu.memref_squeeze %dma_wait3A_272 : memref<1x16x128xi32, #tpu.memory_space<hbm>> -> memref<16x128xi32, #tpu.memory_space<hbm>>
        %dma_wait3A_274 = arith.constant 0 : i32
        %dma_wait3A_275 = arith.constant 0 : i32
        %dma_wait3A_276 = tpu.memref_slice %arg4[%add3A_23, %dma_wait3A_274, %dma_wait3A_275] : memref<160x16x128xi32, #tpu.memory_space<hbm>> -> memref<1x16x128xi32, #tpu.memory_space<hbm>>
        %dma_wait3A_277 = tpu.memref_squeeze %dma_wait3A_276 : memref<1x16x128xi32, #tpu.memory_space<hbm>> -> memref<16x128xi32, #tpu.memory_space<hbm>>
        tpu.wait_dma2 semaphore(%run_scoped3A_261 : memref<!tpu.dma_semaphore, #tpu.memory_space<semaphore_mem>>) src(%dma_wait3A_277 : memref<16x128xi32, #tpu.memory_space<hbm>>) dst(%arg8 : memref<16x128xi32, #tpu.memory_space<vmem>>)
        tpu.yield
      }) : () -> ()
      %dma_start3A = arith.constant 0 : i32
      %dma_start3A_24 = arith.constant 0 : i32
      %dma_start3A_25 = tpu.memref_slice %arg7[%dma_start3A, %dma_start3A_24] : memref<16x128xi32, #tpu.memory_space<vmem>> -> memref<1x128xi32, #tpu.memory_space<vmem>>
      %dma_start3A_26 = tpu.memref_squeeze %dma_start3A_25 : memref<1x128xi32, #tpu.memory_space<vmem>> -> memref<128xi32, #tpu.memory_space<vmem>>
      %dma_start3A_27 = arith.constant 0 : i32
      %dma_start3A_28 = arith.constant 0 : i32
      %dma_start3A_29 = tpu.memref_slice %arg2[%dma_start3A_27, %dma_start3A_28] : memref<10240x128xf32, #tpu.memory_space<hbm>> -> memref<10240x128xf32, #tpu.memory_space<hbm>>
      tpu.enqueue_indirect_dma source(%dma_start3A_29 : memref<10240x128xf32, #tpu.memory_space<hbm>>) target(%arg9 : memref<128x128xf32, #tpu.memory_space<vmem>>) offsets(%dma_start3A_26 : memref<128xi32, #tpu.memory_space<vmem>>) semaphore(%arg10 : memref<!tpu.dma_semaphore, #tpu.memory_space<semaphore_mem>>)
      %dma_wait3A = arith.constant 0 : i32
      %dma_wait3A_30 = arith.constant 0 : i32
      %dma_wait3A_31 = tpu.memref_slice %arg7[%dma_wait3A, %dma_wait3A_30] : memref<16x128xi32, #tpu.memory_space<vmem>> -> memref<1x128xi32, #tpu.memory_space<vmem>>
      %dma_wait3A_32 = tpu.memref_squeeze %dma_wait3A_31 : memref<1x128xi32, #tpu.memory_space<vmem>> -> memref<128xi32, #tpu.memory_space<vmem>>
      %dma_wait3A_33 = arith.constant 0 : i32
      %dma_wait3A_34 = arith.constant 0 : i32
      %dma_wait3A_35 = tpu.memref_slice %arg2[%dma_wait3A_33, %dma_wait3A_34] : memref<10240x128xf32, #tpu.memory_space<hbm>> -> memref<10240x128xf32, #tpu.memory_space<hbm>>
      tpu.wait_indirect_dma semaphore(%arg10 : memref<!tpu.dma_semaphore, #tpu.memory_space<semaphore_mem>>) src(%dma_wait3A_35 : memref<10240x128xf32, #tpu.memory_space<hbm>>) dst(%arg9 : memref<128x128xf32, #tpu.memory_space<vmem>>)
      %run_scoped3A = arith.constant 0 : i32
      "tpu.region"() ({
        %run_scoped3A_261 = tpu.sem_alloc : memref<!tpu.dma_semaphore, #tpu.memory_space<semaphore_mem>>
        %dma_start3A_262 = arith.constant 0 : i32
        %dma_start3A_263 = tpu.memref_slice %arg8[%run_scoped3A, %dma_start3A_262] : memref<16x128xi32, #tpu.memory_space<vmem>> -> memref<1x128xi32, #tpu.memory_space<vmem>>
        %dma_start3A_264 = tpu.memref_squeeze %dma_start3A_263 : memref<1x128xi32, #tpu.memory_space<vmem>> -> memref<128xi32, #tpu.memory_space<vmem>>
        %dma_start3A_265 = arith.constant 0 : i32
        %dma_start3A_266 = arith.constant 0 : i32
        %dma_start3A_267 = tpu.memref_slice %arg11[%dma_start3A_265, %dma_start3A_266] : memref<10240x128xf32, #tpu.memory_space<vmem_shared>> -> memref<10240x128xf32, #tpu.memory_space<vmem_shared>>
        tpu.enqueue_indirect_dma source(%arg9 : memref<128x128xf32, #tpu.memory_space<vmem>>) target(%dma_start3A_267 : memref<10240x128xf32, #tpu.memory_space<vmem_shared>>) offsets(%dma_start3A_264 : memref<128xi32, #tpu.memory_space<vmem>>) semaphore(%run_scoped3A_261 : memref<!tpu.dma_semaphore, #tpu.memory_space<semaphore_mem>>) {add = true}
        %dma_wait3A_268 = arith.constant 0 : i32
        %dma_wait3A_269 = tpu.memref_slice %arg8[%run_scoped3A, %dma_wait3A_268] : memref<16x128xi32, #tpu.memory_space<vmem>> -> memref<1x128xi32, #tpu.memory_space<vmem>>
        %dma_wait3A_270 = tpu.memref_squeeze %dma_wait3A_269 : memref<1x128xi32, #tpu.memory_space<vmem>> -> memref<128xi32, #tpu.memory_space<vmem>>
        %dma_wait3A_271 = arith.constant 0 : i32
        %dma_wait3A_272 = arith.constant 0 : i32
        %dma_wait3A_273 = tpu.memref_slice %arg11[%dma_wait3A_271, %dma_wait3A_272] : memref<10240x128xf32, #tpu.memory_space<vmem_shared>> -> memref<10240x128xf32, #tpu.memory_space<vmem_shared>>
        tpu.wait_indirect_dma semaphore(%run_scoped3A_261 : memref<!tpu.dma_semaphore, #tpu.memory_space<semaphore_mem>>) src(%arg9 : memref<128x128xf32, #tpu.memory_space<vmem>>) dst(%dma_wait3A_273 : memref<10240x128xf32, #tpu.memory_space<vmem_shared>>)
        tpu.yield
      }) : () -> ()
      %dma_start3A_36 = arith.constant 1 : i32
      %dma_start3A_37 = arith.constant 0 : i32
      %dma_start3A_38 = tpu.memref_slice %arg7[%dma_start3A_36, %dma_start3A_37] : memref<16x128xi32, #tpu.memory_space<vmem>> -> memref<1x128xi32, #tpu.memory_space<vmem>>
      %dma_start3A_39 = tpu.memref_squeeze %dma_start3A_38 : memref<1x128xi32, #tpu.memory_space<vmem>> -> memref<128xi32, #tpu.memory_space<vmem>>
      %dma_start3A_40 = arith.constant 0 : i32
      %dma_start3A_41 = arith.constant 0 : i32
      %dma_start3A_42 = tpu.memref_slice %arg2[%dma_start3A_40, %dma_start3A_41] : memref<10240x128xf32, #tpu.memory_space<hbm>> -> memref<10240x128xf32, #tpu.memory_space<hbm>>
      tpu.enqueue_indirect_dma source(%dma_start3A_42 : memref<10240x128xf32, #tpu.memory_space<hbm>>) target(%arg9 : memref<128x128xf32, #tpu.memory_space<vmem>>) offsets(%dma_start3A_39 : memref<128xi32, #tpu.memory_space<vmem>>) semaphore(%arg10 : memref<!tpu.dma_semaphore, #tpu.memory_space<semaphore_mem>>)
      %dma_wait3A_43 = arith.constant 1 : i32
      %dma_wait3A_44 = arith.constant 0 : i32
      %dma_wait3A_45 = tpu.memref_slice %arg7[%dma_wait3A_43, %dma_wait3A_44] : memref<16x128xi32, #tpu.memory_space<vmem>> -> memref<1x128xi32, #tpu.memory_space<vmem>>
      %dma_wait3A_46 = tpu.memref_squeeze %dma_wait3A_45 : memref<1x128xi32, #tpu.memory_space<vmem>> -> memref<128xi32, #tpu.memory_space<vmem>>
      %dma_wait3A_47 = arith.constant 0 : i32
      %dma_wait3A_48 = arith.constant 0 : i32
      %dma_wait3A_49 = tpu.memref_slice %arg2[%dma_wait3A_47, %dma_wait3A_48] : memref<10240x128xf32, #tpu.memory_space<hbm>> -> memref<10240x128xf32, #tpu.memory_space<hbm>>
      tpu.wait_indirect_dma semaphore(%arg10 : memref<!tpu.dma_semaphore, #tpu.memory_space<semaphore_mem>>) src(%dma_wait3A_49 : memref<10240x128xf32, #tpu.memory_space<hbm>>) dst(%arg9 : memref<128x128xf32, #tpu.memory_space<vmem>>)
      %run_scoped3A_50 = arith.constant 1 : i32
      "tpu.region"() ({
        %run_scoped3A_261 = tpu.sem_alloc : memref<!tpu.dma_semaphore, #tpu.memory_space<semaphore_mem>>
        %dma_start3A_262 = arith.constant 0 : i32
        %dma_start3A_263 = tpu.memref_slice %arg8[%run_scoped3A_50, %dma_start3A_262] : memref<16x128xi32, #tpu.memory_space<vmem>> -> memref<1x128xi32, #tpu.memory_space<vmem>>
        %dma_start3A_264 = tpu.memref_squeeze %dma_start3A_263 : memref<1x128xi32, #tpu.memory_space<vmem>> -> memref<128xi32, #tpu.memory_space<vmem>>
        %dma_start3A_265 = arith.constant 0 : i32
        %dma_start3A_266 = arith.constant 0 : i32
        %dma_start3A_267 = tpu.memref_slice %arg11[%dma_start3A_265, %dma_start3A_266] : memref<10240x128xf32, #tpu.memory_space<vmem_shared>> -> memref<10240x128xf32, #tpu.memory_space<vmem_shared>>
        tpu.enqueue_indirect_dma source(%arg9 : memref<128x128xf32, #tpu.memory_space<vmem>>) target(%dma_start3A_267 : memref<10240x128xf32, #tpu.memory_space<vmem_shared>>) offsets(%dma_start3A_264 : memref<128xi32, #tpu.memory_space<vmem>>) semaphore(%run_scoped3A_261 : memref<!tpu.dma_semaphore, #tpu.memory_space<semaphore_mem>>) {add = true}
        %dma_wait3A_268 = arith.constant 0 : i32
        %dma_wait3A_269 = tpu.memref_slice %arg8[%run_scoped3A_50, %dma_wait3A_268] : memref<16x128xi32, #tpu.memory_space<vmem>> -> memref<1x128xi32, #tpu.memory_space<vmem>>
        %dma_wait3A_270 = tpu.memref_squeeze %dma_wait3A_269 : memref<1x128xi32, #tpu.memory_space<vmem>> -> memref<128xi32, #tpu.memory_space<vmem>>
        %dma_wait3A_271 = arith.constant 0 : i32
        %dma_wait3A_272 = arith.constant 0 : i32
        %dma_wait3A_273 = tpu.memref_slice %arg11[%dma_wait3A_271, %dma_wait3A_272] : memref<10240x128xf32, #tpu.memory_space<vmem_shared>> -> memref<10240x128xf32, #tpu.memory_space<vmem_shared>>
        tpu.wait_indirect_dma semaphore(%run_scoped3A_261 : memref<!tpu.dma_semaphore, #tpu.memory_space<semaphore_mem>>) src(%arg9 : memref<128x128xf32, #tpu.memory_space<vmem>>) dst(%dma_wait3A_273 : memref<10240x128xf32, #tpu.memory_space<vmem_shared>>)
        tpu.yield
      }) : () -> ()
      %dma_start3A_51 = arith.constant 2 : i32
      %dma_start3A_52 = arith.constant 0 : i32
      %dma_start3A_53 = tpu.memref_slice %arg7[%dma_start3A_51, %dma_start3A_52] : memref<16x128xi32, #tpu.memory_space<vmem>> -> memref<1x128xi32, #tpu.memory_space<vmem>>
      %dma_start3A_54 = tpu.memref_squeeze %dma_start3A_53 : memref<1x128xi32, #tpu.memory_space<vmem>> -> memref<128xi32, #tpu.memory_space<vmem>>
      %dma_start3A_55 = arith.constant 0 : i32
      %dma_start3A_56 = arith.constant 0 : i32
      %dma_start3A_57 = tpu.memref_slice %arg2[%dma_start3A_55, %dma_start3A_56] : memref<10240x128xf32, #tpu.memory_space<hbm>> -> memref<10240x128xf32, #tpu.memory_space<hbm>>
      tpu.enqueue_indirect_dma source(%dma_start3A_57 : memref<10240x128xf32, #tpu.memory_space<hbm>>) target(%arg9 : memref<128x128xf32, #tpu.memory_space<vmem>>) offsets(%dma_start3A_54 : memref<128xi32, #tpu.memory_space<vmem>>) semaphore(%arg10 : memref<!tpu.dma_semaphore, #tpu.memory_space<semaphore_mem>>)
      %dma_wait3A_58 = arith.constant 2 : i32
      %dma_wait3A_59 = arith.constant 0 : i32
      %dma_wait3A_60 = tpu.memref_slice %arg7[%dma_wait3A_58, %dma_wait3A_59] : memref<16x128xi32, #tpu.memory_space<vmem>> -> memref<1x128xi32, #tpu.memory_space<vmem>>
      %dma_wait3A_61 = tpu.memref_squeeze %dma_wait3A_60 : memref<1x128xi32, #tpu.memory_space<vmem>> -> memref<128xi32, #tpu.memory_space<vmem>>
      %dma_wait3A_62 = arith.constant 0 : i32
      %dma_wait3A_63 = arith.constant 0 : i32
      %dma_wait3A_64 = tpu.memref_slice %arg2[%dma_wait3A_62, %dma_wait3A_63] : memref<10240x128xf32, #tpu.memory_space<hbm>> -> memref<10240x128xf32, #tpu.memory_space<hbm>>
      tpu.wait_indirect_dma semaphore(%arg10 : memref<!tpu.dma_semaphore, #tpu.memory_space<semaphore_mem>>) src(%dma_wait3A_64 : memref<10240x128xf32, #tpu.memory_space<hbm>>) dst(%arg9 : memref<128x128xf32, #tpu.memory_space<vmem>>)
      %run_scoped3A_65 = arith.constant 2 : i32
      "tpu.region"() ({
        %run_scoped3A_261 = tpu.sem_alloc : memref<!tpu.dma_semaphore, #tpu.memory_space<semaphore_mem>>
        %dma_start3A_262 = arith.constant 0 : i32
        %dma_start3A_263 = tpu.memref_slice %arg8[%run_scoped3A_65, %dma_start3A_262] : memref<16x128xi32, #tpu.memory_space<vmem>> -> memref<1x128xi32, #tpu.memory_space<vmem>>
        %dma_start3A_264 = tpu.memref_squeeze %dma_start3A_263 : memref<1x128xi32, #tpu.memory_space<vmem>> -> memref<128xi32, #tpu.memory_space<vmem>>
        %dma_start3A_265 = arith.constant 0 : i32
        %dma_start3A_266 = arith.constant 0 : i32
        %dma_start3A_267 = tpu.memref_slice %arg11[%dma_start3A_265, %dma_start3A_266] : memref<10240x128xf32, #tpu.memory_space<vmem_shared>> -> memref<10240x128xf32, #tpu.memory_space<vmem_shared>>
        tpu.enqueue_indirect_dma source(%arg9 : memref<128x128xf32, #tpu.memory_space<vmem>>) target(%dma_start3A_267 : memref<10240x128xf32, #tpu.memory_space<vmem_shared>>) offsets(%dma_start3A_264 : memref<128xi32, #tpu.memory_space<vmem>>) semaphore(%run_scoped3A_261 : memref<!tpu.dma_semaphore, #tpu.memory_space<semaphore_mem>>) {add = true}
        %dma_wait3A_268 = arith.constant 0 : i32
        %dma_wait3A_269 = tpu.memref_slice %arg8[%run_scoped3A_65, %dma_wait3A_268] : memref<16x128xi32, #tpu.memory_space<vmem>> -> memref<1x128xi32, #tpu.memory_space<vmem>>
        %dma_wait3A_270 = tpu.memref_squeeze %dma_wait3A_269 : memref<1x128xi32, #tpu.memory_space<vmem>> -> memref<128xi32, #tpu.memory_space<vmem>>
        %dma_wait3A_271 = arith.constant 0 : i32
        %dma_wait3A_272 = arith.constant 0 : i32
        %dma_wait3A_273 = tpu.memref_slice %arg11[%dma_wait3A_271, %dma_wait3A_272] : memref<10240x128xf32, #tpu.memory_space<vmem_shared>> -> memref<10240x128xf32, #tpu.memory_space<vmem_shared>>
        tpu.wait_indirect_dma semaphore(%run_scoped3A_261 : memref<!tpu.dma_semaphore, #tpu.memory_space<semaphore_mem>>) src(%arg9 : memref<128x128xf32, #tpu.memory_space<vmem>>) dst(%dma_wait3A_273 : memref<10240x128xf32, #tpu.memory_space<vmem_shared>>)
        tpu.yield
      }) : () -> ()
      %dma_start3A_66 = arith.constant 3 : i32
      %dma_start3A_67 = arith.constant 0 : i32
      %dma_start3A_68 = tpu.memref_slice %arg7[%dma_start3A_66, %dma_start3A_67] : memref<16x128xi32, #tpu.memory_space<vmem>> -> memref<1x128xi32, #tpu.memory_space<vmem>>
      %dma_start3A_69 = tpu.memref_squeeze %dma_start3A_68 : memref<1x128xi32, #tpu.memory_space<vmem>> -> memref<128xi32, #tpu.memory_space<vmem>>
      %dma_start3A_70 = arith.constant 0 : i32
      %dma_start3A_71 = arith.constant 0 : i32
      %dma_start3A_72 = tpu.memref_slice %arg2[%dma_start3A_70, %dma_start3A_71] : memref<10240x128xf32, #tpu.memory_space<hbm>> -> memref<10240x128xf32, #tpu.memory_space<hbm>>
      tpu.enqueue_indirect_dma source(%dma_start3A_72 : memref<10240x128xf32, #tpu.memory_space<hbm>>) target(%arg9 : memref<128x128xf32, #tpu.memory_space<vmem>>) offsets(%dma_start3A_69 : memref<128xi32, #tpu.memory_space<vmem>>) semaphore(%arg10 : memref<!tpu.dma_semaphore, #tpu.memory_space<semaphore_mem>>)
      %dma_wait3A_73 = arith.constant 3 : i32
      %dma_wait3A_74 = arith.constant 0 : i32
      %dma_wait3A_75 = tpu.memref_slice %arg7[%dma_wait3A_73, %dma_wait3A_74] : memref<16x128xi32, #tpu.memory_space<vmem>> -> memref<1x128xi32, #tpu.memory_space<vmem>>
      %dma_wait3A_76 = tpu.memref_squeeze %dma_wait3A_75 : memref<1x128xi32, #tpu.memory_space<vmem>> -> memref<128xi32, #tpu.memory_space<vmem>>
      %dma_wait3A_77 = arith.constant 0 : i32
      %dma_wait3A_78 = arith.constant 0 : i32
      %dma_wait3A_79 = tpu.memref_slice %arg2[%dma_wait3A_77, %dma_wait3A_78] : memref<10240x128xf32, #tpu.memory_space<hbm>> -> memref<10240x128xf32, #tpu.memory_space<hbm>>
      tpu.wait_indirect_dma semaphore(%arg10 : memref<!tpu.dma_semaphore, #tpu.memory_space<semaphore_mem>>) src(%dma_wait3A_79 : memref<10240x128xf32, #tpu.memory_space<hbm>>) dst(%arg9 : memref<128x128xf32, #tpu.memory_space<vmem>>)
      %run_scoped3A_80 = arith.constant 3 : i32
      "tpu.region"() ({
        %run_scoped3A_261 = tpu.sem_alloc : memref<!tpu.dma_semaphore, #tpu.memory_space<semaphore_mem>>
        %dma_start3A_262 = arith.constant 0 : i32
        %dma_start3A_263 = tpu.memref_slice %arg8[%run_scoped3A_80, %dma_start3A_262] : memref<16x128xi32, #tpu.memory_space<vmem>> -> memref<1x128xi32, #tpu.memory_space<vmem>>
        %dma_start3A_264 = tpu.memref_squeeze %dma_start3A_263 : memref<1x128xi32, #tpu.memory_space<vmem>> -> memref<128xi32, #tpu.memory_space<vmem>>
        %dma_start3A_265 = arith.constant 0 : i32
        %dma_start3A_266 = arith.constant 0 : i32
        %dma_start3A_267 = tpu.memref_slice %arg11[%dma_start3A_265, %dma_start3A_266] : memref<10240x128xf32, #tpu.memory_space<vmem_shared>> -> memref<10240x128xf32, #tpu.memory_space<vmem_shared>>
        tpu.enqueue_indirect_dma source(%arg9 : memref<128x128xf32, #tpu.memory_space<vmem>>) target(%dma_start3A_267 : memref<10240x128xf32, #tpu.memory_space<vmem_shared>>) offsets(%dma_start3A_264 : memref<128xi32, #tpu.memory_space<vmem>>) semaphore(%run_scoped3A_261 : memref<!tpu.dma_semaphore, #tpu.memory_space<semaphore_mem>>) {add = true}
        %dma_wait3A_268 = arith.constant 0 : i32
        %dma_wait3A_269 = tpu.memref_slice %arg8[%run_scoped3A_80, %dma_wait3A_268] : memref<16x128xi32, #tpu.memory_space<vmem>> -> memref<1x128xi32, #tpu.memory_space<vmem>>
        %dma_wait3A_270 = tpu.memref_squeeze %dma_wait3A_269 : memref<1x128xi32, #tpu.memory_space<vmem>> -> memref<128xi32, #tpu.memory_space<vmem>>
        %dma_wait3A_271 = arith.constant 0 : i32
        %dma_wait3A_272 = arith.constant 0 : i32
        %dma_wait3A_273 = tpu.memref_slice %arg11[%dma_wait3A_271, %dma_wait3A_272] : memref<10240x128xf32, #tpu.memory_space<vmem_shared>> -> memref<10240x128xf32, #tpu.memory_space<vmem_shared>>
        tpu.wait_indirect_dma semaphore(%run_scoped3A_261 : memref<!tpu.dma_semaphore, #tpu.memory_space<semaphore_mem>>) src(%arg9 : memref<128x128xf32, #tpu.memory_space<vmem>>) dst(%dma_wait3A_273 : memref<10240x128xf32, #tpu.memory_space<vmem_shared>>)
        tpu.yield
      }) : () -> ()
      %dma_start3A_81 = arith.constant 4 : i32
      %dma_start3A_82 = arith.constant 0 : i32
      %dma_start3A_83 = tpu.memref_slice %arg7[%dma_start3A_81, %dma_start3A_82] : memref<16x128xi32, #tpu.memory_space<vmem>> -> memref<1x128xi32, #tpu.memory_space<vmem>>
      %dma_start3A_84 = tpu.memref_squeeze %dma_start3A_83 : memref<1x128xi32, #tpu.memory_space<vmem>> -> memref<128xi32, #tpu.memory_space<vmem>>
      %dma_start3A_85 = arith.constant 0 : i32
      %dma_start3A_86 = arith.constant 0 : i32
      %dma_start3A_87 = tpu.memref_slice %arg2[%dma_start3A_85, %dma_start3A_86] : memref<10240x128xf32, #tpu.memory_space<hbm>> -> memref<10240x128xf32, #tpu.memory_space<hbm>>
      tpu.enqueue_indirect_dma source(%dma_start3A_87 : memref<10240x128xf32, #tpu.memory_space<hbm>>) target(%arg9 : memref<128x128xf32, #tpu.memory_space<vmem>>) offsets(%dma_start3A_84 : memref<128xi32, #tpu.memory_space<vmem>>) semaphore(%arg10 : memref<!tpu.dma_semaphore, #tpu.memory_space<semaphore_mem>>)
      %dma_wait3A_88 = arith.constant 4 : i32
      %dma_wait3A_89 = arith.constant 0 : i32
      %dma_wait3A_90 = tpu.memref_slice %arg7[%dma_wait3A_88, %dma_wait3A_89] : memref<16x128xi32, #tpu.memory_space<vmem>> -> memref<1x128xi32, #tpu.memory_space<vmem>>
      %dma_wait3A_91 = tpu.memref_squeeze %dma_wait3A_90 : memref<1x128xi32, #tpu.memory_space<vmem>> -> memref<128xi32, #tpu.memory_space<vmem>>
      %dma_wait3A_92 = arith.constant 0 : i32
      %dma_wait3A_93 = arith.constant 0 : i32
      %dma_wait3A_94 = tpu.memref_slice %arg2[%dma_wait3A_92, %dma_wait3A_93] : memref<10240x128xf32, #tpu.memory_space<hbm>> -> memref<10240x128xf32, #tpu.memory_space<hbm>>
      tpu.wait_indirect_dma semaphore(%arg10 : memref<!tpu.dma_semaphore, #tpu.memory_space<semaphore_mem>>) src(%dma_wait3A_94 : memref<10240x128xf32, #tpu.memory_space<hbm>>) dst(%arg9 : memref<128x128xf32, #tpu.memory_space<vmem>>)
      %run_scoped3A_95 = arith.constant 4 : i32
      "tpu.region"() ({
        %run_scoped3A_261 = tpu.sem_alloc : memref<!tpu.dma_semaphore, #tpu.memory_space<semaphore_mem>>
        %dma_start3A_262 = arith.constant 0 : i32
        %dma_start3A_263 = tpu.memref_slice %arg8[%run_scoped3A_95, %dma_start3A_262] : memref<16x128xi32, #tpu.memory_space<vmem>> -> memref<1x128xi32, #tpu.memory_space<vmem>>
        %dma_start3A_264 = tpu.memref_squeeze %dma_start3A_263 : memref<1x128xi32, #tpu.memory_space<vmem>> -> memref<128xi32, #tpu.memory_space<vmem>>
        %dma_start3A_265 = arith.constant 0 : i32
        %dma_start3A_266 = arith.constant 0 : i32
        %dma_start3A_267 = tpu.memref_slice %arg11[%dma_start3A_265, %dma_start3A_266] : memref<10240x128xf32, #tpu.memory_space<vmem_shared>> -> memref<10240x128xf32, #tpu.memory_space<vmem_shared>>
        tpu.enqueue_indirect_dma source(%arg9 : memref<128x128xf32, #tpu.memory_space<vmem>>) target(%dma_start3A_267 : memref<10240x128xf32, #tpu.memory_space<vmem_shared>>) offsets(%dma_start3A_264 : memref<128xi32, #tpu.memory_space<vmem>>) semaphore(%run_scoped3A_261 : memref<!tpu.dma_semaphore, #tpu.memory_space<semaphore_mem>>) {add = true}
        %dma_wait3A_268 = arith.constant 0 : i32
        %dma_wait3A_269 = tpu.memref_slice %arg8[%run_scoped3A_95, %dma_wait3A_268] : memref<16x128xi32, #tpu.memory_space<vmem>> -> memref<1x128xi32, #tpu.memory_space<vmem>>
        %dma_wait3A_270 = tpu.memref_squeeze %dma_wait3A_269 : memref<1x128xi32, #tpu.memory_space<vmem>> -> memref<128xi32, #tpu.memory_space<vmem>>
        %dma_wait3A_271 = arith.constant 0 : i32
        %dma_wait3A_272 = arith.constant 0 : i32
        %dma_wait3A_273 = tpu.memref_slice %arg11[%dma_wait3A_271, %dma_wait3A_272] : memref<10240x128xf32, #tpu.memory_space<vmem_shared>> -> memref<10240x128xf32, #tpu.memory_space<vmem_shared>>
        tpu.wait_indirect_dma semaphore(%run_scoped3A_261 : memref<!tpu.dma_semaphore, #tpu.memory_space<semaphore_mem>>) src(%arg9 : memref<128x128xf32, #tpu.memory_space<vmem>>) dst(%dma_wait3A_273 : memref<10240x128xf32, #tpu.memory_space<vmem_shared>>)
        tpu.yield
      }) : () -> ()
      %dma_start3A_96 = arith.constant 5 : i32
      %dma_start3A_97 = arith.constant 0 : i32
      %dma_start3A_98 = tpu.memref_slice %arg7[%dma_start3A_96, %dma_start3A_97] : memref<16x128xi32, #tpu.memory_space<vmem>> -> memref<1x128xi32, #tpu.memory_space<vmem>>
      %dma_start3A_99 = tpu.memref_squeeze %dma_start3A_98 : memref<1x128xi32, #tpu.memory_space<vmem>> -> memref<128xi32, #tpu.memory_space<vmem>>
      %dma_start3A_100 = arith.constant 0 : i32
      %dma_start3A_101 = arith.constant 0 : i32
      %dma_start3A_102 = tpu.memref_slice %arg2[%dma_start3A_100, %dma_start3A_101] : memref<10240x128xf32, #tpu.memory_space<hbm>> -> memref<10240x128xf32, #tpu.memory_space<hbm>>
      tpu.enqueue_indirect_dma source(%dma_start3A_102 : memref<10240x128xf32, #tpu.memory_space<hbm>>) target(%arg9 : memref<128x128xf32, #tpu.memory_space<vmem>>) offsets(%dma_start3A_99 : memref<128xi32, #tpu.memory_space<vmem>>) semaphore(%arg10 : memref<!tpu.dma_semaphore, #tpu.memory_space<semaphore_mem>>)
      %dma_wait3A_103 = arith.constant 5 : i32
      %dma_wait3A_104 = arith.constant 0 : i32
      %dma_wait3A_105 = tpu.memref_slice %arg7[%dma_wait3A_103, %dma_wait3A_104] : memref<16x128xi32, #tpu.memory_space<vmem>> -> memref<1x128xi32, #tpu.memory_space<vmem>>
      %dma_wait3A_106 = tpu.memref_squeeze %dma_wait3A_105 : memref<1x128xi32, #tpu.memory_space<vmem>> -> memref<128xi32, #tpu.memory_space<vmem>>
      %dma_wait3A_107 = arith.constant 0 : i32
      %dma_wait3A_108 = arith.constant 0 : i32
      %dma_wait3A_109 = tpu.memref_slice %arg2[%dma_wait3A_107, %dma_wait3A_108] : memref<10240x128xf32, #tpu.memory_space<hbm>> -> memref<10240x128xf32, #tpu.memory_space<hbm>>
      tpu.wait_indirect_dma semaphore(%arg10 : memref<!tpu.dma_semaphore, #tpu.memory_space<semaphore_mem>>) src(%dma_wait3A_109 : memref<10240x128xf32, #tpu.memory_space<hbm>>) dst(%arg9 : memref<128x128xf32, #tpu.memory_space<vmem>>)
      %run_scoped3A_110 = arith.constant 5 : i32
      "tpu.region"() ({
        %run_scoped3A_261 = tpu.sem_alloc : memref<!tpu.dma_semaphore, #tpu.memory_space<semaphore_mem>>
        %dma_start3A_262 = arith.constant 0 : i32
        %dma_start3A_263 = tpu.memref_slice %arg8[%run_scoped3A_110, %dma_start3A_262] : memref<16x128xi32, #tpu.memory_space<vmem>> -> memref<1x128xi32, #tpu.memory_space<vmem>>
        %dma_start3A_264 = tpu.memref_squeeze %dma_start3A_263 : memref<1x128xi32, #tpu.memory_space<vmem>> -> memref<128xi32, #tpu.memory_space<vmem>>
        %dma_start3A_265 = arith.constant 0 : i32
        %dma_start3A_266 = arith.constant 0 : i32
        %dma_start3A_267 = tpu.memref_slice %arg11[%dma_start3A_265, %dma_start3A_266] : memref<10240x128xf32, #tpu.memory_space<vmem_shared>> -> memref<10240x128xf32, #tpu.memory_space<vmem_shared>>
        tpu.enqueue_indirect_dma source(%arg9 : memref<128x128xf32, #tpu.memory_space<vmem>>) target(%dma_start3A_267 : memref<10240x128xf32, #tpu.memory_space<vmem_shared>>) offsets(%dma_start3A_264 : memref<128xi32, #tpu.memory_space<vmem>>) semaphore(%run_scoped3A_261 : memref<!tpu.dma_semaphore, #tpu.memory_space<semaphore_mem>>) {add = true}
        %dma_wait3A_268 = arith.constant 0 : i32
        %dma_wait3A_269 = tpu.memref_slice %arg8[%run_scoped3A_110, %dma_wait3A_268] : memref<16x128xi32, #tpu.memory_space<vmem>> -> memref<1x128xi32, #tpu.memory_space<vmem>>
        %dma_wait3A_270 = tpu.memref_squeeze %dma_wait3A_269 : memref<1x128xi32, #tpu.memory_space<vmem>> -> memref<128xi32, #tpu.memory_space<vmem>>
        %dma_wait3A_271 = arith.constant 0 : i32
        %dma_wait3A_272 = arith.constant 0 : i32
        %dma_wait3A_273 = tpu.memref_slice %arg11[%dma_wait3A_271, %dma_wait3A_272] : memref<10240x128xf32, #tpu.memory_space<vmem_shared>> -> memref<10240x128xf32, #tpu.memory_space<vmem_shared>>
        tpu.wait_indirect_dma semaphore(%run_scoped3A_261 : memref<!tpu.dma_semaphore, #tpu.memory_space<semaphore_mem>>) src(%arg9 : memref<128x128xf32, #tpu.memory_space<vmem>>) dst(%dma_wait3A_273 : memref<10240x128xf32, #tpu.memory_space<vmem_shared>>)
        tpu.yield
      }) : () -> ()
      %dma_start3A_111 = arith.constant 6 : i32
      %dma_start3A_112 = arith.constant 0 : i32
      %dma_start3A_113 = tpu.memref_slice %arg7[%dma_start3A_111, %dma_start3A_112] : memref<16x128xi32, #tpu.memory_space<vmem>> -> memref<1x128xi32, #tpu.memory_space<vmem>>
      %dma_start3A_114 = tpu.memref_squeeze %dma_start3A_113 : memref<1x128xi32, #tpu.memory_space<vmem>> -> memref<128xi32, #tpu.memory_space<vmem>>
      %dma_start3A_115 = arith.constant 0 : i32
      %dma_start3A_116 = arith.constant 0 : i32
      %dma_start3A_117 = tpu.memref_slice %arg2[%dma_start3A_115, %dma_start3A_116] : memref<10240x128xf32, #tpu.memory_space<hbm>> -> memref<10240x128xf32, #tpu.memory_space<hbm>>
      tpu.enqueue_indirect_dma source(%dma_start3A_117 : memref<10240x128xf32, #tpu.memory_space<hbm>>) target(%arg9 : memref<128x128xf32, #tpu.memory_space<vmem>>) offsets(%dma_start3A_114 : memref<128xi32, #tpu.memory_space<vmem>>) semaphore(%arg10 : memref<!tpu.dma_semaphore, #tpu.memory_space<semaphore_mem>>)
      %dma_wait3A_118 = arith.constant 6 : i32
      %dma_wait3A_119 = arith.constant 0 : i32
      %dma_wait3A_120 = tpu.memref_slice %arg7[%dma_wait3A_118, %dma_wait3A_119] : memref<16x128xi32, #tpu.memory_space<vmem>> -> memref<1x128xi32, #tpu.memory_space<vmem>>
      %dma_wait3A_121 = tpu.memref_squeeze %dma_wait3A_120 : memref<1x128xi32, #tpu.memory_space<vmem>> -> memref<128xi32, #tpu.memory_space<vmem>>
      %dma_wait3A_122 = arith.constant 0 : i32
      %dma_wait3A_123 = arith.constant 0 : i32
      %dma_wait3A_124 = tpu.memref_slice %arg2[%dma_wait3A_122, %dma_wait3A_123] : memref<10240x128xf32, #tpu.memory_space<hbm>> -> memref<10240x128xf32, #tpu.memory_space<hbm>>
      tpu.wait_indirect_dma semaphore(%arg10 : memref<!tpu.dma_semaphore, #tpu.memory_space<semaphore_mem>>) src(%dma_wait3A_124 : memref<10240x128xf32, #tpu.memory_space<hbm>>) dst(%arg9 : memref<128x128xf32, #tpu.memory_space<vmem>>)
      %run_scoped3A_125 = arith.constant 6 : i32
      "tpu.region"() ({
        %run_scoped3A_261 = tpu.sem_alloc : memref<!tpu.dma_semaphore, #tpu.memory_space<semaphore_mem>>
        %dma_start3A_262 = arith.constant 0 : i32
        %dma_start3A_263 = tpu.memref_slice %arg8[%run_scoped3A_125, %dma_start3A_262] : memref<16x128xi32, #tpu.memory_space<vmem>> -> memref<1x128xi32, #tpu.memory_space<vmem>>
        %dma_start3A_264 = tpu.memref_squeeze %dma_start3A_263 : memref<1x128xi32, #tpu.memory_space<vmem>> -> memref<128xi32, #tpu.memory_space<vmem>>
        %dma_start3A_265 = arith.constant 0 : i32
        %dma_start3A_266 = arith.constant 0 : i32
        %dma_start3A_267 = tpu.memref_slice %arg11[%dma_start3A_265, %dma_start3A_266] : memref<10240x128xf32, #tpu.memory_space<vmem_shared>> -> memref<10240x128xf32, #tpu.memory_space<vmem_shared>>
        tpu.enqueue_indirect_dma source(%arg9 : memref<128x128xf32, #tpu.memory_space<vmem>>) target(%dma_start3A_267 : memref<10240x128xf32, #tpu.memory_space<vmem_shared>>) offsets(%dma_start3A_264 : memref<128xi32, #tpu.memory_space<vmem>>) semaphore(%run_scoped3A_261 : memref<!tpu.dma_semaphore, #tpu.memory_space<semaphore_mem>>) {add = true}
        %dma_wait3A_268 = arith.constant 0 : i32
        %dma_wait3A_269 = tpu.memref_slice %arg8[%run_scoped3A_125, %dma_wait3A_268] : memref<16x128xi32, #tpu.memory_space<vmem>> -> memref<1x128xi32, #tpu.memory_space<vmem>>
        %dma_wait3A_270 = tpu.memref_squeeze %dma_wait3A_269 : memref<1x128xi32, #tpu.memory_space<vmem>> -> memref<128xi32, #tpu.memory_space<vmem>>
        %dma_wait3A_271 = arith.constant 0 : i32
        %dma_wait3A_272 = arith.constant 0 : i32
        %dma_wait3A_273 = tpu.memref_slice %arg11[%dma_wait3A_271, %dma_wait3A_272] : memref<10240x128xf32, #tpu.memory_space<vmem_shared>> -> memref<10240x128xf32, #tpu.memory_space<vmem_shared>>
        tpu.wait_indirect_dma semaphore(%run_scoped3A_261 : memref<!tpu.dma_semaphore, #tpu.memory_space<semaphore_mem>>) src(%arg9 : memref<128x128xf32, #tpu.memory_space<vmem>>) dst(%dma_wait3A_273 : memref<10240x128xf32, #tpu.memory_space<vmem_shared>>)
        tpu.yield
      }) : () -> ()
      %dma_start3A_126 = arith.constant 7 : i32
      %dma_start3A_127 = arith.constant 0 : i32
      %dma_start3A_128 = tpu.memref_slice %arg7[%dma_start3A_126, %dma_start3A_127] : memref<16x128xi32, #tpu.memory_space<vmem>> -> memref<1x128xi32, #tpu.memory_space<vmem>>
      %dma_start3A_129 = tpu.memref_squeeze %dma_start3A_128 : memref<1x128xi32, #tpu.memory_space<vmem>> -> memref<128xi32, #tpu.memory_space<vmem>>
      %dma_start3A_130 = arith.constant 0 : i32
      %dma_start3A_131 = arith.constant 0 : i32
      %dma_start3A_132 = tpu.memref_slice %arg2[%dma_start3A_130, %dma_start3A_131] : memref<10240x128xf32, #tpu.memory_space<hbm>> -> memref<10240x128xf32, #tpu.memory_space<hbm>>
      tpu.enqueue_indirect_dma source(%dma_start3A_132 : memref<10240x128xf32, #tpu.memory_space<hbm>>) target(%arg9 : memref<128x128xf32, #tpu.memory_space<vmem>>) offsets(%dma_start3A_129 : memref<128xi32, #tpu.memory_space<vmem>>) semaphore(%arg10 : memref<!tpu.dma_semaphore, #tpu.memory_space<semaphore_mem>>)
      %dma_wait3A_133 = arith.constant 7 : i32
      %dma_wait3A_134 = arith.constant 0 : i32
      %dma_wait3A_135 = tpu.memref_slice %arg7[%dma_wait3A_133, %dma_wait3A_134] : memref<16x128xi32, #tpu.memory_space<vmem>> -> memref<1x128xi32, #tpu.memory_space<vmem>>
      %dma_wait3A_136 = tpu.memref_squeeze %dma_wait3A_135 : memref<1x128xi32, #tpu.memory_space<vmem>> -> memref<128xi32, #tpu.memory_space<vmem>>
      %dma_wait3A_137 = arith.constant 0 : i32
      %dma_wait3A_138 = arith.constant 0 : i32
      %dma_wait3A_139 = tpu.memref_slice %arg2[%dma_wait3A_137, %dma_wait3A_138] : memref<10240x128xf32, #tpu.memory_space<hbm>> -> memref<10240x128xf32, #tpu.memory_space<hbm>>
      tpu.wait_indirect_dma semaphore(%arg10 : memref<!tpu.dma_semaphore, #tpu.memory_space<semaphore_mem>>) src(%dma_wait3A_139 : memref<10240x128xf32, #tpu.memory_space<hbm>>) dst(%arg9 : memref<128x128xf32, #tpu.memory_space<vmem>>)
      %run_scoped3A_140 = arith.constant 7 : i32
      "tpu.region"() ({
        %run_scoped3A_261 = tpu.sem_alloc : memref<!tpu.dma_semaphore, #tpu.memory_space<semaphore_mem>>
        %dma_start3A_262 = arith.constant 0 : i32
        %dma_start3A_263 = tpu.memref_slice %arg8[%run_scoped3A_140, %dma_start3A_262] : memref<16x128xi32, #tpu.memory_space<vmem>> -> memref<1x128xi32, #tpu.memory_space<vmem>>
        %dma_start3A_264 = tpu.memref_squeeze %dma_start3A_263 : memref<1x128xi32, #tpu.memory_space<vmem>> -> memref<128xi32, #tpu.memory_space<vmem>>
        %dma_start3A_265 = arith.constant 0 : i32
        %dma_start3A_266 = arith.constant 0 : i32
        %dma_start3A_267 = tpu.memref_slice %arg11[%dma_start3A_265, %dma_start3A_266] : memref<10240x128xf32, #tpu.memory_space<vmem_shared>> -> memref<10240x128xf32, #tpu.memory_space<vmem_shared>>
        tpu.enqueue_indirect_dma source(%arg9 : memref<128x128xf32, #tpu.memory_space<vmem>>) target(%dma_start3A_267 : memref<10240x128xf32, #tpu.memory_space<vmem_shared>>) offsets(%dma_start3A_264 : memref<128xi32, #tpu.memory_space<vmem>>) semaphore(%run_scoped3A_261 : memref<!tpu.dma_semaphore, #tpu.memory_space<semaphore_mem>>) {add = true}
        %dma_wait3A_268 = arith.constant 0 : i32
        %dma_wait3A_269 = tpu.memref_slice %arg8[%run_scoped3A_140, %dma_wait3A_268] : memref<16x128xi32, #tpu.memory_space<vmem>> -> memref<1x128xi32, #tpu.memory_space<vmem>>
        %dma_wait3A_270 = tpu.memref_squeeze %dma_wait3A_269 : memref<1x128xi32, #tpu.memory_space<vmem>> -> memref<128xi32, #tpu.memory_space<vmem>>
        %dma_wait3A_271 = arith.constant 0 : i32
        %dma_wait3A_272 = arith.constant 0 : i32
        %dma_wait3A_273 = tpu.memref_slice %arg11[%dma_wait3A_271, %dma_wait3A_272] : memref<10240x128xf32, #tpu.memory_space<vmem_shared>> -> memref<10240x128xf32, #tpu.memory_space<vmem_shared>>
        tpu.wait_indirect_dma semaphore(%run_scoped3A_261 : memref<!tpu.dma_semaphore, #tpu.memory_space<semaphore_mem>>) src(%arg9 : memref<128x128xf32, #tpu.memory_space<vmem>>) dst(%dma_wait3A_273 : memref<10240x128xf32, #tpu.memory_space<vmem_shared>>)
        tpu.yield
      }) : () -> ()
      %dma_start3A_141 = arith.constant 8 : i32
      %dma_start3A_142 = arith.constant 0 : i32
      %dma_start3A_143 = tpu.memref_slice %arg7[%dma_start3A_141, %dma_start3A_142] : memref<16x128xi32, #tpu.memory_space<vmem>> -> memref<1x128xi32, #tpu.memory_space<vmem>>
      %dma_start3A_144 = tpu.memref_squeeze %dma_start3A_143 : memref<1x128xi32, #tpu.memory_space<vmem>> -> memref<128xi32, #tpu.memory_space<vmem>>
      %dma_start3A_145 = arith.constant 0 : i32
      %dma_start3A_146 = arith.constant 0 : i32
      %dma_start3A_147 = tpu.memref_slice %arg2[%dma_start3A_145, %dma_start3A_146] : memref<10240x128xf32, #tpu.memory_space<hbm>> -> memref<10240x128xf32, #tpu.memory_space<hbm>>
      tpu.enqueue_indirect_dma source(%dma_start3A_147 : memref<10240x128xf32, #tpu.memory_space<hbm>>) target(%arg9 : memref<128x128xf32, #tpu.memory_space<vmem>>) offsets(%dma_start3A_144 : memref<128xi32, #tpu.memory_space<vmem>>) semaphore(%arg10 : memref<!tpu.dma_semaphore, #tpu.memory_space<semaphore_mem>>)
      %dma_wait3A_148 = arith.constant 8 : i32
      %dma_wait3A_149 = arith.constant 0 : i32
      %dma_wait3A_150 = tpu.memref_slice %arg7[%dma_wait3A_148, %dma_wait3A_149] : memref<16x128xi32, #tpu.memory_space<vmem>> -> memref<1x128xi32, #tpu.memory_space<vmem>>
      %dma_wait3A_151 = tpu.memref_squeeze %dma_wait3A_150 : memref<1x128xi32, #tpu.memory_space<vmem>> -> memref<128xi32, #tpu.memory_space<vmem>>
      %dma_wait3A_152 = arith.constant 0 : i32
      %dma_wait3A_153 = arith.constant 0 : i32
      %dma_wait3A_154 = tpu.memref_slice %arg2[%dma_wait3A_152, %dma_wait3A_153] : memref<10240x128xf32, #tpu.memory_space<hbm>> -> memref<10240x128xf32, #tpu.memory_space<hbm>>
      tpu.wait_indirect_dma semaphore(%arg10 : memref<!tpu.dma_semaphore, #tpu.memory_space<semaphore_mem>>) src(%dma_wait3A_154 : memref<10240x128xf32, #tpu.memory_space<hbm>>) dst(%arg9 : memref<128x128xf32, #tpu.memory_space<vmem>>)
      %run_scoped3A_155 = arith.constant 8 : i32
      "tpu.region"() ({
        %run_scoped3A_261 = tpu.sem_alloc : memref<!tpu.dma_semaphore, #tpu.memory_space<semaphore_mem>>
        %dma_start3A_262 = arith.constant 0 : i32
        %dma_start3A_263 = tpu.memref_slice %arg8[%run_scoped3A_155, %dma_start3A_262] : memref<16x128xi32, #tpu.memory_space<vmem>> -> memref<1x128xi32, #tpu.memory_space<vmem>>
        %dma_start3A_264 = tpu.memref_squeeze %dma_start3A_263 : memref<1x128xi32, #tpu.memory_space<vmem>> -> memref<128xi32, #tpu.memory_space<vmem>>
        %dma_start3A_265 = arith.constant 0 : i32
        %dma_start3A_266 = arith.constant 0 : i32
        %dma_start3A_267 = tpu.memref_slice %arg11[%dma_start3A_265, %dma_start3A_266] : memref<10240x128xf32, #tpu.memory_space<vmem_shared>> -> memref<10240x128xf32, #tpu.memory_space<vmem_shared>>
        tpu.enqueue_indirect_dma source(%arg9 : memref<128x128xf32, #tpu.memory_space<vmem>>) target(%dma_start3A_267 : memref<10240x128xf32, #tpu.memory_space<vmem_shared>>) offsets(%dma_start3A_264 : memref<128xi32, #tpu.memory_space<vmem>>) semaphore(%run_scoped3A_261 : memref<!tpu.dma_semaphore, #tpu.memory_space<semaphore_mem>>) {add = true}
        %dma_wait3A_268 = arith.constant 0 : i32
        %dma_wait3A_269 = tpu.memref_slice %arg8[%run_scoped3A_155, %dma_wait3A_268] : memref<16x128xi32, #tpu.memory_space<vmem>> -> memref<1x128xi32, #tpu.memory_space<vmem>>
        %dma_wait3A_270 = tpu.memref_squeeze %dma_wait3A_269 : memref<1x128xi32, #tpu.memory_space<vmem>> -> memref<128xi32, #tpu.memory_space<vmem>>
        %dma_wait3A_271 = arith.constant 0 : i32
        %dma_wait3A_272 = arith.constant 0 : i32
        %dma_wait3A_273 = tpu.memref_slice %arg11[%dma_wait3A_271, %dma_wait3A_272] : memref<10240x128xf32, #tpu.memory_space<vmem_shared>> -> memref<10240x128xf32, #tpu.memory_space<vmem_shared>>
        tpu.wait_indirect_dma semaphore(%run_scoped3A_261 : memref<!tpu.dma_semaphore, #tpu.memory_space<semaphore_mem>>) src(%arg9 : memref<128x128xf32, #tpu.memory_space<vmem>>) dst(%dma_wait3A_273 : memref<10240x128xf32, #tpu.memory_space<vmem_shared>>)
        tpu.yield
      }) : () -> ()
      %dma_start3A_156 = arith.constant 9 : i32
      %dma_start3A_157 = arith.constant 0 : i32
      %dma_start3A_158 = tpu.memref_slice %arg7[%dma_start3A_156, %dma_start3A_157] : memref<16x128xi32, #tpu.memory_space<vmem>> -> memref<1x128xi32, #tpu.memory_space<vmem>>
      %dma_start3A_159 = tpu.memref_squeeze %dma_start3A_158 : memref<1x128xi32, #tpu.memory_space<vmem>> -> memref<128xi32, #tpu.memory_space<vmem>>
      %dma_start3A_160 = arith.constant 0 : i32
      %dma_start3A_161 = arith.constant 0 : i32
      %dma_start3A_162 = tpu.memref_slice %arg2[%dma_start3A_160, %dma_start3A_161] : memref<10240x128xf32, #tpu.memory_space<hbm>> -> memref<10240x128xf32, #tpu.memory_space<hbm>>
      tpu.enqueue_indirect_dma source(%dma_start3A_162 : memref<10240x128xf32, #tpu.memory_space<hbm>>) target(%arg9 : memref<128x128xf32, #tpu.memory_space<vmem>>) offsets(%dma_start3A_159 : memref<128xi32, #tpu.memory_space<vmem>>) semaphore(%arg10 : memref<!tpu.dma_semaphore, #tpu.memory_space<semaphore_mem>>)
      %dma_wait3A_163 = arith.constant 9 : i32
      %dma_wait3A_164 = arith.constant 0 : i32
      %dma_wait3A_165 = tpu.memref_slice %arg7[%dma_wait3A_163, %dma_wait3A_164] : memref<16x128xi32, #tpu.memory_space<vmem>> -> memref<1x128xi32, #tpu.memory_space<vmem>>
      %dma_wait3A_166 = tpu.memref_squeeze %dma_wait3A_165 : memref<1x128xi32, #tpu.memory_space<vmem>> -> memref<128xi32, #tpu.memory_space<vmem>>
      %dma_wait3A_167 = arith.constant 0 : i32
      %dma_wait3A_168 = arith.constant 0 : i32
      %dma_wait3A_169 = tpu.memref_slice %arg2[%dma_wait3A_167, %dma_wait3A_168] : memref<10240x128xf32, #tpu.memory_space<hbm>> -> memref<10240x128xf32, #tpu.memory_space<hbm>>
      tpu.wait_indirect_dma semaphore(%arg10 : memref<!tpu.dma_semaphore, #tpu.memory_space<semaphore_mem>>) src(%dma_wait3A_169 : memref<10240x128xf32, #tpu.memory_space<hbm>>) dst(%arg9 : memref<128x128xf32, #tpu.memory_space<vmem>>)
      %run_scoped3A_170 = arith.constant 9 : i32
      "tpu.region"() ({
        %run_scoped3A_261 = tpu.sem_alloc : memref<!tpu.dma_semaphore, #tpu.memory_space<semaphore_mem>>
        %dma_start3A_262 = arith.constant 0 : i32
        %dma_start3A_263 = tpu.memref_slice %arg8[%run_scoped3A_170, %dma_start3A_262] : memref<16x128xi32, #tpu.memory_space<vmem>> -> memref<1x128xi32, #tpu.memory_space<vmem>>
        %dma_start3A_264 = tpu.memref_squeeze %dma_start3A_263 : memref<1x128xi32, #tpu.memory_space<vmem>> -> memref<128xi32, #tpu.memory_space<vmem>>
        %dma_start3A_265 = arith.constant 0 : i32
        %dma_start3A_266 = arith.constant 0 : i32
        %dma_start3A_267 = tpu.memref_slice %arg11[%dma_start3A_265, %dma_start3A_266] : memref<10240x128xf32, #tpu.memory_space<vmem_shared>> -> memref<10240x128xf32, #tpu.memory_space<vmem_shared>>
        tpu.enqueue_indirect_dma source(%arg9 : memref<128x128xf32, #tpu.memory_space<vmem>>) target(%dma_start3A_267 : memref<10240x128xf32, #tpu.memory_space<vmem_shared>>) offsets(%dma_start3A_264 : memref<128xi32, #tpu.memory_space<vmem>>) semaphore(%run_scoped3A_261 : memref<!tpu.dma_semaphore, #tpu.memory_space<semaphore_mem>>) {add = true}
        %dma_wait3A_268 = arith.constant 0 : i32
        %dma_wait3A_269 = tpu.memref_slice %arg8[%run_scoped3A_170, %dma_wait3A_268] : memref<16x128xi32, #tpu.memory_space<vmem>> -> memref<1x128xi32, #tpu.memory_space<vmem>>
        %dma_wait3A_270 = tpu.memref_squeeze %dma_wait3A_269 : memref<1x128xi32, #tpu.memory_space<vmem>> -> memref<128xi32, #tpu.memory_space<vmem>>
        %dma_wait3A_271 = arith.constant 0 : i32
        %dma_wait3A_272 = arith.constant 0 : i32
        %dma_wait3A_273 = tpu.memref_slice %arg11[%dma_wait3A_271, %dma_wait3A_272] : memref<10240x128xf32, #tpu.memory_space<vmem_shared>> -> memref<10240x128xf32, #tpu.memory_space<vmem_shared>>
        tpu.wait_indirect_dma semaphore(%run_scoped3A_261 : memref<!tpu.dma_semaphore, #tpu.memory_space<semaphore_mem>>) src(%arg9 : memref<128x128xf32, #tpu.memory_space<vmem>>) dst(%dma_wait3A_273 : memref<10240x128xf32, #tpu.memory_space<vmem_shared>>)
        tpu.yield
      }) : () -> ()
      %dma_start3A_171 = arith.constant 10 : i32
      %dma_start3A_172 = arith.constant 0 : i32
      %dma_start3A_173 = tpu.memref_slice %arg7[%dma_start3A_171, %dma_start3A_172] : memref<16x128xi32, #tpu.memory_space<vmem>> -> memref<1x128xi32, #tpu.memory_space<vmem>>
      %dma_start3A_174 = tpu.memref_squeeze %dma_start3A_173 : memref<1x128xi32, #tpu.memory_space<vmem>> -> memref<128xi32, #tpu.memory_space<vmem>>
      %dma_start3A_175 = arith.constant 0 : i32
      %dma_start3A_176 = arith.constant 0 : i32
      %dma_start3A_177 = tpu.memref_slice %arg2[%dma_start3A_175, %dma_start3A_176] : memref<10240x128xf32, #tpu.memory_space<hbm>> -> memref<10240x128xf32, #tpu.memory_space<hbm>>
      tpu.enqueue_indirect_dma source(%dma_start3A_177 : memref<10240x128xf32, #tpu.memory_space<hbm>>) target(%arg9 : memref<128x128xf32, #tpu.memory_space<vmem>>) offsets(%dma_start3A_174 : memref<128xi32, #tpu.memory_space<vmem>>) semaphore(%arg10 : memref<!tpu.dma_semaphore, #tpu.memory_space<semaphore_mem>>)
      %dma_wait3A_178 = arith.constant 10 : i32
      %dma_wait3A_179 = arith.constant 0 : i32
      %dma_wait3A_180 = tpu.memref_slice %arg7[%dma_wait3A_178, %dma_wait3A_179] : memref<16x128xi32, #tpu.memory_space<vmem>> -> memref<1x128xi32, #tpu.memory_space<vmem>>
      %dma_wait3A_181 = tpu.memref_squeeze %dma_wait3A_180 : memref<1x128xi32, #tpu.memory_space<vmem>> -> memref<128xi32, #tpu.memory_space<vmem>>
      %dma_wait3A_182 = arith.constant 0 : i32
      %dma_wait3A_183 = arith.constant 0 : i32
      %dma_wait3A_184 = tpu.memref_slice %arg2[%dma_wait3A_182, %dma_wait3A_183] : memref<10240x128xf32, #tpu.memory_space<hbm>> -> memref<10240x128xf32, #tpu.memory_space<hbm>>
      tpu.wait_indirect_dma semaphore(%arg10 : memref<!tpu.dma_semaphore, #tpu.memory_space<semaphore_mem>>) src(%dma_wait3A_184 : memref<10240x128xf32, #tpu.memory_space<hbm>>) dst(%arg9 : memref<128x128xf32, #tpu.memory_space<vmem>>)
      %run_scoped3A_185 = arith.constant 10 : i32
      "tpu.region"() ({
        %run_scoped3A_261 = tpu.sem_alloc : memref<!tpu.dma_semaphore, #tpu.memory_space<semaphore_mem>>
        %dma_start3A_262 = arith.constant 0 : i32
        %dma_start3A_263 = tpu.memref_slice %arg8[%run_scoped3A_185, %dma_start3A_262] : memref<16x128xi32, #tpu.memory_space<vmem>> -> memref<1x128xi32, #tpu.memory_space<vmem>>
        %dma_start3A_264 = tpu.memref_squeeze %dma_start3A_263 : memref<1x128xi32, #tpu.memory_space<vmem>> -> memref<128xi32, #tpu.memory_space<vmem>>
        %dma_start3A_265 = arith.constant 0 : i32
        %dma_start3A_266 = arith.constant 0 : i32
        %dma_start3A_267 = tpu.memref_slice %arg11[%dma_start3A_265, %dma_start3A_266] : memref<10240x128xf32, #tpu.memory_space<vmem_shared>> -> memref<10240x128xf32, #tpu.memory_space<vmem_shared>>
        tpu.enqueue_indirect_dma source(%arg9 : memref<128x128xf32, #tpu.memory_space<vmem>>) target(%dma_start3A_267 : memref<10240x128xf32, #tpu.memory_space<vmem_shared>>) offsets(%dma_start3A_264 : memref<128xi32, #tpu.memory_space<vmem>>) semaphore(%run_scoped3A_261 : memref<!tpu.dma_semaphore, #tpu.memory_space<semaphore_mem>>) {add = true}
        %dma_wait3A_268 = arith.constant 0 : i32
        %dma_wait3A_269 = tpu.memref_slice %arg8[%run_scoped3A_185, %dma_wait3A_268] : memref<16x128xi32, #tpu.memory_space<vmem>> -> memref<1x128xi32, #tpu.memory_space<vmem>>
        %dma_wait3A_270 = tpu.memref_squeeze %dma_wait3A_269 : memref<1x128xi32, #tpu.memory_space<vmem>> -> memref<128xi32, #tpu.memory_space<vmem>>
        %dma_wait3A_271 = arith.constant 0 : i32
        %dma_wait3A_272 = arith.constant 0 : i32
        %dma_wait3A_273 = tpu.memref_slice %arg11[%dma_wait3A_271, %dma_wait3A_272] : memref<10240x128xf32, #tpu.memory_space<vmem_shared>> -> memref<10240x128xf32, #tpu.memory_space<vmem_shared>>
        tpu.wait_indirect_dma semaphore(%run_scoped3A_261 : memref<!tpu.dma_semaphore, #tpu.memory_space<semaphore_mem>>) src(%arg9 : memref<128x128xf32, #tpu.memory_space<vmem>>) dst(%dma_wait3A_273 : memref<10240x128xf32, #tpu.memory_space<vmem_shared>>)
        tpu.yield
      }) : () -> ()
      %dma_start3A_186 = arith.constant 11 : i32
      %dma_start3A_187 = arith.constant 0 : i32
      %dma_start3A_188 = tpu.memref_slice %arg7[%dma_start3A_186, %dma_start3A_187] : memref<16x128xi32, #tpu.memory_space<vmem>> -> memref<1x128xi32, #tpu.memory_space<vmem>>
      %dma_start3A_189 = tpu.memref_squeeze %dma_start3A_188 : memref<1x128xi32, #tpu.memory_space<vmem>> -> memref<128xi32, #tpu.memory_space<vmem>>
      %dma_start3A_190 = arith.constant 0 : i32
      %dma_start3A_191 = arith.constant 0 : i32
      %dma_start3A_192 = tpu.memref_slice %arg2[%dma_start3A_190, %dma_start3A_191] : memref<10240x128xf32, #tpu.memory_space<hbm>> -> memref<10240x128xf32, #tpu.memory_space<hbm>>
      tpu.enqueue_indirect_dma source(%dma_start3A_192 : memref<10240x128xf32, #tpu.memory_space<hbm>>) target(%arg9 : memref<128x128xf32, #tpu.memory_space<vmem>>) offsets(%dma_start3A_189 : memref<128xi32, #tpu.memory_space<vmem>>) semaphore(%arg10 : memref<!tpu.dma_semaphore, #tpu.memory_space<semaphore_mem>>)
      %dma_wait3A_193 = arith.constant 11 : i32
      %dma_wait3A_194 = arith.constant 0 : i32
      %dma_wait3A_195 = tpu.memref_slice %arg7[%dma_wait3A_193, %dma_wait3A_194] : memref<16x128xi32, #tpu.memory_space<vmem>> -> memref<1x128xi32, #tpu.memory_space<vmem>>
      %dma_wait3A_196 = tpu.memref_squeeze %dma_wait3A_195 : memref<1x128xi32, #tpu.memory_space<vmem>> -> memref<128xi32, #tpu.memory_space<vmem>>
      %dma_wait3A_197 = arith.constant 0 : i32
      %dma_wait3A_198 = arith.constant 0 : i32
      %dma_wait3A_199 = tpu.memref_slice %arg2[%dma_wait3A_197, %dma_wait3A_198] : memref<10240x128xf32, #tpu.memory_space<hbm>> -> memref<10240x128xf32, #tpu.memory_space<hbm>>
      tpu.wait_indirect_dma semaphore(%arg10 : memref<!tpu.dma_semaphore, #tpu.memory_space<semaphore_mem>>) src(%dma_wait3A_199 : memref<10240x128xf32, #tpu.memory_space<hbm>>) dst(%arg9 : memref<128x128xf32, #tpu.memory_space<vmem>>)
      %run_scoped3A_200 = arith.constant 11 : i32
      "tpu.region"() ({
        %run_scoped3A_261 = tpu.sem_alloc : memref<!tpu.dma_semaphore, #tpu.memory_space<semaphore_mem>>
        %dma_start3A_262 = arith.constant 0 : i32
        %dma_start3A_263 = tpu.memref_slice %arg8[%run_scoped3A_200, %dma_start3A_262] : memref<16x128xi32, #tpu.memory_space<vmem>> -> memref<1x128xi32, #tpu.memory_space<vmem>>
        %dma_start3A_264 = tpu.memref_squeeze %dma_start3A_263 : memref<1x128xi32, #tpu.memory_space<vmem>> -> memref<128xi32, #tpu.memory_space<vmem>>
        %dma_start3A_265 = arith.constant 0 : i32
        %dma_start3A_266 = arith.constant 0 : i32
        %dma_start3A_267 = tpu.memref_slice %arg11[%dma_start3A_265, %dma_start3A_266] : memref<10240x128xf32, #tpu.memory_space<vmem_shared>> -> memref<10240x128xf32, #tpu.memory_space<vmem_shared>>
        tpu.enqueue_indirect_dma source(%arg9 : memref<128x128xf32, #tpu.memory_space<vmem>>) target(%dma_start3A_267 : memref<10240x128xf32, #tpu.memory_space<vmem_shared>>) offsets(%dma_start3A_264 : memref<128xi32, #tpu.memory_space<vmem>>) semaphore(%run_scoped3A_261 : memref<!tpu.dma_semaphore, #tpu.memory_space<semaphore_mem>>) {add = true}
        %dma_wait3A_268 = arith.constant 0 : i32
        %dma_wait3A_269 = tpu.memref_slice %arg8[%run_scoped3A_200, %dma_wait3A_268] : memref<16x128xi32, #tpu.memory_space<vmem>> -> memref<1x128xi32, #tpu.memory_space<vmem>>
        %dma_wait3A_270 = tpu.memref_squeeze %dma_wait3A_269 : memref<1x128xi32, #tpu.memory_space<vmem>> -> memref<128xi32, #tpu.memory_space<vmem>>
        %dma_wait3A_271 = arith.constant 0 : i32
        %dma_wait3A_272 = arith.constant 0 : i32
        %dma_wait3A_273 = tpu.memref_slice %arg11[%dma_wait3A_271, %dma_wait3A_272] : memref<10240x128xf32, #tpu.memory_space<vmem_shared>> -> memref<10240x128xf32, #tpu.memory_space<vmem_shared>>
        tpu.wait_indirect_dma semaphore(%run_scoped3A_261 : memref<!tpu.dma_semaphore, #tpu.memory_space<semaphore_mem>>) src(%arg9 : memref<128x128xf32, #tpu.memory_space<vmem>>) dst(%dma_wait3A_273 : memref<10240x128xf32, #tpu.memory_space<vmem_shared>>)
        tpu.yield
      }) : () -> ()
      %dma_start3A_201 = arith.constant 12 : i32
      %dma_start3A_202 = arith.constant 0 : i32
      %dma_start3A_203 = tpu.memref_slice %arg7[%dma_start3A_201, %dma_start3A_202] : memref<16x128xi32, #tpu.memory_space<vmem>> -> memref<1x128xi32, #tpu.memory_space<vmem>>
      %dma_start3A_204 = tpu.memref_squeeze %dma_start3A_203 : memref<1x128xi32, #tpu.memory_space<vmem>> -> memref<128xi32, #tpu.memory_space<vmem>>
      %dma_start3A_205 = arith.constant 0 : i32
      %dma_start3A_206 = arith.constant 0 : i32
      %dma_start3A_207 = tpu.memref_slice %arg2[%dma_start3A_205, %dma_start3A_206] : memref<10240x128xf32, #tpu.memory_space<hbm>> -> memref<10240x128xf32, #tpu.memory_space<hbm>>
      tpu.enqueue_indirect_dma source(%dma_start3A_207 : memref<10240x128xf32, #tpu.memory_space<hbm>>) target(%arg9 : memref<128x128xf32, #tpu.memory_space<vmem>>) offsets(%dma_start3A_204 : memref<128xi32, #tpu.memory_space<vmem>>) semaphore(%arg10 : memref<!tpu.dma_semaphore, #tpu.memory_space<semaphore_mem>>)
      %dma_wait3A_208 = arith.constant 12 : i32
      %dma_wait3A_209 = arith.constant 0 : i32
      %dma_wait3A_210 = tpu.memref_slice %arg7[%dma_wait3A_208, %dma_wait3A_209] : memref<16x128xi32, #tpu.memory_space<vmem>> -> memref<1x128xi32, #tpu.memory_space<vmem>>
      %dma_wait3A_211 = tpu.memref_squeeze %dma_wait3A_210 : memref<1x128xi32, #tpu.memory_space<vmem>> -> memref<128xi32, #tpu.memory_space<vmem>>
      %dma_wait3A_212 = arith.constant 0 : i32
      %dma_wait3A_213 = arith.constant 0 : i32
      %dma_wait3A_214 = tpu.memref_slice %arg2[%dma_wait3A_212, %dma_wait3A_213] : memref<10240x128xf32, #tpu.memory_space<hbm>> -> memref<10240x128xf32, #tpu.memory_space<hbm>>
      tpu.wait_indirect_dma semaphore(%arg10 : memref<!tpu.dma_semaphore, #tpu.memory_space<semaphore_mem>>) src(%dma_wait3A_214 : memref<10240x128xf32, #tpu.memory_space<hbm>>) dst(%arg9 : memref<128x128xf32, #tpu.memory_space<vmem>>)
      %run_scoped3A_215 = arith.constant 12 : i32
      "tpu.region"() ({
        %run_scoped3A_261 = tpu.sem_alloc : memref<!tpu.dma_semaphore, #tpu.memory_space<semaphore_mem>>
        %dma_start3A_262 = arith.constant 0 : i32
        %dma_start3A_263 = tpu.memref_slice %arg8[%run_scoped3A_215, %dma_start3A_262] : memref<16x128xi32, #tpu.memory_space<vmem>> -> memref<1x128xi32, #tpu.memory_space<vmem>>
        %dma_start3A_264 = tpu.memref_squeeze %dma_start3A_263 : memref<1x128xi32, #tpu.memory_space<vmem>> -> memref<128xi32, #tpu.memory_space<vmem>>
        %dma_start3A_265 = arith.constant 0 : i32
        %dma_start3A_266 = arith.constant 0 : i32
        %dma_start3A_267 = tpu.memref_slice %arg11[%dma_start3A_265, %dma_start3A_266] : memref<10240x128xf32, #tpu.memory_space<vmem_shared>> -> memref<10240x128xf32, #tpu.memory_space<vmem_shared>>
        tpu.enqueue_indirect_dma source(%arg9 : memref<128x128xf32, #tpu.memory_space<vmem>>) target(%dma_start3A_267 : memref<10240x128xf32, #tpu.memory_space<vmem_shared>>) offsets(%dma_start3A_264 : memref<128xi32, #tpu.memory_space<vmem>>) semaphore(%run_scoped3A_261 : memref<!tpu.dma_semaphore, #tpu.memory_space<semaphore_mem>>) {add = true}
        %dma_wait3A_268 = arith.constant 0 : i32
        %dma_wait3A_269 = tpu.memref_slice %arg8[%run_scoped3A_215, %dma_wait3A_268] : memref<16x128xi32, #tpu.memory_space<vmem>> -> memref<1x128xi32, #tpu.memory_space<vmem>>
        %dma_wait3A_270 = tpu.memref_squeeze %dma_wait3A_269 : memref<1x128xi32, #tpu.memory_space<vmem>> -> memref<128xi32, #tpu.memory_space<vmem>>
        %dma_wait3A_271 = arith.constant 0 : i32
        %dma_wait3A_272 = arith.constant 0 : i32
        %dma_wait3A_273 = tpu.memref_slice %arg11[%dma_wait3A_271, %dma_wait3A_272] : memref<10240x128xf32, #tpu.memory_space<vmem_shared>> -> memref<10240x128xf32, #tpu.memory_space<vmem_shared>>
        tpu.wait_indirect_dma semaphore(%run_scoped3A_261 : memref<!tpu.dma_semaphore, #tpu.memory_space<semaphore_mem>>) src(%arg9 : memref<128x128xf32, #tpu.memory_space<vmem>>) dst(%dma_wait3A_273 : memref<10240x128xf32, #tpu.memory_space<vmem_shared>>)
        tpu.yield
      }) : () -> ()
      %dma_start3A_216 = arith.constant 13 : i32
      %dma_start3A_217 = arith.constant 0 : i32
      %dma_start3A_218 = tpu.memref_slice %arg7[%dma_start3A_216, %dma_start3A_217] : memref<16x128xi32, #tpu.memory_space<vmem>> -> memref<1x128xi32, #tpu.memory_space<vmem>>
      %dma_start3A_219 = tpu.memref_squeeze %dma_start3A_218 : memref<1x128xi32, #tpu.memory_space<vmem>> -> memref<128xi32, #tpu.memory_space<vmem>>
      %dma_start3A_220 = arith.constant 0 : i32
      %dma_start3A_221 = arith.constant 0 : i32
      %dma_start3A_222 = tpu.memref_slice %arg2[%dma_start3A_220, %dma_start3A_221] : memref<10240x128xf32, #tpu.memory_space<hbm>> -> memref<10240x128xf32, #tpu.memory_space<hbm>>
      tpu.enqueue_indirect_dma source(%dma_start3A_222 : memref<10240x128xf32, #tpu.memory_space<hbm>>) target(%arg9 : memref<128x128xf32, #tpu.memory_space<vmem>>) offsets(%dma_start3A_219 : memref<128xi32, #tpu.memory_space<vmem>>) semaphore(%arg10 : memref<!tpu.dma_semaphore, #tpu.memory_space<semaphore_mem>>)
      %dma_wait3A_223 = arith.constant 13 : i32
      %dma_wait3A_224 = arith.constant 0 : i32
      %dma_wait3A_225 = tpu.memref_slice %arg7[%dma_wait3A_223, %dma_wait3A_224] : memref<16x128xi32, #tpu.memory_space<vmem>> -> memref<1x128xi32, #tpu.memory_space<vmem>>
      %dma_wait3A_226 = tpu.memref_squeeze %dma_wait3A_225 : memref<1x128xi32, #tpu.memory_space<vmem>> -> memref<128xi32, #tpu.memory_space<vmem>>
      %dma_wait3A_227 = arith.constant 0 : i32
      %dma_wait3A_228 = arith.constant 0 : i32
      %dma_wait3A_229 = tpu.memref_slice %arg2[%dma_wait3A_227, %dma_wait3A_228] : memref<10240x128xf32, #tpu.memory_space<hbm>> -> memref<10240x128xf32, #tpu.memory_space<hbm>>
      tpu.wait_indirect_dma semaphore(%arg10 : memref<!tpu.dma_semaphore, #tpu.memory_space<semaphore_mem>>) src(%dma_wait3A_229 : memref<10240x128xf32, #tpu.memory_space<hbm>>) dst(%arg9 : memref<128x128xf32, #tpu.memory_space<vmem>>)
      %run_scoped3A_230 = arith.constant 13 : i32
      "tpu.region"() ({
        %run_scoped3A_261 = tpu.sem_alloc : memref<!tpu.dma_semaphore, #tpu.memory_space<semaphore_mem>>
        %dma_start3A_262 = arith.constant 0 : i32
        %dma_start3A_263 = tpu.memref_slice %arg8[%run_scoped3A_230, %dma_start3A_262] : memref<16x128xi32, #tpu.memory_space<vmem>> -> memref<1x128xi32, #tpu.memory_space<vmem>>
        %dma_start3A_264 = tpu.memref_squeeze %dma_start3A_263 : memref<1x128xi32, #tpu.memory_space<vmem>> -> memref<128xi32, #tpu.memory_space<vmem>>
        %dma_start3A_265 = arith.constant 0 : i32
        %dma_start3A_266 = arith.constant 0 : i32
        %dma_start3A_267 = tpu.memref_slice %arg11[%dma_start3A_265, %dma_start3A_266] : memref<10240x128xf32, #tpu.memory_space<vmem_shared>> -> memref<10240x128xf32, #tpu.memory_space<vmem_shared>>
        tpu.enqueue_indirect_dma source(%arg9 : memref<128x128xf32, #tpu.memory_space<vmem>>) target(%dma_start3A_267 : memref<10240x128xf32, #tpu.memory_space<vmem_shared>>) offsets(%dma_start3A_264 : memref<128xi32, #tpu.memory_space<vmem>>) semaphore(%run_scoped3A_261 : memref<!tpu.dma_semaphore, #tpu.memory_space<semaphore_mem>>) {add = true}
        %dma_wait3A_268 = arith.constant 0 : i32
        %dma_wait3A_269 = tpu.memref_slice %arg8[%run_scoped3A_230, %dma_wait3A_268] : memref<16x128xi32, #tpu.memory_space<vmem>> -> memref<1x128xi32, #tpu.memory_space<vmem>>
        %dma_wait3A_270 = tpu.memref_squeeze %dma_wait3A_269 : memref<1x128xi32, #tpu.memory_space<vmem>> -> memref<128xi32, #tpu.memory_space<vmem>>
        %dma_wait3A_271 = arith.constant 0 : i32
        %dma_wait3A_272 = arith.constant 0 : i32
        %dma_wait3A_273 = tpu.memref_slice %arg11[%dma_wait3A_271, %dma_wait3A_272] : memref<10240x128xf32, #tpu.memory_space<vmem_shared>> -> memref<10240x128xf32, #tpu.memory_space<vmem_shared>>
        tpu.wait_indirect_dma semaphore(%run_scoped3A_261 : memref<!tpu.dma_semaphore, #tpu.memory_space<semaphore_mem>>) src(%arg9 : memref<128x128xf32, #tpu.memory_space<vmem>>) dst(%dma_wait3A_273 : memref<10240x128xf32, #tpu.memory_space<vmem_shared>>)
        tpu.yield
      }) : () -> ()
      %dma_start3A_231 = arith.constant 14 : i32
      %dma_start3A_232 = arith.constant 0 : i32
      %dma_start3A_233 = tpu.memref_slice %arg7[%dma_start3A_231, %dma_start3A_232] : memref<16x128xi32, #tpu.memory_space<vmem>> -> memref<1x128xi32, #tpu.memory_space<vmem>>
      %dma_start3A_234 = tpu.memref_squeeze %dma_start3A_233 : memref<1x128xi32, #tpu.memory_space<vmem>> -> memref<128xi32, #tpu.memory_space<vmem>>
      %dma_start3A_235 = arith.constant 0 : i32
      %dma_start3A_236 = arith.constant 0 : i32
      %dma_start3A_237 = tpu.memref_slice %arg2[%dma_start3A_235, %dma_start3A_236] : memref<10240x128xf32, #tpu.memory_space<hbm>> -> memref<10240x128xf32, #tpu.memory_space<hbm>>
      tpu.enqueue_indirect_dma source(%dma_start3A_237 : memref<10240x128xf32, #tpu.memory_space<hbm>>) target(%arg9 : memref<128x128xf32, #tpu.memory_space<vmem>>) offsets(%dma_start3A_234 : memref<128xi32, #tpu.memory_space<vmem>>) semaphore(%arg10 : memref<!tpu.dma_semaphore, #tpu.memory_space<semaphore_mem>>)
      %dma_wait3A_238 = arith.constant 14 : i32
      %dma_wait3A_239 = arith.constant 0 : i32
      %dma_wait3A_240 = tpu.memref_slice %arg7[%dma_wait3A_238, %dma_wait3A_239] : memref<16x128xi32, #tpu.memory_space<vmem>> -> memref<1x128xi32, #tpu.memory_space<vmem>>
      %dma_wait3A_241 = tpu.memref_squeeze %dma_wait3A_240 : memref<1x128xi32, #tpu.memory_space<vmem>> -> memref<128xi32, #tpu.memory_space<vmem>>
      %dma_wait3A_242 = arith.constant 0 : i32
      %dma_wait3A_243 = arith.constant 0 : i32
      %dma_wait3A_244 = tpu.memref_slice %arg2[%dma_wait3A_242, %dma_wait3A_243] : memref<10240x128xf32, #tpu.memory_space<hbm>> -> memref<10240x128xf32, #tpu.memory_space<hbm>>
      tpu.wait_indirect_dma semaphore(%arg10 : memref<!tpu.dma_semaphore, #tpu.memory_space<semaphore_mem>>) src(%dma_wait3A_244 : memref<10240x128xf32, #tpu.memory_space<hbm>>) dst(%arg9 : memref<128x128xf32, #tpu.memory_space<vmem>>)
      %run_scoped3A_245 = arith.constant 14 : i32
      "tpu.region"() ({
        %run_scoped3A_261 = tpu.sem_alloc : memref<!tpu.dma_semaphore, #tpu.memory_space<semaphore_mem>>
        %dma_start3A_262 = arith.constant 0 : i32
        %dma_start3A_263 = tpu.memref_slice %arg8[%run_scoped3A_245, %dma_start3A_262] : memref<16x128xi32, #tpu.memory_space<vmem>> -> memref<1x128xi32, #tpu.memory_space<vmem>>
        %dma_start3A_264 = tpu.memref_squeeze %dma_start3A_263 : memref<1x128xi32, #tpu.memory_space<vmem>> -> memref<128xi32, #tpu.memory_space<vmem>>
        %dma_start3A_265 = arith.constant 0 : i32
        %dma_start3A_266 = arith.constant 0 : i32
        %dma_start3A_267 = tpu.memref_slice %arg11[%dma_start3A_265, %dma_start3A_266] : memref<10240x128xf32, #tpu.memory_space<vmem_shared>> -> memref<10240x128xf32, #tpu.memory_space<vmem_shared>>
        tpu.enqueue_indirect_dma source(%arg9 : memref<128x128xf32, #tpu.memory_space<vmem>>) target(%dma_start3A_267 : memref<10240x128xf32, #tpu.memory_space<vmem_shared>>) offsets(%dma_start3A_264 : memref<128xi32, #tpu.memory_space<vmem>>) semaphore(%run_scoped3A_261 : memref<!tpu.dma_semaphore, #tpu.memory_space<semaphore_mem>>) {add = true}
        %dma_wait3A_268 = arith.constant 0 : i32
        %dma_wait3A_269 = tpu.memref_slice %arg8[%run_scoped3A_245, %dma_wait3A_268] : memref<16x128xi32, #tpu.memory_space<vmem>> -> memref<1x128xi32, #tpu.memory_space<vmem>>
        %dma_wait3A_270 = tpu.memref_squeeze %dma_wait3A_269 : memref<1x128xi32, #tpu.memory_space<vmem>> -> memref<128xi32, #tpu.memory_space<vmem>>
        %dma_wait3A_271 = arith.constant 0 : i32
        %dma_wait3A_272 = arith.constant 0 : i32
        %dma_wait3A_273 = tpu.memref_slice %arg11[%dma_wait3A_271, %dma_wait3A_272] : memref<10240x128xf32, #tpu.memory_space<vmem_shared>> -> memref<10240x128xf32, #tpu.memory_space<vmem_shared>>
        tpu.wait_indirect_dma semaphore(%run_scoped3A_261 : memref<!tpu.dma_semaphore, #tpu.memory_space<semaphore_mem>>) src(%arg9 : memref<128x128xf32, #tpu.memory_space<vmem>>) dst(%dma_wait3A_273 : memref<10240x128xf32, #tpu.memory_space<vmem_shared>>)
        tpu.yield
      }) : () -> ()
      %dma_start3A_246 = arith.constant 15 : i32
      %dma_start3A_247 = arith.constant 0 : i32
      %dma_start3A_248 = tpu.memref_slice %arg7[%dma_start3A_246, %dma_start3A_247] : memref<16x128xi32, #tpu.memory_space<vmem>> -> memref<1x128xi32, #tpu.memory_space<vmem>>
      %dma_start3A_249 = tpu.memref_squeeze %dma_start3A_248 : memref<1x128xi32, #tpu.memory_space<vmem>> -> memref<128xi32, #tpu.memory_space<vmem>>
      %dma_start3A_250 = arith.constant 0 : i32
      %dma_start3A_251 = arith.constant 0 : i32
      %dma_start3A_252 = tpu.memref_slice %arg2[%dma_start3A_250, %dma_start3A_251] : memref<10240x128xf32, #tpu.memory_space<hbm>> -> memref<10240x128xf32, #tpu.memory_space<hbm>>
      tpu.enqueue_indirect_dma source(%dma_start3A_252 : memref<10240x128xf32, #tpu.memory_space<hbm>>) target(%arg9 : memref<128x128xf32, #tpu.memory_space<vmem>>) offsets(%dma_start3A_249 : memref<128xi32, #tpu.memory_space<vmem>>) semaphore(%arg10 : memref<!tpu.dma_semaphore, #tpu.memory_space<semaphore_mem>>)
      %dma_wait3A_253 = arith.constant 15 : i32
      %dma_wait3A_254 = arith.constant 0 : i32
      %dma_wait3A_255 = tpu.memref_slice %arg7[%dma_wait3A_253, %dma_wait3A_254] : memref<16x128xi32, #tpu.memory_space<vmem>> -> memref<1x128xi32, #tpu.memory_space<vmem>>
      %dma_wait3A_256 = tpu.memref_squeeze %dma_wait3A_255 : memref<1x128xi32, #tpu.memory_space<vmem>> -> memref<128xi32, #tpu.memory_space<vmem>>
      %dma_wait3A_257 = arith.constant 0 : i32
      %dma_wait3A_258 = arith.constant 0 : i32
      %dma_wait3A_259 = tpu.memref_slice %arg2[%dma_wait3A_257, %dma_wait3A_258] : memref<10240x128xf32, #tpu.memory_space<hbm>> -> memref<10240x128xf32, #tpu.memory_space<hbm>>
      tpu.wait_indirect_dma semaphore(%arg10 : memref<!tpu.dma_semaphore, #tpu.memory_space<semaphore_mem>>) src(%dma_wait3A_259 : memref<10240x128xf32, #tpu.memory_space<hbm>>) dst(%arg9 : memref<128x128xf32, #tpu.memory_space<vmem>>)
      %run_scoped3A_260 = arith.constant 15 : i32
      "tpu.region"() ({
        %run_scoped3A_261 = tpu.sem_alloc : memref<!tpu.dma_semaphore, #tpu.memory_space<semaphore_mem>>
        %dma_start3A_262 = arith.constant 0 : i32
        %dma_start3A_263 = tpu.memref_slice %arg8[%run_scoped3A_260, %dma_start3A_262] : memref<16x128xi32, #tpu.memory_space<vmem>> -> memref<1x128xi32, #tpu.memory_space<vmem>>
        %dma_start3A_264 = tpu.memref_squeeze %dma_start3A_263 : memref<1x128xi32, #tpu.memory_space<vmem>> -> memref<128xi32, #tpu.memory_space<vmem>>
        %dma_start3A_265 = arith.constant 0 : i32
        %dma_start3A_266 = arith.constant 0 : i32
        %dma_start3A_267 = tpu.memref_slice %arg11[%dma_start3A_265, %dma_start3A_266] : memref<10240x128xf32, #tpu.memory_space<vmem_shared>> -> memref<10240x128xf32, #tpu.memory_space<vmem_shared>>
        tpu.enqueue_indirect_dma source(%arg9 : memref<128x128xf32, #tpu.memory_space<vmem>>) target(%dma_start3A_267 : memref<10240x128xf32, #tpu.memory_space<vmem_shared>>) offsets(%dma_start3A_264 : memref<128xi32, #tpu.memory_space<vmem>>) semaphore(%run_scoped3A_261 : memref<!tpu.dma_semaphore, #tpu.memory_space<semaphore_mem>>) {add = true}
        %dma_wait3A_268 = arith.constant 0 : i32
        %dma_wait3A_269 = tpu.memref_slice %arg8[%run_scoped3A_260, %dma_wait3A_268] : memref<16x128xi32, #tpu.memory_space<vmem>> -> memref<1x128xi32, #tpu.memory_space<vmem>>
        %dma_wait3A_270 = tpu.memref_squeeze %dma_wait3A_269 : memref<1x128xi32, #tpu.memory_space<vmem>> -> memref<128xi32, #tpu.memory_space<vmem>>
        %dma_wait3A_271 = arith.constant 0 : i32
        %dma_wait3A_272 = arith.constant 0 : i32
        %dma_wait3A_273 = tpu.memref_slice %arg11[%dma_wait3A_271, %dma_wait3A_272] : memref<10240x128xf32, #tpu.memory_space<vmem_shared>> -> memref<10240x128xf32, #tpu.memory_space<vmem_shared>>
        tpu.wait_indirect_dma semaphore(%run_scoped3A_261 : memref<!tpu.dma_semaphore, #tpu.memory_space<semaphore_mem>>) src(%arg9 : memref<128x128xf32, #tpu.memory_space<vmem>>) dst(%dma_wait3A_273 : memref<10240x128xf32, #tpu.memory_space<vmem_shared>>)
        tpu.yield
      }) : () -> ()
    }
    %while3A_19 = arith.constant 1 : i32
    scf.for %while3A_21 = %while3A_17 to %while3A_13 step %while3A_19  : i32 {
      %add3A_22 = arith.addi %select_n3A_10, %while3A_21 : i32
      "tpu.region"() ({
        %run_scoped3A_261 = tpu.sem_alloc : memref<!tpu.dma_semaphore, #tpu.memory_space<semaphore_mem>>
        %dma_start3A_262 = arith.constant 0 : i32
        %dma_start3A_263 = arith.constant 0 : i32
        %dma_start3A_264 = tpu.memref_slice %arg3[%add3A_22, %dma_start3A_262, %dma_start3A_263] : memref<160x16x128xi32, #tpu.memory_space<hbm>> -> memref<1x16x128xi32, #tpu.memory_space<hbm>>
        %dma_start3A_265 = tpu.memref_squeeze %dma_start3A_264 : memref<1x16x128xi32, #tpu.memory_space<hbm>> -> memref<16x128xi32, #tpu.memory_space<hbm>>
        %dma_start3A_266 = arith.constant 0 : i32
        %dma_start3A_267 = arith.constant 0 : i32
        %dma_start3A_268 = tpu.memref_slice %arg3[%add3A_22, %dma_start3A_266, %dma_start3A_267] : memref<160x16x128xi32, #tpu.memory_space<hbm>> -> memref<1x16x128xi32, #tpu.memory_space<hbm>>
        %dma_start3A_269 = tpu.memref_squeeze %dma_start3A_268 : memref<1x16x128xi32, #tpu.memory_space<hbm>> -> memref<16x128xi32, #tpu.memory_space<hbm>>
        tpu.enqueue_dma source(%dma_start3A_269 : memref<16x128xi32, #tpu.memory_space<hbm>>) target(%arg7 : memref<16x128xi32, #tpu.memory_space<vmem>>) target_semaphore(%run_scoped3A_261 : memref<!tpu.dma_semaphore, #tpu.memory_space<semaphore_mem>>)
        %dma_wait3A_270 = arith.constant 0 : i32
        %dma_wait3A_271 = arith.constant 0 : i32
        %dma_wait3A_272 = tpu.memref_slice %arg3[%add3A_22, %dma_wait3A_270, %dma_wait3A_271] : memref<160x16x128xi32, #tpu.memory_space<hbm>> -> memref<1x16x128xi32, #tpu.memory_space<hbm>>
        %dma_wait3A_273 = tpu.memref_squeeze %dma_wait3A_272 : memref<1x16x128xi32, #tpu.memory_space<hbm>> -> memref<16x128xi32, #tpu.memory_space<hbm>>
        %dma_wait3A_274 = arith.constant 0 : i32
        %dma_wait3A_275 = arith.constant 0 : i32
        %dma_wait3A_276 = tpu.memref_slice %arg3[%add3A_22, %dma_wait3A_274, %dma_wait3A_275] : memref<160x16x128xi32, #tpu.memory_space<hbm>> -> memref<1x16x128xi32, #tpu.memory_space<hbm>>
        %dma_wait3A_277 = tpu.memref_squeeze %dma_wait3A_276 : memref<1x16x128xi32, #tpu.memory_space<hbm>> -> memref<16x128xi32, #tpu.memory_space<hbm>>
        tpu.wait_dma2 semaphore(%run_scoped3A_261 : memref<!tpu.dma_semaphore, #tpu.memory_space<semaphore_mem>>) src(%dma_wait3A_277 : memref<16x128xi32, #tpu.memory_space<hbm>>) dst(%arg7 : memref<16x128xi32, #tpu.memory_space<vmem>>)
        tpu.yield
      }) : () -> ()
      %add3A_23 = arith.addi %select_n3A_10, %while3A_21 : i32
      "tpu.region"() ({
        %run_scoped3A_261 = tpu.sem_alloc : memref<!tpu.dma_semaphore, #tpu.memory_space<semaphore_mem>>
        %dma_start3A_262 = arith.constant 0 : i32
        %dma_start3A_263 = arith.constant 0 : i32
        %dma_start3A_264 = tpu.memref_slice %arg4[%add3A_23, %dma_start3A_262, %dma_start3A_263] : memref<160x16x128xi32, #tpu.memory_space<hbm>> -> memref<1x16x128xi32, #tpu.memory_space<hbm>>
        %dma_start3A_265 = tpu.memref_squeeze %dma_start3A_264 : memref<1x16x128xi32, #tpu.memory_space<hbm>> -> memref<16x128xi32, #tpu.memory_space<hbm>>
        %dma_start3A_266 = arith.constant 0 : i32
        %dma_start3A_267 = arith.constant 0 : i32
        %dma_start3A_268 = tpu.memref_slice %arg4[%add3A_23, %dma_start3A_266, %dma_start3A_267] : memref<160x16x128xi32, #tpu.memory_space<hbm>> -> memref<1x16x128xi32, #tpu.memory_space<hbm>>
        %dma_start3A_269 = tpu.memref_squeeze %dma_start3A_268 : memref<1x16x128xi32, #tpu.memory_space<hbm>> -> memref<16x128xi32, #tpu.memory_space<hbm>>
        tpu.enqueue_dma source(%dma_start3A_269 : memref<16x128xi32, #tpu.memory_space<hbm>>) target(%arg8 : memref<16x128xi32, #tpu.memory_space<vmem>>) target_semaphore(%run_scoped3A_261 : memref<!tpu.dma_semaphore, #tpu.memory_space<semaphore_mem>>)
        %dma_wait3A_270 = arith.constant 0 : i32
        %dma_wait3A_271 = arith.constant 0 : i32
        %dma_wait3A_272 = tpu.memref_slice %arg4[%add3A_23, %dma_wait3A_270, %dma_wait3A_271] : memref<160x16x128xi32, #tpu.memory_space<hbm>> -> memref<1x16x128xi32, #tpu.memory_space<hbm>>
        %dma_wait3A_273 = tpu.memref_squeeze %dma_wait3A_272 : memref<1x16x128xi32, #tpu.memory_space<hbm>> -> memref<16x128xi32, #tpu.memory_space<hbm>>
        %dma_wait3A_274 = arith.constant 0 : i32
        %dma_wait3A_275 = arith.constant 0 : i32
        %dma_wait3A_276 = tpu.memref_slice %arg4[%add3A_23, %dma_wait3A_274, %dma_wait3A_275] : memref<160x16x128xi32, #tpu.memory_space<hbm>> -> memref<1x16x128xi32, #tpu.memory_space<hbm>>
        %dma_wait3A_277 = tpu.memref_squeeze %dma_wait3A_276 : memref<1x16x128xi32, #tpu.memory_space<hbm>> -> memref<16x128xi32, #tpu.memory_space<hbm>>
        tpu.wait_dma2 semaphore(%run_scoped3A_261 : memref<!tpu.dma_semaphore, #tpu.memory_space<semaphore_mem>>) src(%dma_wait3A_277 : memref<16x128xi32, #tpu.memory_space<hbm>>) dst(%arg8 : memref<16x128xi32, #tpu.memory_space<vmem>>)
        tpu.yield
      }) : () -> ()
      %dma_start3A = arith.constant 0 : i32
      %dma_start3A_24 = arith.constant 0 : i32
      %dma_start3A_25 = tpu.memref_slice %arg7[%dma_start3A, %dma_start3A_24] : memref<16x128xi32, #tpu.memory_space<vmem>> -> memref<1x128xi32, #tpu.memory_space<vmem>>
      %dma_start3A_26 = tpu.memref_squeeze %dma_start3A_25 : memref<1x128xi32, #tpu.memory_space<vmem>> -> memref<128xi32, #tpu.memory_space<vmem>>
      %dma_start3A_27 = arith.constant 0 : i32
      %dma_start3A_28 = arith.constant 0 : i32
      %dma_start3A_29 = tpu.memref_slice %arg2[%dma_start3A_27, %dma_start3A_28] : memref<10240x128xf32, #tpu.memory_space<hbm>> -> memref<10240x128xf32, #tpu.memory_space<hbm>>
      tpu.enqueue_indirect_dma source(%dma_start3A_29 : memref<10240x128xf32, #tpu.memory_space<hbm>>) target(%arg9 : memref<128x128xf32, #tpu.memory_space<vmem>>) offsets(%dma_start3A_26 : memref<128xi32, #tpu.memory_space<vmem>>) semaphore(%arg10 : memref<!tpu.dma_semaphore, #tpu.memory_space<semaphore_mem>>)
      %dma_wait3A = arith.constant 0 : i32
      %dma_wait3A_30 = arith.constant 0 : i32
      %dma_wait3A_31 = tpu.memref_slice %arg7[%dma_wait3A, %dma_wait3A_30] : memref<16x128xi32, #tpu.memory_space<vmem>> -> memref<1x128xi32, #tpu.memory_space<vmem>>
      %dma_wait3A_32 = tpu.memref_squeeze %dma_wait3A_31 : memref<1x128xi32, #tpu.memory_space<vmem>> -> memref<128xi32, #tpu.memory_space<vmem>>
      %dma_wait3A_33 = arith.constant 0 : i32
      %dma_wait3A_34 = arith.constant 0 : i32
      %dma_wait3A_35 = tpu.memref_slice %arg2[%dma_wait3A_33, %dma_wait3A_34] : memref<10240x128xf32, #tpu.memory_space<hbm>> -> memref<10240x128xf32, #tpu.memory_space<hbm>>
      tpu.wait_indirect_dma semaphore(%arg10 : memref<!tpu.dma_semaphore, #tpu.memory_space<semaphore_mem>>) src(%dma_wait3A_35 : memref<10240x128xf32, #tpu.memory_space<hbm>>) dst(%arg9 : memref<128x128xf32, #tpu.memory_space<vmem>>)
      %run_scoped3A = arith.constant 0 : i32
      "tpu.region"() ({
        %run_scoped3A_261 = tpu.sem_alloc : memref<!tpu.dma_semaphore, #tpu.memory_space<semaphore_mem>>
        %dma_start3A_262 = arith.constant 0 : i32
        %dma_start3A_263 = tpu.memref_slice %arg8[%run_scoped3A, %dma_start3A_262] : memref<16x128xi32, #tpu.memory_space<vmem>> -> memref<1x128xi32, #tpu.memory_space<vmem>>
        %dma_start3A_264 = tpu.memref_squeeze %dma_start3A_263 : memref<1x128xi32, #tpu.memory_space<vmem>> -> memref<128xi32, #tpu.memory_space<vmem>>
        %dma_start3A_265 = arith.constant 0 : i32
        %dma_start3A_266 = arith.constant 0 : i32
        %dma_start3A_267 = tpu.memref_slice %arg11[%dma_start3A_265, %dma_start3A_266] : memref<10240x128xf32, #tpu.memory_space<vmem_shared>> -> memref<10240x128xf32, #tpu.memory_space<vmem_shared>>
        tpu.enqueue_indirect_dma source(%arg9 : memref<128x128xf32, #tpu.memory_space<vmem>>) target(%dma_start3A_267 : memref<10240x128xf32, #tpu.memory_space<vmem_shared>>) offsets(%dma_start3A_264 : memref<128xi32, #tpu.memory_space<vmem>>) semaphore(%run_scoped3A_261 : memref<!tpu.dma_semaphore, #tpu.memory_space<semaphore_mem>>) {add = true}
        %dma_wait3A_268 = arith.constant 0 : i32
        %dma_wait3A_269 = tpu.memref_slice %arg8[%run_scoped3A, %dma_wait3A_268] : memref<16x128xi32, #tpu.memory_space<vmem>> -> memref<1x128xi32, #tpu.memory_space<vmem>>
        %dma_wait3A_270 = tpu.memref_squeeze %dma_wait3A_269 : memref<1x128xi32, #tpu.memory_space<vmem>> -> memref<128xi32, #tpu.memory_space<vmem>>
        %dma_wait3A_271 = arith.constant 0 : i32
        %dma_wait3A_272 = arith.constant 0 : i32
        %dma_wait3A_273 = tpu.memref_slice %arg11[%dma_wait3A_271, %dma_wait3A_272] : memref<10240x128xf32, #tpu.memory_space<vmem_shared>> -> memref<10240x128xf32, #tpu.memory_space<vmem_shared>>
        tpu.wait_indirect_dma semaphore(%run_scoped3A_261 : memref<!tpu.dma_semaphore, #tpu.memory_space<semaphore_mem>>) src(%arg9 : memref<128x128xf32, #tpu.memory_space<vmem>>) dst(%dma_wait3A_273 : memref<10240x128xf32, #tpu.memory_space<vmem_shared>>)
        tpu.yield
      }) : () -> ()
      %dma_start3A_36 = arith.constant 1 : i32
      %dma_start3A_37 = arith.constant 0 : i32
      %dma_start3A_38 = tpu.memref_slice %arg7[%dma_start3A_36, %dma_start3A_37] : memref<16x128xi32, #tpu.memory_space<vmem>> -> memref<1x128xi32, #tpu.memory_space<vmem>>
      %dma_start3A_39 = tpu.memref_squeeze %dma_start3A_38 : memref<1x128xi32, #tpu.memory_space<vmem>> -> memref<128xi32, #tpu.memory_space<vmem>>
      %dma_start3A_40 = arith.constant 0 : i32
      %dma_start3A_41 = arith.constant 0 : i32
      %dma_start3A_42 = tpu.memref_slice %arg2[%dma_start3A_40, %dma_start3A_41] : memref<10240x128xf32, #tpu.memory_space<hbm>> -> memref<10240x128xf32, #tpu.memory_space<hbm>>
      tpu.enqueue_indirect_dma source(%dma_start3A_42 : memref<10240x128xf32, #tpu.memory_space<hbm>>) target(%arg9 : memref<128x128xf32, #tpu.memory_space<vmem>>) offsets(%dma_start3A_39 : memref<128xi32, #tpu.memory_space<vmem>>) semaphore(%arg10 : memref<!tpu.dma_semaphore, #tpu.memory_space<semaphore_mem>>)
      %dma_wait3A_43 = arith.constant 1 : i32
      %dma_wait3A_44 = arith.constant 0 : i32
      %dma_wait3A_45 = tpu.memref_slice %arg7[%dma_wait3A_43, %dma_wait3A_44] : memref<16x128xi32, #tpu.memory_space<vmem>> -> memref<1x128xi32, #tpu.memory_space<vmem>>
      %dma_wait3A_46 = tpu.memref_squeeze %dma_wait3A_45 : memref<1x128xi32, #tpu.memory_space<vmem>> -> memref<128xi32, #tpu.memory_space<vmem>>
      %dma_wait3A_47 = arith.constant 0 : i32
      %dma_wait3A_48 = arith.constant 0 : i32
      %dma_wait3A_49 = tpu.memref_slice %arg2[%dma_wait3A_47, %dma_wait3A_48] : memref<10240x128xf32, #tpu.memory_space<hbm>> -> memref<10240x128xf32, #tpu.memory_space<hbm>>
      tpu.wait_indirect_dma semaphore(%arg10 : memref<!tpu.dma_semaphore, #tpu.memory_space<semaphore_mem>>) src(%dma_wait3A_49 : memref<10240x128xf32, #tpu.memory_space<hbm>>) dst(%arg9 : memref<128x128xf32, #tpu.memory_space<vmem>>)
      %run_scoped3A_50 = arith.constant 1 : i32
      "tpu.region"() ({
        %run_scoped3A_261 = tpu.sem_alloc : memref<!tpu.dma_semaphore, #tpu.memory_space<semaphore_mem>>
        %dma_start3A_262 = arith.constant 0 : i32
        %dma_start3A_263 = tpu.memref_slice %arg8[%run_scoped3A_50, %dma_start3A_262] : memref<16x128xi32, #tpu.memory_space<vmem>> -> memref<1x128xi32, #tpu.memory_space<vmem>>
        %dma_start3A_264 = tpu.memref_squeeze %dma_start3A_263 : memref<1x128xi32, #tpu.memory_space<vmem>> -> memref<128xi32, #tpu.memory_space<vmem>>
        %dma_start3A_265 = arith.constant 0 : i32
        %dma_start3A_266 = arith.constant 0 : i32
        %dma_start3A_267 = tpu.memref_slice %arg11[%dma_start3A_265, %dma_start3A_266] : memref<10240x128xf32, #tpu.memory_space<vmem_shared>> -> memref<10240x128xf32, #tpu.memory_space<vmem_shared>>
        tpu.enqueue_indirect_dma source(%arg9 : memref<128x128xf32, #tpu.memory_space<vmem>>) target(%dma_start3A_267 : memref<10240x128xf32, #tpu.memory_space<vmem_shared>>) offsets(%dma_start3A_264 : memref<128xi32, #tpu.memory_space<vmem>>) semaphore(%run_scoped3A_261 : memref<!tpu.dma_semaphore, #tpu.memory_space<semaphore_mem>>) {add = true}
        %dma_wait3A_268 = arith.constant 0 : i32
        %dma_wait3A_269 = tpu.memref_slice %arg8[%run_scoped3A_50, %dma_wait3A_268] : memref<16x128xi32, #tpu.memory_space<vmem>> -> memref<1x128xi32, #tpu.memory_space<vmem>>
        %dma_wait3A_270 = tpu.memref_squeeze %dma_wait3A_269 : memref<1x128xi32, #tpu.memory_space<vmem>> -> memref<128xi32, #tpu.memory_space<vmem>>
        %dma_wait3A_271 = arith.constant 0 : i32
        %dma_wait3A_272 = arith.constant 0 : i32
        %dma_wait3A_273 = tpu.memref_slice %arg11[%dma_wait3A_271, %dma_wait3A_272] : memref<10240x128xf32, #tpu.memory_space<vmem_shared>> -> memref<10240x128xf32, #tpu.memory_space<vmem_shared>>
        tpu.wait_indirect_dma semaphore(%run_scoped3A_261 : memref<!tpu.dma_semaphore, #tpu.memory_space<semaphore_mem>>) src(%arg9 : memref<128x128xf32, #tpu.memory_space<vmem>>) dst(%dma_wait3A_273 : memref<10240x128xf32, #tpu.memory_space<vmem_shared>>)
        tpu.yield
      }) : () -> ()
      %dma_start3A_51 = arith.constant 2 : i32
      %dma_start3A_52 = arith.constant 0 : i32
      %dma_start3A_53 = tpu.memref_slice %arg7[%dma_start3A_51, %dma_start3A_52] : memref<16x128xi32, #tpu.memory_space<vmem>> -> memref<1x128xi32, #tpu.memory_space<vmem>>
      %dma_start3A_54 = tpu.memref_squeeze %dma_start3A_53 : memref<1x128xi32, #tpu.memory_space<vmem>> -> memref<128xi32, #tpu.memory_space<vmem>>
      %dma_start3A_55 = arith.constant 0 : i32
      %dma_start3A_56 = arith.constant 0 : i32
      %dma_start3A_57 = tpu.memref_slice %arg2[%dma_start3A_55, %dma_start3A_56] : memref<10240x128xf32, #tpu.memory_space<hbm>> -> memref<10240x128xf32, #tpu.memory_space<hbm>>
      tpu.enqueue_indirect_dma source(%dma_start3A_57 : memref<10240x128xf32, #tpu.memory_space<hbm>>) target(%arg9 : memref<128x128xf32, #tpu.memory_space<vmem>>) offsets(%dma_start3A_54 : memref<128xi32, #tpu.memory_space<vmem>>) semaphore(%arg10 : memref<!tpu.dma_semaphore, #tpu.memory_space<semaphore_mem>>)
      %dma_wait3A_58 = arith.constant 2 : i32
      %dma_wait3A_59 = arith.constant 0 : i32
      %dma_wait3A_60 = tpu.memref_slice %arg7[%dma_wait3A_58, %dma_wait3A_59] : memref<16x128xi32, #tpu.memory_space<vmem>> -> memref<1x128xi32, #tpu.memory_space<vmem>>
      %dma_wait3A_61 = tpu.memref_squeeze %dma_wait3A_60 : memref<1x128xi32, #tpu.memory_space<vmem>> -> memref<128xi32, #tpu.memory_space<vmem>>
      %dma_wait3A_62 = arith.constant 0 : i32
      %dma_wait3A_63 = arith.constant 0 : i32
      %dma_wait3A_64 = tpu.memref_slice %arg2[%dma_wait3A_62, %dma_wait3A_63] : memref<10240x128xf32, #tpu.memory_space<hbm>> -> memref<10240x128xf32, #tpu.memory_space<hbm>>
      tpu.wait_indirect_dma semaphore(%arg10 : memref<!tpu.dma_semaphore, #tpu.memory_space<semaphore_mem>>) src(%dma_wait3A_64 : memref<10240x128xf32, #tpu.memory_space<hbm>>) dst(%arg9 : memref<128x128xf32, #tpu.memory_space<vmem>>)
      %run_scoped3A_65 = arith.constant 2 : i32
      "tpu.region"() ({
        %run_scoped3A_261 = tpu.sem_alloc : memref<!tpu.dma_semaphore, #tpu.memory_space<semaphore_mem>>
        %dma_start3A_262 = arith.constant 0 : i32
        %dma_start3A_263 = tpu.memref_slice %arg8[%run_scoped3A_65, %dma_start3A_262] : memref<16x128xi32, #tpu.memory_space<vmem>> -> memref<1x128xi32, #tpu.memory_space<vmem>>
        %dma_start3A_264 = tpu.memref_squeeze %dma_start3A_263 : memref<1x128xi32, #tpu.memory_space<vmem>> -> memref<128xi32, #tpu.memory_space<vmem>>
        %dma_start3A_265 = arith.constant 0 : i32
        %dma_start3A_266 = arith.constant 0 : i32
        %dma_start3A_267 = tpu.memref_slice %arg11[%dma_start3A_265, %dma_start3A_266] : memref<10240x128xf32, #tpu.memory_space<vmem_shared>> -> memref<10240x128xf32, #tpu.memory_space<vmem_shared>>
        tpu.enqueue_indirect_dma source(%arg9 : memref<128x128xf32, #tpu.memory_space<vmem>>) target(%dma_start3A_267 : memref<10240x128xf32, #tpu.memory_space<vmem_shared>>) offsets(%dma_start3A_264 : memref<128xi32, #tpu.memory_space<vmem>>) semaphore(%run_scoped3A_261 : memref<!tpu.dma_semaphore, #tpu.memory_space<semaphore_mem>>) {add = true}
        %dma_wait3A_268 = arith.constant 0 : i32
        %dma_wait3A_269 = tpu.memref_slice %arg8[%run_scoped3A_65, %dma_wait3A_268] : memref<16x128xi32, #tpu.memory_space<vmem>> -> memref<1x128xi32, #tpu.memory_space<vmem>>
        %dma_wait3A_270 = tpu.memref_squeeze %dma_wait3A_269 : memref<1x128xi32, #tpu.memory_space<vmem>> -> memref<128xi32, #tpu.memory_space<vmem>>
        %dma_wait3A_271 = arith.constant 0 : i32
        %dma_wait3A_272 = arith.constant 0 : i32
        %dma_wait3A_273 = tpu.memref_slice %arg11[%dma_wait3A_271, %dma_wait3A_272] : memref<10240x128xf32, #tpu.memory_space<vmem_shared>> -> memref<10240x128xf32, #tpu.memory_space<vmem_shared>>
        tpu.wait_indirect_dma semaphore(%run_scoped3A_261 : memref<!tpu.dma_semaphore, #tpu.memory_space<semaphore_mem>>) src(%arg9 : memref<128x128xf32, #tpu.memory_space<vmem>>) dst(%dma_wait3A_273 : memref<10240x128xf32, #tpu.memory_space<vmem_shared>>)
        tpu.yield
      }) : () -> ()
      %dma_start3A_66 = arith.constant 3 : i32
      %dma_start3A_67 = arith.constant 0 : i32
      %dma_start3A_68 = tpu.memref_slice %arg7[%dma_start3A_66, %dma_start3A_67] : memref<16x128xi32, #tpu.memory_space<vmem>> -> memref<1x128xi32, #tpu.memory_space<vmem>>
      %dma_start3A_69 = tpu.memref_squeeze %dma_start3A_68 : memref<1x128xi32, #tpu.memory_space<vmem>> -> memref<128xi32, #tpu.memory_space<vmem>>
      %dma_start3A_70 = arith.constant 0 : i32
      %dma_start3A_71 = arith.constant 0 : i32
      %dma_start3A_72 = tpu.memref_slice %arg2[%dma_start3A_70, %dma_start3A_71] : memref<10240x128xf32, #tpu.memory_space<hbm>> -> memref<10240x128xf32, #tpu.memory_space<hbm>>
      tpu.enqueue_indirect_dma source(%dma_start3A_72 : memref<10240x128xf32, #tpu.memory_space<hbm>>) target(%arg9 : memref<128x128xf32, #tpu.memory_space<vmem>>) offsets(%dma_start3A_69 : memref<128xi32, #tpu.memory_space<vmem>>) semaphore(%arg10 : memref<!tpu.dma_semaphore, #tpu.memory_space<semaphore_mem>>)
      %dma_wait3A_73 = arith.constant 3 : i32
      %dma_wait3A_74 = arith.constant 0 : i32
      %dma_wait3A_75 = tpu.memref_slice %arg7[%dma_wait3A_73, %dma_wait3A_74] : memref<16x128xi32, #tpu.memory_space<vmem>> -> memref<1x128xi32, #tpu.memory_space<vmem>>
      %dma_wait3A_76 = tpu.memref_squeeze %dma_wait3A_75 : memref<1x128xi32, #tpu.memory_space<vmem>> -> memref<128xi32, #tpu.memory_space<vmem>>
      %dma_wait3A_77 = arith.constant 0 : i32
      %dma_wait3A_78 = arith.constant 0 : i32
      %dma_wait3A_79 = tpu.memref_slice %arg2[%dma_wait3A_77, %dma_wait3A_78] : memref<10240x128xf32, #tpu.memory_space<hbm>> -> memref<10240x128xf32, #tpu.memory_space<hbm>>
      tpu.wait_indirect_dma semaphore(%arg10 : memref<!tpu.dma_semaphore, #tpu.memory_space<semaphore_mem>>) src(%dma_wait3A_79 : memref<10240x128xf32, #tpu.memory_space<hbm>>) dst(%arg9 : memref<128x128xf32, #tpu.memory_space<vmem>>)
      %run_scoped3A_80 = arith.constant 3 : i32
      "tpu.region"() ({
        %run_scoped3A_261 = tpu.sem_alloc : memref<!tpu.dma_semaphore, #tpu.memory_space<semaphore_mem>>
        %dma_start3A_262 = arith.constant 0 : i32
        %dma_start3A_263 = tpu.memref_slice %arg8[%run_scoped3A_80, %dma_start3A_262] : memref<16x128xi32, #tpu.memory_space<vmem>> -> memref<1x128xi32, #tpu.memory_space<vmem>>
        %dma_start3A_264 = tpu.memref_squeeze %dma_start3A_263 : memref<1x128xi32, #tpu.memory_space<vmem>> -> memref<128xi32, #tpu.memory_space<vmem>>
        %dma_start3A_265 = arith.constant 0 : i32
        %dma_start3A_266 = arith.constant 0 : i32
        %dma_start3A_267 = tpu.memref_slice %arg11[%dma_start3A_265, %dma_start3A_266] : memref<10240x128xf32, #tpu.memory_space<vmem_shared>> -> memref<10240x128xf32, #tpu.memory_space<vmem_shared>>
        tpu.enqueue_indirect_dma source(%arg9 : memref<128x128xf32, #tpu.memory_space<vmem>>) target(%dma_start3A_267 : memref<10240x128xf32, #tpu.memory_space<vmem_shared>>) offsets(%dma_start3A_264 : memref<128xi32, #tpu.memory_space<vmem>>) semaphore(%run_scoped3A_261 : memref<!tpu.dma_semaphore, #tpu.memory_space<semaphore_mem>>) {add = true}
        %dma_wait3A_268 = arith.constant 0 : i32
        %dma_wait3A_269 = tpu.memref_slice %arg8[%run_scoped3A_80, %dma_wait3A_268] : memref<16x128xi32, #tpu.memory_space<vmem>> -> memref<1x128xi32, #tpu.memory_space<vmem>>
        %dma_wait3A_270 = tpu.memref_squeeze %dma_wait3A_269 : memref<1x128xi32, #tpu.memory_space<vmem>> -> memref<128xi32, #tpu.memory_space<vmem>>
        %dma_wait3A_271 = arith.constant 0 : i32
        %dma_wait3A_272 = arith.constant 0 : i32
        %dma_wait3A_273 = tpu.memref_slice %arg11[%dma_wait3A_271, %dma_wait3A_272] : memref<10240x128xf32, #tpu.memory_space<vmem_shared>> -> memref<10240x128xf32, #tpu.memory_space<vmem_shared>>
        tpu.wait_indirect_dma semaphore(%run_scoped3A_261 : memref<!tpu.dma_semaphore, #tpu.memory_space<semaphore_mem>>) src(%arg9 : memref<128x128xf32, #tpu.memory_space<vmem>>) dst(%dma_wait3A_273 : memref<10240x128xf32, #tpu.memory_space<vmem_shared>>)
        tpu.yield
      }) : () -> ()
      %dma_start3A_81 = arith.constant 4 : i32
      %dma_start3A_82 = arith.constant 0 : i32
      %dma_start3A_83 = tpu.memref_slice %arg7[%dma_start3A_81, %dma_start3A_82] : memref<16x128xi32, #tpu.memory_space<vmem>> -> memref<1x128xi32, #tpu.memory_space<vmem>>
      %dma_start3A_84 = tpu.memref_squeeze %dma_start3A_83 : memref<1x128xi32, #tpu.memory_space<vmem>> -> memref<128xi32, #tpu.memory_space<vmem>>
      %dma_start3A_85 = arith.constant 0 : i32
      %dma_start3A_86 = arith.constant 0 : i32
      %dma_start3A_87 = tpu.memref_slice %arg2[%dma_start3A_85, %dma_start3A_86] : memref<10240x128xf32, #tpu.memory_space<hbm>> -> memref<10240x128xf32, #tpu.memory_space<hbm>>
      tpu.enqueue_indirect_dma source(%dma_start3A_87 : memref<10240x128xf32, #tpu.memory_space<hbm>>) target(%arg9 : memref<128x128xf32, #tpu.memory_space<vmem>>) offsets(%dma_start3A_84 : memref<128xi32, #tpu.memory_space<vmem>>) semaphore(%arg10 : memref<!tpu.dma_semaphore, #tpu.memory_space<semaphore_mem>>)
      %dma_wait3A_88 = arith.constant 4 : i32
      %dma_wait3A_89 = arith.constant 0 : i32
      %dma_wait3A_90 = tpu.memref_slice %arg7[%dma_wait3A_88, %dma_wait3A_89] : memref<16x128xi32, #tpu.memory_space<vmem>> -> memref<1x128xi32, #tpu.memory_space<vmem>>
      %dma_wait3A_91 = tpu.memref_squeeze %dma_wait3A_90 : memref<1x128xi32, #tpu.memory_space<vmem>> -> memref<128xi32, #tpu.memory_space<vmem>>
      %dma_wait3A_92 = arith.constant 0 : i32
      %dma_wait3A_93 = arith.constant 0 : i32
      %dma_wait3A_94 = tpu.memref_slice %arg2[%dma_wait3A_92, %dma_wait3A_93] : memref<10240x128xf32, #tpu.memory_space<hbm>> -> memref<10240x128xf32, #tpu.memory_space<hbm>>
      tpu.wait_indirect_dma semaphore(%arg10 : memref<!tpu.dma_semaphore, #tpu.memory_space<semaphore_mem>>) src(%dma_wait3A_94 : memref<10240x128xf32, #tpu.memory_space<hbm>>) dst(%arg9 : memref<128x128xf32, #tpu.memory_space<vmem>>)
      %run_scoped3A_95 = arith.constant 4 : i32
      "tpu.region"() ({
        %run_scoped3A_261 = tpu.sem_alloc : memref<!tpu.dma_semaphore, #tpu.memory_space<semaphore_mem>>
        %dma_start3A_262 = arith.constant 0 : i32
        %dma_start3A_263 = tpu.memref_slice %arg8[%run_scoped3A_95, %dma_start3A_262] : memref<16x128xi32, #tpu.memory_space<vmem>> -> memref<1x128xi32, #tpu.memory_space<vmem>>
        %dma_start3A_264 = tpu.memref_squeeze %dma_start3A_263 : memref<1x128xi32, #tpu.memory_space<vmem>> -> memref<128xi32, #tpu.memory_space<vmem>>
        %dma_start3A_265 = arith.constant 0 : i32
        %dma_start3A_266 = arith.constant 0 : i32
        %dma_start3A_267 = tpu.memref_slice %arg11[%dma_start3A_265, %dma_start3A_266] : memref<10240x128xf32, #tpu.memory_space<vmem_shared>> -> memref<10240x128xf32, #tpu.memory_space<vmem_shared>>
        tpu.enqueue_indirect_dma source(%arg9 : memref<128x128xf32, #tpu.memory_space<vmem>>) target(%dma_start3A_267 : memref<10240x128xf32, #tpu.memory_space<vmem_shared>>) offsets(%dma_start3A_264 : memref<128xi32, #tpu.memory_space<vmem>>) semaphore(%run_scoped3A_261 : memref<!tpu.dma_semaphore, #tpu.memory_space<semaphore_mem>>) {add = true}
        %dma_wait3A_268 = arith.constant 0 : i32
        %dma_wait3A_269 = tpu.memref_slice %arg8[%run_scoped3A_95, %dma_wait3A_268] : memref<16x128xi32, #tpu.memory_space<vmem>> -> memref<1x128xi32, #tpu.memory_space<vmem>>
        %dma_wait3A_270 = tpu.memref_squeeze %dma_wait3A_269 : memref<1x128xi32, #tpu.memory_space<vmem>> -> memref<128xi32, #tpu.memory_space<vmem>>
        %dma_wait3A_271 = arith.constant 0 : i32
        %dma_wait3A_272 = arith.constant 0 : i32
        %dma_wait3A_273 = tpu.memref_slice %arg11[%dma_wait3A_271, %dma_wait3A_272] : memref<10240x128xf32, #tpu.memory_space<vmem_shared>> -> memref<10240x128xf32, #tpu.memory_space<vmem_shared>>
        tpu.wait_indirect_dma semaphore(%run_scoped3A_261 : memref<!tpu.dma_semaphore, #tpu.memory_space<semaphore_mem>>) src(%arg9 : memref<128x128xf32, #tpu.memory_space<vmem>>) dst(%dma_wait3A_273 : memref<10240x128xf32, #tpu.memory_space<vmem_shared>>)
        tpu.yield
      }) : () -> ()
      %dma_start3A_96 = arith.constant 5 : i32
      %dma_start3A_97 = arith.constant 0 : i32
      %dma_start3A_98 = tpu.memref_slice %arg7[%dma_start3A_96, %dma_start3A_97] : memref<16x128xi32, #tpu.memory_space<vmem>> -> memref<1x128xi32, #tpu.memory_space<vmem>>
      %dma_start3A_99 = tpu.memref_squeeze %dma_start3A_98 : memref<1x128xi32, #tpu.memory_space<vmem>> -> memref<128xi32, #tpu.memory_space<vmem>>
      %dma_start3A_100 = arith.constant 0 : i32
      %dma_start3A_101 = arith.constant 0 : i32
      %dma_start3A_102 = tpu.memref_slice %arg2[%dma_start3A_100, %dma_start3A_101] : memref<10240x128xf32, #tpu.memory_space<hbm>> -> memref<10240x128xf32, #tpu.memory_space<hbm>>
      tpu.enqueue_indirect_dma source(%dma_start3A_102 : memref<10240x128xf32, #tpu.memory_space<hbm>>) target(%arg9 : memref<128x128xf32, #tpu.memory_space<vmem>>) offsets(%dma_start3A_99 : memref<128xi32, #tpu.memory_space<vmem>>) semaphore(%arg10 : memref<!tpu.dma_semaphore, #tpu.memory_space<semaphore_mem>>)
      %dma_wait3A_103 = arith.constant 5 : i32
      %dma_wait3A_104 = arith.constant 0 : i32
      %dma_wait3A_105 = tpu.memref_slice %arg7[%dma_wait3A_103, %dma_wait3A_104] : memref<16x128xi32, #tpu.memory_space<vmem>> -> memref<1x128xi32, #tpu.memory_space<vmem>>
      %dma_wait3A_106 = tpu.memref_squeeze %dma_wait3A_105 : memref<1x128xi32, #tpu.memory_space<vmem>> -> memref<128xi32, #tpu.memory_space<vmem>>
      %dma_wait3A_107 = arith.constant 0 : i32
      %dma_wait3A_108 = arith.constant 0 : i32
      %dma_wait3A_109 = tpu.memref_slice %arg2[%dma_wait3A_107, %dma_wait3A_108] : memref<10240x128xf32, #tpu.memory_space<hbm>> -> memref<10240x128xf32, #tpu.memory_space<hbm>>
      tpu.wait_indirect_dma semaphore(%arg10 : memref<!tpu.dma_semaphore, #tpu.memory_space<semaphore_mem>>) src(%dma_wait3A_109 : memref<10240x128xf32, #tpu.memory_space<hbm>>) dst(%arg9 : memref<128x128xf32, #tpu.memory_space<vmem>>)
      %run_scoped3A_110 = arith.constant 5 : i32
      "tpu.region"() ({
        %run_scoped3A_261 = tpu.sem_alloc : memref<!tpu.dma_semaphore, #tpu.memory_space<semaphore_mem>>
        %dma_start3A_262 = arith.constant 0 : i32
        %dma_start3A_263 = tpu.memref_slice %arg8[%run_scoped3A_110, %dma_start3A_262] : memref<16x128xi32, #tpu.memory_space<vmem>> -> memref<1x128xi32, #tpu.memory_space<vmem>>
        %dma_start3A_264 = tpu.memref_squeeze %dma_start3A_263 : memref<1x128xi32, #tpu.memory_space<vmem>> -> memref<128xi32, #tpu.memory_space<vmem>>
        %dma_start3A_265 = arith.constant 0 : i32
        %dma_start3A_266 = arith.constant 0 : i32
        %dma_start3A_267 = tpu.memref_slice %arg11[%dma_start3A_265, %dma_start3A_266] : memref<10240x128xf32, #tpu.memory_space<vmem_shared>> -> memref<10240x128xf32, #tpu.memory_space<vmem_shared>>
        tpu.enqueue_indirect_dma source(%arg9 : memref<128x128xf32, #tpu.memory_space<vmem>>) target(%dma_start3A_267 : memref<10240x128xf32, #tpu.memory_space<vmem_shared>>) offsets(%dma_start3A_264 : memref<128xi32, #tpu.memory_space<vmem>>) semaphore(%run_scoped3A_261 : memref<!tpu.dma_semaphore, #tpu.memory_space<semaphore_mem>>) {add = true}
        %dma_wait3A_268 = arith.constant 0 : i32
        %dma_wait3A_269 = tpu.memref_slice %arg8[%run_scoped3A_110, %dma_wait3A_268] : memref<16x128xi32, #tpu.memory_space<vmem>> -> memref<1x128xi32, #tpu.memory_space<vmem>>
        %dma_wait3A_270 = tpu.memref_squeeze %dma_wait3A_269 : memref<1x128xi32, #tpu.memory_space<vmem>> -> memref<128xi32, #tpu.memory_space<vmem>>
        %dma_wait3A_271 = arith.constant 0 : i32
        %dma_wait3A_272 = arith.constant 0 : i32
        %dma_wait3A_273 = tpu.memref_slice %arg11[%dma_wait3A_271, %dma_wait3A_272] : memref<10240x128xf32, #tpu.memory_space<vmem_shared>> -> memref<10240x128xf32, #tpu.memory_space<vmem_shared>>
        tpu.wait_indirect_dma semaphore(%run_scoped3A_261 : memref<!tpu.dma_semaphore, #tpu.memory_space<semaphore_mem>>) src(%arg9 : memref<128x128xf32, #tpu.memory_space<vmem>>) dst(%dma_wait3A_273 : memref<10240x128xf32, #tpu.memory_space<vmem_shared>>)
        tpu.yield
      }) : () -> ()
      %dma_start3A_111 = arith.constant 6 : i32
      %dma_start3A_112 = arith.constant 0 : i32
      %dma_start3A_113 = tpu.memref_slice %arg7[%dma_start3A_111, %dma_start3A_112] : memref<16x128xi32, #tpu.memory_space<vmem>> -> memref<1x128xi32, #tpu.memory_space<vmem>>
      %dma_start3A_114 = tpu.memref_squeeze %dma_start3A_113 : memref<1x128xi32, #tpu.memory_space<vmem>> -> memref<128xi32, #tpu.memory_space<vmem>>
      %dma_start3A_115 = arith.constant 0 : i32
      %dma_start3A_116 = arith.constant 0 : i32
      %dma_start3A_117 = tpu.memref_slice %arg2[%dma_start3A_115, %dma_start3A_116] : memref<10240x128xf32, #tpu.memory_space<hbm>> -> memref<10240x128xf32, #tpu.memory_space<hbm>>
      tpu.enqueue_indirect_dma source(%dma_start3A_117 : memref<10240x128xf32, #tpu.memory_space<hbm>>) target(%arg9 : memref<128x128xf32, #tpu.memory_space<vmem>>) offsets(%dma_start3A_114 : memref<128xi32, #tpu.memory_space<vmem>>) semaphore(%arg10 : memref<!tpu.dma_semaphore, #tpu.memory_space<semaphore_mem>>)
      %dma_wait3A_118 = arith.constant 6 : i32
      %dma_wait3A_119 = arith.constant 0 : i32
      %dma_wait3A_120 = tpu.memref_slice %arg7[%dma_wait3A_118, %dma_wait3A_119] : memref<16x128xi32, #tpu.memory_space<vmem>> -> memref<1x128xi32, #tpu.memory_space<vmem>>
      %dma_wait3A_121 = tpu.memref_squeeze %dma_wait3A_120 : memref<1x128xi32, #tpu.memory_space<vmem>> -> memref<128xi32, #tpu.memory_space<vmem>>
      %dma_wait3A_122 = arith.constant 0 : i32
      %dma_wait3A_123 = arith.constant 0 : i32
      %dma_wait3A_124 = tpu.memref_slice %arg2[%dma_wait3A_122, %dma_wait3A_123] : memref<10240x128xf32, #tpu.memory_space<hbm>> -> memref<10240x128xf32, #tpu.memory_space<hbm>>
      tpu.wait_indirect_dma semaphore(%arg10 : memref<!tpu.dma_semaphore, #tpu.memory_space<semaphore_mem>>) src(%dma_wait3A_124 : memref<10240x128xf32, #tpu.memory_space<hbm>>) dst(%arg9 : memref<128x128xf32, #tpu.memory_space<vmem>>)
      %run_scoped3A_125 = arith.constant 6 : i32
      "tpu.region"() ({
        %run_scoped3A_261 = tpu.sem_alloc : memref<!tpu.dma_semaphore, #tpu.memory_space<semaphore_mem>>
        %dma_start3A_262 = arith.constant 0 : i32
        %dma_start3A_263 = tpu.memref_slice %arg8[%run_scoped3A_125, %dma_start3A_262] : memref<16x128xi32, #tpu.memory_space<vmem>> -> memref<1x128xi32, #tpu.memory_space<vmem>>
        %dma_start3A_264 = tpu.memref_squeeze %dma_start3A_263 : memref<1x128xi32, #tpu.memory_space<vmem>> -> memref<128xi32, #tpu.memory_space<vmem>>
        %dma_start3A_265 = arith.constant 0 : i32
        %dma_start3A_266 = arith.constant 0 : i32
        %dma_start3A_267 = tpu.memref_slice %arg11[%dma_start3A_265, %dma_start3A_266] : memref<10240x128xf32, #tpu.memory_space<vmem_shared>> -> memref<10240x128xf32, #tpu.memory_space<vmem_shared>>
        tpu.enqueue_indirect_dma source(%arg9 : memref<128x128xf32, #tpu.memory_space<vmem>>) target(%dma_start3A_267 : memref<10240x128xf32, #tpu.memory_space<vmem_shared>>) offsets(%dma_start3A_264 : memref<128xi32, #tpu.memory_space<vmem>>) semaphore(%run_scoped3A_261 : memref<!tpu.dma_semaphore, #tpu.memory_space<semaphore_mem>>) {add = true}
        %dma_wait3A_268 = arith.constant 0 : i32
        %dma_wait3A_269 = tpu.memref_slice %arg8[%run_scoped3A_125, %dma_wait3A_268] : memref<16x128xi32, #tpu.memory_space<vmem>> -> memref<1x128xi32, #tpu.memory_space<vmem>>
        %dma_wait3A_270 = tpu.memref_squeeze %dma_wait3A_269 : memref<1x128xi32, #tpu.memory_space<vmem>> -> memref<128xi32, #tpu.memory_space<vmem>>
        %dma_wait3A_271 = arith.constant 0 : i32
        %dma_wait3A_272 = arith.constant 0 : i32
        %dma_wait3A_273 = tpu.memref_slice %arg11[%dma_wait3A_271, %dma_wait3A_272] : memref<10240x128xf32, #tpu.memory_space<vmem_shared>> -> memref<10240x128xf32, #tpu.memory_space<vmem_shared>>
        tpu.wait_indirect_dma semaphore(%run_scoped3A_261 : memref<!tpu.dma_semaphore, #tpu.memory_space<semaphore_mem>>) src(%arg9 : memref<128x128xf32, #tpu.memory_space<vmem>>) dst(%dma_wait3A_273 : memref<10240x128xf32, #tpu.memory_space<vmem_shared>>)
        tpu.yield
      }) : () -> ()
      %dma_start3A_126 = arith.constant 7 : i32
      %dma_start3A_127 = arith.constant 0 : i32
      %dma_start3A_128 = tpu.memref_slice %arg7[%dma_start3A_126, %dma_start3A_127] : memref<16x128xi32, #tpu.memory_space<vmem>> -> memref<1x128xi32, #tpu.memory_space<vmem>>
      %dma_start3A_129 = tpu.memref_squeeze %dma_start3A_128 : memref<1x128xi32, #tpu.memory_space<vmem>> -> memref<128xi32, #tpu.memory_space<vmem>>
      %dma_start3A_130 = arith.constant 0 : i32
      %dma_start3A_131 = arith.constant 0 : i32
      %dma_start3A_132 = tpu.memref_slice %arg2[%dma_start3A_130, %dma_start3A_131] : memref<10240x128xf32, #tpu.memory_space<hbm>> -> memref<10240x128xf32, #tpu.memory_space<hbm>>
      tpu.enqueue_indirect_dma source(%dma_start3A_132 : memref<10240x128xf32, #tpu.memory_space<hbm>>) target(%arg9 : memref<128x128xf32, #tpu.memory_space<vmem>>) offsets(%dma_start3A_129 : memref<128xi32, #tpu.memory_space<vmem>>) semaphore(%arg10 : memref<!tpu.dma_semaphore, #tpu.memory_space<semaphore_mem>>)
      %dma_wait3A_133 = arith.constant 7 : i32
      %dma_wait3A_134 = arith.constant 0 : i32
      %dma_wait3A_135 = tpu.memref_slice %arg7[%dma_wait3A_133, %dma_wait3A_134] : memref<16x128xi32, #tpu.memory_space<vmem>> -> memref<1x128xi32, #tpu.memory_space<vmem>>
      %dma_wait3A_136 = tpu.memref_squeeze %dma_wait3A_135 : memref<1x128xi32, #tpu.memory_space<vmem>> -> memref<128xi32, #tpu.memory_space<vmem>>
      %dma_wait3A_137 = arith.constant 0 : i32
      %dma_wait3A_138 = arith.constant 0 : i32
      %dma_wait3A_139 = tpu.memref_slice %arg2[%dma_wait3A_137, %dma_wait3A_138] : memref<10240x128xf32, #tpu.memory_space<hbm>> -> memref<10240x128xf32, #tpu.memory_space<hbm>>
      tpu.wait_indirect_dma semaphore(%arg10 : memref<!tpu.dma_semaphore, #tpu.memory_space<semaphore_mem>>) src(%dma_wait3A_139 : memref<10240x128xf32, #tpu.memory_space<hbm>>) dst(%arg9 : memref<128x128xf32, #tpu.memory_space<vmem>>)
      %run_scoped3A_140 = arith.constant 7 : i32
      "tpu.region"() ({
        %run_scoped3A_261 = tpu.sem_alloc : memref<!tpu.dma_semaphore, #tpu.memory_space<semaphore_mem>>
        %dma_start3A_262 = arith.constant 0 : i32
        %dma_start3A_263 = tpu.memref_slice %arg8[%run_scoped3A_140, %dma_start3A_262] : memref<16x128xi32, #tpu.memory_space<vmem>> -> memref<1x128xi32, #tpu.memory_space<vmem>>
        %dma_start3A_264 = tpu.memref_squeeze %dma_start3A_263 : memref<1x128xi32, #tpu.memory_space<vmem>> -> memref<128xi32, #tpu.memory_space<vmem>>
        %dma_start3A_265 = arith.constant 0 : i32
        %dma_start3A_266 = arith.constant 0 : i32
        %dma_start3A_267 = tpu.memref_slice %arg11[%dma_start3A_265, %dma_start3A_266] : memref<10240x128xf32, #tpu.memory_space<vmem_shared>> -> memref<10240x128xf32, #tpu.memory_space<vmem_shared>>
        tpu.enqueue_indirect_dma source(%arg9 : memref<128x128xf32, #tpu.memory_space<vmem>>) target(%dma_start3A_267 : memref<10240x128xf32, #tpu.memory_space<vmem_shared>>) offsets(%dma_start3A_264 : memref<128xi32, #tpu.memory_space<vmem>>) semaphore(%run_scoped3A_261 : memref<!tpu.dma_semaphore, #tpu.memory_space<semaphore_mem>>) {add = true}
        %dma_wait3A_268 = arith.constant 0 : i32
        %dma_wait3A_269 = tpu.memref_slice %arg8[%run_scoped3A_140, %dma_wait3A_268] : memref<16x128xi32, #tpu.memory_space<vmem>> -> memref<1x128xi32, #tpu.memory_space<vmem>>
        %dma_wait3A_270 = tpu.memref_squeeze %dma_wait3A_269 : memref<1x128xi32, #tpu.memory_space<vmem>> -> memref<128xi32, #tpu.memory_space<vmem>>
        %dma_wait3A_271 = arith.constant 0 : i32
        %dma_wait3A_272 = arith.constant 0 : i32
        %dma_wait3A_273 = tpu.memref_slice %arg11[%dma_wait3A_271, %dma_wait3A_272] : memref<10240x128xf32, #tpu.memory_space<vmem_shared>> -> memref<10240x128xf32, #tpu.memory_space<vmem_shared>>
        tpu.wait_indirect_dma semaphore(%run_scoped3A_261 : memref<!tpu.dma_semaphore, #tpu.memory_space<semaphore_mem>>) src(%arg9 : memref<128x128xf32, #tpu.memory_space<vmem>>) dst(%dma_wait3A_273 : memref<10240x128xf32, #tpu.memory_space<vmem_shared>>)
        tpu.yield
      }) : () -> ()
      %dma_start3A_141 = arith.constant 8 : i32
      %dma_start3A_142 = arith.constant 0 : i32
      %dma_start3A_143 = tpu.memref_slice %arg7[%dma_start3A_141, %dma_start3A_142] : memref<16x128xi32, #tpu.memory_space<vmem>> -> memref<1x128xi32, #tpu.memory_space<vmem>>
      %dma_start3A_144 = tpu.memref_squeeze %dma_start3A_143 : memref<1x128xi32, #tpu.memory_space<vmem>> -> memref<128xi32, #tpu.memory_space<vmem>>
      %dma_start3A_145 = arith.constant 0 : i32
      %dma_start3A_146 = arith.constant 0 : i32
      %dma_start3A_147 = tpu.memref_slice %arg2[%dma_start3A_145, %dma_start3A_146] : memref<10240x128xf32, #tpu.memory_space<hbm>> -> memref<10240x128xf32, #tpu.memory_space<hbm>>
      tpu.enqueue_indirect_dma source(%dma_start3A_147 : memref<10240x128xf32, #tpu.memory_space<hbm>>) target(%arg9 : memref<128x128xf32, #tpu.memory_space<vmem>>) offsets(%dma_start3A_144 : memref<128xi32, #tpu.memory_space<vmem>>) semaphore(%arg10 : memref<!tpu.dma_semaphore, #tpu.memory_space<semaphore_mem>>)
      %dma_wait3A_148 = arith.constant 8 : i32
      %dma_wait3A_149 = arith.constant 0 : i32
      %dma_wait3A_150 = tpu.memref_slice %arg7[%dma_wait3A_148, %dma_wait3A_149] : memref<16x128xi32, #tpu.memory_space<vmem>> -> memref<1x128xi32, #tpu.memory_space<vmem>>
      %dma_wait3A_151 = tpu.memref_squeeze %dma_wait3A_150 : memref<1x128xi32, #tpu.memory_space<vmem>> -> memref<128xi32, #tpu.memory_space<vmem>>
      %dma_wait3A_152 = arith.constant 0 : i32
      %dma_wait3A_153 = arith.constant 0 : i32
      %dma_wait3A_154 = tpu.memref_slice %arg2[%dma_wait3A_152, %dma_wait3A_153] : memref<10240x128xf32, #tpu.memory_space<hbm>> -> memref<10240x128xf32, #tpu.memory_space<hbm>>
      tpu.wait_indirect_dma semaphore(%arg10 : memref<!tpu.dma_semaphore, #tpu.memory_space<semaphore_mem>>) src(%dma_wait3A_154 : memref<10240x128xf32, #tpu.memory_space<hbm>>) dst(%arg9 : memref<128x128xf32, #tpu.memory_space<vmem>>)
      %run_scoped3A_155 = arith.constant 8 : i32
      "tpu.region"() ({
        %run_scoped3A_261 = tpu.sem_alloc : memref<!tpu.dma_semaphore, #tpu.memory_space<semaphore_mem>>
        %dma_start3A_262 = arith.constant 0 : i32
        %dma_start3A_263 = tpu.memref_slice %arg8[%run_scoped3A_155, %dma_start3A_262] : memref<16x128xi32, #tpu.memory_space<vmem>> -> memref<1x128xi32, #tpu.memory_space<vmem>>
        %dma_start3A_264 = tpu.memref_squeeze %dma_start3A_263 : memref<1x128xi32, #tpu.memory_space<vmem>> -> memref<128xi32, #tpu.memory_space<vmem>>
        %dma_start3A_265 = arith.constant 0 : i32
        %dma_start3A_266 = arith.constant 0 : i32
        %dma_start3A_267 = tpu.memref_slice %arg11[%dma_start3A_265, %dma_start3A_266] : memref<10240x128xf32, #tpu.memory_space<vmem_shared>> -> memref<10240x128xf32, #tpu.memory_space<vmem_shared>>
        tpu.enqueue_indirect_dma source(%arg9 : memref<128x128xf32, #tpu.memory_space<vmem>>) target(%dma_start3A_267 : memref<10240x128xf32, #tpu.memory_space<vmem_shared>>) offsets(%dma_start3A_264 : memref<128xi32, #tpu.memory_space<vmem>>) semaphore(%run_scoped3A_261 : memref<!tpu.dma_semaphore, #tpu.memory_space<semaphore_mem>>) {add = true}
        %dma_wait3A_268 = arith.constant 0 : i32
        %dma_wait3A_269 = tpu.memref_slice %arg8[%run_scoped3A_155, %dma_wait3A_268] : memref<16x128xi32, #tpu.memory_space<vmem>> -> memref<1x128xi32, #tpu.memory_space<vmem>>
        %dma_wait3A_270 = tpu.memref_squeeze %dma_wait3A_269 : memref<1x128xi32, #tpu.memory_space<vmem>> -> memref<128xi32, #tpu.memory_space<vmem>>
        %dma_wait3A_271 = arith.constant 0 : i32
        %dma_wait3A_272 = arith.constant 0 : i32
        %dma_wait3A_273 = tpu.memref_slice %arg11[%dma_wait3A_271, %dma_wait3A_272] : memref<10240x128xf32, #tpu.memory_space<vmem_shared>> -> memref<10240x128xf32, #tpu.memory_space<vmem_shared>>
        tpu.wait_indirect_dma semaphore(%run_scoped3A_261 : memref<!tpu.dma_semaphore, #tpu.memory_space<semaphore_mem>>) src(%arg9 : memref<128x128xf32, #tpu.memory_space<vmem>>) dst(%dma_wait3A_273 : memref<10240x128xf32, #tpu.memory_space<vmem_shared>>)
        tpu.yield
      }) : () -> ()
      %dma_start3A_156 = arith.constant 9 : i32
      %dma_start3A_157 = arith.constant 0 : i32
      %dma_start3A_158 = tpu.memref_slice %arg7[%dma_start3A_156, %dma_start3A_157] : memref<16x128xi32, #tpu.memory_space<vmem>> -> memref<1x128xi32, #tpu.memory_space<vmem>>
      %dma_start3A_159 = tpu.memref_squeeze %dma_start3A_158 : memref<1x128xi32, #tpu.memory_space<vmem>> -> memref<128xi32, #tpu.memory_space<vmem>>
      %dma_start3A_160 = arith.constant 0 : i32
      %dma_start3A_161 = arith.constant 0 : i32
      %dma_start3A_162 = tpu.memref_slice %arg2[%dma_start3A_160, %dma_start3A_161] : memref<10240x128xf32, #tpu.memory_space<hbm>> -> memref<10240x128xf32, #tpu.memory_space<hbm>>
      tpu.enqueue_indirect_dma source(%dma_start3A_162 : memref<10240x128xf32, #tpu.memory_space<hbm>>) target(%arg9 : memref<128x128xf32, #tpu.memory_space<vmem>>) offsets(%dma_start3A_159 : memref<128xi32, #tpu.memory_space<vmem>>) semaphore(%arg10 : memref<!tpu.dma_semaphore, #tpu.memory_space<semaphore_mem>>)
      %dma_wait3A_163 = arith.constant 9 : i32
      %dma_wait3A_164 = arith.constant 0 : i32
      %dma_wait3A_165 = tpu.memref_slice %arg7[%dma_wait3A_163, %dma_wait3A_164] : memref<16x128xi32, #tpu.memory_space<vmem>> -> memref<1x128xi32, #tpu.memory_space<vmem>>
      %dma_wait3A_166 = tpu.memref_squeeze %dma_wait3A_165 : memref<1x128xi32, #tpu.memory_space<vmem>> -> memref<128xi32, #tpu.memory_space<vmem>>
      %dma_wait3A_167 = arith.constant 0 : i32
      %dma_wait3A_168 = arith.constant 0 : i32
      %dma_wait3A_169 = tpu.memref_slice %arg2[%dma_wait3A_167, %dma_wait3A_168] : memref<10240x128xf32, #tpu.memory_space<hbm>> -> memref<10240x128xf32, #tpu.memory_space<hbm>>
      tpu.wait_indirect_dma semaphore(%arg10 : memref<!tpu.dma_semaphore, #tpu.memory_space<semaphore_mem>>) src(%dma_wait3A_169 : memref<10240x128xf32, #tpu.memory_space<hbm>>) dst(%arg9 : memref<128x128xf32, #tpu.memory_space<vmem>>)
      %run_scoped3A_170 = arith.constant 9 : i32
      "tpu.region"() ({
        %run_scoped3A_261 = tpu.sem_alloc : memref<!tpu.dma_semaphore, #tpu.memory_space<semaphore_mem>>
        %dma_start3A_262 = arith.constant 0 : i32
        %dma_start3A_263 = tpu.memref_slice %arg8[%run_scoped3A_170, %dma_start3A_262] : memref<16x128xi32, #tpu.memory_space<vmem>> -> memref<1x128xi32, #tpu.memory_space<vmem>>
        %dma_start3A_264 = tpu.memref_squeeze %dma_start3A_263 : memref<1x128xi32, #tpu.memory_space<vmem>> -> memref<128xi32, #tpu.memory_space<vmem>>
        %dma_start3A_265 = arith.constant 0 : i32
        %dma_start3A_266 = arith.constant 0 : i32
        %dma_start3A_267 = tpu.memref_slice %arg11[%dma_start3A_265, %dma_start3A_266] : memref<10240x128xf32, #tpu.memory_space<vmem_shared>> -> memref<10240x128xf32, #tpu.memory_space<vmem_shared>>
        tpu.enqueue_indirect_dma source(%arg9 : memref<128x128xf32, #tpu.memory_space<vmem>>) target(%dma_start3A_267 : memref<10240x128xf32, #tpu.memory_space<vmem_shared>>) offsets(%dma_start3A_264 : memref<128xi32, #tpu.memory_space<vmem>>) semaphore(%run_scoped3A_261 : memref<!tpu.dma_semaphore, #tpu.memory_space<semaphore_mem>>) {add = true}
        %dma_wait3A_268 = arith.constant 0 : i32
        %dma_wait3A_269 = tpu.memref_slice %arg8[%run_scoped3A_170, %dma_wait3A_268] : memref<16x128xi32, #tpu.memory_space<vmem>> -> memref<1x128xi32, #tpu.memory_space<vmem>>
        %dma_wait3A_270 = tpu.memref_squeeze %dma_wait3A_269 : memref<1x128xi32, #tpu.memory_space<vmem>> -> memref<128xi32, #tpu.memory_space<vmem>>
        %dma_wait3A_271 = arith.constant 0 : i32
        %dma_wait3A_272 = arith.constant 0 : i32
        %dma_wait3A_273 = tpu.memref_slice %arg11[%dma_wait3A_271, %dma_wait3A_272] : memref<10240x128xf32, #tpu.memory_space<vmem_shared>> -> memref<10240x128xf32, #tpu.memory_space<vmem_shared>>
        tpu.wait_indirect_dma semaphore(%run_scoped3A_261 : memref<!tpu.dma_semaphore, #tpu.memory_space<semaphore_mem>>) src(%arg9 : memref<128x128xf32, #tpu.memory_space<vmem>>) dst(%dma_wait3A_273 : memref<10240x128xf32, #tpu.memory_space<vmem_shared>>)
        tpu.yield
      }) : () -> ()
      %dma_start3A_171 = arith.constant 10 : i32
      %dma_start3A_172 = arith.constant 0 : i32
      %dma_start3A_173 = tpu.memref_slice %arg7[%dma_start3A_171, %dma_start3A_172] : memref<16x128xi32, #tpu.memory_space<vmem>> -> memref<1x128xi32, #tpu.memory_space<vmem>>
      %dma_start3A_174 = tpu.memref_squeeze %dma_start3A_173 : memref<1x128xi32, #tpu.memory_space<vmem>> -> memref<128xi32, #tpu.memory_space<vmem>>
      %dma_start3A_175 = arith.constant 0 : i32
      %dma_start3A_176 = arith.constant 0 : i32
      %dma_start3A_177 = tpu.memref_slice %arg2[%dma_start3A_175, %dma_start3A_176] : memref<10240x128xf32, #tpu.memory_space<hbm>> -> memref<10240x128xf32, #tpu.memory_space<hbm>>
      tpu.enqueue_indirect_dma source(%dma_start3A_177 : memref<10240x128xf32, #tpu.memory_space<hbm>>) target(%arg9 : memref<128x128xf32, #tpu.memory_space<vmem>>) offsets(%dma_start3A_174 : memref<128xi32, #tpu.memory_space<vmem>>) semaphore(%arg10 : memref<!tpu.dma_semaphore, #tpu.memory_space<semaphore_mem>>)
      %dma_wait3A_178 = arith.constant 10 : i32
      %dma_wait3A_179 = arith.constant 0 : i32
      %dma_wait3A_180 = tpu.memref_slice %arg7[%dma_wait3A_178, %dma_wait3A_179] : memref<16x128xi32, #tpu.memory_space<vmem>> -> memref<1x128xi32, #tpu.memory_space<vmem>>
      %dma_wait3A_181 = tpu.memref_squeeze %dma_wait3A_180 : memref<1x128xi32, #tpu.memory_space<vmem>> -> memref<128xi32, #tpu.memory_space<vmem>>
      %dma_wait3A_182 = arith.constant 0 : i32
      %dma_wait3A_183 = arith.constant 0 : i32
      %dma_wait3A_184 = tpu.memref_slice %arg2[%dma_wait3A_182, %dma_wait3A_183] : memref<10240x128xf32, #tpu.memory_space<hbm>> -> memref<10240x128xf32, #tpu.memory_space<hbm>>
      tpu.wait_indirect_dma semaphore(%arg10 : memref<!tpu.dma_semaphore, #tpu.memory_space<semaphore_mem>>) src(%dma_wait3A_184 : memref<10240x128xf32, #tpu.memory_space<hbm>>) dst(%arg9 : memref<128x128xf32, #tpu.memory_space<vmem>>)
      %run_scoped3A_185 = arith.constant 10 : i32
      "tpu.region"() ({
        %run_scoped3A_261 = tpu.sem_alloc : memref<!tpu.dma_semaphore, #tpu.memory_space<semaphore_mem>>
        %dma_start3A_262 = arith.constant 0 : i32
        %dma_start3A_263 = tpu.memref_slice %arg8[%run_scoped3A_185, %dma_start3A_262] : memref<16x128xi32, #tpu.memory_space<vmem>> -> memref<1x128xi32, #tpu.memory_space<vmem>>
        %dma_start3A_264 = tpu.memref_squeeze %dma_start3A_263 : memref<1x128xi32, #tpu.memory_space<vmem>> -> memref<128xi32, #tpu.memory_space<vmem>>
        %dma_start3A_265 = arith.constant 0 : i32
        %dma_start3A_266 = arith.constant 0 : i32
        %dma_start3A_267 = tpu.memref_slice %arg11[%dma_start3A_265, %dma_start3A_266] : memref<10240x128xf32, #tpu.memory_space<vmem_shared>> -> memref<10240x128xf32, #tpu.memory_space<vmem_shared>>
        tpu.enqueue_indirect_dma source(%arg9 : memref<128x128xf32, #tpu.memory_space<vmem>>) target(%dma_start3A_267 : memref<10240x128xf32, #tpu.memory_space<vmem_shared>>) offsets(%dma_start3A_264 : memref<128xi32, #tpu.memory_space<vmem>>) semaphore(%run_scoped3A_261 : memref<!tpu.dma_semaphore, #tpu.memory_space<semaphore_mem>>) {add = true}
        %dma_wait3A_268 = arith.constant 0 : i32
        %dma_wait3A_269 = tpu.memref_slice %arg8[%run_scoped3A_185, %dma_wait3A_268] : memref<16x128xi32, #tpu.memory_space<vmem>> -> memref<1x128xi32, #tpu.memory_space<vmem>>
        %dma_wait3A_270 = tpu.memref_squeeze %dma_wait3A_269 : memref<1x128xi32, #tpu.memory_space<vmem>> -> memref<128xi32, #tpu.memory_space<vmem>>
        %dma_wait3A_271 = arith.constant 0 : i32
        %dma_wait3A_272 = arith.constant 0 : i32
        %dma_wait3A_273 = tpu.memref_slice %arg11[%dma_wait3A_271, %dma_wait3A_272] : memref<10240x128xf32, #tpu.memory_space<vmem_shared>> -> memref<10240x128xf32, #tpu.memory_space<vmem_shared>>
        tpu.wait_indirect_dma semaphore(%run_scoped3A_261 : memref<!tpu.dma_semaphore, #tpu.memory_space<semaphore_mem>>) src(%arg9 : memref<128x128xf32, #tpu.memory_space<vmem>>) dst(%dma_wait3A_273 : memref<10240x128xf32, #tpu.memory_space<vmem_shared>>)
        tpu.yield
      }) : () -> ()
      %dma_start3A_186 = arith.constant 11 : i32
      %dma_start3A_187 = arith.constant 0 : i32
      %dma_start3A_188 = tpu.memref_slice %arg7[%dma_start3A_186, %dma_start3A_187] : memref<16x128xi32, #tpu.memory_space<vmem>> -> memref<1x128xi32, #tpu.memory_space<vmem>>
      %dma_start3A_189 = tpu.memref_squeeze %dma_start3A_188 : memref<1x128xi32, #tpu.memory_space<vmem>> -> memref<128xi32, #tpu.memory_space<vmem>>
      %dma_start3A_190 = arith.constant 0 : i32
      %dma_start3A_191 = arith.constant 0 : i32
      %dma_start3A_192 = tpu.memref_slice %arg2[%dma_start3A_190, %dma_start3A_191] : memref<10240x128xf32, #tpu.memory_space<hbm>> -> memref<10240x128xf32, #tpu.memory_space<hbm>>
      tpu.enqueue_indirect_dma source(%dma_start3A_192 : memref<10240x128xf32, #tpu.memory_space<hbm>>) target(%arg9 : memref<128x128xf32, #tpu.memory_space<vmem>>) offsets(%dma_start3A_189 : memref<128xi32, #tpu.memory_space<vmem>>) semaphore(%arg10 : memref<!tpu.dma_semaphore, #tpu.memory_space<semaphore_mem>>)
      %dma_wait3A_193 = arith.constant 11 : i32
      %dma_wait3A_194 = arith.constant 0 : i32
      %dma_wait3A_195 = tpu.memref_slice %arg7[%dma_wait3A_193, %dma_wait3A_194] : memref<16x128xi32, #tpu.memory_space<vmem>> -> memref<1x128xi32, #tpu.memory_space<vmem>>
      %dma_wait3A_196 = tpu.memref_squeeze %dma_wait3A_195 : memref<1x128xi32, #tpu.memory_space<vmem>> -> memref<128xi32, #tpu.memory_space<vmem>>
      %dma_wait3A_197 = arith.constant 0 : i32
      %dma_wait3A_198 = arith.constant 0 : i32
      %dma_wait3A_199 = tpu.memref_slice %arg2[%dma_wait3A_197, %dma_wait3A_198] : memref<10240x128xf32, #tpu.memory_space<hbm>> -> memref<10240x128xf32, #tpu.memory_space<hbm>>
      tpu.wait_indirect_dma semaphore(%arg10 : memref<!tpu.dma_semaphore, #tpu.memory_space<semaphore_mem>>) src(%dma_wait3A_199 : memref<10240x128xf32, #tpu.memory_space<hbm>>) dst(%arg9 : memref<128x128xf32, #tpu.memory_space<vmem>>)
      %run_scoped3A_200 = arith.constant 11 : i32
      "tpu.region"() ({
        %run_scoped3A_261 = tpu.sem_alloc : memref<!tpu.dma_semaphore, #tpu.memory_space<semaphore_mem>>
        %dma_start3A_262 = arith.constant 0 : i32
        %dma_start3A_263 = tpu.memref_slice %arg8[%run_scoped3A_200, %dma_start3A_262] : memref<16x128xi32, #tpu.memory_space<vmem>> -> memref<1x128xi32, #tpu.memory_space<vmem>>
        %dma_start3A_264 = tpu.memref_squeeze %dma_start3A_263 : memref<1x128xi32, #tpu.memory_space<vmem>> -> memref<128xi32, #tpu.memory_space<vmem>>
        %dma_start3A_265 = arith.constant 0 : i32
        %dma_start3A_266 = arith.constant 0 : i32
        %dma_start3A_267 = tpu.memref_slice %arg11[%dma_start3A_265, %dma_start3A_266] : memref<10240x128xf32, #tpu.memory_space<vmem_shared>> -> memref<10240x128xf32, #tpu.memory_space<vmem_shared>>
        tpu.enqueue_indirect_dma source(%arg9 : memref<128x128xf32, #tpu.memory_space<vmem>>) target(%dma_start3A_267 : memref<10240x128xf32, #tpu.memory_space<vmem_shared>>) offsets(%dma_start3A_264 : memref<128xi32, #tpu.memory_space<vmem>>) semaphore(%run_scoped3A_261 : memref<!tpu.dma_semaphore, #tpu.memory_space<semaphore_mem>>) {add = true}
        %dma_wait3A_268 = arith.constant 0 : i32
        %dma_wait3A_269 = tpu.memref_slice %arg8[%run_scoped3A_200, %dma_wait3A_268] : memref<16x128xi32, #tpu.memory_space<vmem>> -> memref<1x128xi32, #tpu.memory_space<vmem>>
        %dma_wait3A_270 = tpu.memref_squeeze %dma_wait3A_269 : memref<1x128xi32, #tpu.memory_space<vmem>> -> memref<128xi32, #tpu.memory_space<vmem>>
        %dma_wait3A_271 = arith.constant 0 : i32
        %dma_wait3A_272 = arith.constant 0 : i32
        %dma_wait3A_273 = tpu.memref_slice %arg11[%dma_wait3A_271, %dma_wait3A_272] : memref<10240x128xf32, #tpu.memory_space<vmem_shared>> -> memref<10240x128xf32, #tpu.memory_space<vmem_shared>>
        tpu.wait_indirect_dma semaphore(%run_scoped3A_261 : memref<!tpu.dma_semaphore, #tpu.memory_space<semaphore_mem>>) src(%arg9 : memref<128x128xf32, #tpu.memory_space<vmem>>) dst(%dma_wait3A_273 : memref<10240x128xf32, #tpu.memory_space<vmem_shared>>)
        tpu.yield
      }) : () -> ()
      %dma_start3A_201 = arith.constant 12 : i32
      %dma_start3A_202 = arith.constant 0 : i32
      %dma_start3A_203 = tpu.memref_slice %arg7[%dma_start3A_201, %dma_start3A_202] : memref<16x128xi32, #tpu.memory_space<vmem>> -> memref<1x128xi32, #tpu.memory_space<vmem>>
      %dma_start3A_204 = tpu.memref_squeeze %dma_start3A_203 : memref<1x128xi32, #tpu.memory_space<vmem>> -> memref<128xi32, #tpu.memory_space<vmem>>
      %dma_start3A_205 = arith.constant 0 : i32
      %dma_start3A_206 = arith.constant 0 : i32
      %dma_start3A_207 = tpu.memref_slice %arg2[%dma_start3A_205, %dma_start3A_206] : memref<10240x128xf32, #tpu.memory_space<hbm>> -> memref<10240x128xf32, #tpu.memory_space<hbm>>
      tpu.enqueue_indirect_dma source(%dma_start3A_207 : memref<10240x128xf32, #tpu.memory_space<hbm>>) target(%arg9 : memref<128x128xf32, #tpu.memory_space<vmem>>) offsets(%dma_start3A_204 : memref<128xi32, #tpu.memory_space<vmem>>) semaphore(%arg10 : memref<!tpu.dma_semaphore, #tpu.memory_space<semaphore_mem>>)
      %dma_wait3A_208 = arith.constant 12 : i32
      %dma_wait3A_209 = arith.constant 0 : i32
      %dma_wait3A_210 = tpu.memref_slice %arg7[%dma_wait3A_208, %dma_wait3A_209] : memref<16x128xi32, #tpu.memory_space<vmem>> -> memref<1x128xi32, #tpu.memory_space<vmem>>
      %dma_wait3A_211 = tpu.memref_squeeze %dma_wait3A_210 : memref<1x128xi32, #tpu.memory_space<vmem>> -> memref<128xi32, #tpu.memory_space<vmem>>
      %dma_wait3A_212 = arith.constant 0 : i32
      %dma_wait3A_213 = arith.constant 0 : i32
      %dma_wait3A_214 = tpu.memref_slice %arg2[%dma_wait3A_212, %dma_wait3A_213] : memref<10240x128xf32, #tpu.memory_space<hbm>> -> memref<10240x128xf32, #tpu.memory_space<hbm>>
      tpu.wait_indirect_dma semaphore(%arg10 : memref<!tpu.dma_semaphore, #tpu.memory_space<semaphore_mem>>) src(%dma_wait3A_214 : memref<10240x128xf32, #tpu.memory_space<hbm>>) dst(%arg9 : memref<128x128xf32, #tpu.memory_space<vmem>>)
      %run_scoped3A_215 = arith.constant 12 : i32
      "tpu.region"() ({
        %run_scoped3A_261 = tpu.sem_alloc : memref<!tpu.dma_semaphore, #tpu.memory_space<semaphore_mem>>
        %dma_start3A_262 = arith.constant 0 : i32
        %dma_start3A_263 = tpu.memref_slice %arg8[%run_scoped3A_215, %dma_start3A_262] : memref<16x128xi32, #tpu.memory_space<vmem>> -> memref<1x128xi32, #tpu.memory_space<vmem>>
        %dma_start3A_264 = tpu.memref_squeeze %dma_start3A_263 : memref<1x128xi32, #tpu.memory_space<vmem>> -> memref<128xi32, #tpu.memory_space<vmem>>
        %dma_start3A_265 = arith.constant 0 : i32
        %dma_start3A_266 = arith.constant 0 : i32
        %dma_start3A_267 = tpu.memref_slice %arg11[%dma_start3A_265, %dma_start3A_266] : memref<10240x128xf32, #tpu.memory_space<vmem_shared>> -> memref<10240x128xf32, #tpu.memory_space<vmem_shared>>
        tpu.enqueue_indirect_dma source(%arg9 : memref<128x128xf32, #tpu.memory_space<vmem>>) target(%dma_start3A_267 : memref<10240x128xf32, #tpu.memory_space<vmem_shared>>) offsets(%dma_start3A_264 : memref<128xi32, #tpu.memory_space<vmem>>) semaphore(%run_scoped3A_261 : memref<!tpu.dma_semaphore, #tpu.memory_space<semaphore_mem>>) {add = true}
        %dma_wait3A_268 = arith.constant 0 : i32
        %dma_wait3A_269 = tpu.memref_slice %arg8[%run_scoped3A_215, %dma_wait3A_268] : memref<16x128xi32, #tpu.memory_space<vmem>> -> memref<1x128xi32, #tpu.memory_space<vmem>>
        %dma_wait3A_270 = tpu.memref_squeeze %dma_wait3A_269 : memref<1x128xi32, #tpu.memory_space<vmem>> -> memref<128xi32, #tpu.memory_space<vmem>>
        %dma_wait3A_271 = arith.constant 0 : i32
        %dma_wait3A_272 = arith.constant 0 : i32
        %dma_wait3A_273 = tpu.memref_slice %arg11[%dma_wait3A_271, %dma_wait3A_272] : memref<10240x128xf32, #tpu.memory_space<vmem_shared>> -> memref<10240x128xf32, #tpu.memory_space<vmem_shared>>
        tpu.wait_indirect_dma semaphore(%run_scoped3A_261 : memref<!tpu.dma_semaphore, #tpu.memory_space<semaphore_mem>>) src(%arg9 : memref<128x128xf32, #tpu.memory_space<vmem>>) dst(%dma_wait3A_273 : memref<10240x128xf32, #tpu.memory_space<vmem_shared>>)
        tpu.yield
      }) : () -> ()
      %dma_start3A_216 = arith.constant 13 : i32
      %dma_start3A_217 = arith.constant 0 : i32
      %dma_start3A_218 = tpu.memref_slice %arg7[%dma_start3A_216, %dma_start3A_217] : memref<16x128xi32, #tpu.memory_space<vmem>> -> memref<1x128xi32, #tpu.memory_space<vmem>>
      %dma_start3A_219 = tpu.memref_squeeze %dma_start3A_218 : memref<1x128xi32, #tpu.memory_space<vmem>> -> memref<128xi32, #tpu.memory_space<vmem>>
      %dma_start3A_220 = arith.constant 0 : i32
      %dma_start3A_221 = arith.constant 0 : i32
      %dma_start3A_222 = tpu.memref_slice %arg2[%dma_start3A_220, %dma_start3A_221] : memref<10240x128xf32, #tpu.memory_space<hbm>> -> memref<10240x128xf32, #tpu.memory_space<hbm>>
      tpu.enqueue_indirect_dma source(%dma_start3A_222 : memref<10240x128xf32, #tpu.memory_space<hbm>>) target(%arg9 : memref<128x128xf32, #tpu.memory_space<vmem>>) offsets(%dma_start3A_219 : memref<128xi32, #tpu.memory_space<vmem>>) semaphore(%arg10 : memref<!tpu.dma_semaphore, #tpu.memory_space<semaphore_mem>>)
      %dma_wait3A_223 = arith.constant 13 : i32
      %dma_wait3A_224 = arith.constant 0 : i32
      %dma_wait3A_225 = tpu.memref_slice %arg7[%dma_wait3A_223, %dma_wait3A_224] : memref<16x128xi32, #tpu.memory_space<vmem>> -> memref<1x128xi32, #tpu.memory_space<vmem>>
      %dma_wait3A_226 = tpu.memref_squeeze %dma_wait3A_225 : memref<1x128xi32, #tpu.memory_space<vmem>> -> memref<128xi32, #tpu.memory_space<vmem>>
      %dma_wait3A_227 = arith.constant 0 : i32
      %dma_wait3A_228 = arith.constant 0 : i32
      %dma_wait3A_229 = tpu.memref_slice %arg2[%dma_wait3A_227, %dma_wait3A_228] : memref<10240x128xf32, #tpu.memory_space<hbm>> -> memref<10240x128xf32, #tpu.memory_space<hbm>>
      tpu.wait_indirect_dma semaphore(%arg10 : memref<!tpu.dma_semaphore, #tpu.memory_space<semaphore_mem>>) src(%dma_wait3A_229 : memref<10240x128xf32, #tpu.memory_space<hbm>>) dst(%arg9 : memref<128x128xf32, #tpu.memory_space<vmem>>)
      %run_scoped3A_230 = arith.constant 13 : i32
      "tpu.region"() ({
        %run_scoped3A_261 = tpu.sem_alloc : memref<!tpu.dma_semaphore, #tpu.memory_space<semaphore_mem>>
        %dma_start3A_262 = arith.constant 0 : i32
        %dma_start3A_263 = tpu.memref_slice %arg8[%run_scoped3A_230, %dma_start3A_262] : memref<16x128xi32, #tpu.memory_space<vmem>> -> memref<1x128xi32, #tpu.memory_space<vmem>>
        %dma_start3A_264 = tpu.memref_squeeze %dma_start3A_263 : memref<1x128xi32, #tpu.memory_space<vmem>> -> memref<128xi32, #tpu.memory_space<vmem>>
        %dma_start3A_265 = arith.constant 0 : i32
        %dma_start3A_266 = arith.constant 0 : i32
        %dma_start3A_267 = tpu.memref_slice %arg11[%dma_start3A_265, %dma_start3A_266] : memref<10240x128xf32, #tpu.memory_space<vmem_shared>> -> memref<10240x128xf32, #tpu.memory_space<vmem_shared>>
        tpu.enqueue_indirect_dma source(%arg9 : memref<128x128xf32, #tpu.memory_space<vmem>>) target(%dma_start3A_267 : memref<10240x128xf32, #tpu.memory_space<vmem_shared>>) offsets(%dma_start3A_264 : memref<128xi32, #tpu.memory_space<vmem>>) semaphore(%run_scoped3A_261 : memref<!tpu.dma_semaphore, #tpu.memory_space<semaphore_mem>>) {add = true}
        %dma_wait3A_268 = arith.constant 0 : i32
        %dma_wait3A_269 = tpu.memref_slice %arg8[%run_scoped3A_230, %dma_wait3A_268] : memref<16x128xi32, #tpu.memory_space<vmem>> -> memref<1x128xi32, #tpu.memory_space<vmem>>
        %dma_wait3A_270 = tpu.memref_squeeze %dma_wait3A_269 : memref<1x128xi32, #tpu.memory_space<vmem>> -> memref<128xi32, #tpu.memory_space<vmem>>
        %dma_wait3A_271 = arith.constant 0 : i32
        %dma_wait3A_272 = arith.constant 0 : i32
        %dma_wait3A_273 = tpu.memref_slice %arg11[%dma_wait3A_271, %dma_wait3A_272] : memref<10240x128xf32, #tpu.memory_space<vmem_shared>> -> memref<10240x128xf32, #tpu.memory_space<vmem_shared>>
        tpu.wait_indirect_dma semaphore(%run_scoped3A_261 : memref<!tpu.dma_semaphore, #tpu.memory_space<semaphore_mem>>) src(%arg9 : memref<128x128xf32, #tpu.memory_space<vmem>>) dst(%dma_wait3A_273 : memref<10240x128xf32, #tpu.memory_space<vmem_shared>>)
        tpu.yield
      }) : () -> ()
      %dma_start3A_231 = arith.constant 14 : i32
      %dma_start3A_232 = arith.constant 0 : i32
      %dma_start3A_233 = tpu.memref_slice %arg7[%dma_start3A_231, %dma_start3A_232] : memref<16x128xi32, #tpu.memory_space<vmem>> -> memref<1x128xi32, #tpu.memory_space<vmem>>
      %dma_start3A_234 = tpu.memref_squeeze %dma_start3A_233 : memref<1x128xi32, #tpu.memory_space<vmem>> -> memref<128xi32, #tpu.memory_space<vmem>>
      %dma_start3A_235 = arith.constant 0 : i32
      %dma_start3A_236 = arith.constant 0 : i32
      %dma_start3A_237 = tpu.memref_slice %arg2[%dma_start3A_235, %dma_start3A_236] : memref<10240x128xf32, #tpu.memory_space<hbm>> -> memref<10240x128xf32, #tpu.memory_space<hbm>>
      tpu.enqueue_indirect_dma source(%dma_start3A_237 : memref<10240x128xf32, #tpu.memory_space<hbm>>) target(%arg9 : memref<128x128xf32, #tpu.memory_space<vmem>>) offsets(%dma_start3A_234 : memref<128xi32, #tpu.memory_space<vmem>>) semaphore(%arg10 : memref<!tpu.dma_semaphore, #tpu.memory_space<semaphore_mem>>)
      %dma_wait3A_238 = arith.constant 14 : i32
      %dma_wait3A_239 = arith.constant 0 : i32
      %dma_wait3A_240 = tpu.memref_slice %arg7[%dma_wait3A_238, %dma_wait3A_239] : memref<16x128xi32, #tpu.memory_space<vmem>> -> memref<1x128xi32, #tpu.memory_space<vmem>>
      %dma_wait3A_241 = tpu.memref_squeeze %dma_wait3A_240 : memref<1x128xi32, #tpu.memory_space<vmem>> -> memref<128xi32, #tpu.memory_space<vmem>>
      %dma_wait3A_242 = arith.constant 0 : i32
      %dma_wait3A_243 = arith.constant 0 : i32
      %dma_wait3A_244 = tpu.memref_slice %arg2[%dma_wait3A_242, %dma_wait3A_243] : memref<10240x128xf32, #tpu.memory_space<hbm>> -> memref<10240x128xf32, #tpu.memory_space<hbm>>
      tpu.wait_indirect_dma semaphore(%arg10 : memref<!tpu.dma_semaphore, #tpu.memory_space<semaphore_mem>>) src(%dma_wait3A_244 : memref<10240x128xf32, #tpu.memory_space<hbm>>) dst(%arg9 : memref<128x128xf32, #tpu.memory_space<vmem>>)
      %run_scoped3A_245 = arith.constant 14 : i32
      "tpu.region"() ({
        %run_scoped3A_261 = tpu.sem_alloc : memref<!tpu.dma_semaphore, #tpu.memory_space<semaphore_mem>>
        %dma_start3A_262 = arith.constant 0 : i32
        %dma_start3A_263 = tpu.memref_slice %arg8[%run_scoped3A_245, %dma_start3A_262] : memref<16x128xi32, #tpu.memory_space<vmem>> -> memref<1x128xi32, #tpu.memory_space<vmem>>
        %dma_start3A_264 = tpu.memref_squeeze %dma_start3A_263 : memref<1x128xi32, #tpu.memory_space<vmem>> -> memref<128xi32, #tpu.memory_space<vmem>>
        %dma_start3A_265 = arith.constant 0 : i32
        %dma_start3A_266 = arith.constant 0 : i32
        %dma_start3A_267 = tpu.memref_slice %arg11[%dma_start3A_265, %dma_start3A_266] : memref<10240x128xf32, #tpu.memory_space<vmem_shared>> -> memref<10240x128xf32, #tpu.memory_space<vmem_shared>>
        tpu.enqueue_indirect_dma source(%arg9 : memref<128x128xf32, #tpu.memory_space<vmem>>) target(%dma_start3A_267 : memref<10240x128xf32, #tpu.memory_space<vmem_shared>>) offsets(%dma_start3A_264 : memref<128xi32, #tpu.memory_space<vmem>>) semaphore(%run_scoped3A_261 : memref<!tpu.dma_semaphore, #tpu.memory_space<semaphore_mem>>) {add = true}
        %dma_wait3A_268 = arith.constant 0 : i32
        %dma_wait3A_269 = tpu.memref_slice %arg8[%run_scoped3A_245, %dma_wait3A_268] : memref<16x128xi32, #tpu.memory_space<vmem>> -> memref<1x128xi32, #tpu.memory_space<vmem>>
        %dma_wait3A_270 = tpu.memref_squeeze %dma_wait3A_269 : memref<1x128xi32, #tpu.memory_space<vmem>> -> memref<128xi32, #tpu.memory_space<vmem>>
        %dma_wait3A_271 = arith.constant 0 : i32
        %dma_wait3A_272 = arith.constant 0 : i32
        %dma_wait3A_273 = tpu.memref_slice %arg11[%dma_wait3A_271, %dma_wait3A_272] : memref<10240x128xf32, #tpu.memory_space<vmem_shared>> -> memref<10240x128xf32, #tpu.memory_space<vmem_shared>>
        tpu.wait_indirect_dma semaphore(%run_scoped3A_261 : memref<!tpu.dma_semaphore, #tpu.memory_space<semaphore_mem>>) src(%arg9 : memref<128x128xf32, #tpu.memory_space<vmem>>) dst(%dma_wait3A_273 : memref<10240x128xf32, #tpu.memory_space<vmem_shared>>)
        tpu.yield
      }) : () -> ()
      %dma_start3A_246 = arith.constant 15 : i32
      %dma_start3A_247 = arith.constant 0 : i32
      %dma_start3A_248 = tpu.memref_slice %arg7[%dma_start3A_246, %dma_start3A_247] : memref<16x128xi32, #tpu.memory_space<vmem>> -> memref<1x128xi32, #tpu.memory_space<vmem>>
      %dma_start3A_249 = tpu.memref_squeeze %dma_start3A_248 : memref<1x128xi32, #tpu.memory_space<vmem>> -> memref<128xi32, #tpu.memory_space<vmem>>
      %dma_start3A_250 = arith.constant 0 : i32
      %dma_start3A_251 = arith.constant 0 : i32
      %dma_start3A_252 = tpu.memref_slice %arg2[%dma_start3A_250, %dma_start3A_251] : memref<10240x128xf32, #tpu.memory_space<hbm>> -> memref<10240x128xf32, #tpu.memory_space<hbm>>
      tpu.enqueue_indirect_dma source(%dma_start3A_252 : memref<10240x128xf32, #tpu.memory_space<hbm>>) target(%arg9 : memref<128x128xf32, #tpu.memory_space<vmem>>) offsets(%dma_start3A_249 : memref<128xi32, #tpu.memory_space<vmem>>) semaphore(%arg10 : memref<!tpu.dma_semaphore, #tpu.memory_space<semaphore_mem>>)
      %dma_wait3A_253 = arith.constant 15 : i32
      %dma_wait3A_254 = arith.constant 0 : i32
      %dma_wait3A_255 = tpu.memref_slice %arg7[%dma_wait3A_253, %dma_wait3A_254] : memref<16x128xi32, #tpu.memory_space<vmem>> -> memref<1x128xi32, #tpu.memory_space<vmem>>
      %dma_wait3A_256 = tpu.memref_squeeze %dma_wait3A_255 : memref<1x128xi32, #tpu.memory_space<vmem>> -> memref<128xi32, #tpu.memory_space<vmem>>
      %dma_wait3A_257 = arith.constant 0 : i32
      %dma_wait3A_258 = arith.constant 0 : i32
      %dma_wait3A_259 = tpu.memref_slice %arg2[%dma_wait3A_257, %dma_wait3A_258] : memref<10240x128xf32, #tpu.memory_space<hbm>> -> memref<10240x128xf32, #tpu.memory_space<hbm>>
      tpu.wait_indirect_dma semaphore(%arg10 : memref<!tpu.dma_semaphore, #tpu.memory_space<semaphore_mem>>) src(%dma_wait3A_259 : memref<10240x128xf32, #tpu.memory_space<hbm>>) dst(%arg9 : memref<128x128xf32, #tpu.memory_space<vmem>>)
      %run_scoped3A_260 = arith.constant 15 : i32
      "tpu.region"() ({
        %run_scoped3A_261 = tpu.sem_alloc : memref<!tpu.dma_semaphore, #tpu.memory_space<semaphore_mem>>
        %dma_start3A_262 = arith.constant 0 : i32
        %dma_start3A_263 = tpu.memref_slice %arg8[%run_scoped3A_260, %dma_start3A_262] : memref<16x128xi32, #tpu.memory_space<vmem>> -> memref<1x128xi32, #tpu.memory_space<vmem>>
        %dma_start3A_264 = tpu.memref_squeeze %dma_start3A_263 : memref<1x128xi32, #tpu.memory_space<vmem>> -> memref<128xi32, #tpu.memory_space<vmem>>
        %dma_start3A_265 = arith.constant 0 : i32
        %dma_start3A_266 = arith.constant 0 : i32
        %dma_start3A_267 = tpu.memref_slice %arg11[%dma_start3A_265, %dma_start3A_266] : memref<10240x128xf32, #tpu.memory_space<vmem_shared>> -> memref<10240x128xf32, #tpu.memory_space<vmem_shared>>
        tpu.enqueue_indirect_dma source(%arg9 : memref<128x128xf32, #tpu.memory_space<vmem>>) target(%dma_start3A_267 : memref<10240x128xf32, #tpu.memory_space<vmem_shared>>) offsets(%dma_start3A_264 : memref<128xi32, #tpu.memory_space<vmem>>) semaphore(%run_scoped3A_261 : memref<!tpu.dma_semaphore, #tpu.memory_space<semaphore_mem>>) {add = true}
        %dma_wait3A_268 = arith.constant 0 : i32
        %dma_wait3A_269 = tpu.memref_slice %arg8[%run_scoped3A_260, %dma_wait3A_268] : memref<16x128xi32, #tpu.memory_space<vmem>> -> memref<1x128xi32, #tpu.memory_space<vmem>>
        %dma_wait3A_270 = tpu.memref_squeeze %dma_wait3A_269 : memref<1x128xi32, #tpu.memory_space<vmem>> -> memref<128xi32, #tpu.memory_space<vmem>>
        %dma_wait3A_271 = arith.constant 0 : i32
        %dma_wait3A_272 = arith.constant 0 : i32
        %dma_wait3A_273 = tpu.memref_slice %arg11[%dma_wait3A_271, %dma_wait3A_272] : memref<10240x128xf32, #tpu.memory_space<vmem_shared>> -> memref<10240x128xf32, #tpu.memory_space<vmem_shared>>
        tpu.wait_indirect_dma semaphore(%run_scoped3A_261 : memref<!tpu.dma_semaphore, #tpu.memory_space<semaphore_mem>>) src(%arg9 : memref<128x128xf32, #tpu.memory_space<vmem>>) dst(%dma_wait3A_273 : memref<10240x128xf32, #tpu.memory_space<vmem_shared>>)
        tpu.yield
      }) : () -> ()
    }
    %barrier3A_20 = arith.constant 0 : index
    tpu.barrier barrier_id(%barrier3A_20)
    "tpu.region"() ({
      %run_scoped3A = tpu.sem_alloc : memref<!tpu.dma_semaphore, #tpu.memory_space<semaphore_mem>>
      %dma_start3A = arith.constant 0 : i32
      %dma_start3A_21 = tpu.memref_slice %arg6[%arg0, %mul3A_0, %dma_start3A] : memref<2x10240x128xf32, #tpu.memory_space<hbm>> -> memref<1x640x128xf32, #tpu.memory_space<hbm>>
      %dma_start3A_22 = tpu.memref_squeeze %dma_start3A_21 : memref<1x640x128xf32, #tpu.memory_space<hbm>> -> memref<640x128xf32, #tpu.memory_space<hbm>>
      %dma_start3A_23 = arith.constant 0 : i32
      %dma_start3A_24 = tpu.memref_slice %arg11[%mul3A_0, %dma_start3A_23] : memref<10240x128xf32, #tpu.memory_space<vmem_shared>> -> memref<640x128xf32, #tpu.memory_space<vmem_shared>>
      tpu.enqueue_dma source(%dma_start3A_24 : memref<640x128xf32, #tpu.memory_space<vmem_shared>>) target(%dma_start3A_22 : memref<640x128xf32, #tpu.memory_space<hbm>>) target_semaphore(%run_scoped3A : memref<!tpu.dma_semaphore, #tpu.memory_space<semaphore_mem>>)
      %dma_wait3A = arith.constant 0 : i32
      %dma_wait3A_25 = tpu.memref_slice %arg6[%arg0, %mul3A_0, %dma_wait3A] : memref<2x10240x128xf32, #tpu.memory_space<hbm>> -> memref<1x640x128xf32, #tpu.memory_space<hbm>>
      %dma_wait3A_26 = tpu.memref_squeeze %dma_wait3A_25 : memref<1x640x128xf32, #tpu.memory_space<hbm>> -> memref<640x128xf32, #tpu.memory_space<hbm>>
      %dma_wait3A_27 = arith.constant 0 : i32
      %dma_wait3A_28 = tpu.memref_slice %arg11[%mul3A_0, %dma_wait3A_27] : memref<10240x128xf32, #tpu.memory_space<vmem_shared>> -> memref<640x128xf32, #tpu.memory_space<vmem_shared>>
      tpu.wait_dma2 semaphore(%run_scoped3A : memref<!tpu.dma_semaphore, #tpu.memory_space<semaphore_mem>>) src(%dma_wait3A_28 : memref<640x128xf32, #tpu.memory_space<vmem_shared>>) dst(%dma_wait3A_26 : memref<640x128xf32, #tpu.memory_space<hbm>>)
      tpu.yield
    }) : () -> ()
    return
  }
}

module attributes {stable_mosaic.version = 14 : i64} {
  func.func @body(%arg0: i32, %arg1: memref<2x1024x128xf32, #tpu.memory_space<vmem>>, %arg2: memref<2x1024x128xf32, #tpu.memory_space<vmem>>, %arg3: memref<1024x128xf32, #tpu.memory_space<vmem>>, %arg4: memref<128x128xf32, #tpu.memory_space<vmem>>, %arg5: memref<1x128xf32, #tpu.memory_space<vmem>>, %arg6: memref<128x128xf32, #tpu.memory_space<vmem>>, %arg7: memref<1024x128xf32, #tpu.memory_space<vmem>>) attributes {dimension_semantics = [#tpu.dimension_semantics<arbitrary>], iteration_bounds = array<i64: 10>, scalar_prefetch = 0 : i64, scratch_operands = 0 : i64, tpu.core_type = #tpu.core_type<tc>, window_params = [{transform_indices = @transform_0, window_bounds = array<i64: 2, 1024, 128>}, {transform_indices = @transform_1, window_bounds = array<i64: 2, 1024, 128>}, {transform_indices = @transform_2, window_bounds = array<i64: 1024, 128>}, {pipeline_mode = #tpu.pipeline_mode<synchronous>, transform_indices = @transform_3, window_bounds = array<i64: 128, 128>}, {pipeline_mode = #tpu.pipeline_mode<synchronous>, transform_indices = @transform_4, window_bounds = array<i64: 1, 128>}, {pipeline_mode = #tpu.pipeline_mode<synchronous>, transform_indices = @transform_5, window_bounds = array<i64: 128, 128>}, {transform_indices = @transform_6, window_bounds = array<i64: 1024, 128>}]} {
    %get3A = arith.constant 0 : index
    %get3A_0 = arith.constant 0 : index
    %get3A_1 = arith.constant 0 : index
    %get3A_2 = vector.load %arg1[%get3A, %get3A_0, %get3A_1] : memref<2x1024x128xf32, #tpu.memory_space<vmem>>, vector<1x1024x128xf32>
    %get3A_3 = vector.shape_cast %get3A_2 : vector<1x1024x128xf32> to vector<1024x128xf32>
    %get3A_4 = arith.constant 1 : index
    %get3A_5 = arith.constant 0 : index
    %get3A_6 = arith.constant 0 : index
    %get3A_7 = vector.load %arg1[%get3A_4, %get3A_5, %get3A_6] : memref<2x1024x128xf32, #tpu.memory_space<vmem>>, vector<1x1024x128xf32>
    %get3A_8 = vector.shape_cast %get3A_7 : vector<1x1024x128xf32> to vector<1024x128xf32>
    %add3A = arith.addf %get3A_3, %get3A_8 : vector<1024x128xf32>
    %get3A_9 = arith.constant 0 : index
    %get3A_10 = arith.constant 0 : index
    %get3A_11 = arith.constant 0 : index
    %get3A_12 = vector.load %arg2[%get3A_9, %get3A_10, %get3A_11] : memref<2x1024x128xf32, #tpu.memory_space<vmem>>, vector<1x1024x1xf32>
    %get3A_13 = vector.shape_cast %get3A_12 : vector<1x1024x1xf32> to vector<1024xf32>
    %get3A_14 = arith.constant 1 : index
    %get3A_15 = arith.constant 0 : index
    %get3A_16 = arith.constant 0 : index
    %get3A_17 = vector.load %arg2[%get3A_14, %get3A_15, %get3A_16] : memref<2x1024x128xf32, #tpu.memory_space<vmem>>, vector<1x1024x1xf32>
    %get3A_18 = vector.shape_cast %get3A_17 : vector<1x1024x1xf32> to vector<1024xf32>
    %add3A_19 = arith.addf %get3A_13, %get3A_18 : vector<1024xf32>
    %max3A = arith.constant 1.000000e+00 : f32
    %max3A_20 = vector.broadcast %max3A : f32 to vector<1024xf32>
    %max3A_21 = arith.maximumf %add3A_19, %max3A_20 : vector<1024xf32>
    %broadcast_in_dim3A = vector.shape_cast %max3A_21 : vector<1024xf32> to vector<1024x1xf32>
    %div3A = vector.broadcast %broadcast_in_dim3A : vector<1024x1xf32> to vector<1024x128xf32>
    %div3A_22 = arith.divf %add3A, %div3A : vector<1024x128xf32>
    %get3A_23 = arith.constant 0 : index
    %get3A_24 = arith.constant 0 : index
    %get3A_25 = vector.load %arg4[%get3A_23, %get3A_24] : memref<128x128xf32, #tpu.memory_space<vmem>>, vector<128x128xf32>
    %dot_general3A = arith.constant dense<0.000000e+00> : vector<1024x128xf32>
    %dot_general3A_26 = tpu.matmul %div3A_22, %get3A_25, %dot_general3A {dimension_numbers = #tpu.dot_dimension_numbers<[1], [0], [0], [1], [0, 0, 1, 1], [], []>, transpose_lhs_hint = false} : vector<1024x128xf32>, vector<128x128xf32>, vector<1024x128xf32> -> vector<1024x128xf32>
    %get3A_27 = arith.constant 0 : index
    %get3A_28 = arith.constant 0 : index
    %get3A_29 = vector.load %arg5[%get3A_27, %get3A_28] : memref<1x128xf32, #tpu.memory_space<vmem>>, vector<1x128xf32>
    %add3A_30 = vector.broadcast %get3A_29 : vector<1x128xf32> to vector<1024x128xf32>
    %add3A_31 = arith.addf %dot_general3A_26, %add3A_30 : vector<1024x128xf32>
    %get3A_32 = arith.constant 0 : index
    %get3A_33 = arith.constant 0 : index
    %get3A_34 = vector.load %arg3[%get3A_32, %get3A_33] : memref<1024x128xf32, #tpu.memory_space<vmem>>, vector<1024x128xf32>
    %get3A_35 = arith.constant 0 : index
    %get3A_36 = arith.constant 0 : index
    %get3A_37 = vector.load %arg6[%get3A_35, %get3A_36] : memref<128x128xf32, #tpu.memory_space<vmem>>, vector<128x128xf32>
    %dot_general3A_38 = arith.constant dense<0.000000e+00> : vector<1024x128xf32>
    %dot_general3A_39 = tpu.matmul %get3A_34, %get3A_37, %dot_general3A_38 {dimension_numbers = #tpu.dot_dimension_numbers<[1], [0], [0], [1], [0, 0, 1, 1], [], []>, transpose_lhs_hint = false} : vector<1024x128xf32>, vector<128x128xf32>, vector<1024x128xf32> -> vector<1024x128xf32>
    %add3A_40 = arith.addf %add3A_31, %dot_general3A_39 : vector<1024x128xf32>
    %max3A_41 = arith.constant 0.000000e+00 : f32
    %max3A_42 = vector.broadcast %max3A_41 : f32 to vector<1024x128xf32>
    %max3A_43 = arith.maximumf %add3A_40, %max3A_42 : vector<1024x128xf32>
    %swap3A = arith.constant 0 : index
    %swap3A_44 = arith.constant 0 : index
    %swap3A_45 = vector.load %arg7[%swap3A, %swap3A_44] : memref<1024x128xf32, #tpu.memory_space<vmem>>, vector<1024x128xf32>
    tpu.vector_store %arg7[%swap3A, %swap3A_44], %max3A_43 {strides = array<i32>} : memref<1024x128xf32, #tpu.memory_space<vmem>>, vector<1024x128xf32>,
    return
  }
  func.func @transform_0(%arg0: i32) -> (i32, i32, i32) {
    %c0_i32 = arith.constant 0 : i32
    %c0_i32_0 = arith.constant 0 : i32
    %c0_i32_1 = arith.constant 0 : i32
    return %c0_i32, %arg0, %c0_i32_0 : i32, i32, i32
  }
  func.func @transform_1(%arg0: i32) -> (i32, i32, i32) {
    %c0_i32 = arith.constant 0 : i32
    %c0_i32_0 = arith.constant 0 : i32
    %c0_i32_1 = arith.constant 0 : i32
    return %c0_i32, %arg0, %c0_i32_0 : i32, i32, i32
  }
  func.func @transform_2(%arg0: i32) -> (i32, i32) {
    %c0_i32 = arith.constant 0 : i32
    %c0_i32_0 = arith.constant 0 : i32
    return %arg0, %c0_i32 : i32, i32
  }
  func.func @transform_3(%arg0: i32) -> (i32, i32) {
    %c0_i32 = arith.constant 0 : i32
    %c0_i32_0 = arith.constant 0 : i32
    %c0_i32_1 = arith.constant 0 : i32
    return %c0_i32, %c0_i32_0 : i32, i32
  }
  func.func @transform_4(%arg0: i32) -> (i32, i32) {
    %c0_i32 = arith.constant 0 : i32
    %c0_i32_0 = arith.constant 0 : i32
    %c0_i32_1 = arith.constant 0 : i32
    return %c0_i32, %c0_i32_0 : i32, i32
  }
  func.func @transform_5(%arg0: i32) -> (i32, i32) {
    %c0_i32 = arith.constant 0 : i32
    %c0_i32_0 = arith.constant 0 : i32
    %c0_i32_1 = arith.constant 0 : i32
    return %c0_i32, %c0_i32_0 : i32, i32
  }
  func.func @transform_6(%arg0: i32) -> (i32, i32) {
    %c0_i32 = arith.constant 0 : i32
    %c0_i32_0 = arith.constant 0 : i32
    return %arg0, %c0_i32 : i32, i32
  }
}

module attributes {stable_mosaic.version = 14 : i64} {
  func.func @body(%arg0: i32, %arg1: memref<2x1024x128xf32, #tpu.memory_space<vmem>>, %arg2: memref<2x1024x128xf32, #tpu.memory_space<vmem>>, %arg3: memref<1024x128xf32, #tpu.memory_space<vmem>>, %arg4: memref<128x128xf32, #tpu.memory_space<vmem>>, %arg5: memref<1x128xf32, #tpu.memory_space<vmem>>, %arg6: memref<128x128xf32, #tpu.memory_space<vmem>>, %arg7: memref<1024x128xf32, #tpu.memory_space<vmem>>) attributes {dimension_semantics = [#tpu.dimension_semantics<arbitrary>], iteration_bounds = array<i64: 10>, scalar_prefetch = 0 : i64, scratch_operands = 0 : i64, tpu.core_type = #tpu.core_type<tc>, window_params = [{transform_indices = @transform_0, window_bounds = array<i64: 2, 1024, 128>}, {transform_indices = @transform_1, window_bounds = array<i64: 2, 1024, 128>}, {transform_indices = @transform_2, window_bounds = array<i64: 1024, 128>}, {pipeline_mode = #tpu.pipeline_mode<synchronous>, transform_indices = @transform_3, window_bounds = array<i64: 128, 128>}, {pipeline_mode = #tpu.pipeline_mode<synchronous>, transform_indices = @transform_4, window_bounds = array<i64: 1, 128>}, {pipeline_mode = #tpu.pipeline_mode<synchronous>, transform_indices = @transform_5, window_bounds = array<i64: 128, 128>}, {transform_indices = @transform_6, window_bounds = array<i64: 1024, 128>}]} {
    %get3A = arith.constant 0 : index
    %get3A_0 = arith.constant 0 : index
    %get3A_1 = arith.constant 0 : index
    %get3A_2 = vector.load %arg1[%get3A, %get3A_0, %get3A_1] : memref<2x1024x128xf32, #tpu.memory_space<vmem>>, vector<1x1024x128xf32>
    %get3A_3 = vector.shape_cast %get3A_2 : vector<1x1024x128xf32> to vector<1024x128xf32>
    %get3A_4 = arith.constant 1 : index
    %get3A_5 = arith.constant 0 : index
    %get3A_6 = arith.constant 0 : index
    %get3A_7 = vector.load %arg1[%get3A_4, %get3A_5, %get3A_6] : memref<2x1024x128xf32, #tpu.memory_space<vmem>>, vector<1x1024x128xf32>
    %get3A_8 = vector.shape_cast %get3A_7 : vector<1x1024x128xf32> to vector<1024x128xf32>
    %add3A = arith.addf %get3A_3, %get3A_8 : vector<1024x128xf32>
    %get3A_9 = arith.constant 0 : index
    %get3A_10 = arith.constant 0 : index
    %get3A_11 = arith.constant 0 : index
    %get3A_12 = vector.load %arg2[%get3A_9, %get3A_10, %get3A_11] : memref<2x1024x128xf32, #tpu.memory_space<vmem>>, vector<1x1024x1xf32>
    %get3A_13 = vector.shape_cast %get3A_12 : vector<1x1024x1xf32> to vector<1024xf32>
    %get3A_14 = arith.constant 1 : index
    %get3A_15 = arith.constant 0 : index
    %get3A_16 = arith.constant 0 : index
    %get3A_17 = vector.load %arg2[%get3A_14, %get3A_15, %get3A_16] : memref<2x1024x128xf32, #tpu.memory_space<vmem>>, vector<1x1024x1xf32>
    %get3A_18 = vector.shape_cast %get3A_17 : vector<1x1024x1xf32> to vector<1024xf32>
    %add3A_19 = arith.addf %get3A_13, %get3A_18 : vector<1024xf32>
    %max3A = arith.constant 1.000000e+00 : f32
    %max3A_20 = vector.broadcast %max3A : f32 to vector<1024xf32>
    %max3A_21 = arith.maximumf %add3A_19, %max3A_20 : vector<1024xf32>
    %broadcast_in_dim3A = vector.shape_cast %max3A_21 : vector<1024xf32> to vector<1024x1xf32>
    %div3A = vector.broadcast %broadcast_in_dim3A : vector<1024x1xf32> to vector<1024x128xf32>
    %div3A_22 = arith.divf %add3A, %div3A : vector<1024x128xf32>
    %get3A_23 = arith.constant 0 : index
    %get3A_24 = arith.constant 0 : index
    %get3A_25 = vector.load %arg4[%get3A_23, %get3A_24] : memref<128x128xf32, #tpu.memory_space<vmem>>, vector<128x128xf32>
    %dot_general3A = arith.constant dense<0.000000e+00> : vector<1024x128xf32>
    %dot_general3A_26 = tpu.matmul %div3A_22, %get3A_25, %dot_general3A {dimension_numbers = #tpu.dot_dimension_numbers<[1], [0], [0], [1], [0, 0, 1, 1], [], []>, transpose_lhs_hint = false} : vector<1024x128xf32>, vector<128x128xf32>, vector<1024x128xf32> -> vector<1024x128xf32>
    %get3A_27 = arith.constant 0 : index
    %get3A_28 = arith.constant 0 : index
    %get3A_29 = vector.load %arg5[%get3A_27, %get3A_28] : memref<1x128xf32, #tpu.memory_space<vmem>>, vector<1x128xf32>
    %add3A_30 = vector.broadcast %get3A_29 : vector<1x128xf32> to vector<1024x128xf32>
    %add3A_31 = arith.addf %dot_general3A_26, %add3A_30 : vector<1024x128xf32>
    %get3A_32 = arith.constant 0 : index
    %get3A_33 = arith.constant 0 : index
    %get3A_34 = vector.load %arg3[%get3A_32, %get3A_33] : memref<1024x128xf32, #tpu.memory_space<vmem>>, vector<1024x128xf32>
    %get3A_35 = arith.constant 0 : index
    %get3A_36 = arith.constant 0 : index
    %get3A_37 = vector.load %arg6[%get3A_35, %get3A_36] : memref<128x128xf32, #tpu.memory_space<vmem>>, vector<128x128xf32>
    %dot_general3A_38 = arith.constant dense<0.000000e+00> : vector<1024x128xf32>
    %dot_general3A_39 = tpu.matmul %get3A_34, %get3A_37, %dot_general3A_38 {dimension_numbers = #tpu.dot_dimension_numbers<[1], [0], [0], [1], [0, 0, 1, 1], [], []>, transpose_lhs_hint = false} : vector<1024x128xf32>, vector<128x128xf32>, vector<1024x128xf32> -> vector<1024x128xf32>
    %add3A_40 = arith.addf %add3A_31, %dot_general3A_39 : vector<1024x128xf32>
    %swap3A = arith.constant 0 : index
    %swap3A_41 = arith.constant 0 : index
    %swap3A_42 = vector.load %arg7[%swap3A, %swap3A_41] : memref<1024x128xf32, #tpu.memory_space<vmem>>, vector<1024x128xf32>
    tpu.vector_store %arg7[%swap3A, %swap3A_41], %add3A_40 {strides = array<i32>} : memref<1024x128xf32, #tpu.memory_space<vmem>>, vector<1024x128xf32>,
    return
  }
  func.func @transform_0(%arg0: i32) -> (i32, i32, i32) {
    %c0_i32 = arith.constant 0 : i32
    %c0_i32_0 = arith.constant 0 : i32
    %c0_i32_1 = arith.constant 0 : i32
    return %c0_i32, %arg0, %c0_i32_0 : i32, i32, i32
  }
  func.func @transform_1(%arg0: i32) -> (i32, i32, i32) {
    %c0_i32 = arith.constant 0 : i32
    %c0_i32_0 = arith.constant 0 : i32
    %c0_i32_1 = arith.constant 0 : i32
    return %c0_i32, %arg0, %c0_i32_0 : i32, i32, i32
  }
  func.func @transform_2(%arg0: i32) -> (i32, i32) {
    %c0_i32 = arith.constant 0 : i32
    %c0_i32_0 = arith.constant 0 : i32
    return %arg0, %c0_i32 : i32, i32
  }
  func.func @transform_3(%arg0: i32) -> (i32, i32) {
    %c0_i32 = arith.constant 0 : i32
    %c0_i32_0 = arith.constant 0 : i32
    %c0_i32_1 = arith.constant 0 : i32
    return %c0_i32, %c0_i32_0 : i32, i32
  }
  func.func @transform_4(%arg0: i32) -> (i32, i32) {
    %c0_i32 = arith.constant 0 : i32
    %c0_i32_0 = arith.constant 0 : i32
    %c0_i32_1 = arith.constant 0 : i32
    return %c0_i32, %c0_i32_0 : i32, i32
  }
  func.func @transform_5(%arg0: i32) -> (i32, i32) {
    %c0_i32 = arith.constant 0 : i32
    %c0_i32_0 = arith.constant 0 : i32
    %c0_i32_1 = arith.constant 0 : i32
    return %c0_i32, %c0_i32_0 : i32, i32
  }
  func.func @transform_6(%arg0: i32) -> (i32, i32) {
    %c0_i32 = arith.constant 0 : i32
    %c0_i32_0 = arith.constant 0 : i32
    return %arg0, %c0_i32 : i32, i32
  }
}

</mosaic_0001>

<sc_bundles>
// kernel: kernel.10.cloned.1.call-start
scs
__scs_entry_jumppad:
0x0: {  	(pc) =	sbr.rel $0x88, $3  }
0x1: {  	(tag) =	ssettag $0x0;
	lr =	simm.s32 $0x1  }
0x2: {  	[smem:$0x3F99] =	sst lr;
	_ =	strace $0xD0000000  }
0x3: {  	_ = 	snop  }
0x4: {  	_ = 	snop  }
0x5: {  	_ = 	snop  }
0x6: {  	_ = 	snop  }
0x7: {  	_ = 	snop  }
__scs_overlays_trampoline_lowered:
0x8: {  	[smem:$0x3FA8] =	sst s0  }
0x9: {  	[smem:$0x3FA9] =	sst s1  }
0xa: {  	[smem:$0x3FAA] =	sst s2  }
0xb: {  	[smem:$0x3FAB] =	sst s3  }
0xc: {  	[smem:$0x3FAC] =	sst s4  }
0xd: {  	[smem:$0x3FAD] =	sst s5  }
0xe: {  	[smem:$0x3FAE] =	sst s6  }
0xf: {  	[smem:$0x3FAF] =	sst s7  }
0x10: {  	[smem:$0x3FB0] =	sst s8  }
0x11: {  	[smem:$0x3FB1] =	sst s9;
	s0 =	simm.s32 @!p0 $0x0  }
0x12: {  	s1 =	sld [smem:$0x3F97];
	s0 =	simm.s32 @p0 $0x1  }
0x13: {  	[smem:$0x3FB2] =	sst s0;
	s0 =	simm.s32 @!p1 $0x0  }
0x14: {  	s2 =	sld [smem:$0x3F96];
	s0 =	simm.s32 @p1 $0x1  }
0x15: {  	[smem:$0x3FB3] =	sst s0;
	s0 =	simm.s32 @!p2 $0x0  }
0x16: {  	s3 =	sld [smem:$0x3FDB];
	s0 =	simm.s32 @p2 $0x1  }
0x17: {  	s4 =	simm.s32 $0x1BF5;
	[smem:$0x3FB5] =	sst s0  }
0x18: {  	s0 =	sld [smem:$0x3F98];
	_ =	swait.ge [sflag:s4], $0x0  }
0x19: {  	s7 =	sld [smem:$0x3F99]  }
0x1a: {  	s8 =	sadd.s32 $0xFFFFE003, lr  }
0x1b: {  	s9 =	sadd.s32 $0xFFFFFEF7, lr;
	s5 =	simm.s32 $0xFFFFFFFF;
	p2 =	slt.u32 s8, $0xFFFFF086  }
0x1c: {  	p1 =	slt.u32 s9, $0xF7A;
	s5 =	simm.s32 @!p2 $0x0  }
0x1d: {  	s5 =	simm.s32 @p1 $0x1;
	p0 =	seq.s32 s7, s2  }
0x1e: {  	s7 =	smul.u32 @!p0 $0xF7A, s2;
	p2 =	seq.s32 @!p0 s5, $0x0  }
0x1f: {  	s9 =	smul.u32 $0xF7A, s1;
	s8 =	simm.s32 @!p0 $0x1BF5;
	p2 =	por !p2, p0  }
0x20: {  	[sflag:s8] =	ssyncset.s32 @!p0 $0xFFFFF086;
	s6 =	sadd.s32 @!p0 s3, s7;
	s7 =	simm.s32 @!p0 $0x108  }
0x21: {  	s3 =	sadd.s32 s3, s9;
	s6 =	sadd.s32 @!p0 $0x88, s6;
	s7 =	simm.s32 @p2 $0x1082  }
0x22: {  	[simem:s7], [sflag:s8] =	dma.local @!p0 [hbm:s6], $0xF7A  }
0x23: {  	s9 =	sor.u32 $0xD0000000, s2;
	s6 =	simm.s32 $0x108;
	_ =	swait.ge @!p0 [sflag:s8], $0x0  }
0x24: {  	s3 =	sadd.s32 $0x88, s3;
	s6 =	simm.s32 @!p1 $0x1082;
	[sflag:s4] =	ssyncset.s32 $0xFFFFF086  }
0x25: {  	[simem:s6], [sflag:s4] =	dma.local [hbm:s3], $0xF7A  }
0x26: {  	[smem:$0x3F99] =	sst s1;
	(tag) =	ssettag s2;
	_ =	strace s9  }
0x27: {  	s1 =	sld [smem:$0x3FA9]  }
0x28: {  	s2 =	sld [smem:$0x3FAA]  }
0x29: {  	s4 =	sld [smem:$0x3FAC]  }
0x2a: {  	p0 =	seq.s32 s5, $0x0;
	s5 =	sld [smem:$0x3FAD]  }
0x2b: {  	s6 =	sld [smem:$0x3FAE]  }
0x2c: {  	s7 =	sld [smem:$0x3FAF]  }
0x2d: {  	s3 =	simm.s32 $0x108;
	s8 =	sld [smem:$0x3FB0]  }
0x2e: {  	s3 =	simm.s32 @!p0 $0x1082;
	s9 =	sld [smem:$0x3FB1]  }
0x2f: {  	lr =	sadd.s32 s0, s3;
	s0 =	sld [smem:$0x3FA8]  }
0x30: {  	s3 =	sld [smem:$0x3FAB]  }
0x31: {  	[smem:$0x3FB4] =	sst s10  }
0x32: {  	s10 =	sld [smem:$0x3FB2];
	_ =	sdelay $0x3  }
0x33: {  	p0 =	seq.s32 s10, $0x1;
	s10 =	sld [smem:$0x3FB4];
	_ =	sdelay $0x3  }
0x34: {  	[smem:$0x3FB4] =	sst s10  }
0x35: {  	s10 =	sld [smem:$0x3FB3];
	_ =	sdelay $0x3  }
0x36: {  	p1 =	seq.s32 s10, $0x1;
	s10 =	sld [smem:$0x3FB4];
	_ =	sdelay $0x3  }
0x37: {  	[smem:$0x3FB4] =	sst s10  }
0x38: {  	s10 =	sld [smem:$0x3FB5]  }
0x39: {  	_ = 	snop;
	(pc) =	sbr.ind lr, $3  }
0x3a: {  	_ = 	snop  }
0x3b: {  	_ = 	snop  }
0x3c: {  	p2 =	seq.s32 s10, $0x1;
	s10 =	sld [smem:$0x3FB4]  }
0x3d: {  	_ =	shalt  }
0x3e: {  	_ =	shalt  }
0x3f: {  	_ =	shalt  }
0x40: {  	_ =	shalt  }
0x41: {  	_ =	shalt  }
0x42: {  	_ =	shalt  }
0x43: {  	_ =	shalt  }
0x44: {  	_ =	shalt  }
0x45: {  	_ =	shalt  }
0x46: {  	_ =	shalt  }
0x47: {  	_ =	shalt  }
0x48: {  	_ =	shalt  }
0x49: {  	_ =	shalt  }
0x4a: {  	_ =	shalt  }
0x4b: {  	_ =	shalt  }
0x4c: {  	_ =	shalt  }
0x4d: {  	_ =	shalt  }
0x4e: {  	_ =	shalt  }
0x4f: {  	_ =	shalt  }
0x50: {  	_ =	shalt  }
0x51: {  	_ =	shalt  }
0x52: {  	_ =	shalt  }
0x53: {  	_ =	shalt  }
0x54: {  	_ =	shalt  }
0x55: {  	_ =	shalt  }
0x56: {  	_ =	shalt  }
0x57: {  	_ =	shalt  }
0x58: {  	_ =	shalt  }
0x59: {  	_ =	shalt  }
0x5a: {  	_ =	shalt  }
0x5b: {  	_ =	shalt  }
0x5c: {  	_ =	shalt  }
0x5d: {  	_ =	shalt  }
0x5e: {  	_ =	shalt  }
0x5f: {  	_ =	shalt  }
0x60: {  	_ =	shalt  }
0x61: {  	_ =	shalt  }
0x62: {  	_ =	shalt  }
0x63: {  	_ =	shalt  }
0x64: {  	_ =	shalt  }
0x65: {  	_ =	shalt  }
0x66: {  	_ =	shalt  }
0x67: {  	_ =	shalt  }
0x68: {  	_ =	shalt  }
0x69: {  	_ =	shalt  }
0x6a: {  	_ =	shalt  }
0x6b: {  	_ =	shalt  }
0x6c: {  	_ =	shalt  }
0x6d: {  	_ =	shalt  }
0x6e: {  	_ =	shalt  }
0x6f: {  	_ =	shalt  }
0x70: {  	_ =	shalt  }
0x71: {  	_ =	shalt  }
0x72: {  	_ =	shalt  }
0x73: {  	_ =	shalt  }
0x74: {  	_ =	shalt  }
0x75: {  	_ =	shalt  }
0x76: {  	_ =	shalt  }
0x77: {  	_ =	shalt  }
0x78: {  	_ =	shalt  }
0x79: {  	_ =	shalt  }
0x7a: {  	_ =	shalt  }
0x7b: {  	_ =	shalt  }
0x7c: {  	_ =	shalt  }
0x7d: {  	_ =	shalt  }
0x7e: {  	_ =	shalt  }
0x7f: {  	_ =	shalt  }
0x80: {  	_ =	shalt  }
0x81: {  	_ =	shalt  }
0x82: {  	_ =	shalt  }
0x83: {  	_ =	shalt  }
0x84: {  	_ =	shalt  }
0x85: {  	_ =	shalt  }
0x86: {  	_ =	shalt  }
0x87: {  	_ =	shalt  }
.Lfunc_end0:
.L_simem_size_0:
called_computation.1_lowered:
.L_overlay_start_0:
0x88: {  	s2 =	sld [smem:$0x3FD9]  }
0x89: {  	s3 =	sld [smem:$0x3FFE];
	_ =	sdelay $0x1  }
0x8a: {  	s1 =	srdreg.scid  }
0x8b: {  	s0 =	sand.u32 $0x1, s1  }
0x8c: {  	s17 =	sshll.u32 s0, $0xA;
	s2 =	sadd.s32 s3, s2  }
0x8d: {  	s2 =	sadd.s32 s2, s17  }
0x8e: {  	[smem:$0x3FC0] =	sst s2  }
0x8f: {  	_ = 	snop  }
0x90: {  	s2 =	sld [smem:$0x3FD0];
	(tm) =	ssettm $0x1  }
0x91: {  	s18 =	sld [smem:$0x3FFB];
	_ =	sdelay $0x3  }
0x92: {  	_ =	strace s18  }
0x93: {  	s3 =	sld [smem:$0x3FFC];
	_ =	sdelay $0x3  }
0x94: {  	_ =	strace s3  }
0x95: {  	s3 =	sld [smem:$0x3FFD];
	_ =	sdelay $0x3  }
0x96: {  	_ =	strace s3  }
0x97: {  	_ =	strace $0x8FFFFFFF  }
0x98: {  	s19 =	sld [smem:$0x3FDB];
	_ =	sdelay $0x1  }
0x99: {  	s4 =	simm.s32 $_scs_section_size  }
0x9a: {  	s5 =	simm.s32 $_size__tile_overlayer_lowered;
	s6 =	simm.s32 $_tile_overlayer_lowered  }
0x9b: {  	s22 =	simm.s32 $0x1BFF;
	s21 =	sshll.u32 s6, $0x1;
	s3 =	sadd.s32 s4, s19  }
0x9c: {  	s7 =	simm.s32 $0x0;
	s20 =	sshll.u32 s5, $0x1;
	s5 =	sadd.s32 s21, s3  }
0x9d: {  	[timem:s7], [sflag:s22] =	dma.local [hbm:s5], s20  }
0x9e: {  	_ =	swait.ge [sflag:s22], s20  }
0x9f: {  	s4 =	ssub.s32 $0x0, s20;
	[sflag:s22] =	ssyncset.done $0x0  }
0xa0: {  	[sflag:s22] =	ssyncadd.s32 s4;
	_ =	sdelay $0x1  }
0xa1: {  	s23 =	simm.s32 $0x1B8B  }
0xa2: {  	_ =	swait.ge [sflag:s23], $0x1  }
0xa3: {  	[sflag:s23] =	ssyncset.done $0x0  }
0xa4: {  	s25 =	simm.s32 $0x1B8E;
	s24 =	sld [smem:$0x3FFE];
	[sflag:s23] =	ssyncadd.s32 $0xFFFFFFFF  }
0xa5: {  	s26 =	simm.s32 $execute0_lowered;
	[smem:$0x3FD2] =	sst s25  }
0xa6: {  	s5 =	sshll.u32 s26, $0x1;
	_ =	strace $0x80000046;
	[dreg:$0x1] =	wrdreg $0xFFFFFFFF  }
0xa7: {  	s28 =	simm.s32 $_size_execute0_lowered;
	s3 =	sadd.s32 s3, s5;
	[dreg:$0x0] =	wrdreg $0x0  }
0xa8: {  	s5 =	sshll.u32 s28, $0x1;
	[dreg:$0x2] =	wrdreg s3  }
0xa9: {  	[dreg:$0x3] =	wrdreg s5  }
0xaa: {  	[dreg:$0x4] =	wrdreg $0xC0  }
0xab: {  	_ =	task [dreg:s7], $0x5FFFF  }
0xac: {  	[dreg:$0x1] =	wrdreg $0xFFFFFFFF  }
0xad: {  	[dreg:$0x0] =	wrdreg $0x60  }
0xae: {  	[dreg:$0x2] =	wrdreg s24  }
0xaf: {  	[dreg:$0x3] =	wrdreg s2  }
0xb0: {  	[dreg:$0x4] =	wrdreg $0x50000  }
0xb1: {  	[dreg:$0x5] =	wrdreg $0xA  }
0xb2: {  	_ =	task.clear_ibuf [dreg:s7], $0x6FFFF;
	_ =	strace $0x90000046  }
0xb3: {  	s29 =	simm.s32 $0xA;
	_ =	strace $0x80000048  }
0xb4: {  	_ =	swait.ge [sflag:s29], $0x1  }
0xb5: {  	[sflag:s29] =	ssyncadd.s32 $0xFFFFFFFF  }
0xb6: {  	_ =	strace $0x90000048  }
0xb7: {  	_ =	sfence  }
0xb8: {  	s30 =	sld [smem:$0x0];
	_ =	sdelay $0x2  }
0xb9: {  	s31 =	sshll.u32 s1, $0xD;
	s1 =	sshrl.u32 s1, $0x2  }
0xba: {  	s3 =	sand.u32 $0x4000, s31;
	s1 =	sadd.s32 s1, s30  }
0xbb: {  	s0 =	sor.u32 s3, s0;
	s1 =	sshll.u32 s1, $0x11  }
0xbc: {  	s0 =	sor.u32 s1, s0  }
0xbd: {  	s0 =	sadd.s32 $0x8F2B, s0  }
0xbe: {  	[sflag:s0] =	ssyncadd.remote.s32 $0x1  }
0xbf: {  	_ =	sfence.sel $0xFFFF  }
0xc0: {  	[dreg:$0x0] =	wrdreg $0xFFFFFFFF;
	(pc) =	sbr.abs _section_cstart, $3  }
0xc1: {  	[dreg:$0x1] =	wrdreg $0xFFFFFFFF  }
0xc2: {  	_ =	task.clear_ibuf [dreg:s7], $0x2FFFF;
	_ =	strace $0x9FFFFFFF  }
0xc3: {  	(tm) =	ssettm $0x7FFFFFFF  }
tec
execute0_lowered:
.L_overlay_start_1:
0x0: {  	(tag) =	ssettag $0x1  }
0x1: {  	s0 =	rddreg [dreg:$0x0]  }
0x2: {  	s1 =	rddreg [dreg:$0x1]  }
0x3: {  	s2 =	rddreg [dreg:$0x2]  }
0x4: {  	s4 =	srdreg.scid;
	s13 =	stileid.u32;
	s3 =	simm.s32 $0x0  }
0x5: {  	s14 =	simm.s32 $0x80;
	s15 =	simm.s32 $0x1000;
	s16 =	simm.s32 $0x1  }
0x6: {  	s17 =	simm.s32 $0xC00;
	s18 =	simm.s32 $0x480;
	s28 =	simm.s32 $0x600  }
0x7: {  	s29 =	simm.s32 $0xE00;
	s5 =	sand.u32 $0x1, s4;
	s4 =	smul.u32 $0x9, s13  }
0x8: {  	s30 =	simm.s32 $0x680;
	s31 =	simm.s32 $0xE80;
	s7 =	smul.u32 $0x14000, s13  }
0x9: {  	[smem:$0x7FF] =	sst s3;
	s6 =	sor.u32 $0x90, s13;
	s11 =	smul.u32 $0x50000, s13  }
0xa: {  	s22 =	sshll.u32 s13, $0x6;
	s13 =	simm.s32 $0x800;
	p0 =	seq.s32 s5, $0x0  }
0xb: {  	_ =	strace $0x80000047;
	s8 =	smul.u32 $0x140000, s5;
	s19 =	ssub.s32 $0x2, s5  }
0xc: {  	s24 =	sor.u32 $0x1C02, s22;
	s22 =	simm.s32 $0x580;
	s6 =	smov.u32 @p0 s4  }
0xd: {  	s4 =	sadd.s32 $0xC200, s0;
	s10 =	sshrl.u32 s7, $0x3;
	s12 =	sshrl.u32 s19, $0x1  }
0xe: {  	s21 =	sshrl.u32 s11, $0x2;
	p0 =	sne.s32 s5, $0x0;
	[dreg:$0x5] =	wrdreg s24  }
0xf: {  	s11 =	simm.s32 $0x400;
	s5 =	simm.s32 $0x780;
	s6 =	sshll.u32 s6, $0x8  }
0x10: {  	s7 =	sadd.s32 s7, s8;
	s10 =	sadd.s32 s10, s0;
	s20 =	ssub.s32 s19, s12  }
0x11: {  	s8 =	sadd.s32 s21, s2;
	s12 =	simm.s32 $0x2;
	s19 =	simm.s32 $0xC80  }
0x12: {  	s21 =	simm.s32 $0xD00;
	s9 =	sadd.s32 s6, s0;
	s7 =	sshrl.u32 s7, $0x3  }
0x13: {  	s10 =	sadd.s32 $0x34200, s10;
	s23 =	smax.u32 s20, $0x1;
	s26 =	sadd.s32 s6, s1  }
0x14: {  	s6 =	simm.s32 $0xB80;
	s20 =	simm.s32 $0x500;
	[dreg:$0x4] =	wrdreg s10  }
0x15: {  	s1 =	simm.s32 $0xF00;
	s0 =	sadd.s32 s7, s0;
	[dreg:$0x7] =	wrdreg s23  }
0x16: {  	s25 =	sadd.s32 $0x2200, s9;
	[dreg:$0x9] =	wrdreg s26;
	s9 =	simm.s32 $0xB00  }
0x17: {  	s10 =	simm.s32 $0x380;
	s0 =	sadd.s32 $0x5C200, s0;
	[dreg:$0x8] =	wrdreg s25  }
0x18: {  	s26 =	simm.s32 $0xD80;
	s25 =	sshrl.u32 s8, $0x3;
	[dreg:$0x6] =	wrdreg s0  }
0x19: {  	s7 =	simm.s32 $0xF80;
	s0 =	simm.s32 $0x0;
	[dreg:$0xa] =	wrdreg s25  }
.LBB2_1:
0x1a: {  	[dreg:$0xb] =	wrdreg s0  }
0x1b: {  	s23 =	rddreg [dreg:$0x4]  }
0x1c: {  	[spmem:s25], [sflag:s24] =	dma.local [hbm:s23], $0x2800  }
0x1d: {  	_ =	swait.ge [sflag:s12], $0x2800  }
0x1e: {  	[sflag:s12] =	ssyncset.done $0x0  }
0x1f: {  	[sflag:s12] =	ssyncadd.s32 $0xFFFFD800  }
0x20: {  	[bflag:$0x0] =	sbarrier.arrive $0xFFFF  }
0x21: {  	s23 =	rddreg [dreg:$0x9]  }
0x22: {  	s0 =	simm.s32 $0x700;
	s25 =	simm.s32 $0x0;
	s24 =	rddreg [dreg:$0x8]  }
.LBB2_2:
0x23: {  	[tilespmem:s3], [sflag:$0x2] =	stream.linear.gather [hbm4b:s23+s3], $0x800, $0x38;
	[tilespmem:$0x19000] =	vst v63  }
0x24: {  	_ =	swait.ge [sflag:s12], $0x800  }
0x25: {  	[sflag:s12] =	ssyncset.done $0x0  }
0x26: {  	[sflag:s12] =	ssyncadd.s32 $0xFFFFF800  }
0x27: {  	[tilespmem:s13], [sflag:$0x2] =	stream.linear.gather [hbm4b:s24+s3], $0x800, $0x38;
	[tilespmem:$0x19000] =	vst v63  }
0x28: {  	_ =	swait.ge [sflag:s12], $0x800  }
0x29: {  	[sflag:s12] =	ssyncset.done $0x0  }
0x2a: {  	[sflag:s12] =	ssyncadd.s32 $0xFFFFF800  }
0x2b: {  	[tilespmem:s15], [sflag:$0x1] =	stream.indirect.gather [hbm4b:s4+s14], $0x80, s3, s14, $0xb8;
	[tilespmem:$0x19000] =	vst v63  }
0x2c: {  	_ =	swait.ge [sflag:s16], $0x4000  }
0x2d: {  	[sflag:s16] =	ssyncset.done $0x0  }
0x2e: {  	[sflag:s16] =	ssyncadd.s32 $0xFFFFC000  }
0x2f: {  	[spmem:s2] =	stream.indirect.scatter.add.f32 [tilespmem:s15], [sflag:$0x2], $0x80, s13, s14, $0xb8;
	[tilespmem:$0x19000] =	vst v63  }
0x30: {  	_ =	swait.ge [sflag:s12], $0x4000  }
0x31: {  	[sflag:s12] =	ssyncset.done $0x0  }
0x32: {  	[sflag:s12] =	ssyncadd.s32 $0xFFFFC000  }
0x33: {  	[tilespmem:s15], [sflag:$0x1] =	stream.indirect.gather [hbm4b:s4+s14], $0x80, s14, s14, $0xb8;
	[tilespmem:$0x19000] =	vst v63  }
0x34: {  	_ =	swait.ge [sflag:s16], $0x4000  }
0x35: {  	[sflag:s16] =	ssyncset.done $0x0  }
0x36: {  	s8 =	simm.s32 $0x880;
	[sflag:s16] =	ssyncadd.s32 $0xFFFFC000  }
0x37: {  	[spmem:s2] =	stream.indirect.scatter.add.f32 [tilespmem:s15], [sflag:$0x2], $0x80, s8, s14, $0xb8;
	[tilespmem:$0x19000] =	vst v63  }
0x38: {  	_ =	swait.ge [sflag:s12], $0x4000  }
0x39: {  	[sflag:s12] =	ssyncset.done $0x0  }
0x3a: {  	s8 =	simm.s32 $0x100;
	[sflag:s12] =	ssyncadd.s32 $0xFFFFC000  }
0x3b: {  	[tilespmem:s15], [sflag:$0x1] =	stream.indirect.gather [hbm4b:s4+s14], $0x80, s8, s14, $0xb8;
	[tilespmem:$0x19000] =	vst v63  }
0x3c: {  	_ =	swait.ge [sflag:s16], $0x4000  }
0x3d: {  	[sflag:s16] =	ssyncset.done $0x0  }
0x3e: {  	s8 =	simm.s32 $0x900;
	[sflag:s16] =	ssyncadd.s32 $0xFFFFC000  }
0x3f: {  	[spmem:s2] =	stream.indirect.scatter.add.f32 [tilespmem:s15], [sflag:$0x2], $0x80, s8, s14, $0xb8;
	[tilespmem:$0x19000] =	vst v63  }
0x40: {  	_ =	swait.ge [sflag:s12], $0x4000  }
0x41: {  	[sflag:s12] =	ssyncset.done $0x0  }
0x42: {  	s8 =	simm.s32 $0x180;
	[sflag:s12] =	ssyncadd.s32 $0xFFFFC000  }
0x43: {  	[tilespmem:s15], [sflag:$0x1] =	stream.indirect.gather [hbm4b:s4+s14], $0x80, s8, s14, $0xb8;
	[tilespmem:$0x19000] =	vst v63  }
0x44: {  	_ =	swait.ge [sflag:s16], $0x4000  }
0x45: {  	[sflag:s16] =	ssyncset.done $0x0  }
0x46: {  	s8 =	simm.s32 $0x980;
	[sflag:s16] =	ssyncadd.s32 $0xFFFFC000  }
0x47: {  	[spmem:s2] =	stream.indirect.scatter.add.f32 [tilespmem:s15], [sflag:$0x2], $0x80, s8, s14, $0xb8;
	[tilespmem:$0x19000] =	vst v63  }
0x48: {  	_ =	swait.ge [sflag:s12], $0x4000  }
0x49: {  	[sflag:s12] =	ssyncset.done $0x0  }
0x4a: {  	s8 =	simm.s32 $0x200;
	[sflag:s12] =	ssyncadd.s32 $0xFFFFC000  }
0x4b: {  	[tilespmem:s15], [sflag:$0x1] =	stream.indirect.gather [hbm4b:s4+s14], $0x80, s8, s14, $0xb8;
	[tilespmem:$0x19000] =	vst v63  }
0x4c: {  	_ =	swait.ge [sflag:s16], $0x4000  }
0x4d: {  	[sflag:s16] =	ssyncset.done $0x0  }
0x4e: {  	s8 =	simm.s32 $0xA00;
	[sflag:s16] =	ssyncadd.s32 $0xFFFFC000  }
0x4f: {  	[spmem:s2] =	stream.indirect.scatter.add.f32 [tilespmem:s15], [sflag:$0x2], $0x80, s8, s14, $0xb8;
	[tilespmem:$0x19000] =	vst v63  }
0x50: {  	_ =	swait.ge [sflag:s12], $0x4000  }
0x51: {  	[sflag:s12] =	ssyncset.done $0x0  }
0x52: {  	s8 =	simm.s32 $0x280;
	[sflag:s12] =	ssyncadd.s32 $0xFFFFC000  }
0x53: {  	[tilespmem:s15], [sflag:$0x1] =	stream.indirect.gather [hbm4b:s4+s14], $0x80, s8, s14, $0xb8;
	[tilespmem:$0x19000] =	vst v63  }
0x54: {  	_ =	swait.ge [sflag:s16], $0x4000  }
0x55: {  	[sflag:s16] =	ssyncset.done $0x0  }
0x56: {  	s8 =	simm.s32 $0xA80;
	[sflag:s16] =	ssyncadd.s32 $0xFFFFC000  }
0x57: {  	[spmem:s2] =	stream.indirect.scatter.add.f32 [tilespmem:s15], [sflag:$0x2], $0x80, s8, s14, $0xb8;
	[tilespmem:$0x19000] =	vst v63  }
0x58: {  	_ =	swait.ge [sflag:s12], $0x4000  }
0x59: {  	[sflag:s12] =	ssyncset.done $0x0  }
0x5a: {  	s8 =	simm.s32 $0x300;
	[sflag:s12] =	ssyncadd.s32 $0xFFFFC000  }
0x5b: {  	[tilespmem:s15], [sflag:$0x1] =	stream.indirect.gather [hbm4b:s4+s14], $0x80, s8, s14, $0xb8;
	[tilespmem:$0x19000] =	vst v63  }
0x5c: {  	_ =	swait.ge [sflag:s16], $0x4000  }
0x5d: {  	[sflag:s16] =	ssyncset.done $0x0  }
0x5e: {  	[sflag:s16] =	ssyncadd.s32 $0xFFFFC000  }
0x5f: {  	[spmem:s2] =	stream.indirect.scatter.add.f32 [tilespmem:s15], [sflag:$0x2], $0x80, s9, s14, $0xb8;
	[tilespmem:$0x19000] =	vst v63  }
0x60: {  	_ =	swait.ge [sflag:s12], $0x4000  }
0x61: {  	[sflag:s12] =	ssyncset.done $0x0  }
0x62: {  	[sflag:s12] =	ssyncadd.s32 $0xFFFFC000  }
0x63: {  	[tilespmem:s15], [sflag:$0x1] =	stream.indirect.gather [hbm4b:s4+s14], $0x80, s10, s14, $0xb8;
	[tilespmem:$0x19000] =	vst v63  }
0x64: {  	_ =	swait.ge [sflag:s16], $0x4000  }
0x65: {  	[sflag:s16] =	ssyncset.done $0x0  }
0x66: {  	[sflag:s16] =	ssyncadd.s32 $0xFFFFC000  }
0x67: {  	[spmem:s2] =	stream.indirect.scatter.add.f32 [tilespmem:s15], [sflag:$0x2], $0x80, s6, s14, $0xb8;
	[tilespmem:$0x19000] =	vst v63  }
0x68: {  	_ =	swait.ge [sflag:s12], $0x4000  }
0x69: {  	[sflag:s12] =	ssyncset.done $0x0  }
0x6a: {  	[sflag:s12] =	ssyncadd.s32 $0xFFFFC000  }
0x6b: {  	[tilespmem:s15], [sflag:$0x1] =	stream.indirect.gather [hbm4b:s4+s14], $0x80, s11, s14, $0xb8;
	[tilespmem:$0x19000] =	vst v63  }
0x6c: {  	_ =	swait.ge [sflag:s16], $0x4000  }
0x6d: {  	[sflag:s16] =	ssyncset.done $0x0  }
0x6e: {  	[sflag:s16] =	ssyncadd.s32 $0xFFFFC000  }
0x6f: {  	[spmem:s2] =	stream.indirect.scatter.add.f32 [tilespmem:s15], [sflag:$0x2], $0x80, s17, s14, $0xb8;
	[tilespmem:$0x19000] =	vst v63  }
0x70: {  	_ =	swait.ge [sflag:s12], $0x4000  }
0x71: {  	[sflag:s12] =	ssyncset.done $0x0  }
0x72: {  	[sflag:s12] =	ssyncadd.s32 $0xFFFFC000  }
0x73: {  	[tilespmem:s15], [sflag:$0x1] =	stream.indirect.gather [hbm4b:s4+s14], $0x80, s18, s14, $0xb8;
	[tilespmem:$0x19000] =	vst v63  }
0x74: {  	_ =	swait.ge [sflag:s16], $0x4000  }
0x75: {  	[sflag:s16] =	ssyncset.done $0x0  }
0x76: {  	[sflag:s16] =	ssyncadd.s32 $0xFFFFC000  }
0x77: {  	[spmem:s2] =	stream.indirect.scatter.add.f32 [tilespmem:s15], [sflag:$0x2], $0x80, s19, s14, $0xb8;
	[tilespmem:$0x19000] =	vst v63  }
0x78: {  	_ =	swait.ge [sflag:s12], $0x4000  }
0x79: {  	[sflag:s12] =	ssyncset.done $0x0  }
0x7a: {  	[sflag:s12] =	ssyncadd.s32 $0xFFFFC000  }
0x7b: {  	[tilespmem:s15], [sflag:$0x1] =	stream.indirect.gather [hbm4b:s4+s14], $0x80, s20, s14, $0xb8;
	[tilespmem:$0x19000] =	vst v63  }
0x7c: {  	_ =	swait.ge [sflag:s16], $0x4000  }
0x7d: {  	[sflag:s16] =	ssyncset.done $0x0  }
0x7e: {  	[sflag:s16] =	ssyncadd.s32 $0xFFFFC000  }
0x7f: {  	[spmem:s2] =	stream.indirect.scatter.add.f32 [tilespmem:s15], [sflag:$0x2], $0x80, s21, s14, $0xb8;
	[tilespmem:$0x19000] =	vst v63  }
0x80: {  	_ =	swait.ge [sflag:s12], $0x4000  }
0x81: {  	[sflag:s12] =	ssyncset.done $0x0  }
0x82: {  	[sflag:s12] =	ssyncadd.s32 $0xFFFFC000  }
0x83: {  	[tilespmem:s15], [sflag:$0x1] =	stream.indirect.gather [hbm4b:s4+s14], $0x80, s22, s14, $0xb8;
	[tilespmem:$0x19000] =	vst v63  }
0x84: {  	_ =	swait.ge [sflag:s16], $0x4000  }
0x85: {  	[sflag:s16] =	ssyncset.done $0x0  }
0x86: {  	[sflag:s16] =	ssyncadd.s32 $0xFFFFC000  }
0x87: {  	[spmem:s2] =	stream.indirect.scatter.add.f32 [tilespmem:s15], [sflag:$0x2], $0x80, s26, s14, $0xb8;
	[tilespmem:$0x19000] =	vst v63  }
0x88: {  	_ =	swait.ge [sflag:s12], $0x4000  }
0x89: {  	[sflag:s12] =	ssyncset.done $0x0  }
0x8a: {  	[sflag:s12] =	ssyncadd.s32 $0xFFFFC000  }
0x8b: {  	[tilespmem:s15], [sflag:$0x1] =	stream.indirect.gather [hbm4b:s4+s14], $0x80, s28, s14, $0xb8;
	[tilespmem:$0x19000] =	vst v63  }
0x8c: {  	_ =	swait.ge [sflag:s16], $0x4000  }
0x8d: {  	[sflag:s16] =	ssyncset.done $0x0  }
0x8e: {  	[sflag:s16] =	ssyncadd.s32 $0xFFFFC000  }
0x8f: {  	[spmem:s2] =	stream.indirect.scatter.add.f32 [tilespmem:s15], [sflag:$0x2], $0x80, s29, s14, $0xb8;
	[tilespmem:$0x19000] =	vst v63  }
0x90: {  	_ =	swait.ge [sflag:s12], $0x4000  }
0x91: {  	[sflag:s12] =	ssyncset.done $0x0  }
0x92: {  	[sflag:s12] =	ssyncadd.s32 $0xFFFFC000  }
0x93: {  	[tilespmem:s15], [sflag:$0x1] =	stream.indirect.gather [hbm4b:s4+s14], $0x80, s30, s14, $0xb8;
	[tilespmem:$0x19000] =	vst v63  }
0x94: {  	_ =	swait.ge [sflag:s16], $0x4000  }
0x95: {  	[sflag:s16] =	ssyncset.done $0x0  }
0x96: {  	[sflag:s16] =	ssyncadd.s32 $0xFFFFC000  }
0x97: {  	[spmem:s2] =	stream.indirect.scatter.add.f32 [tilespmem:s15], [sflag:$0x2], $0x80, s31, s14, $0xb8;
	[tilespmem:$0x19000] =	vst v63  }
0x98: {  	_ =	swait.ge [sflag:s12], $0x4000  }
0x99: {  	[sflag:s12] =	ssyncset.done $0x0  }
0x9a: {  	[sflag:s12] =	ssyncadd.s32 $0xFFFFC000  }
0x9b: {  	[tilespmem:s15], [sflag:$0x1] =	stream.indirect.gather [hbm4b:s4+s14], $0x80, s0, s14, $0xb8;
	[tilespmem:$0x19000] =	vst v63  }
0x9c: {  	_ =	swait.ge [sflag:s16], $0x4000  }
0x9d: {  	[sflag:s16] =	ssyncset.done $0x0  }
0x9e: {  	[sflag:s16] =	ssyncadd.s32 $0xFFFFC000  }
0x9f: {  	[spmem:s2] =	stream.indirect.scatter.add.f32 [tilespmem:s15], [sflag:$0x2], $0x80, s1, s14, $0xb8;
	[tilespmem:$0x19000] =	vst v63  }
0xa0: {  	_ =	swait.ge [sflag:s12], $0x4000  }
0xa1: {  	[sflag:s12] =	ssyncset.done $0x0  }
0xa2: {  	[sflag:s12] =	ssyncadd.s32 $0xFFFFC000  }
0xa3: {  	[tilespmem:s15], [sflag:$0x1] =	stream.indirect.gather [hbm4b:s4+s14], $0x80, s5, s14, $0xb8;
	[tilespmem:$0x19000] =	vst v63  }
0xa4: {  	p1 =	slt.u32 @!p0 s25, $0x8;
	_ =	swait.ge [sflag:s16], $0x4000  }
0xa5: {  	p1 =	por p0, !p1;
	[sflag:s16] =	ssyncset.done $0x0  }
.Ltmp0:
0xa6: {  	[sflag:s16] =	ssyncadd.s32 $0xFFFFC000;
	(pc) =	sbr.rel @!p1 .LBB2_2-.Ltmp0, $4  }
0xa7: {  	[spmem:s2] =	stream.indirect.scatter.add.f32 [tilespmem:s15], [sflag:$0x2], $0x80, s7, s14, $0xb8;
	[tilespmem:$0x19000] =	vst v63  }
0xa8: {  	_ =	swait.ge [sflag:s12], $0x4000  }
0xa9: {  	s25 =	sadd.s32 $0x1, s25;
	[sflag:s12] =	ssyncset.done $0x0  }
0xaa: {  	s23 =	sadd.s32 $0x100, s23;
	s24 =	sadd.s32 $0x100, s24;
	[sflag:s12] =	ssyncadd.s32 $0xFFFFC000  }
0xab: {  	[bflag:$0x0] =	sbarrier.arrive $0xFFFF  }
0xac: {  	s24 =	rddreg [dreg:$0x5]  }
0xad: {  	s23 =	rddreg [dreg:$0x6]  }
0xae: {  	s25 =	rddreg [dreg:$0xa]  }
0xaf: {  	[hbm:s23], [sflag:s24] =	dma.local [spmem:s25], $0x2800  }
0xb0: {  	_ =	swait.ge [sflag:s12], $0x2800  }
0xb1: {  	s0 =	rddreg [dreg:$0xb]  }
0xb2: {  	s8 =	rddreg [dreg:$0x7];
	s0 =	sadd.s32 $0x1, s0  }
0xb3: {  	p1 =	sne.s32 s0, s8  }
.Ltmp1:
0xb4: {  	_ = 	snop;
	(pc) =	sbr.rel @p1 .LBB2_1-.Ltmp1, $3  }
0xb5: {  	_ =	sdelay $0x1  }
0xb6: {  	[sflag:s12] =	ssyncset.done $0x0  }
0xb7: {  	[sflag:s12] =	ssyncadd.s32 $0xFFFFD800  }
0xb8: {  	_ =	sfence.sel $0x180000  }
0xb9: {  	[bflag:$0x0] =	sbarrier.arrive $0xFFFF  }
0xba: {  	_ =	strace $0x90000047  }
0xbb: {  	s0 =	stileid.u32;
	[bflag:$0x2] =	sbarrier.arrive $0xFFFF  }
0xbc: {  	p0 =	sne.s32 s0, $0x0;
	s0 =	rddreg [dreg:$0x3]  }
0xbd: {  	s0 =	sadd.s32 @!p0 $0x100000, s0  }
0xbe: {  	[sflag:s0] =	ssyncadd.tile.s32 @!p0 $0x1;
	_ =	shalt  }
.Lfunc_end2:
_tile_overlayer_lowered:
.L_overlay_start_2:
0xbf: {  	(tag) =	ssettag $0x2  }
0xc0: {  	s0 =	rddreg [dreg:$0x0];
	s2 =	stileid.u32  }
0xc1: {  	s1 =	rddreg [dreg:$0x1];
	p0 =	sne.s32 s2, $0x0  }
0xc2: {  	s3 =	rddreg [dreg:$0x2];
	[bflag:$0x3] =	sbarrier.arrive $0xFFFF;
	s2 =	simm.s32 @!p0 $0x1C02  }
0xc3: {  	[timem:s3], [sflag:s2] =	dma.local @!p0 [hbm:s0], s1  }
0xc4: {  	s0 =	simm.s32 @!p0 $0x2  }
0xc5: {  	_ =	swait.ge @!p0 [sflag:s0], s1  }
0xc6: {  	s1 =	ssub.s32 @!p0 $0x0, s1;
	[sflag:s0] =	ssyncset.done @!p0 $0x0  }
0xc7: {  	[sflag:s0] =	ssyncadd.s32 @!p0 s1  }
0xc8: {  	[bflag:$0x3] =	sbarrier.arrive $0xFFFF  }
0xc9: {  	_ =	shalt  }

// kernel: kernel.13.cloned.1.call-start
scs
__scs_entry_jumppad:
0x0: {  	(pc) =	sbr.rel $0x88, $3  }
0x1: {  	(tag) =	ssettag $0x0;
	lr =	simm.s32 $0x1  }
0x2: {  	[smem:$0x3F99] =	sst lr;
	_ =	strace $0xD0000000  }
0x3: {  	_ = 	snop  }
0x4: {  	_ = 	snop  }
0x5: {  	_ = 	snop  }
0x6: {  	_ = 	snop  }
0x7: {  	_ = 	snop  }
__scs_overlays_trampoline_lowered:
0x8: {  	[smem:$0x3FA8] =	sst s0  }
0x9: {  	[smem:$0x3FA9] =	sst s1  }
0xa: {  	[smem:$0x3FAA] =	sst s2  }
0xb: {  	[smem:$0x3FAB] =	sst s3  }
0xc: {  	[smem:$0x3FAC] =	sst s4  }
0xd: {  	[smem:$0x3FAD] =	sst s5  }
0xe: {  	[smem:$0x3FAE] =	sst s6  }
0xf: {  	[smem:$0x3FAF] =	sst s7  }
0x10: {  	[smem:$0x3FB0] =	sst s8  }
0x11: {  	[smem:$0x3FB1] =	sst s9;
	s0 =	simm.s32 @!p0 $0x0  }
0x12: {  	s1 =	sld [smem:$0x3F97];
	s0 =	simm.s32 @p0 $0x1  }
0x13: {  	[smem:$0x3FB2] =	sst s0;
	s0 =	simm.s32 @!p1 $0x0  }
0x14: {  	s2 =	sld [smem:$0x3F96];
	s0 =	simm.s32 @p1 $0x1  }
0x15: {  	[smem:$0x3FB3] =	sst s0;
	s0 =	simm.s32 @!p2 $0x0  }
0x16: {  	s3 =	sld [smem:$0x3FDB];
	s0 =	simm.s32 @p2 $0x1  }
0x17: {  	s4 =	simm.s32 $0x1BF5;
	[smem:$0x3FB5] =	sst s0  }
0x18: {  	s0 =	sld [smem:$0x3F98];
	_ =	swait.ge [sflag:s4], $0x0  }
0x19: {  	s7 =	sld [smem:$0x3F99]  }
0x1a: {  	s8 =	sadd.s32 $0xFFFFE003, lr  }
0x1b: {  	s9 =	sadd.s32 $0xFFFFFEF7, lr;
	s5 =	simm.s32 $0xFFFFFFFF;
	p2 =	slt.u32 s8, $0xFFFFF086  }
0x1c: {  	p1 =	slt.u32 s9, $0xF7A;
	s5 =	simm.s32 @!p2 $0x0  }
0x1d: {  	s5 =	simm.s32 @p1 $0x1;
	p0 =	seq.s32 s7, s2  }
0x1e: {  	s7 =	smul.u32 @!p0 $0xF7A, s2;
	p2 =	seq.s32 @!p0 s5, $0x0  }
0x1f: {  	s9 =	smul.u32 $0xF7A, s1;
	s8 =	simm.s32 @!p0 $0x1BF5;
	p2 =	por !p2, p0  }
0x20: {  	[sflag:s8] =	ssyncset.s32 @!p0 $0xFFFFF086;
	s6 =	sadd.s32 @!p0 s3, s7;
	s7 =	simm.s32 @!p0 $0x108  }
0x21: {  	s3 =	sadd.s32 s3, s9;
	s6 =	sadd.s32 @!p0 $0x88, s6;
	s7 =	simm.s32 @p2 $0x1082  }
0x22: {  	[simem:s7], [sflag:s8] =	dma.local @!p0 [hbm:s6], $0xF7A  }
0x23: {  	s9 =	sor.u32 $0xD0000000, s2;
	s6 =	simm.s32 $0x108;
	_ =	swait.ge @!p0 [sflag:s8], $0x0  }
0x24: {  	s3 =	sadd.s32 $0x88, s3;
	s6 =	simm.s32 @!p1 $0x1082;
	[sflag:s4] =	ssyncset.s32 $0xFFFFF086  }
0x25: {  	[simem:s6], [sflag:s4] =	dma.local [hbm:s3], $0xF7A  }
0x26: {  	[smem:$0x3F99] =	sst s1;
	(tag) =	ssettag s2;
	_ =	strace s9  }
0x27: {  	s1 =	sld [smem:$0x3FA9]  }
0x28: {  	s2 =	sld [smem:$0x3FAA]  }
0x29: {  	s4 =	sld [smem:$0x3FAC]  }
0x2a: {  	p0 =	seq.s32 s5, $0x0;
	s5 =	sld [smem:$0x3FAD]  }
0x2b: {  	s6 =	sld [smem:$0x3FAE]  }
0x2c: {  	s7 =	sld [smem:$0x3FAF]  }
0x2d: {  	s3 =	simm.s32 $0x108;
	s8 =	sld [smem:$0x3FB0]  }
0x2e: {  	s3 =	simm.s32 @!p0 $0x1082;
	s9 =	sld [smem:$0x3FB1]  }
0x2f: {  	lr =	sadd.s32 s0, s3;
	s0 =	sld [smem:$0x3FA8]  }
0x30: {  	s3 =	sld [smem:$0x3FAB]  }
0x31: {  	[smem:$0x3FB4] =	sst s10  }
0x32: {  	s10 =	sld [smem:$0x3FB2];
	_ =	sdelay $0x3  }
0x33: {  	p0 =	seq.s32 s10, $0x1;
	s10 =	sld [smem:$0x3FB4];
	_ =	sdelay $0x3  }
0x34: {  	[smem:$0x3FB4] =	sst s10  }
0x35: {  	s10 =	sld [smem:$0x3FB3];
	_ =	sdelay $0x3  }
0x36: {  	p1 =	seq.s32 s10, $0x1;
	s10 =	sld [smem:$0x3FB4];
	_ =	sdelay $0x3  }
0x37: {  	[smem:$0x3FB4] =	sst s10  }
0x38: {  	s10 =	sld [smem:$0x3FB5]  }
0x39: {  	_ = 	snop;
	(pc) =	sbr.ind lr, $3  }
0x3a: {  	_ = 	snop  }
0x3b: {  	_ = 	snop  }
0x3c: {  	p2 =	seq.s32 s10, $0x1;
	s10 =	sld [smem:$0x3FB4]  }
0x3d: {  	_ =	shalt  }
0x3e: {  	_ =	shalt  }
0x3f: {  	_ =	shalt  }
0x40: {  	_ =	shalt  }
0x41: {  	_ =	shalt  }
0x42: {  	_ =	shalt  }
0x43: {  	_ =	shalt  }
0x44: {  	_ =	shalt  }
0x45: {  	_ =	shalt  }
0x46: {  	_ =	shalt  }
0x47: {  	_ =	shalt  }
0x48: {  	_ =	shalt  }
0x49: {  	_ =	shalt  }
0x4a: {  	_ =	shalt  }
0x4b: {  	_ =	shalt  }
0x4c: {  	_ =	shalt  }
0x4d: {  	_ =	shalt  }
0x4e: {  	_ =	shalt  }
0x4f: {  	_ =	shalt  }
0x50: {  	_ =	shalt  }
0x51: {  	_ =	shalt  }
0x52: {  	_ =	shalt  }
0x53: {  	_ =	shalt  }
0x54: {  	_ =	shalt  }
0x55: {  	_ =	shalt  }
0x56: {  	_ =	shalt  }
0x57: {  	_ =	shalt  }
0x58: {  	_ =	shalt  }
0x59: {  	_ =	shalt  }
0x5a: {  	_ =	shalt  }
0x5b: {  	_ =	shalt  }
0x5c: {  	_ =	shalt  }
0x5d: {  	_ =	shalt  }
0x5e: {  	_ =	shalt  }
0x5f: {  	_ =	shalt  }
0x60: {  	_ =	shalt  }
0x61: {  	_ =	shalt  }
0x62: {  	_ =	shalt  }
0x63: {  	_ =	shalt  }
0x64: {  	_ =	shalt  }
0x65: {  	_ =	shalt  }
0x66: {  	_ =	shalt  }
0x67: {  	_ =	shalt  }
0x68: {  	_ =	shalt  }
0x69: {  	_ =	shalt  }
0x6a: {  	_ =	shalt  }
0x6b: {  	_ =	shalt  }
0x6c: {  	_ =	shalt  }
0x6d: {  	_ =	shalt  }
0x6e: {  	_ =	shalt  }
0x6f: {  	_ =	shalt  }
0x70: {  	_ =	shalt  }
0x71: {  	_ =	shalt  }
0x72: {  	_ =	shalt  }
0x73: {  	_ =	shalt  }
0x74: {  	_ =	shalt  }
0x75: {  	_ =	shalt  }
0x76: {  	_ =	shalt  }
0x77: {  	_ =	shalt  }
0x78: {  	_ =	shalt  }
0x79: {  	_ =	shalt  }
0x7a: {  	_ =	shalt  }
0x7b: {  	_ =	shalt  }
0x7c: {  	_ =	shalt  }
0x7d: {  	_ =	shalt  }
0x7e: {  	_ =	shalt  }
0x7f: {  	_ =	shalt  }
0x80: {  	_ =	shalt  }
0x81: {  	_ =	shalt  }
0x82: {  	_ =	shalt  }
0x83: {  	_ =	shalt  }
0x84: {  	_ =	shalt  }
0x85: {  	_ =	shalt  }
0x86: {  	_ =	shalt  }
0x87: {  	_ =	shalt  }
.Lfunc_end0:
.L_simem_size_0:
called_computation.2_lowered:
.L_overlay_start_0:
0x88: {  	s2 =	sld [smem:$0x3FD9]  }
0x89: {  	s3 =	sld [smem:$0x3FFE];
	_ =	sdelay $0x1  }
0x8a: {  	s1 =	srdreg.scid  }
0x8b: {  	s0 =	sand.u32 $0x1, s1  }
0x8c: {  	s17 =	sshll.u32 s0, $0xA;
	s2 =	sadd.s32 s3, s2  }
0x8d: {  	s2 =	sadd.s32 s2, s17  }
0x8e: {  	[smem:$0x3FC0] =	sst s2  }
0x8f: {  	_ = 	snop  }
0x90: {  	s2 =	sld [smem:$0x3FD0];
	(tm) =	ssettm $0x1  }
0x91: {  	s18 =	sld [smem:$0x3FFB];
	_ =	sdelay $0x3  }
0x92: {  	_ =	strace s18  }
0x93: {  	s3 =	sld [smem:$0x3FFC];
	_ =	sdelay $0x3  }
0x94: {  	_ =	strace s3  }
0x95: {  	s3 =	sld [smem:$0x3FFD];
	_ =	sdelay $0x3  }
0x96: {  	_ =	strace s3  }
0x97: {  	_ =	strace $0x8FFFFFFF  }
0x98: {  	s19 =	sld [smem:$0x3FDB];
	_ =	sdelay $0x1  }
0x99: {  	s4 =	simm.s32 $_scs_section_size  }
0x9a: {  	s5 =	simm.s32 $_size__tile_overlayer_lowered;
	s6 =	simm.s32 $_tile_overlayer_lowered  }
0x9b: {  	s22 =	simm.s32 $0x1BFF;
	s21 =	sshll.u32 s6, $0x1;
	s3 =	sadd.s32 s4, s19  }
0x9c: {  	s7 =	simm.s32 $0x0;
	s20 =	sshll.u32 s5, $0x1;
	s5 =	sadd.s32 s21, s3  }
0x9d: {  	[timem:s7], [sflag:s22] =	dma.local [hbm:s5], s20  }
0x9e: {  	_ =	swait.ge [sflag:s22], s20  }
0x9f: {  	s4 =	ssub.s32 $0x0, s20;
	[sflag:s22] =	ssyncset.done $0x0  }
0xa0: {  	[sflag:s22] =	ssyncadd.s32 s4;
	_ =	sdelay $0x1  }
0xa1: {  	s23 =	simm.s32 $0x1B8B  }
0xa2: {  	_ =	swait.ge [sflag:s23], $0x1  }
0xa3: {  	[sflag:s23] =	ssyncset.done $0x0  }
0xa4: {  	s25 =	simm.s32 $0x1B8E;
	s24 =	sld [smem:$0x3FFE];
	[sflag:s23] =	ssyncadd.s32 $0xFFFFFFFF  }
0xa5: {  	s26 =	simm.s32 $execute0_lowered;
	[smem:$0x3FD2] =	sst s25  }
0xa6: {  	s5 =	sshll.u32 s26, $0x1;
	_ =	strace $0x8000004C;
	[dreg:$0x1] =	wrdreg $0xFFFFFFFF  }
0xa7: {  	s28 =	simm.s32 $_size_execute0_lowered;
	s3 =	sadd.s32 s3, s5;
	[dreg:$0x0] =	wrdreg $0x0  }
0xa8: {  	s5 =	sshll.u32 s28, $0x1;
	[dreg:$0x2] =	wrdreg s3  }
0xa9: {  	[dreg:$0x3] =	wrdreg s5  }
0xaa: {  	[dreg:$0x4] =	wrdreg $0xC0  }
0xab: {  	_ =	task [dreg:s7], $0x5FFFF  }
0xac: {  	[dreg:$0x1] =	wrdreg $0xFFFFFFFF  }
0xad: {  	[dreg:$0x0] =	wrdreg $0x60  }
0xae: {  	[dreg:$0x2] =	wrdreg s24  }
0xaf: {  	[dreg:$0x3] =	wrdreg s2  }
0xb0: {  	[dreg:$0x4] =	wrdreg $0x50000  }
0xb1: {  	[dreg:$0x5] =	wrdreg $0x9  }
0xb2: {  	_ =	task.clear_ibuf [dreg:s7], $0x6FFFF;
	_ =	strace $0x9000004C  }
0xb3: {  	s29 =	simm.s32 $0x9;
	_ =	strace $0x8000004E  }
0xb4: {  	_ =	swait.ge [sflag:s29], $0x1  }
0xb5: {  	[sflag:s29] =	ssyncadd.s32 $0xFFFFFFFF  }
0xb6: {  	_ =	strace $0x9000004E  }
0xb7: {  	_ =	sfence  }
0xb8: {  	s30 =	sld [smem:$0x0];
	_ =	sdelay $0x2  }
0xb9: {  	s31 =	sshll.u32 s1, $0xD;
	s1 =	sshrl.u32 s1, $0x2  }
0xba: {  	s3 =	sand.u32 $0x4000, s31;
	s1 =	sadd.s32 s1, s30  }
0xbb: {  	s0 =	sor.u32 s3, s0;
	s1 =	sshll.u32 s1, $0x11  }
0xbc: {  	s0 =	sor.u32 s1, s0  }
0xbd: {  	s0 =	sadd.s32 $0x8F2B, s0  }
0xbe: {  	[sflag:s0] =	ssyncadd.remote.s32 $0x1  }
0xbf: {  	_ =	sfence.sel $0xFFFF  }
0xc0: {  	[dreg:$0x0] =	wrdreg $0xFFFFFFFF;
	(pc) =	sbr.abs _section_cstart, $3  }
0xc1: {  	[dreg:$0x1] =	wrdreg $0xFFFFFFFF  }
0xc2: {  	_ =	task.clear_ibuf [dreg:s7], $0x2FFFF;
	_ =	strace $0x9FFFFFFF  }
0xc3: {  	(tm) =	ssettm $0x7FFFFFFF  }
tec
execute0_lowered:
.L_overlay_start_1:
0x0: {  	(tag) =	ssettag $0x1  }
0x1: {  	s0 =	rddreg [dreg:$0x0]  }
0x2: {  	s1 =	rddreg [dreg:$0x1]  }
0x3: {  	s2 =	rddreg [dreg:$0x2]  }
0x4: {  	s4 =	srdreg.scid;
	s13 =	stileid.u32;
	s3 =	simm.s32 $0x0  }
0x5: {  	s14 =	simm.s32 $0x80;
	s15 =	simm.s32 $0x1000;
	s16 =	simm.s32 $0x1  }
0x6: {  	s17 =	simm.s32 $0xC00;
	s18 =	simm.s32 $0x480;
	s28 =	simm.s32 $0x600  }
0x7: {  	s29 =	simm.s32 $0xE00;
	s5 =	sand.u32 $0x1, s4;
	s4 =	smul.u32 $0x9, s13  }
0x8: {  	s30 =	simm.s32 $0x680;
	s31 =	simm.s32 $0xE80;
	s7 =	smul.u32 $0x14000, s13  }
0x9: {  	[smem:$0x7FF] =	sst s3;
	s6 =	sor.u32 $0x90, s13;
	s11 =	smul.u32 $0x50000, s13  }
0xa: {  	s22 =	sshll.u32 s13, $0x6;
	s13 =	simm.s32 $0x800;
	p0 =	seq.s32 s5, $0x0  }
0xb: {  	_ =	strace $0x8000004D;
	s8 =	smul.u32 $0x140000, s5;
	s19 =	ssub.s32 $0x2, s5  }
0xc: {  	s24 =	sor.u32 $0x1C02, s22;
	s22 =	simm.s32 $0x580;
	s6 =	smov.u32 @p0 s4  }
0xd: {  	s4 =	sadd.s32 $0xC200, s0;
	s10 =	sshrl.u32 s7, $0x3;
	s12 =	sshrl.u32 s19, $0x1  }
0xe: {  	s21 =	sshrl.u32 s11, $0x2;
	p0 =	sne.s32 s5, $0x0;
	[dreg:$0x5] =	wrdreg s24  }
0xf: {  	s11 =	simm.s32 $0x400;
	s5 =	simm.s32 $0x780;
	s6 =	sshll.u32 s6, $0x8  }
0x10: {  	s7 =	sadd.s32 s7, s8;
	s10 =	sadd.s32 s10, s0;
	s20 =	ssub.s32 s19, s12  }
0x11: {  	s8 =	sadd.s32 s21, s2;
	s12 =	simm.s32 $0x2;
	s19 =	simm.s32 $0xC80  }
0x12: {  	s21 =	simm.s32 $0xD00;
	s9 =	sadd.s32 s6, s0;
	s7 =	sshrl.u32 s7, $0x3  }
0x13: {  	s10 =	sadd.s32 $0x34200, s10;
	s23 =	smax.u32 s20, $0x1;
	s26 =	sadd.s32 s6, s1  }
0x14: {  	s6 =	simm.s32 $0xB80;
	s20 =	simm.s32 $0x500;
	[dreg:$0x4] =	wrdreg s10  }
0x15: {  	s1 =	simm.s32 $0xF00;
	s0 =	sadd.s32 s7, s0;
	[dreg:$0x7] =	wrdreg s23  }
0x16: {  	s25 =	sadd.s32 $0x2200, s9;
	[dreg:$0x9] =	wrdreg s26;
	s9 =	simm.s32 $0xB00  }
0x17: {  	s10 =	simm.s32 $0x380;
	s0 =	sadd.s32 $0x5C200, s0;
	[dreg:$0x8] =	wrdreg s25  }
0x18: {  	s26 =	simm.s32 $0xD80;
	s25 =	sshrl.u32 s8, $0x3;
	[dreg:$0x6] =	wrdreg s0  }
0x19: {  	s7 =	simm.s32 $0xF80;
	s0 =	simm.s32 $0x0;
	[dreg:$0xa] =	wrdreg s25  }
.LBB2_1:
0x1a: {  	[dreg:$0xb] =	wrdreg s0  }
0x1b: {  	s23 =	rddreg [dreg:$0x4]  }
0x1c: {  	[spmem:s25], [sflag:s24] =	dma.local [hbm:s23], $0x2800  }
0x1d: {  	_ =	swait.ge [sflag:s12], $0x2800  }
0x1e: {  	[sflag:s12] =	ssyncset.done $0x0  }
0x1f: {  	[sflag:s12] =	ssyncadd.s32 $0xFFFFD800  }
0x20: {  	[bflag:$0x0] =	sbarrier.arrive $0xFFFF  }
0x21: {  	s23 =	rddreg [dreg:$0x9]  }
0x22: {  	s0 =	simm.s32 $0x700;
	s25 =	simm.s32 $0x0;
	s24 =	rddreg [dreg:$0x8]  }
.LBB2_2:
0x23: {  	[tilespmem:s3], [sflag:$0x2] =	stream.linear.gather [hbm4b:s23+s3], $0x800, $0x38;
	[tilespmem:$0x19000] =	vst v63  }
0x24: {  	_ =	swait.ge [sflag:s12], $0x800  }
0x25: {  	[sflag:s12] =	ssyncset.done $0x0  }
0x26: {  	[sflag:s12] =	ssyncadd.s32 $0xFFFFF800  }
0x27: {  	[tilespmem:s13], [sflag:$0x2] =	stream.linear.gather [hbm4b:s24+s3], $0x800, $0x38;
	[tilespmem:$0x19000] =	vst v63  }
0x28: {  	_ =	swait.ge [sflag:s12], $0x800  }
0x29: {  	[sflag:s12] =	ssyncset.done $0x0  }
0x2a: {  	[sflag:s12] =	ssyncadd.s32 $0xFFFFF800  }
0x2b: {  	[tilespmem:s15], [sflag:$0x1] =	stream.indirect.gather [hbm4b:s4+s14], $0x80, s3, s14, $0xb8;
	[tilespmem:$0x19000] =	vst v63  }
0x2c: {  	_ =	swait.ge [sflag:s16], $0x4000  }
0x2d: {  	[sflag:s16] =	ssyncset.done $0x0  }
0x2e: {  	[sflag:s16] =	ssyncadd.s32 $0xFFFFC000  }
0x2f: {  	[spmem:s2] =	stream.indirect.scatter.add.f32 [tilespmem:s15], [sflag:$0x2], $0x80, s13, s14, $0xb8;
	[tilespmem:$0x19000] =	vst v63  }
0x30: {  	_ =	swait.ge [sflag:s12], $0x4000  }
0x31: {  	[sflag:s12] =	ssyncset.done $0x0  }
0x32: {  	[sflag:s12] =	ssyncadd.s32 $0xFFFFC000  }
0x33: {  	[tilespmem:s15], [sflag:$0x1] =	stream.indirect.gather [hbm4b:s4+s14], $0x80, s14, s14, $0xb8;
	[tilespmem:$0x19000] =	vst v63  }
0x34: {  	_ =	swait.ge [sflag:s16], $0x4000  }
0x35: {  	[sflag:s16] =	ssyncset.done $0x0  }
0x36: {  	s8 =	simm.s32 $0x880;
	[sflag:s16] =	ssyncadd.s32 $0xFFFFC000  }
0x37: {  	[spmem:s2] =	stream.indirect.scatter.add.f32 [tilespmem:s15], [sflag:$0x2], $0x80, s8, s14, $0xb8;
	[tilespmem:$0x19000] =	vst v63  }
0x38: {  	_ =	swait.ge [sflag:s12], $0x4000  }
0x39: {  	[sflag:s12] =	ssyncset.done $0x0  }
0x3a: {  	s8 =	simm.s32 $0x100;
	[sflag:s12] =	ssyncadd.s32 $0xFFFFC000  }
0x3b: {  	[tilespmem:s15], [sflag:$0x1] =	stream.indirect.gather [hbm4b:s4+s14], $0x80, s8, s14, $0xb8;
	[tilespmem:$0x19000] =	vst v63  }
0x3c: {  	_ =	swait.ge [sflag:s16], $0x4000  }
0x3d: {  	[sflag:s16] =	ssyncset.done $0x0  }
0x3e: {  	s8 =	simm.s32 $0x900;
	[sflag:s16] =	ssyncadd.s32 $0xFFFFC000  }
0x3f: {  	[spmem:s2] =	stream.indirect.scatter.add.f32 [tilespmem:s15], [sflag:$0x2], $0x80, s8, s14, $0xb8;
	[tilespmem:$0x19000] =	vst v63  }
0x40: {  	_ =	swait.ge [sflag:s12], $0x4000  }
0x41: {  	[sflag:s12] =	ssyncset.done $0x0  }
0x42: {  	s8 =	simm.s32 $0x180;
	[sflag:s12] =	ssyncadd.s32 $0xFFFFC000  }
0x43: {  	[tilespmem:s15], [sflag:$0x1] =	stream.indirect.gather [hbm4b:s4+s14], $0x80, s8, s14, $0xb8;
	[tilespmem:$0x19000] =	vst v63  }
0x44: {  	_ =	swait.ge [sflag:s16], $0x4000  }
0x45: {  	[sflag:s16] =	ssyncset.done $0x0  }
0x46: {  	s8 =	simm.s32 $0x980;
	[sflag:s16] =	ssyncadd.s32 $0xFFFFC000  }
0x47: {  	[spmem:s2] =	stream.indirect.scatter.add.f32 [tilespmem:s15], [sflag:$0x2], $0x80, s8, s14, $0xb8;
	[tilespmem:$0x19000] =	vst v63  }
0x48: {  	_ =	swait.ge [sflag:s12], $0x4000  }
0x49: {  	[sflag:s12] =	ssyncset.done $0x0  }
0x4a: {  	s8 =	simm.s32 $0x200;
	[sflag:s12] =	ssyncadd.s32 $0xFFFFC000  }
0x4b: {  	[tilespmem:s15], [sflag:$0x1] =	stream.indirect.gather [hbm4b:s4+s14], $0x80, s8, s14, $0xb8;
	[tilespmem:$0x19000] =	vst v63  }
0x4c: {  	_ =	swait.ge [sflag:s16], $0x4000  }
0x4d: {  	[sflag:s16] =	ssyncset.done $0x0  }
0x4e: {  	s8 =	simm.s32 $0xA00;
	[sflag:s16] =	ssyncadd.s32 $0xFFFFC000  }
0x4f: {  	[spmem:s2] =	stream.indirect.scatter.add.f32 [tilespmem:s15], [sflag:$0x2], $0x80, s8, s14, $0xb8;
	[tilespmem:$0x19000] =	vst v63  }
0x50: {  	_ =	swait.ge [sflag:s12], $0x4000  }
0x51: {  	[sflag:s12] =	ssyncset.done $0x0  }
0x52: {  	s8 =	simm.s32 $0x280;
	[sflag:s12] =	ssyncadd.s32 $0xFFFFC000  }
0x53: {  	[tilespmem:s15], [sflag:$0x1] =	stream.indirect.gather [hbm4b:s4+s14], $0x80, s8, s14, $0xb8;
	[tilespmem:$0x19000] =	vst v63  }
0x54: {  	_ =	swait.ge [sflag:s16], $0x4000  }
0x55: {  	[sflag:s16] =	ssyncset.done $0x0  }
0x56: {  	s8 =	simm.s32 $0xA80;
	[sflag:s16] =	ssyncadd.s32 $0xFFFFC000  }
0x57: {  	[spmem:s2] =	stream.indirect.scatter.add.f32 [tilespmem:s15], [sflag:$0x2], $0x80, s8, s14, $0xb8;
	[tilespmem:$0x19000] =	vst v63  }
0x58: {  	_ =	swait.ge [sflag:s12], $0x4000  }
0x59: {  	[sflag:s12] =	ssyncset.done $0x0  }
0x5a: {  	s8 =	simm.s32 $0x300;
	[sflag:s12] =	ssyncadd.s32 $0xFFFFC000  }
0x5b: {  	[tilespmem:s15], [sflag:$0x1] =	stream.indirect.gather [hbm4b:s4+s14], $0x80, s8, s14, $0xb8;
	[tilespmem:$0x19000] =	vst v63  }
0x5c: {  	_ =	swait.ge [sflag:s16], $0x4000  }
0x5d: {  	[sflag:s16] =	ssyncset.done $0x0  }
0x5e: {  	[sflag:s16] =	ssyncadd.s32 $0xFFFFC000  }
0x5f: {  	[spmem:s2] =	stream.indirect.scatter.add.f32 [tilespmem:s15], [sflag:$0x2], $0x80, s9, s14, $0xb8;
	[tilespmem:$0x19000] =	vst v63  }
0x60: {  	_ =	swait.ge [sflag:s12], $0x4000  }
0x61: {  	[sflag:s12] =	ssyncset.done $0x0  }
0x62: {  	[sflag:s12] =	ssyncadd.s32 $0xFFFFC000  }
0x63: {  	[tilespmem:s15], [sflag:$0x1] =	stream.indirect.gather [hbm4b:s4+s14], $0x80, s10, s14, $0xb8;
	[tilespmem:$0x19000] =	vst v63  }
0x64: {  	_ =	swait.ge [sflag:s16], $0x4000  }
0x65: {  	[sflag:s16] =	ssyncset.done $0x0  }
0x66: {  	[sflag:s16] =	ssyncadd.s32 $0xFFFFC000  }
0x67: {  	[spmem:s2] =	stream.indirect.scatter.add.f32 [tilespmem:s15], [sflag:$0x2], $0x80, s6, s14, $0xb8;
	[tilespmem:$0x19000] =	vst v63  }
0x68: {  	_ =	swait.ge [sflag:s12], $0x4000  }
0x69: {  	[sflag:s12] =	ssyncset.done $0x0  }
0x6a: {  	[sflag:s12] =	ssyncadd.s32 $0xFFFFC000  }
0x6b: {  	[tilespmem:s15], [sflag:$0x1] =	stream.indirect.gather [hbm4b:s4+s14], $0x80, s11, s14, $0xb8;
	[tilespmem:$0x19000] =	vst v63  }
0x6c: {  	_ =	swait.ge [sflag:s16], $0x4000  }
0x6d: {  	[sflag:s16] =	ssyncset.done $0x0  }
0x6e: {  	[sflag:s16] =	ssyncadd.s32 $0xFFFFC000  }
0x6f: {  	[spmem:s2] =	stream.indirect.scatter.add.f32 [tilespmem:s15], [sflag:$0x2], $0x80, s17, s14, $0xb8;
	[tilespmem:$0x19000] =	vst v63  }
0x70: {  	_ =	swait.ge [sflag:s12], $0x4000  }
0x71: {  	[sflag:s12] =	ssyncset.done $0x0  }
0x72: {  	[sflag:s12] =	ssyncadd.s32 $0xFFFFC000  }
0x73: {  	[tilespmem:s15], [sflag:$0x1] =	stream.indirect.gather [hbm4b:s4+s14], $0x80, s18, s14, $0xb8;
	[tilespmem:$0x19000] =	vst v63  }
0x74: {  	_ =	swait.ge [sflag:s16], $0x4000  }
0x75: {  	[sflag:s16] =	ssyncset.done $0x0  }
0x76: {  	[sflag:s16] =	ssyncadd.s32 $0xFFFFC000  }
0x77: {  	[spmem:s2] =	stream.indirect.scatter.add.f32 [tilespmem:s15], [sflag:$0x2], $0x80, s19, s14, $0xb8;
	[tilespmem:$0x19000] =	vst v63  }
0x78: {  	_ =	swait.ge [sflag:s12], $0x4000  }
0x79: {  	[sflag:s12] =	ssyncset.done $0x0  }
0x7a: {  	[sflag:s12] =	ssyncadd.s32 $0xFFFFC000  }
0x7b: {  	[tilespmem:s15], [sflag:$0x1] =	stream.indirect.gather [hbm4b:s4+s14], $0x80, s20, s14, $0xb8;
	[tilespmem:$0x19000] =	vst v63  }
0x7c: {  	_ =	swait.ge [sflag:s16], $0x4000  }
0x7d: {  	[sflag:s16] =	ssyncset.done $0x0  }
0x7e: {  	[sflag:s16] =	ssyncadd.s32 $0xFFFFC000  }
0x7f: {  	[spmem:s2] =	stream.indirect.scatter.add.f32 [tilespmem:s15], [sflag:$0x2], $0x80, s21, s14, $0xb8;
	[tilespmem:$0x19000] =	vst v63  }
0x80: {  	_ =	swait.ge [sflag:s12], $0x4000  }
0x81: {  	[sflag:s12] =	ssyncset.done $0x0  }
0x82: {  	[sflag:s12] =	ssyncadd.s32 $0xFFFFC000  }
0x83: {  	[tilespmem:s15], [sflag:$0x1] =	stream.indirect.gather [hbm4b:s4+s14], $0x80, s22, s14, $0xb8;
	[tilespmem:$0x19000] =	vst v63  }
0x84: {  	_ =	swait.ge [sflag:s16], $0x4000  }
0x85: {  	[sflag:s16] =	ssyncset.done $0x0  }
0x86: {  	[sflag:s16] =	ssyncadd.s32 $0xFFFFC000  }
0x87: {  	[spmem:s2] =	stream.indirect.scatter.add.f32 [tilespmem:s15], [sflag:$0x2], $0x80, s26, s14, $0xb8;
	[tilespmem:$0x19000] =	vst v63  }
0x88: {  	_ =	swait.ge [sflag:s12], $0x4000  }
0x89: {  	[sflag:s12] =	ssyncset.done $0x0  }
0x8a: {  	[sflag:s12] =	ssyncadd.s32 $0xFFFFC000  }
0x8b: {  	[tilespmem:s15], [sflag:$0x1] =	stream.indirect.gather [hbm4b:s4+s14], $0x80, s28, s14, $0xb8;
	[tilespmem:$0x19000] =	vst v63  }
0x8c: {  	_ =	swait.ge [sflag:s16], $0x4000  }
0x8d: {  	[sflag:s16] =	ssyncset.done $0x0  }
0x8e: {  	[sflag:s16] =	ssyncadd.s32 $0xFFFFC000  }
0x8f: {  	[spmem:s2] =	stream.indirect.scatter.add.f32 [tilespmem:s15], [sflag:$0x2], $0x80, s29, s14, $0xb8;
	[tilespmem:$0x19000] =	vst v63  }
0x90: {  	_ =	swait.ge [sflag:s12], $0x4000  }
0x91: {  	[sflag:s12] =	ssyncset.done $0x0  }
0x92: {  	[sflag:s12] =	ssyncadd.s32 $0xFFFFC000  }
0x93: {  	[tilespmem:s15], [sflag:$0x1] =	stream.indirect.gather [hbm4b:s4+s14], $0x80, s30, s14, $0xb8;
	[tilespmem:$0x19000] =	vst v63  }
0x94: {  	_ =	swait.ge [sflag:s16], $0x4000  }
0x95: {  	[sflag:s16] =	ssyncset.done $0x0  }
0x96: {  	[sflag:s16] =	ssyncadd.s32 $0xFFFFC000  }
0x97: {  	[spmem:s2] =	stream.indirect.scatter.add.f32 [tilespmem:s15], [sflag:$0x2], $0x80, s31, s14, $0xb8;
	[tilespmem:$0x19000] =	vst v63  }
0x98: {  	_ =	swait.ge [sflag:s12], $0x4000  }
0x99: {  	[sflag:s12] =	ssyncset.done $0x0  }
0x9a: {  	[sflag:s12] =	ssyncadd.s32 $0xFFFFC000  }
0x9b: {  	[tilespmem:s15], [sflag:$0x1] =	stream.indirect.gather [hbm4b:s4+s14], $0x80, s0, s14, $0xb8;
	[tilespmem:$0x19000] =	vst v63  }
0x9c: {  	_ =	swait.ge [sflag:s16], $0x4000  }
0x9d: {  	[sflag:s16] =	ssyncset.done $0x0  }
0x9e: {  	[sflag:s16] =	ssyncadd.s32 $0xFFFFC000  }
0x9f: {  	[spmem:s2] =	stream.indirect.scatter.add.f32 [tilespmem:s15], [sflag:$0x2], $0x80, s1, s14, $0xb8;
	[tilespmem:$0x19000] =	vst v63  }
0xa0: {  	_ =	swait.ge [sflag:s12], $0x4000  }
0xa1: {  	[sflag:s12] =	ssyncset.done $0x0  }
0xa2: {  	[sflag:s12] =	ssyncadd.s32 $0xFFFFC000  }
0xa3: {  	[tilespmem:s15], [sflag:$0x1] =	stream.indirect.gather [hbm4b:s4+s14], $0x80, s5, s14, $0xb8;
	[tilespmem:$0x19000] =	vst v63  }
0xa4: {  	p1 =	slt.u32 @!p0 s25, $0x8;
	_ =	swait.ge [sflag:s16], $0x4000  }
0xa5: {  	p1 =	por p0, !p1;
	[sflag:s16] =	ssyncset.done $0x0  }
.Ltmp0:
0xa6: {  	[sflag:s16] =	ssyncadd.s32 $0xFFFFC000;
	(pc) =	sbr.rel @!p1 .LBB2_2-.Ltmp0, $4  }
0xa7: {  	[spmem:s2] =	stream.indirect.scatter.add.f32 [tilespmem:s15], [sflag:$0x2], $0x80, s7, s14, $0xb8;
	[tilespmem:$0x19000] =	vst v63  }
0xa8: {  	_ =	swait.ge [sflag:s12], $0x4000  }
0xa9: {  	s25 =	sadd.s32 $0x1, s25;
	[sflag:s12] =	ssyncset.done $0x0  }
0xaa: {  	s23 =	sadd.s32 $0x100, s23;
	s24 =	sadd.s32 $0x100, s24;
	[sflag:s12] =	ssyncadd.s32 $0xFFFFC000  }
0xab: {  	[bflag:$0x0] =	sbarrier.arrive $0xFFFF  }
0xac: {  	s24 =	rddreg [dreg:$0x5]  }
0xad: {  	s23 =	rddreg [dreg:$0x6]  }
0xae: {  	s25 =	rddreg [dreg:$0xa]  }
0xaf: {  	[hbm:s23], [sflag:s24] =	dma.local [spmem:s25], $0x2800  }
0xb0: {  	_ =	swait.ge [sflag:s12], $0x2800  }
0xb1: {  	s0 =	rddreg [dreg:$0xb]  }
0xb2: {  	s8 =	rddreg [dreg:$0x7];
	s0 =	sadd.s32 $0x1, s0  }
0xb3: {  	p1 =	sne.s32 s0, s8  }
.Ltmp1:
0xb4: {  	_ = 	snop;
	(pc) =	sbr.rel @p1 .LBB2_1-.Ltmp1, $3  }
0xb5: {  	_ =	sdelay $0x1  }
0xb6: {  	[sflag:s12] =	ssyncset.done $0x0  }
0xb7: {  	[sflag:s12] =	ssyncadd.s32 $0xFFFFD800  }
0xb8: {  	_ =	sfence.sel $0x180000  }
0xb9: {  	[bflag:$0x0] =	sbarrier.arrive $0xFFFF  }
0xba: {  	_ =	strace $0x9000004D  }
0xbb: {  	s0 =	stileid.u32;
	[bflag:$0x2] =	sbarrier.arrive $0xFFFF  }
0xbc: {  	p0 =	sne.s32 s0, $0x0;
	s0 =	rddreg [dreg:$0x3]  }
0xbd: {  	s0 =	sadd.s32 @!p0 $0x100000, s0  }
0xbe: {  	[sflag:s0] =	ssyncadd.tile.s32 @!p0 $0x1;
	_ =	shalt  }
.Lfunc_end2:
_tile_overlayer_lowered:
.L_overlay_start_2:
0xbf: {  	(tag) =	ssettag $0x2  }
0xc0: {  	s0 =	rddreg [dreg:$0x0];
	s2 =	stileid.u32  }
0xc1: {  	s1 =	rddreg [dreg:$0x1];
	p0 =	sne.s32 s2, $0x0  }
0xc2: {  	s3 =	rddreg [dreg:$0x2];
	[bflag:$0x3] =	sbarrier.arrive $0xFFFF;
	s2 =	simm.s32 @!p0 $0x1C02  }
0xc3: {  	[timem:s3], [sflag:s2] =	dma.local @!p0 [hbm:s0], s1  }
0xc4: {  	s0 =	simm.s32 @!p0 $0x2  }
0xc5: {  	_ =	swait.ge @!p0 [sflag:s0], s1  }
0xc6: {  	s1 =	ssub.s32 @!p0 $0x0, s1;
	[sflag:s0] =	ssyncset.done @!p0 $0x0  }
0xc7: {  	[sflag:s0] =	ssyncadd.s32 @!p0 s1  }
0xc8: {  	[bflag:$0x3] =	sbarrier.arrive $0xFFFF  }
0xc9: {  	_ =	shalt  }

// kernel: kernel.7.cloned.1.call-start
scs
__scs_entry_jumppad:
0x0: {  	(pc) =	sbr.rel $0x88, $3  }
0x1: {  	(tag) =	ssettag $0x0;
	lr =	simm.s32 $0x1  }
0x2: {  	[smem:$0x3F99] =	sst lr;
	_ =	strace $0xD0000000  }
0x3: {  	_ = 	snop  }
0x4: {  	_ = 	snop  }
0x5: {  	_ = 	snop  }
0x6: {  	_ = 	snop  }
0x7: {  	_ = 	snop  }
__scs_overlays_trampoline_lowered:
0x8: {  	[smem:$0x3FA8] =	sst s0  }
0x9: {  	[smem:$0x3FA9] =	sst s1  }
0xa: {  	[smem:$0x3FAA] =	sst s2  }
0xb: {  	[smem:$0x3FAB] =	sst s3  }
0xc: {  	[smem:$0x3FAC] =	sst s4  }
0xd: {  	[smem:$0x3FAD] =	sst s5  }
0xe: {  	[smem:$0x3FAE] =	sst s6  }
0xf: {  	[smem:$0x3FAF] =	sst s7  }
0x10: {  	[smem:$0x3FB0] =	sst s8  }
0x11: {  	[smem:$0x3FB1] =	sst s9;
	s0 =	simm.s32 @!p0 $0x0  }
0x12: {  	s1 =	sld [smem:$0x3F97];
	s0 =	simm.s32 @p0 $0x1  }
0x13: {  	[smem:$0x3FB2] =	sst s0;
	s0 =	simm.s32 @!p1 $0x0  }
0x14: {  	s2 =	sld [smem:$0x3F96];
	s0 =	simm.s32 @p1 $0x1  }
0x15: {  	[smem:$0x3FB3] =	sst s0;
	s0 =	simm.s32 @!p2 $0x0  }
0x16: {  	s3 =	sld [smem:$0x3FDB];
	s0 =	simm.s32 @p2 $0x1  }
0x17: {  	s4 =	simm.s32 $0x1BF5;
	[smem:$0x3FB5] =	sst s0  }
0x18: {  	s0 =	sld [smem:$0x3F98];
	_ =	swait.ge [sflag:s4], $0x0  }
0x19: {  	s7 =	sld [smem:$0x3F99]  }
0x1a: {  	s8 =	sadd.s32 $0xFFFFE003, lr  }
0x1b: {  	s9 =	sadd.s32 $0xFFFFFEF7, lr;
	s5 =	simm.s32 $0xFFFFFFFF;
	p2 =	slt.u32 s8, $0xFFFFF086  }
0x1c: {  	p1 =	slt.u32 s9, $0xF7A;
	s5 =	simm.s32 @!p2 $0x0  }
0x1d: {  	s5 =	simm.s32 @p1 $0x1;
	p0 =	seq.s32 s7, s2  }
0x1e: {  	s7 =	smul.u32 @!p0 $0xF7A, s2;
	p2 =	seq.s32 @!p0 s5, $0x0  }
0x1f: {  	s9 =	smul.u32 $0xF7A, s1;
	s8 =	simm.s32 @!p0 $0x1BF5;
	p2 =	por !p2, p0  }
0x20: {  	[sflag:s8] =	ssyncset.s32 @!p0 $0xFFFFF086;
	s6 =	sadd.s32 @!p0 s3, s7;
	s7 =	simm.s32 @!p0 $0x108  }
0x21: {  	s3 =	sadd.s32 s3, s9;
	s6 =	sadd.s32 @!p0 $0x88, s6;
	s7 =	simm.s32 @p2 $0x1082  }
0x22: {  	[simem:s7], [sflag:s8] =	dma.local @!p0 [hbm:s6], $0xF7A  }
0x23: {  	s9 =	sor.u32 $0xD0000000, s2;
	s6 =	simm.s32 $0x108;
	_ =	swait.ge @!p0 [sflag:s8], $0x0  }
0x24: {  	s3 =	sadd.s32 $0x88, s3;
	s6 =	simm.s32 @!p1 $0x1082;
	[sflag:s4] =	ssyncset.s32 $0xFFFFF086  }
0x25: {  	[simem:s6], [sflag:s4] =	dma.local [hbm:s3], $0xF7A  }
0x26: {  	[smem:$0x3F99] =	sst s1;
	(tag) =	ssettag s2;
	_ =	strace s9  }
0x27: {  	s1 =	sld [smem:$0x3FA9]  }
0x28: {  	s2 =	sld [smem:$0x3FAA]  }
0x29: {  	s4 =	sld [smem:$0x3FAC]  }
0x2a: {  	p0 =	seq.s32 s5, $0x0;
	s5 =	sld [smem:$0x3FAD]  }
0x2b: {  	s6 =	sld [smem:$0x3FAE]  }
0x2c: {  	s7 =	sld [smem:$0x3FAF]  }
0x2d: {  	s3 =	simm.s32 $0x108;
	s8 =	sld [smem:$0x3FB0]  }
0x2e: {  	s3 =	simm.s32 @!p0 $0x1082;
	s9 =	sld [smem:$0x3FB1]  }
0x2f: {  	lr =	sadd.s32 s0, s3;
	s0 =	sld [smem:$0x3FA8]  }
0x30: {  	s3 =	sld [smem:$0x3FAB]  }
0x31: {  	[smem:$0x3FB4] =	sst s10  }
0x32: {  	s10 =	sld [smem:$0x3FB2];
	_ =	sdelay $0x3  }
0x33: {  	p0 =	seq.s32 s10, $0x1;
	s10 =	sld [smem:$0x3FB4];
	_ =	sdelay $0x3  }
0x34: {  	[smem:$0x3FB4] =	sst s10  }
0x35: {  	s10 =	sld [smem:$0x3FB3];
	_ =	sdelay $0x3  }
0x36: {  	p1 =	seq.s32 s10, $0x1;
	s10 =	sld [smem:$0x3FB4];
	_ =	sdelay $0x3  }
0x37: {  	[smem:$0x3FB4] =	sst s10  }
0x38: {  	s10 =	sld [smem:$0x3FB5]  }
0x39: {  	_ = 	snop;
	(pc) =	sbr.ind lr, $3  }
0x3a: {  	_ = 	snop  }
0x3b: {  	_ = 	snop  }
0x3c: {  	p2 =	seq.s32 s10, $0x1;
	s10 =	sld [smem:$0x3FB4]  }
0x3d: {  	_ =	shalt  }
0x3e: {  	_ =	shalt  }
0x3f: {  	_ =	shalt  }
0x40: {  	_ =	shalt  }
0x41: {  	_ =	shalt  }
0x42: {  	_ =	shalt  }
0x43: {  	_ =	shalt  }
0x44: {  	_ =	shalt  }
0x45: {  	_ =	shalt  }
0x46: {  	_ =	shalt  }
0x47: {  	_ =	shalt  }
0x48: {  	_ =	shalt  }
0x49: {  	_ =	shalt  }
0x4a: {  	_ =	shalt  }
0x4b: {  	_ =	shalt  }
0x4c: {  	_ =	shalt  }
0x4d: {  	_ =	shalt  }
0x4e: {  	_ =	shalt  }
0x4f: {  	_ =	shalt  }
0x50: {  	_ =	shalt  }
0x51: {  	_ =	shalt  }
0x52: {  	_ =	shalt  }
0x53: {  	_ =	shalt  }
0x54: {  	_ =	shalt  }
0x55: {  	_ =	shalt  }
0x56: {  	_ =	shalt  }
0x57: {  	_ =	shalt  }
0x58: {  	_ =	shalt  }
0x59: {  	_ =	shalt  }
0x5a: {  	_ =	shalt  }
0x5b: {  	_ =	shalt  }
0x5c: {  	_ =	shalt  }
0x5d: {  	_ =	shalt  }
0x5e: {  	_ =	shalt  }
0x5f: {  	_ =	shalt  }
0x60: {  	_ =	shalt  }
0x61: {  	_ =	shalt  }
0x62: {  	_ =	shalt  }
0x63: {  	_ =	shalt  }
0x64: {  	_ =	shalt  }
0x65: {  	_ =	shalt  }
0x66: {  	_ =	shalt  }
0x67: {  	_ =	shalt  }
0x68: {  	_ =	shalt  }
0x69: {  	_ =	shalt  }
0x6a: {  	_ =	shalt  }
0x6b: {  	_ =	shalt  }
0x6c: {  	_ =	shalt  }
0x6d: {  	_ =	shalt  }
0x6e: {  	_ =	shalt  }
0x6f: {  	_ =	shalt  }
0x70: {  	_ =	shalt  }
0x71: {  	_ =	shalt  }
0x72: {  	_ =	shalt  }
0x73: {  	_ =	shalt  }
0x74: {  	_ =	shalt  }
0x75: {  	_ =	shalt  }
0x76: {  	_ =	shalt  }
0x77: {  	_ =	shalt  }
0x78: {  	_ =	shalt  }
0x79: {  	_ =	shalt  }
0x7a: {  	_ =	shalt  }
0x7b: {  	_ =	shalt  }
0x7c: {  	_ =	shalt  }
0x7d: {  	_ =	shalt  }
0x7e: {  	_ =	shalt  }
0x7f: {  	_ =	shalt  }
0x80: {  	_ =	shalt  }
0x81: {  	_ =	shalt  }
0x82: {  	_ =	shalt  }
0x83: {  	_ =	shalt  }
0x84: {  	_ =	shalt  }
0x85: {  	_ =	shalt  }
0x86: {  	_ =	shalt  }
0x87: {  	_ =	shalt  }
.Lfunc_end0:
.L_simem_size_0:
called_computation_lowered:
.L_overlay_start_0:
0x88: {  	s2 =	sld [smem:$0x3FD9]  }
0x89: {  	s3 =	sld [smem:$0x3FFE];
	_ =	sdelay $0x1  }
0x8a: {  	s1 =	srdreg.scid  }
0x8b: {  	s0 =	sand.u32 $0x1, s1  }
0x8c: {  	s17 =	sshll.u32 s0, $0xA;
	s2 =	sadd.s32 s3, s2  }
0x8d: {  	s2 =	sadd.s32 s2, s17  }
0x8e: {  	[smem:$0x3FC0] =	sst s2  }
0x8f: {  	_ = 	snop  }
0x90: {  	(tm) =	ssettm $0x1  }
0x91: {  	s18 =	sld [smem:$0x3FFB];
	_ =	sdelay $0x3  }
0x92: {  	_ =	strace s18  }
0x93: {  	s2 =	sld [smem:$0x3FFC];
	_ =	sdelay $0x3  }
0x94: {  	_ =	strace s2  }
0x95: {  	s2 =	sld [smem:$0x3FFD];
	_ =	sdelay $0x3  }
0x96: {  	_ =	strace s2  }
0x97: {  	_ =	strace $0x8FFFFFFF  }
0x98: {  	s19 =	sld [smem:$0x3FDB];
	_ =	sdelay $0x1  }
0x99: {  	s20 =	simm.s32 $_scs_section_size  }
0x9a: {  	s4 =	simm.s32 $_size__tile_overlayer_lowered;
	s5 =	simm.s32 $_tile_overlayer_lowered  }
0x9b: {  	s6 =	simm.s32 $0x1BFF;
	s21 =	sshll.u32 s5, $0x1;
	s3 =	sadd.s32 s20, s19  }
0x9c: {  	s22 =	simm.s32 $0x0;
	s4 =	sshll.u32 s4, $0x1;
	s5 =	sadd.s32 s21, s3  }
0x9d: {  	[timem:s22], [sflag:s6] =	dma.local [hbm:s5], s4  }
0x9e: {  	_ =	swait.ge [sflag:s6], s4  }
0x9f: {  	s4 =	ssub.s32 $0x0, s4;
	[sflag:s6] =	ssyncset.done $0x0  }
0xa0: {  	[sflag:s6] =	ssyncadd.s32 s4;
	_ =	sdelay $0x1  }
0xa1: {  	s23 =	simm.s32 $0x1B8B  }
0xa2: {  	_ =	swait.ge [sflag:s23], $0x1  }
0xa3: {  	[sflag:s23] =	ssyncset.done $0x0  }
0xa4: {  	[sflag:s23] =	ssyncadd.s32 $0xFFFFFFFF  }
0xa5: {  	s4 =	sld [smem:$0x0]  }
0xa6: {  	s5 =	sand.u32 $0xFFFFFFFE, s1  }
0xa7: {  	p0 =	sne.s32 s1, s5  }
0xa8: {  	s5 =	sshll.u32 @p0 s5, $0xE  }
0xa9: {  	s5 =	sadd.s32 @p0 $0x11B8D, s5;
	s6 =	sshll.u32 @p0 s4, $0x11  }
0xaa: {  	s5 =	sor.u32 @p0 s6, s5  }
0xab: {  	[sflag:s5] =	ssyncadd.remote.s32 @p0 $0x1;
	_ =	sdelay $0x1  }
0xac: {  	s5 =	simm.s32 @p0 $0x1B8D  }
0xad: {  	_ =	swait.eq @p0 [sflag:s5], $0x1  }
0xae: {  	[sflag:s5] =	ssyncadd.s32 @p0 $0xFFFFFFFF  }
0xaf: {  	s6 =	sshll.u32 @!p0 s1, $0xE  }
0xb0: {  	s6 =	sor.u32 @!p0 $0x4000, s6;
	s5 =	simm.s32 @!p0 $0x1B8D  }
0xb1: {  	s4 =	sshll.u32 @!p0 s4, $0x11;
	s6 =	sadd.s32 @!p0 $0x11B8D, s6;
	_ =	swait.eq @!p0 [sflag:s5], $0x1  }
0xb2: {  	s4 =	sor.u32 @!p0 s4, s6;
	[sflag:s5] =	ssyncadd.s32 @!p0 $0xFFFFFFFF  }
0xb3: {  	s25 =	simm.s32 $0x1B8E;
	s24 =	sld [smem:$0x3FFE];
	[sflag:s4] =	ssyncadd.remote.s32 @!p0 $0x1  }
0xb4: {  	s26 =	simm.s32 $execute0_lowered;
	[smem:$0x3FD2] =	sst s25  }
0xb5: {  	s5 =	sshll.u32 s26, $0x1;
	_ =	strace $0x80000049;
	[dreg:$0x1] =	wrdreg $0xFFFFFFFF  }
0xb6: {  	s28 =	simm.s32 $_size_execute0_lowered;
	s3 =	sadd.s32 s3, s5;
	[dreg:$0x0] =	wrdreg $0x0  }
0xb7: {  	s5 =	sshll.u32 s28, $0x1;
	[dreg:$0x2] =	wrdreg s3  }
0xb8: {  	[dreg:$0x3] =	wrdreg s5  }
0xb9: {  	[dreg:$0x4] =	wrdreg $0xC0  }
0xba: {  	_ =	task [dreg:s22], $0x5FFFF  }
0xbb: {  	[dreg:$0x1] =	wrdreg $0xFFFFFFFF  }
0xbc: {  	[dreg:$0x0] =	wrdreg $0x60  }
0xbd: {  	[dreg:$0x2] =	wrdreg s24  }
0xbe: {  	[dreg:$0x3] =	wrdreg $0x48000  }
0xbf: {  	[dreg:$0x4] =	wrdreg $0x9  }
0xc0: {  	_ =	task.clear_ibuf [dreg:s22], $0x5FFFF;
	_ =	strace $0x90000049  }
0xc1: {  	s29 =	simm.s32 $0x9;
	_ =	strace $0x8000004B  }
0xc2: {  	_ =	swait.ge [sflag:s29], $0x1  }
0xc3: {  	[sflag:s29] =	ssyncadd.s32 $0xFFFFFFFF  }
0xc4: {  	_ =	strace $0x9000004B  }
0xc5: {  	_ =	sfence  }
0xc6: {  	s30 =	sld [smem:$0x0];
	_ =	sdelay $0x2  }
0xc7: {  	s31 =	sshll.u32 s1, $0xD;
	s1 =	sshrl.u32 s1, $0x2  }
0xc8: {  	s4 =	sand.u32 $0x4000, s31;
	s1 =	sadd.s32 s1, s30  }
0xc9: {  	s0 =	sor.u32 s4, s0;
	s1 =	sshll.u32 s1, $0x11  }
0xca: {  	s0 =	sor.u32 s1, s0  }
0xcb: {  	s0 =	sadd.s32 $0x8F2B, s0  }
0xcc: {  	[sflag:s0] =	ssyncadd.remote.s32 $0x1  }
0xcd: {  	_ =	sfence.sel $0xFFFF  }
0xce: {  	[dreg:$0x0] =	wrdreg $0xFFFFFFFF;
	(pc) =	sbr.abs _section_cstart, $3  }
0xcf: {  	[dreg:$0x1] =	wrdreg $0xFFFFFFFF  }
0xd0: {  	_ =	task.clear_ibuf [dreg:s22], $0x2FFFF;
	_ =	strace $0x9FFFFFFF  }
0xd1: {  	(tm) =	ssettm $0x7FFFFFFF  }
tec
execute0_lowered:
.L_overlay_start_1:
0x0: {  	(tag) =	ssettag $0x1  }
0x1: {  	s0 =	rddreg [dreg:$0x0]  }
0x2: {  	s2 =	rddreg [dreg:$0x1];
	s1 =	stileid.u32  }
0x3: {  	s5 =	srdreg.scid;
	s3 =	simm.s32 $0x0;
	s13 =	simm.s32 $0x80  }
0x4: {  	s14 =	simm.s32 $0x100;
	s15 =	simm.s32 $0x180;
	s16 =	simm.s32 $0x200  }
0x5: {  	s17 =	simm.s32 $0x280;
	s18 =	simm.s32 $0x300;
	s19 =	simm.s32 $0x380  }
0x6: {  	s20 =	simm.s32 $0x400;
	s21 =	simm.s32 $0x480;
	s4 =	smul.u32 $0xA00, s1  }
0x7: {  	s28 =	simm.s32 $0x780;
	s29 =	simm.s32 $0x0;
	s6 =	smul.u32 $0x14000, s1  }
0x8: {  	s5 =	sand.u32 $0x1, s5;
	[smem:$0x7FF] =	sst s3;
	s10 =	smul.u32 $0x50000, s1  }
0x9: {  	s30 =	sshll.u32 s1, $0x6;
	s7 =	smul.u32 $0x140000, s5;
	_ =	strace $0x8000004A  }
0xa: {  	s23 =	ssub.s32 $0x2, s5;
	s26 =	smul.u32 $0x500, s5;
	s8 =	sshrl.u32 s6, $0x3  }
0xb: {  	s9 =	sadd.s32 s4, s0;
	s4 =	sadd.s32 $0xAC200, s0;
	s24 =	sshrl.u32 s23, $0x1  }
0xc: {  	s25 =	sshrl.u32 s10, $0x2;
	s8 =	sadd.s32 s8, s0;
	s22 =	sadd.s32 s6, s7  }
0xd: {  	s11 =	ssub.s32 s23, s24;
	s12 =	sadd.s32 s25, s2;
	s31 =	sadd.s32 s26, s9  }
0xe: {  	s23 =	simm.s32 $0x580;
	s24 =	simm.s32 $0x600;
	s25 =	simm.s32 $0x680  }
0xf: {  	s26 =	simm.s32 $0x700;
	s6 =	sshrl.u32 s22, $0x3;
	s5 =	sadd.s32 $0x34200, s8  }
0x10: {  	s8 =	smax.u32 s11, $0x1;
	s9 =	sadd.s32 $0x2200, s31;
	s10 =	sshrl.u32 s12, $0x3  }
0x11: {  	s11 =	simm.s32 $0x1;
	s12 =	simm.s32 $0x800;
	s0 =	sadd.s32 s6, s0  }
0x12: {  	s22 =	simm.s32 $0x500;
	s6 =	sor.u32 $0x1C01, s30;
	s7 =	sadd.s32 $0xACA00, s0  }
.LBB2_1:
0x13: {  	[spmem:s10], [sflag:s6] =	dma.local [hbm:s5], $0x2800  }
0x14: {  	_ =	swait.ge [sflag:s11], $0x2800  }
0x15: {  	[sflag:s11] =	ssyncset.done $0x0  }
0x16: {  	[sflag:s11] =	ssyncadd.s32 $0xFFFFD800  }
0x17: {  	[tilespmem:s12], [sflag:$0x1] =	stream.linear.gather [hbm4b:s4+s3], $0x4000, $0x38;
	[tilespmem:$0x18800] =	vst v63  }
0x18: {  	_ =	swait.ge [sflag:s11], $0x4000  }
0x19: {  	[sflag:s11] =	ssyncset.done $0x0  }
0x1a: {  	[sflag:s11] =	ssyncadd.s32 $0xFFFFC000  }
0x1b: {  	s0 =	sadd.s32 $0x0, s9;
	[bflag:$0x0] =	sbarrier.arrive $0xFFFF  }
0x1c: {  	[tilespmem:s3], [sflag:$0x1] =	stream.linear.gather [hbm4b:s0+s3], $0x800, $0x38;
	[tilespmem:$0x18800] =	vst v63  }
0x1d: {  	_ =	swait.ge [sflag:s11], $0x800  }
0x1e: {  	[sflag:s11] =	ssyncset.done $0x0  }
0x1f: {  	[sflag:s11] =	ssyncadd.s32 $0xFFFFF800  }
0x20: {  	[spmem:s2] =	stream.indirect.scatter.add.f32 [tilespmem:s12], [sflag:$0x1], $0x80, s3, s13, $0xb8;
	[tilespmem:$0x18800] =	vst v63  }
0x21: {  	_ =	swait.ge [sflag:s11], $0x4000  }
0x22: {  	[sflag:s11] =	ssyncset.done $0x0  }
0x23: {  	[sflag:s11] =	ssyncadd.s32 $0xFFFFC000  }
0x24: {  	[spmem:s2] =	stream.indirect.scatter.add.f32 [tilespmem:s12], [sflag:$0x1], $0x80, s13, s13, $0xb8;
	[tilespmem:$0x18800] =	vst v63  }
0x25: {  	_ =	swait.ge [sflag:s11], $0x4000  }
0x26: {  	[sflag:s11] =	ssyncset.done $0x0  }
0x27: {  	[sflag:s11] =	ssyncadd.s32 $0xFFFFC000  }
0x28: {  	[spmem:s2] =	stream.indirect.scatter.add.f32 [tilespmem:s12], [sflag:$0x1], $0x80, s14, s13, $0xb8;
	[tilespmem:$0x18800] =	vst v63  }
0x29: {  	_ =	swait.ge [sflag:s11], $0x4000  }
0x2a: {  	[sflag:s11] =	ssyncset.done $0x0  }
0x2b: {  	[sflag:s11] =	ssyncadd.s32 $0xFFFFC000  }
0x2c: {  	[spmem:s2] =	stream.indirect.scatter.add.f32 [tilespmem:s12], [sflag:$0x1], $0x80, s15, s13, $0xb8;
	[tilespmem:$0x18800] =	vst v63  }
0x2d: {  	_ =	swait.ge [sflag:s11], $0x4000  }
0x2e: {  	[sflag:s11] =	ssyncset.done $0x0  }
0x2f: {  	[sflag:s11] =	ssyncadd.s32 $0xFFFFC000  }
0x30: {  	[spmem:s2] =	stream.indirect.scatter.add.f32 [tilespmem:s12], [sflag:$0x1], $0x80, s16, s13, $0xb8;
	[tilespmem:$0x18800] =	vst v63  }
0x31: {  	_ =	swait.ge [sflag:s11], $0x4000  }
0x32: {  	[sflag:s11] =	ssyncset.done $0x0  }
0x33: {  	[sflag:s11] =	ssyncadd.s32 $0xFFFFC000  }
0x34: {  	[spmem:s2] =	stream.indirect.scatter.add.f32 [tilespmem:s12], [sflag:$0x1], $0x80, s17, s13, $0xb8;
	[tilespmem:$0x18800] =	vst v63  }
0x35: {  	_ =	swait.ge [sflag:s11], $0x4000  }
0x36: {  	[sflag:s11] =	ssyncset.done $0x0  }
0x37: {  	[sflag:s11] =	ssyncadd.s32 $0xFFFFC000  }
0x38: {  	[spmem:s2] =	stream.indirect.scatter.add.f32 [tilespmem:s12], [sflag:$0x1], $0x80, s18, s13, $0xb8;
	[tilespmem:$0x18800] =	vst v63  }
0x39: {  	_ =	swait.ge [sflag:s11], $0x4000  }
0x3a: {  	[sflag:s11] =	ssyncset.done $0x0  }
0x3b: {  	[sflag:s11] =	ssyncadd.s32 $0xFFFFC000  }
0x3c: {  	[spmem:s2] =	stream.indirect.scatter.add.f32 [tilespmem:s12], [sflag:$0x1], $0x80, s19, s13, $0xb8;
	[tilespmem:$0x18800] =	vst v63  }
0x3d: {  	_ =	swait.ge [sflag:s11], $0x4000  }
0x3e: {  	[sflag:s11] =	ssyncset.done $0x0  }
0x3f: {  	[sflag:s11] =	ssyncadd.s32 $0xFFFFC000  }
0x40: {  	[spmem:s2] =	stream.indirect.scatter.add.f32 [tilespmem:s12], [sflag:$0x1], $0x80, s20, s13, $0xb8;
	[tilespmem:$0x18800] =	vst v63  }
0x41: {  	_ =	swait.ge [sflag:s11], $0x4000  }
0x42: {  	[sflag:s11] =	ssyncset.done $0x0  }
0x43: {  	[sflag:s11] =	ssyncadd.s32 $0xFFFFC000  }
0x44: {  	[spmem:s2] =	stream.indirect.scatter.add.f32 [tilespmem:s12], [sflag:$0x1], $0x80, s21, s13, $0xb8;
	[tilespmem:$0x18800] =	vst v63  }
0x45: {  	_ =	swait.ge [sflag:s11], $0x4000  }
0x46: {  	[sflag:s11] =	ssyncset.done $0x0  }
0x47: {  	[sflag:s11] =	ssyncadd.s32 $0xFFFFC000  }
0x48: {  	[spmem:s2] =	stream.indirect.scatter.add.f32 [tilespmem:s12], [sflag:$0x1], $0x80, s22, s13, $0xb8;
	[tilespmem:$0x18800] =	vst v63  }
0x49: {  	_ =	swait.ge [sflag:s11], $0x4000  }
0x4a: {  	[sflag:s11] =	ssyncset.done $0x0  }
0x4b: {  	[sflag:s11] =	ssyncadd.s32 $0xFFFFC000  }
0x4c: {  	[spmem:s2] =	stream.indirect.scatter.add.f32 [tilespmem:s12], [sflag:$0x1], $0x80, s23, s13, $0xb8;
	[tilespmem:$0x18800] =	vst v63  }
0x4d: {  	_ =	swait.ge [sflag:s11], $0x4000  }
0x4e: {  	[sflag:s11] =	ssyncset.done $0x0  }
0x4f: {  	[sflag:s11] =	ssyncadd.s32 $0xFFFFC000  }
0x50: {  	[spmem:s2] =	stream.indirect.scatter.add.f32 [tilespmem:s12], [sflag:$0x1], $0x80, s24, s13, $0xb8;
	[tilespmem:$0x18800] =	vst v63  }
0x51: {  	_ =	swait.ge [sflag:s11], $0x4000  }
0x52: {  	[sflag:s11] =	ssyncset.done $0x0  }
0x53: {  	[sflag:s11] =	ssyncadd.s32 $0xFFFFC000  }
0x54: {  	[spmem:s2] =	stream.indirect.scatter.add.f32 [tilespmem:s12], [sflag:$0x1], $0x80, s25, s13, $0xb8;
	[tilespmem:$0x18800] =	vst v63  }
0x55: {  	_ =	swait.ge [sflag:s11], $0x4000  }
0x56: {  	[sflag:s11] =	ssyncset.done $0x0  }
0x57: {  	[sflag:s11] =	ssyncadd.s32 $0xFFFFC000  }
0x58: {  	[spmem:s2] =	stream.indirect.scatter.add.f32 [tilespmem:s12], [sflag:$0x1], $0x80, s26, s13, $0xb8;
	[tilespmem:$0x18800] =	vst v63  }
0x59: {  	_ =	swait.ge [sflag:s11], $0x4000  }
0x5a: {  	[sflag:s11] =	ssyncset.done $0x0  }
0x5b: {  	[sflag:s11] =	ssyncadd.s32 $0xFFFFC000  }
0x5c: {  	[spmem:s2] =	stream.indirect.scatter.add.f32 [tilespmem:s12], [sflag:$0x1], $0x80, s28, s13, $0xb8;
	[tilespmem:$0x18800] =	vst v63  }
0x5d: {  	_ =	swait.ge [sflag:s11], $0x4000  }
0x5e: {  	s30 =	simm.s32 $0x100;
	s31 =	simm.s32 $0x200;
	[sflag:s11] =	ssyncset.done $0x0  }
.LBB2_2:
0x5f: {  	s1 =	sadd.s32 s30, s9  }
0x60: {  	[sflag:s11] =	ssyncadd.s32 $0xFFFFC000;
	s30 =	smov.u32 s31;
	s0 =	sadd.s32 $0x100, s31  }
0x61: {  	[tilespmem:s3], [sflag:$0x1] =	stream.linear.gather [hbm4b:s1+s3], $0x800, $0x38;
	[tilespmem:$0x18800] =	vst v63  }
0x62: {  	p0 =	sne.s32 s31, $0x400;
	_ =	swait.ge [sflag:s11], $0x800  }
0x63: {  	[sflag:s11] =	ssyncset.done $0x0  }
0x64: {  	[sflag:s11] =	ssyncadd.s32 $0xFFFFF800  }
0x65: {  	[spmem:s2] =	stream.indirect.scatter.add.f32 [tilespmem:s12], [sflag:$0x1], $0x80, s3, s13, $0xb8;
	[tilespmem:$0x18800] =	vst v63  }
0x66: {  	_ =	swait.ge [sflag:s11], $0x4000  }
0x67: {  	[sflag:s11] =	ssyncset.done $0x0  }
0x68: {  	[sflag:s11] =	ssyncadd.s32 $0xFFFFC000  }
0x69: {  	[spmem:s2] =	stream.indirect.scatter.add.f32 [tilespmem:s12], [sflag:$0x1], $0x80, s13, s13, $0xb8;
	[tilespmem:$0x18800] =	vst v63  }
0x6a: {  	_ =	swait.ge [sflag:s11], $0x4000  }
0x6b: {  	[sflag:s11] =	ssyncset.done $0x0  }
0x6c: {  	[sflag:s11] =	ssyncadd.s32 $0xFFFFC000  }
0x6d: {  	[spmem:s2] =	stream.indirect.scatter.add.f32 [tilespmem:s12], [sflag:$0x1], $0x80, s14, s13, $0xb8;
	[tilespmem:$0x18800] =	vst v63  }
0x6e: {  	_ =	swait.ge [sflag:s11], $0x4000  }
0x6f: {  	[sflag:s11] =	ssyncset.done $0x0  }
0x70: {  	[sflag:s11] =	ssyncadd.s32 $0xFFFFC000  }
0x71: {  	[spmem:s2] =	stream.indirect.scatter.add.f32 [tilespmem:s12], [sflag:$0x1], $0x80, s15, s13, $0xb8;
	[tilespmem:$0x18800] =	vst v63  }
0x72: {  	_ =	swait.ge [sflag:s11], $0x4000  }
0x73: {  	[sflag:s11] =	ssyncset.done $0x0  }
0x74: {  	[sflag:s11] =	ssyncadd.s32 $0xFFFFC000  }
0x75: {  	[spmem:s2] =	stream.indirect.scatter.add.f32 [tilespmem:s12], [sflag:$0x1], $0x80, s16, s13, $0xb8;
	[tilespmem:$0x18800] =	vst v63  }
0x76: {  	_ =	swait.ge [sflag:s11], $0x4000  }
0x77: {  	[sflag:s11] =	ssyncset.done $0x0  }
0x78: {  	[sflag:s11] =	ssyncadd.s32 $0xFFFFC000  }
0x79: {  	[spmem:s2] =	stream.indirect.scatter.add.f32 [tilespmem:s12], [sflag:$0x1], $0x80, s17, s13, $0xb8;
	[tilespmem:$0x18800] =	vst v63  }
0x7a: {  	_ =	swait.ge [sflag:s11], $0x4000  }
0x7b: {  	[sflag:s11] =	ssyncset.done $0x0  }
0x7c: {  	[sflag:s11] =	ssyncadd.s32 $0xFFFFC000  }
0x7d: {  	[spmem:s2] =	stream.indirect.scatter.add.f32 [tilespmem:s12], [sflag:$0x1], $0x80, s18, s13, $0xb8;
	[tilespmem:$0x18800] =	vst v63  }
0x7e: {  	_ =	swait.ge [sflag:s11], $0x4000  }
0x7f: {  	[sflag:s11] =	ssyncset.done $0x0  }
0x80: {  	[sflag:s11] =	ssyncadd.s32 $0xFFFFC000  }
0x81: {  	[spmem:s2] =	stream.indirect.scatter.add.f32 [tilespmem:s12], [sflag:$0x1], $0x80, s19, s13, $0xb8;
	[tilespmem:$0x18800] =	vst v63  }
0x82: {  	_ =	swait.ge [sflag:s11], $0x4000  }
0x83: {  	[sflag:s11] =	ssyncset.done $0x0  }
0x84: {  	[sflag:s11] =	ssyncadd.s32 $0xFFFFC000  }
0x85: {  	[spmem:s2] =	stream.indirect.scatter.add.f32 [tilespmem:s12], [sflag:$0x1], $0x80, s20, s13, $0xb8;
	[tilespmem:$0x18800] =	vst v63  }
0x86: {  	_ =	swait.ge [sflag:s11], $0x4000  }
0x87: {  	[sflag:s11] =	ssyncset.done $0x0  }
0x88: {  	[sflag:s11] =	ssyncadd.s32 $0xFFFFC000  }
0x89: {  	[spmem:s2] =	stream.indirect.scatter.add.f32 [tilespmem:s12], [sflag:$0x1], $0x80, s21, s13, $0xb8;
	[tilespmem:$0x18800] =	vst v63  }
0x8a: {  	_ =	swait.ge [sflag:s11], $0x4000  }
0x8b: {  	[sflag:s11] =	ssyncset.done $0x0  }
0x8c: {  	[sflag:s11] =	ssyncadd.s32 $0xFFFFC000  }
0x8d: {  	[spmem:s2] =	stream.indirect.scatter.add.f32 [tilespmem:s12], [sflag:$0x1], $0x80, s22, s13, $0xb8;
	[tilespmem:$0x18800] =	vst v63  }
0x8e: {  	_ =	swait.ge [sflag:s11], $0x4000  }
0x8f: {  	[sflag:s11] =	ssyncset.done $0x0  }
0x90: {  	[sflag:s11] =	ssyncadd.s32 $0xFFFFC000  }
0x91: {  	[spmem:s2] =	stream.indirect.scatter.add.f32 [tilespmem:s12], [sflag:$0x1], $0x80, s23, s13, $0xb8;
	[tilespmem:$0x18800] =	vst v63  }
0x92: {  	_ =	swait.ge [sflag:s11], $0x4000  }
0x93: {  	[sflag:s11] =	ssyncset.done $0x0  }
0x94: {  	[sflag:s11] =	ssyncadd.s32 $0xFFFFC000  }
0x95: {  	[spmem:s2] =	stream.indirect.scatter.add.f32 [tilespmem:s12], [sflag:$0x1], $0x80, s24, s13, $0xb8;
	[tilespmem:$0x18800] =	vst v63  }
0x96: {  	_ =	swait.ge [sflag:s11], $0x4000  }
0x97: {  	[sflag:s11] =	ssyncset.done $0x0  }
0x98: {  	[sflag:s11] =	ssyncadd.s32 $0xFFFFC000  }
0x99: {  	[spmem:s2] =	stream.indirect.scatter.add.f32 [tilespmem:s12], [sflag:$0x1], $0x80, s25, s13, $0xb8;
	[tilespmem:$0x18800] =	vst v63  }
0x9a: {  	_ =	swait.ge [sflag:s11], $0x4000  }
0x9b: {  	[sflag:s11] =	ssyncset.done $0x0  }
0x9c: {  	[sflag:s11] =	ssyncadd.s32 $0xFFFFC000  }
0x9d: {  	[spmem:s2] =	stream.indirect.scatter.add.f32 [tilespmem:s12], [sflag:$0x1], $0x80, s26, s13, $0xb8;
	[tilespmem:$0x18800] =	vst v63  }
0x9e: {  	_ =	swait.ge [sflag:s11], $0x4000  }
.Ltmp0:
0x9f: {  	[sflag:s11] =	ssyncset.done $0x0;
	(pc) =	sbr.rel @p0 .LBB2_2-.Ltmp0, $4  }
0xa0: {  	[sflag:s11] =	ssyncadd.s32 $0xFFFFC000  }
0xa1: {  	[spmem:s2] =	stream.indirect.scatter.add.f32 [tilespmem:s12], [sflag:$0x1], $0x80, s28, s13, $0xb8;
	[tilespmem:$0x18800] =	vst v63  }
0xa2: {  	_ =	swait.ge [sflag:s11], $0x4000  }
0xa3: {  	s31 =	smov.u32 s0;
	[sflag:s11] =	ssyncset.done $0x0  }
0xa4: {  	s0 =	sadd.s32 s30, s9;
	[sflag:s11] =	ssyncadd.s32 $0xFFFFC000  }
0xa5: {  	[tilespmem:s3], [sflag:$0x1] =	stream.linear.gather [hbm4b:s0+s3], $0x800, $0x38;
	[tilespmem:$0x18800] =	vst v63  }
0xa6: {  	_ =	swait.ge [sflag:s11], $0x800  }
0xa7: {  	[sflag:s11] =	ssyncset.done $0x0  }
0xa8: {  	[sflag:s11] =	ssyncadd.s32 $0xFFFFF800  }
0xa9: {  	[spmem:s2] =	stream.indirect.scatter.add.f32 [tilespmem:s12], [sflag:$0x1], $0x80, s3, s13, $0xb8;
	[tilespmem:$0x18800] =	vst v63  }
0xaa: {  	_ =	swait.ge [sflag:s11], $0x4000  }
0xab: {  	[sflag:s11] =	ssyncset.done $0x0  }
0xac: {  	[sflag:s11] =	ssyncadd.s32 $0xFFFFC000  }
0xad: {  	[spmem:s2] =	stream.indirect.scatter.add.f32 [tilespmem:s12], [sflag:$0x1], $0x80, s13, s13, $0xb8;
	[tilespmem:$0x18800] =	vst v63  }
0xae: {  	_ =	swait.ge [sflag:s11], $0x4000  }
0xaf: {  	[sflag:s11] =	ssyncset.done $0x0  }
0xb0: {  	[sflag:s11] =	ssyncadd.s32 $0xFFFFC000  }
0xb1: {  	[spmem:s2] =	stream.indirect.scatter.add.f32 [tilespmem:s12], [sflag:$0x1], $0x80, s14, s13, $0xb8;
	[tilespmem:$0x18800] =	vst v63  }
0xb2: {  	_ =	swait.ge [sflag:s11], $0x4000  }
0xb3: {  	[sflag:s11] =	ssyncset.done $0x0  }
0xb4: {  	[sflag:s11] =	ssyncadd.s32 $0xFFFFC000  }
0xb5: {  	[spmem:s2] =	stream.indirect.scatter.add.f32 [tilespmem:s12], [sflag:$0x1], $0x80, s15, s13, $0xb8;
	[tilespmem:$0x18800] =	vst v63  }
0xb6: {  	_ =	swait.ge [sflag:s11], $0x4000  }
0xb7: {  	[sflag:s11] =	ssyncset.done $0x0  }
0xb8: {  	[sflag:s11] =	ssyncadd.s32 $0xFFFFC000  }
0xb9: {  	[spmem:s2] =	stream.indirect.scatter.add.f32 [tilespmem:s12], [sflag:$0x1], $0x80, s16, s13, $0xb8;
	[tilespmem:$0x18800] =	vst v63  }
0xba: {  	_ =	swait.ge [sflag:s11], $0x4000  }
0xbb: {  	[sflag:s11] =	ssyncset.done $0x0  }
0xbc: {  	[sflag:s11] =	ssyncadd.s32 $0xFFFFC000  }
0xbd: {  	[spmem:s2] =	stream.indirect.scatter.add.f32 [tilespmem:s12], [sflag:$0x1], $0x80, s17, s13, $0xb8;
	[tilespmem:$0x18800] =	vst v63  }
0xbe: {  	_ =	swait.ge [sflag:s11], $0x4000  }
0xbf: {  	[sflag:s11] =	ssyncset.done $0x0  }
0xc0: {  	[sflag:s11] =	ssyncadd.s32 $0xFFFFC000  }
0xc1: {  	[spmem:s2] =	stream.indirect.scatter.add.f32 [tilespmem:s12], [sflag:$0x1], $0x80, s18, s13, $0xb8;
	[tilespmem:$0x18800] =	vst v63  }
0xc2: {  	_ =	swait.ge [sflag:s11], $0x4000  }
0xc3: {  	[sflag:s11] =	ssyncset.done $0x0  }
0xc4: {  	[sflag:s11] =	ssyncadd.s32 $0xFFFFC000  }
0xc5: {  	[spmem:s2] =	stream.indirect.scatter.add.f32 [tilespmem:s12], [sflag:$0x1], $0x80, s19, s13, $0xb8;
	[tilespmem:$0x18800] =	vst v63  }
0xc6: {  	_ =	swait.ge [sflag:s11], $0x4000  }
0xc7: {  	[sflag:s11] =	ssyncset.done $0x0  }
0xc8: {  	[sflag:s11] =	ssyncadd.s32 $0xFFFFC000  }
0xc9: {  	[spmem:s2] =	stream.indirect.scatter.add.f32 [tilespmem:s12], [sflag:$0x1], $0x80, s20, s13, $0xb8;
	[tilespmem:$0x18800] =	vst v63  }
0xca: {  	_ =	swait.ge [sflag:s11], $0x4000  }
0xcb: {  	[sflag:s11] =	ssyncset.done $0x0  }
0xcc: {  	[sflag:s11] =	ssyncadd.s32 $0xFFFFC000  }
0xcd: {  	[spmem:s2] =	stream.indirect.scatter.add.f32 [tilespmem:s12], [sflag:$0x1], $0x80, s21, s13, $0xb8;
	[tilespmem:$0x18800] =	vst v63  }
0xce: {  	_ =	swait.ge [sflag:s11], $0x4000  }
0xcf: {  	[sflag:s11] =	ssyncset.done $0x0  }
0xd0: {  	[sflag:s11] =	ssyncadd.s32 $0xFFFFC000  }
0xd1: {  	[spmem:s2] =	stream.indirect.scatter.add.f32 [tilespmem:s12], [sflag:$0x1], $0x80, s22, s13, $0xb8;
	[tilespmem:$0x18800] =	vst v63  }
0xd2: {  	_ =	swait.ge [sflag:s11], $0x4000  }
0xd3: {  	[sflag:s11] =	ssyncset.done $0x0  }
0xd4: {  	[sflag:s11] =	ssyncadd.s32 $0xFFFFC000  }
0xd5: {  	[spmem:s2] =	stream.indirect.scatter.add.f32 [tilespmem:s12], [sflag:$0x1], $0x80, s23, s13, $0xb8;
	[tilespmem:$0x18800] =	vst v63  }
0xd6: {  	_ =	swait.ge [sflag:s11], $0x4000  }
0xd7: {  	[sflag:s11] =	ssyncset.done $0x0  }
0xd8: {  	[sflag:s11] =	ssyncadd.s32 $0xFFFFC000  }
0xd9: {  	[spmem:s2] =	stream.indirect.scatter.add.f32 [tilespmem:s12], [sflag:$0x1], $0x80, s24, s13, $0xb8;
	[tilespmem:$0x18800] =	vst v63  }
0xda: {  	_ =	swait.ge [sflag:s11], $0x4000  }
0xdb: {  	[sflag:s11] =	ssyncset.done $0x0  }
0xdc: {  	[sflag:s11] =	ssyncadd.s32 $0xFFFFC000  }
0xdd: {  	[spmem:s2] =	stream.indirect.scatter.add.f32 [tilespmem:s12], [sflag:$0x1], $0x80, s25, s13, $0xb8;
	[tilespmem:$0x18800] =	vst v63  }
0xde: {  	_ =	swait.ge [sflag:s11], $0x4000  }
0xdf: {  	[sflag:s11] =	ssyncset.done $0x0  }
0xe0: {  	[sflag:s11] =	ssyncadd.s32 $0xFFFFC000  }
0xe1: {  	[spmem:s2] =	stream.indirect.scatter.add.f32 [tilespmem:s12], [sflag:$0x1], $0x80, s26, s13, $0xb8;
	[tilespmem:$0x18800] =	vst v63  }
0xe2: {  	_ =	swait.ge [sflag:s11], $0x4000  }
0xe3: {  	[sflag:s11] =	ssyncset.done $0x0  }
0xe4: {  	[sflag:s11] =	ssyncadd.s32 $0xFFFFC000  }
0xe5: {  	[spmem:s2] =	stream.indirect.scatter.add.f32 [tilespmem:s12], [sflag:$0x1], $0x80, s28, s13, $0xb8;
	[tilespmem:$0x18800] =	vst v63  }
0xe6: {  	_ =	swait.ge [sflag:s11], $0x4000  }
0xe7: {  	s29 =	sadd.s32 $0x1, s29;
	[sflag:s11] =	ssyncset.done $0x0  }
0xe8: {  	p0 =	sne.s32 s29, s8;
	[sflag:s11] =	ssyncadd.s32 $0xFFFFC000  }
.Ltmp1:
0xe9: {  	[bflag:$0x0] =	sbarrier.arrive $0xFFFF;
	(pc) =	sbr.rel @p0 .LBB2_1-.Ltmp1, $4  }
0xea: {  	[hbm:s7], [sflag:s6] =	dma.local [spmem:s10], $0x2800  }
0xeb: {  	_ =	swait.ge [sflag:s11], $0x2800  }
0xec: {  	[sflag:s11] =	ssyncset.done $0x0  }
0xed: {  	[sflag:s11] =	ssyncadd.s32 $0xFFFFD800  }
0xee: {  	_ =	sfence.sel $0x180000  }
0xef: {  	[bflag:$0x0] =	sbarrier.arrive $0xFFFF  }
0xf0: {  	_ =	strace $0x9000004A  }
0xf1: {  	s0 =	stileid.u32;
	[bflag:$0x2] =	sbarrier.arrive $0xFFFF  }
0xf2: {  	p0 =	sne.s32 s0, $0x0;
	s0 =	rddreg [dreg:$0x2]  }
0xf3: {  	s0 =	sadd.s32 @!p0 $0x100000, s0  }
0xf4: {  	[sflag:s0] =	ssyncadd.tile.s32 @!p0 $0x1;
	_ =	shalt  }
.Lfunc_end2:
_tile_overlayer_lowered:
.L_overlay_start_2:
0xf5: {  	(tag) =	ssettag $0x2  }
0xf6: {  	s0 =	rddreg [dreg:$0x0];
	s2 =	stileid.u32  }
0xf7: {  	s1 =	rddreg [dreg:$0x1];
	p0 =	sne.s32 s2, $0x0  }
0xf8: {  	s3 =	rddreg [dreg:$0x2];
	[bflag:$0x3] =	sbarrier.arrive $0xFFFF;
	s2 =	simm.s32 @!p0 $0x1C01  }
0xf9: {  	[timem:s3], [sflag:s2] =	dma.local @!p0 [hbm:s0], s1  }
0xfa: {  	s0 =	simm.s32 @!p0 $0x1  }
0xfb: {  	_ =	swait.ge @!p0 [sflag:s0], s1  }
0xfc: {  	s1 =	ssub.s32 @!p0 $0x0, s1;
	[sflag:s0] =	ssyncset.done @!p0 $0x0  }
0xfd: {  	[sflag:s0] =	ssyncadd.s32 @!p0 s1  }
0xfe: {  	[bflag:$0x3] =	sbarrier.arrive $0xFFFF  }
0xff: {  	_ =	shalt  }

</sc_bundles>
